<compile_context>
chip_gen: v7x
topology: tpu7x:2x2x1
jax: 0.10.2.dev20260603
libtpu: 0.0.44.dev20260713+nightly
codegen_flags: <defaults>
</compile_context>

<pallas_src>
import functools

import numpy as np
import jax
import jax.numpy as jnp
from jax import lax
from jax.experimental import pallas as pl
from jax.experimental.pallas import tpu as pltpu
from jax.experimental.pallas import tpu_sc as plsc

SCALE = 0.5
L = 8
F = 2
T = 1 << 19
N_MIN = 32
_B = float(np.exp(np.log(2048.0 * SCALE / N_MIN) / (L - 1)))
RES = tuple(int(np.floor(N_MIN * _B ** l)) for l in range(L))
DENSE = tuple(r ** 3 <= T for r in RES)
P1 = np.int32(np.uint32(2654435761).view(np.int32))
P2 = np.int32(805459861)
MASK = np.int32(T - 1)

C = 64
NW = 32
G16 = C // 16
RW = 16
RB = 2048

_SC_PARAMS = pltpu.CompilerParams(
    needs_layout_passes=False, use_tc_tiling_on_sc=False)


NBLK = L * T // 128
BB = 16


@functools.lru_cache(maxsize=None)
def _sc_fuse():
    mesh = plsc.VectorSubcoreMesh(core_axis_name="c", subcore_axis_name="s")
    scratch = [
        pltpu.VMEM((BB, 256), jnp.float32),
        pltpu.VMEM((BB, 256), jnp.float32),
        pltpu.VMEM((BB * 128, RW), jnp.float32),
    ]

    @functools.partial(
        pl.kernel,
        mesh=mesh,
        out_type=jax.ShapeDtypeStruct((L * T, RW), jnp.float32),
        scratch_types=scratch,
        compiler_params=_SC_PARAMS,
    )
    def fuse(mb_hbm, g_hbm, fused_hbm, mbv, gv, outv):
        wid = lax.axis_index("s") * 2 + lax.axis_index("c")
        IOTA = lax.iota(jnp.int32, 16)
        COL = tuple(jnp.full((16,), f, jnp.int32) for f in range(4))
        per_w = NBLK // (BB * NW)

        def body(t, carry):
            b0 = (wid * per_w + t) * BB
            pltpu.sync_copy(mb_hbm.at[pl.ds(b0, BB)], mbv)
            pltpu.sync_copy(g_hbm.at[pl.ds(b0, BB)], gv)

            def grp(bg, carry):
                bi, g = bg // 8, bg % 8
                brow = jnp.full((16,), bi, jnp.int32)
                j = IOTA + g * 16
                rows = bi * 128 + j
                for src, cols in ((mbv, (0, 1)), (gv, (2, 3))):
                    for f in (0, 1):
                        v = plsc.load_gather(src, [brow, j + f * 128])
                        plsc.store_scatter(outv, [rows, COL[cols[f]]], v)
                return carry

            lax.fori_loop(0, BB * 8, grp, 0)
            pltpu.sync_copy(outv, fused_hbm.at[pl.ds(b0 * 128, BB * 128)])
            return carry

        lax.fori_loop(0, per_w, body, 0)

    return fuse


@functools.lru_cache(maxsize=None)
def _sc_encode(N):
    PW = N // NW
    NCH = PW // C
    SCH = 8
    CS = C * SCH
    mesh = plsc.VectorSubcoreMesh(core_axis_name="c", subcore_axis_name="s")
    scratch = (
        [pltpu.VMEM((CS,), jnp.float32) for _ in range(3)]
        + [pltpu.VMEM((32, CS), jnp.float32)]
        + [pltpu.VMEM((8 * C,), jnp.int32) for _ in range(L)]
        + [pltpu.VMEM((8 * C, RW), jnp.float32) for _ in range(L)]
        + [pltpu.SemaphoreType.DMA for _ in range(L)]
    )

    @functools.partial(
        pl.kernel,
        mesh=mesh,
        out_type=jax.ShapeDtypeStruct((32, N), jnp.float32),
        scratch_types=scratch,
        compiler_params=_SC_PARAMS,
    )
    def enc(x0_hbm, x1_hbm, x2_hbm, fused_hbm,
            feats_hbm, xv0, xv1, xv2, feats_v,
            i0, i1, i2, i3, i4, i5, i6, i7,
            r0, r1, r2, r3, r4, r5, r6, r7,
            s0, s1, s2, s3, s4, s5, s6, s7):
        idxs = (i0, i1, i2, i3, i4, i5, i6, i7)
        rows = (r0, r1, r2, r3, r4, r5, r6, r7)
        sems = (s0, s1, s2, s3, s4, s5, s6, s7)
        xvs = (xv0, xv1, xv2)
        xhs = (x0_hbm, x1_hbm, x2_hbm)
        wid = lax.axis_index("s") * 2 + lax.axis_index("c")
        IOTA = lax.iota(jnp.int32, 16)
        FC = tuple(jnp.full((16,), f, jnp.int32) for f in range(4))
        FR = tuple(jnp.full((16,), r, jnp.int32) for r in range(32))

        def pass_a(l, co, g, carry):
            off = g * 16
            xs = tuple(v[pl.ds(co + off, 16)] for v in xvs)
            r = RES[l]
            s = np.float32(r - 1)
            base = l * T
            p0 = tuple((x * s).astype(jnp.int32) for x in xs)
            c1 = tuple(jnp.minimum(q + 1, r - 1) for q in p0)
            if DENSE[l]:
                A = (p0[0] * (r * r) + base, c1[0] * (r * r) + base)
                Bv = (p0[1] * r, c1[1] * r)
                Kv = (p0[2], c1[2])
            else:
                A = (p0[0], c1[0])
                Bv = (p0[1] * P1, c1[1] * P1)
                Kv = (p0[2] * P2, c1[2] * P2)
            ci = 0
            for i in range(2):
                for j in range(2):
                    for k in range(2):
                        if DENSE[l]:
                            idx = A[i] + Bv[j] + Kv[k]
                        else:
                            idx = ((A[i] ^ Bv[j] ^ Kv[k]) & MASK) + base
                        idxs[l][pl.ds(ci * C + off, 16)] = idx
                        ci += 1
            return carry

        def pass_b(l, co, g, carry):
            off = g * 16
            xs = tuple(v[pl.ds(co + off, 16)] for v in xvs)
            roff = IOTA + off
            soff = roff + co
            r = RES[l]
            s = np.float32(r - 1)
            pos = tuple(x * s for x in xs)
            p0 = tuple(q.astype(jnp.int32) for q in pos)
            w = tuple(q - f.astype(jnp.float32) for q, f in zip(pos, p0))
            u = tuple((1.0 - wd, wd) for wd in w)
            wij = [[u[0][i] * u[1][j] for j in range(2)] for i in range(2)]
            acc = None
            ci = 0
            for i in range(2):
                for j in range(2):
                    for k in range(2):
                        wc = wij[i][j] * u[2][k]
                        ridx = roff + (ci * C)
                        fs = tuple(
                            plsc.load_gather(rows[l], [ridx, FC[f]])
                            for f in range(4)
                        )
                        if acc is None:
                            acc = [wc * f for f in fs]
                        else:
                            acc = [a + wc * f for a, f in zip(acc, fs)]
                        ci += 1
            plsc.store_scatter(feats_v, [FR[2 * l], soff], acc[0])
            plsc.store_scatter(feats_v, [FR[2 * l + 1], soff], acc[1])
            plsc.store_scatter(feats_v, [FR[16 + 2 * l], soff], acc[2])
            plsc.store_scatter(feats_v, [FR[17 + 2 * l], soff], acc[3])
            return carry

        def superchunk(ts, carry):
            sbase = wid * PW + ts * CS
            for xh, xv in zip(xhs, xvs):
                pltpu.sync_copy(xh.at[pl.ds(sbase, CS)], xv)

            def chunk(cc, carry):
                co = cc * C
                handles = []
                for l in range(L):
                    lax.fori_loop(0, G16, functools.partial(pass_a, l, co), 0)
                    handles.append(pltpu.async_copy(
                        fused_hbm.at[idxs[l]], rows[l], sems[l]))
                for l in range(L):
                    handles[l].wait()
                    lax.fori_loop(0, G16, functools.partial(pass_b, l, co), 0)
                return carry

            lax.fori_loop(0, SCH, chunk, 0)
            pltpu.sync_copy(feats_v, feats_hbm.at[:, pl.ds(sbase, CS)])
            return carry

        lax.fori_loop(0, NCH // SCH, superchunk, 0)

    return enc


@functools.lru_cache(maxsize=None)
def _mlp(N):
    BP = 64
    Q = BP * 128

    def body(f_ref, w1_ref, b1_ref, w2_ref, b2_ref, a_ref, r_ref):
        h = f_ref[...].reshape(32, Q)
        hid = jnp.dot(w1_ref[...], h, preferred_element_type=jnp.float32,
                      precision=lax.Precision.HIGHEST) + b1_ref[...]
        hid = jnp.maximum(hid, 0.0)
        o = jnp.dot(w2_ref[...], hid, preferred_element_type=jnp.float32,
                    precision=lax.Precision.HIGHEST) + b2_ref[...]
        sg = 1.0 / (1.0 + jnp.exp(-o))
        a_ref[...] = sg[0:1, :].reshape(BP, 128)
        r_ref[...] = sg[1:2, :].reshape(BP, 128)

    return pl.pallas_call(
        body,
        grid=(N // Q,),
        in_specs=[
            pl.BlockSpec((32, BP, 128), lambda i: (0, i, 0)),
            pl.BlockSpec((64, 32), lambda i: (0, 0)),
            pl.BlockSpec((64, 1), lambda i: (0, 0)),
            pl.BlockSpec((2, 64), lambda i: (0, 0)),
            pl.BlockSpec((2, 1), lambda i: (0, 0)),
        ],
        out_specs=[
            pl.BlockSpec((BP, 128), lambda i: (i, 0)),
            pl.BlockSpec((BP, 128), lambda i: (i, 0)),
        ],
        out_shape=[
            jax.ShapeDtypeStruct((N // 128, 128), jnp.float32),
            jax.ShapeDtypeStruct((N // 128, 128), jnp.float32),
        ],
    )


def kernel(x, R_inv, mb_table, mb_W1, mb_b1, mb_W2, mb_b2,
           grey_table, g_W1, g_b1, g_W2, g_b2):
    N = x.shape[0]
    xr = x @ R_inv.T
    xn = (xr + SCALE) / (2.0 * SCALE)
    xcols = tuple(xn[:, d] for d in range(3))

    def raw_view(t):
        return t.reshape(L, T // 128, 128, 2).transpose(0, 1, 3, 2).reshape(
            NBLK, 256)

    fused = _sc_fuse()(raw_view(mb_table), raw_view(grey_table))
    feats = _sc_encode(N)(*xcols, fused)

    z = jnp.zeros((16, 32), jnp.float32)
    W1cat = jnp.concatenate(
        [jnp.concatenate([mb_W1, z], 1), jnp.concatenate([z, g_W1], 1)], 0)
    W1T = W1cat.T
    b1T = jnp.concatenate([mb_b1, g_b1]).reshape(64, 1)
    z32 = jnp.zeros((32,), jnp.float32)
    W2T = jnp.stack(
        [jnp.concatenate([mb_W2[:, 0], z32]),
         jnp.concatenate([z32, g_W2[:, 0]])], axis=0)
    b2T = jnp.stack([mb_b2[0], g_b2[0]]).reshape(2, 1)

    al, rg = _mlp(N)(feats.reshape(32, N // 128, 128), W1T, b1T, W2T, b2T)
    return al.reshape(N), rg.reshape(N)

# --- scband reference (transcript-rebuilt; emitter-appended) ---
"""Pipeline reference for scband-ngp-mb-1726576857410 (READ-ONLY COPY).

The authoritative reference and input builder live on the scoring server;
editing this copy changes nothing except your own understanding.
"""

import jax, jax.numpy as jnp
import numpy as np

SCALE = 0.5
L = 8
F = 2
T = 1 << 19
N_MIN = 32
B_MB = float(np.exp(np.log(2048.0 * SCALE / N_MIN) / (L - 1)))
PRIMES = (np.uint32(1), np.uint32(2654435761), np.uint32(805459861))
CORNERS = np.array([[i, j, k] for i in (0, 1) for j in (0, 1) for k in (0, 1)], dtype=np.int32)


def hash_grid_encode(x, table):
    # x: (N,3) in [0,1]; table: (L, T, F) learned hash tables (one per level)
    corners = jnp.asarray(CORNERS)
    feats = []
    for l in range(L):
        res = int(np.floor(N_MIN * (B_MB ** l)))
        pos = x * (res - 1)
        pos0 = jnp.floor(pos).astype(jnp.int32)
        w = pos - pos0.astype(x.dtype)
        c = jnp.clip(pos0[:, None, :] + corners[None, :, :], 0, res - 1)  # (N,8,3)
        if res ** 3 <= T:
            idx = (c[..., 0] * res + c[..., 1]) * res + c[..., 2]
        else:
            cu = c.astype(jnp.uint32)
            hidx = (cu[..., 0] * PRIMES[0]) ^ (cu[..., 1] * PRIMES[1]) ^ (cu[..., 2] * PRIMES[2])
            idx = (hidx % np.uint32(T)).astype(jnp.int32)
        f = jnp.take(table[l], idx, axis=0)  # (N,8,F) gather
        cw = jnp.where(corners[None, :, :] == 1, w[:, None, :], 1.0 - w[:, None, :])
        wts = jnp.prod(cw, axis=-1)  # trilinear weights (N,8)
        feats.append(jnp.sum(f * wts[..., None], axis=1))
    return jnp.concatenate(feats, axis=-1)  # (N, L*F)


def mlp(h, W1, b1, W2, b2):
    return jax.nn.relu(h @ W1 + b1) @ W2 + b2


def setup_inputs(seed: int = 0):
    key = jax.random.key(seed)
    ks = jax.random.split(key, 12)
    N = 1048576
    D = L * F
    x = jax.random.uniform(ks[0], (N, 3), jnp.float32, -SCALE, SCALE)
    mb_table = jax.random.uniform(ks[1], (L, T, F), jnp.float32, -1e-4, 1e-4)
    grey_table = jax.random.uniform(ks[2], (L, T, F), jnp.float32, -1e-4, 1e-4)
    mb_W1 = jax.random.normal(ks[3], (D, 32), jnp.float32) * (1.0 / np.sqrt(D))
    mb_b1 = jnp.zeros((32,), jnp.float32)
    mb_W2 = jax.random.normal(ks[4], (32, 1), jnp.float32) * (1.0 / np.sqrt(32.0))
    mb_b2 = jnp.zeros((1,), jnp.float32)
    g_W1 = jax.random.normal(ks[5], (D, 32), jnp.float32) * (1.0 / np.sqrt(D))
    g_b1 = jnp.zeros((32,), jnp.float32)
    g_W2 = jax.random.normal(ks[6], (32, 1), jnp.float32) * (1.0 / np.sqrt(32.0))
    g_b2 = jnp.zeros((1,), jnp.float32)
    R_inv = jnp.eye(3, dtype=jnp.float32)
    return {"x": x, "R_inv": R_inv, "mb_table": mb_table, "mb_W1": mb_W1, "mb_b1": mb_b1, "mb_W2": mb_W2, "mb_b2": mb_b2, "grey_table": grey_table, "g_W1": g_W1, "g_b1": g_b1, "g_W2": g_W2, "g_b2": g_b2}


def reference(x, R_inv, mb_table, mb_W1, mb_b1, mb_W2, mb_b2, grey_table, g_W1, g_b1, g_W2, g_b2):
    # forward(): x = R_inv @ x, then alpha(x)
    x = jnp.matmul(R_inv, x.reshape(-1, 3, 1)).reshape(-1, 3)
    # normalize to [0,1]: (x - xyz_min) / (xyz_max - xyz_min), xyz_min=-scale, xyz_max=scale
    xn = (x + SCALE) / (2.0 * SCALE)
    h = hash_grid_encode(xn, mb_table)
    h = mlp(h, mb_W1, mb_b1, mb_W2, mb_b2)
    alphas = jax.nn.sigmoid(h[:, 0])
    h2 = hash_grid_encode(xn, grey_table)
    h2 = mlp(h2, g_W1, g_b1, g_W2, g_b2)
    rgbs = jax.nn.sigmoid(h2[:, 0:]).squeeze(-1)
    return (alphas, rgbs)

if __name__ == "__main__":
    import jax
    _d = setup_inputs()
    print(jax.jit(kernel)(*tuple(_d.values())))

</pallas_src>

<mosaic_0001>
#map = affine_map<(d0, d1) -> (0, 0)>
module attributes {stable_mosaic.version = 14 : i64} {
  func.func @fuse(%arg0: i32, %arg1: i32, %arg2: memref<32768x256xf32, #tpu.memory_space<hbm>>, %arg3: memref<32768x256xf32, #tpu.memory_space<hbm>>, %arg4: memref<4194304x16xf32, #tpu.memory_space<hbm>>, %arg5: memref<16x256xf32, #tpu.memory_space<vmem>>, %arg6: memref<16x256xf32, #tpu.memory_space<vmem>>, %arg7: memref<2048x16xf32, #tpu.memory_space<vmem>>) attributes {dimension_semantics = [#tpu.dimension_semantics<core_parallel>, #tpu.dimension_semantics<subcore_parallel>], iteration_bounds = array<i64: 2, 16>, scalar_prefetch = 0 : i64, scratch_operands = 3 : i64, tpu.core_type = #tpu.core_type<sc_vector_subcore>, window_params = [{transform_indices = #map}, {transform_indices = #map}, {transform_indices = #map}]} {
    %mul3A = arith.constant 2 : i32
    %mul3A_0 = arith.muli %arg1, %mul3A : i32
    %add3A = arith.addi %mul3A_0, %arg0 : i32
    %iota3A = tpu.iota {dimensions = array<i32: 0>} : vector<16xi32>
    %broadcast_in_dim3A = arith.constant 0 : i32
    %broadcast_in_dim3A_1 = vector.broadcast %broadcast_in_dim3A : i32 to vector<16xi32>
    %broadcast_in_dim3A_2 = arith.constant 1 : i32
    %broadcast_in_dim3A_3 = vector.broadcast %broadcast_in_dim3A_2 : i32 to vector<16xi32>
    %broadcast_in_dim3A_4 = arith.constant 2 : i32
    %broadcast_in_dim3A_5 = vector.broadcast %broadcast_in_dim3A_4 : i32 to vector<16xi32>
    %broadcast_in_dim3A_6 = arith.constant 3 : i32
    %broadcast_in_dim3A_7 = vector.broadcast %broadcast_in_dim3A_6 : i32 to vector<16xi32>
    %scan3A = arith.constant 0 : i32
    %scan3A_8 = arith.constant 0 : i32
    %scan3A_9 = arith.constant 64 : i32
    %scan3A_10 = arith.addi %scan3A_8, %scan3A_9 : i32
    %scan3A_11 = arith.constant 1 : i32
    scf.for %scan3A_13 = %scan3A_8 to %scan3A_10 step %scan3A_11  : i32 {
      %mul3A_14 = arith.constant 64 : i32
      %mul3A_15 = arith.muli %add3A, %mul3A_14 : i32
      %add3A_16 = arith.addi %mul3A_15, %scan3A_13 : i32
      %mul3A_17 = arith.constant 16 : i32
      %mul3A_18 = arith.muli %add3A_16, %mul3A_17 : i32
      "tpu.region"() ({
        %run_scoped3A = tpu.sem_alloc : memref<!tpu.dma_semaphore, #tpu.memory_space<semaphore_mem>>
        %dma_start3A = arith.constant 0 : i32
        %dma_start3A_27 = tpu.memref_slice %arg2[%mul3A_18, %dma_start3A] : memref<32768x256xf32, #tpu.memory_space<hbm>> -> memref<16x256xf32, #tpu.memory_space<hbm>>
        %dma_start3A_28 = arith.constant 0 : i32
        %dma_start3A_29 = tpu.memref_slice %arg2[%mul3A_18, %dma_start3A_28] : memref<32768x256xf32, #tpu.memory_space<hbm>> -> memref<16x256xf32, #tpu.memory_space<hbm>>
        tpu.enqueue_dma source(%dma_start3A_29 : memref<16x256xf32, #tpu.memory_space<hbm>>) target(%arg5 : memref<16x256xf32, #tpu.memory_space<vmem>>) target_semaphore(%run_scoped3A : memref<!tpu.dma_semaphore, #tpu.memory_space<semaphore_mem>>)
        %dma_wait3A = arith.constant 0 : i32
        %dma_wait3A_30 = tpu.memref_slice %arg2[%mul3A_18, %dma_wait3A] : memref<32768x256xf32, #tpu.memory_space<hbm>> -> memref<16x256xf32, #tpu.memory_space<hbm>>
        %dma_wait3A_31 = arith.constant 0 : i32
        %dma_wait3A_32 = tpu.memref_slice %arg2[%mul3A_18, %dma_wait3A_31] : memref<32768x256xf32, #tpu.memory_space<hbm>> -> memref<16x256xf32, #tpu.memory_space<hbm>>
        tpu.wait_dma2 semaphore(%run_scoped3A : memref<!tpu.dma_semaphore, #tpu.memory_space<semaphore_mem>>) src(%dma_wait3A_32 : memref<16x256xf32, #tpu.memory_space<hbm>>) dst(%arg5 : memref<16x256xf32, #tpu.memory_space<vmem>>)
        tpu.yield
      }) : () -> ()
      "tpu.region"() ({
        %run_scoped3A = tpu.sem_alloc : memref<!tpu.dma_semaphore, #tpu.memory_space<semaphore_mem>>
        %dma_start3A = arith.constant 0 : i32
        %dma_start3A_27 = tpu.memref_slice %arg3[%mul3A_18, %dma_start3A] : memref<32768x256xf32, #tpu.memory_space<hbm>> -> memref<16x256xf32, #tpu.memory_space<hbm>>
        %dma_start3A_28 = arith.constant 0 : i32
        %dma_start3A_29 = tpu.memref_slice %arg3[%mul3A_18, %dma_start3A_28] : memref<32768x256xf32, #tpu.memory_space<hbm>> -> memref<16x256xf32, #tpu.memory_space<hbm>>
        tpu.enqueue_dma source(%dma_start3A_29 : memref<16x256xf32, #tpu.memory_space<hbm>>) target(%arg6 : memref<16x256xf32, #tpu.memory_space<vmem>>) target_semaphore(%run_scoped3A : memref<!tpu.dma_semaphore, #tpu.memory_space<semaphore_mem>>)
        %dma_wait3A = arith.constant 0 : i32
        %dma_wait3A_30 = tpu.memref_slice %arg3[%mul3A_18, %dma_wait3A] : memref<32768x256xf32, #tpu.memory_space<hbm>> -> memref<16x256xf32, #tpu.memory_space<hbm>>
        %dma_wait3A_31 = arith.constant 0 : i32
        %dma_wait3A_32 = tpu.memref_slice %arg3[%mul3A_18, %dma_wait3A_31] : memref<32768x256xf32, #tpu.memory_space<hbm>> -> memref<16x256xf32, #tpu.memory_space<hbm>>
        tpu.wait_dma2 semaphore(%run_scoped3A : memref<!tpu.dma_semaphore, #tpu.memory_space<semaphore_mem>>) src(%dma_wait3A_32 : memref<16x256xf32, #tpu.memory_space<hbm>>) dst(%arg6 : memref<16x256xf32, #tpu.memory_space<vmem>>)
        tpu.yield
      }) : () -> ()
      %scan3A_19 = arith.constant 0 : i32
      %scan3A_20 = arith.constant 0 : i32
      %scan3A_21 = arith.constant 128 : i32
      %scan3A_22 = arith.addi %scan3A_20, %scan3A_21 : i32
      %scan3A_23 = arith.constant 1 : i32
      scf.for %scan3A_27 = %scan3A_20 to %scan3A_22 step %scan3A_23  : i32 {
        %jit3A = arith.constant 8 : i32
        %div3A = arith.divsi %scan3A_27, %jit3A : i32
        %sign3A = arith.constant 0 : i32
        %sign3A_28 = arith.cmpi sgt, %scan3A_27, %sign3A : i32
        %sign3A_29 = arith.extui %sign3A_28 : i1 to i32
        %sign3A_30 = arith.constant 0 : i32
        %sign3A_31 = arith.cmpi slt, %scan3A_27, %sign3A_30 : i32
        %sign3A_32 = arith.extui %sign3A_31 : i1 to i32
        %sign3A_33 = arith.subi %sign3A_29, %sign3A_32 : i32
        %sign3A_34 = arith.constant 0 : i32
        %sign3A_35 = arith.cmpi sgt, %jit3A, %sign3A_34 : i32
        %sign3A_36 = arith.extui %sign3A_35 : i1 to i32
        %sign3A_37 = arith.constant 0 : i32
        %sign3A_38 = arith.cmpi slt, %jit3A, %sign3A_37 : i32
        %sign3A_39 = arith.extui %sign3A_38 : i1 to i32
        %sign3A_40 = arith.subi %sign3A_36, %sign3A_39 : i32
        %ne3A = arith.cmpi ne, %sign3A_33, %sign3A_40 : i32
        %rem3A = arith.remsi %scan3A_27, %jit3A : i32
        %ne3A_41 = arith.constant 0 : i32
        %ne3A_42 = arith.cmpi ne, %rem3A, %ne3A_41 : i32
        %and3A = arith.andi %ne3A, %ne3A_42 : i1
        %sub3A = arith.constant 1 : i32
        %sub3A_43 = arith.subi %div3A, %sub3A : i32
        %select_n3A = arith.select %and3A, %sub3A_43, %div3A : i32
        %jit3A_44 = arith.constant 8 : i32
        %eq3A = arith.constant 0 : i32
        %eq3A_45 = arith.cmpi eq, %jit3A_44, %eq3A : i32
        %jit3A_46 = arith.constant 1 : i32
        %select_n3A_47 = arith.select %eq3A_45, %jit3A_46, %jit3A_44 : i32
        %rem3A_48 = arith.remsi %scan3A_27, %select_n3A_47 : i32
        %ne3A_49 = arith.constant 0 : i32
        %ne3A_50 = arith.cmpi ne, %rem3A_48, %ne3A_49 : i32
        %lt3A = arith.constant 0 : i32
        %lt3A_51 = arith.cmpi slt, %rem3A_48, %lt3A : i32
        %lt3A_52 = arith.constant 0 : i32
        %lt3A_53 = arith.cmpi slt, %select_n3A_47, %lt3A_52 : i32
        %ne3A_54 = arith.xori %lt3A_51, %lt3A_53 : i1
        %and3A_55 = arith.andi %ne3A_54, %ne3A_50 : i1
        %add3A_56 = arith.addi %rem3A_48, %select_n3A_47 : i32
        %select_n3A_57 = arith.select %and3A_55, %add3A_56, %rem3A_48 : i32
        %broadcast_in_dim3A_58 = vector.broadcast %select_n3A : i32 to vector<16xi32>
        %mul3A_59 = arith.constant 16 : i32
        %mul3A_60 = arith.muli %select_n3A_57, %mul3A_59 : i32
        %add3A_61 = vector.broadcast %mul3A_60 : i32 to vector<16xi32>
        %add3A_62 = arith.addi %iota3A, %add3A_61 : vector<16xi32>
        %mul3A_63 = arith.constant 128 : i32
        %mul3A_64 = arith.muli %select_n3A, %mul3A_63 : i32
        %add3A_65 = vector.broadcast %mul3A_64 : i32 to vector<16xi32>
        %add3A_66 = arith.addi %add3A_65, %add3A_62 : vector<16xi32>
        %add3A_67 = arith.constant 0 : i32
        %add3A_68 = vector.broadcast %add3A_67 : i32 to vector<16xi32>
        %add3A_69 = arith.addi %add3A_62, %add3A_68 : vector<16xi32>
        %gather3A = tpu.vector_load_idx %arg5[%broadcast_in_dim3A_58, %add3A_69] : memref<16x256xf32, #tpu.memory_space<vmem>>[vector<16xi32>, vector<16xi32>], vector<16xf32>,
        tpu.vector_store_idx %arg7[%add3A_66, %broadcast_in_dim3A_1], %gather3A : memref<2048x16xf32, #tpu.memory_space<vmem>>[vector<16xi32>, vector<16xi32>], vector<16xf32>,
        %add3A_70 = arith.constant 128 : i32
        %add3A_71 = vector.broadcast %add3A_70 : i32 to vector<16xi32>
        %add3A_72 = arith.addi %add3A_62, %add3A_71 : vector<16xi32>
        %gather3A_73 = tpu.vector_load_idx %arg5[%broadcast_in_dim3A_58, %add3A_72] : memref<16x256xf32, #tpu.memory_space<vmem>>[vector<16xi32>, vector<16xi32>], vector<16xf32>,
        tpu.vector_store_idx %arg7[%add3A_66, %broadcast_in_dim3A_3], %gather3A_73 : memref<2048x16xf32, #tpu.memory_space<vmem>>[vector<16xi32>, vector<16xi32>], vector<16xf32>,
        %add3A_74 = arith.constant 0 : i32
        %add3A_75 = vector.broadcast %add3A_74 : i32 to vector<16xi32>
        %add3A_76 = arith.addi %add3A_62, %add3A_75 : vector<16xi32>
        %gather3A_77 = tpu.vector_load_idx %arg6[%broadcast_in_dim3A_58, %add3A_76] : memref<16x256xf32, #tpu.memory_space<vmem>>[vector<16xi32>, vector<16xi32>], vector<16xf32>,
        tpu.vector_store_idx %arg7[%add3A_66, %broadcast_in_dim3A_5], %gather3A_77 : memref<2048x16xf32, #tpu.memory_space<vmem>>[vector<16xi32>, vector<16xi32>], vector<16xf32>,
        %add3A_78 = arith.constant 128 : i32
        %add3A_79 = vector.broadcast %add3A_78 : i32 to vector<16xi32>
        %add3A_80 = arith.addi %add3A_62, %add3A_79 : vector<16xi32>
        %gather3A_81 = tpu.vector_load_idx %arg6[%broadcast_in_dim3A_58, %add3A_80] : memref<16x256xf32, #tpu.memory_space<vmem>>[vector<16xi32>, vector<16xi32>], vector<16xf32>,
        tpu.vector_store_idx %arg7[%add3A_66, %broadcast_in_dim3A_7], %gather3A_81 : memref<2048x16xf32, #tpu.memory_space<vmem>>[vector<16xi32>, vector<16xi32>], vector<16xf32>,
      }
      %scan3A_24 = arith.constant 128 : i32
      %mul3A_25 = arith.constant 128 : i32
      %mul3A_26 = arith.muli %mul3A_18, %mul3A_25 : i32
      "tpu.region"() ({
        %run_scoped3A = tpu.sem_alloc : memref<!tpu.dma_semaphore, #tpu.memory_space<semaphore_mem>>
        %dma_start3A = arith.constant 0 : i32
        %dma_start3A_27 = tpu.memref_slice %arg4[%mul3A_26, %dma_start3A] : memref<4194304x16xf32, #tpu.memory_space<hbm>> -> memref<2048x16xf32, #tpu.memory_space<hbm>>
        %dma_start3A_28 = arith.constant 0 : i32
        %dma_start3A_29 = tpu.memref_slice %arg4[%mul3A_26, %dma_start3A_28] : memref<4194304x16xf32, #tpu.memory_space<hbm>> -> memref<2048x16xf32, #tpu.memory_space<hbm>>
        tpu.enqueue_dma source(%arg7 : memref<2048x16xf32, #tpu.memory_space<vmem>>) target(%dma_start3A_29 : memref<2048x16xf32, #tpu.memory_space<hbm>>) target_semaphore(%run_scoped3A : memref<!tpu.dma_semaphore, #tpu.memory_space<semaphore_mem>>)
        %dma_wait3A = arith.constant 0 : i32
        %dma_wait3A_30 = tpu.memref_slice %arg4[%mul3A_26, %dma_wait3A] : memref<4194304x16xf32, #tpu.memory_space<hbm>> -> memref<2048x16xf32, #tpu.memory_space<hbm>>
        %dma_wait3A_31 = arith.constant 0 : i32
        %dma_wait3A_32 = tpu.memref_slice %arg4[%mul3A_26, %dma_wait3A_31] : memref<4194304x16xf32, #tpu.memory_space<hbm>> -> memref<2048x16xf32, #tpu.memory_space<hbm>>
        tpu.wait_dma2 semaphore(%run_scoped3A : memref<!tpu.dma_semaphore, #tpu.memory_space<semaphore_mem>>) src(%arg7 : memref<2048x16xf32, #tpu.memory_space<vmem>>) dst(%dma_wait3A_32 : memref<2048x16xf32, #tpu.memory_space<hbm>>)
        tpu.yield
      }) : () -> ()
    }
    %scan3A_12 = arith.constant 64 : i32
    return
  }
}

#map = affine_map<(d0, d1) -> (0)>
#map1 = affine_map<(d0, d1) -> (0, 0)>
module attributes {stable_mosaic.version = 14 : i64} {
  func.func @enc(%arg0: i32, %arg1: i32, %arg2: memref<1048576xf32, #tpu.memory_space<hbm>>, %arg3: memref<1048576xf32, #tpu.memory_space<hbm>>, %arg4: memref<1048576xf32, #tpu.memory_space<hbm>>, %arg5: memref<4194304x16xf32, #tpu.memory_space<hbm>>, %arg6: memref<32x1048576xf32, #tpu.memory_space<hbm>>, %arg7: memref<512xf32, #tpu.memory_space<vmem>>, %arg8: memref<512xf32, #tpu.memory_space<vmem>>, %arg9: memref<512xf32, #tpu.memory_space<vmem>>, %arg10: memref<32x512xf32, #tpu.memory_space<vmem>>, %arg11: memref<512xi32, #tpu.memory_space<vmem>>, %arg12: memref<512xi32, #tpu.memory_space<vmem>>, %arg13: memref<512xi32, #tpu.memory_space<vmem>>, %arg14: memref<512xi32, #tpu.memory_space<vmem>>, %arg15: memref<512xi32, #tpu.memory_space<vmem>>, %arg16: memref<512xi32, #tpu.memory_space<vmem>>, %arg17: memref<512xi32, #tpu.memory_space<vmem>>, %arg18: memref<512xi32, #tpu.memory_space<vmem>>, %arg19: memref<512x16xf32, #tpu.memory_space<vmem>>, %arg20: memref<512x16xf32, #tpu.memory_space<vmem>>, %arg21: memref<512x16xf32, #tpu.memory_space<vmem>>, %arg22: memref<512x16xf32, #tpu.memory_space<vmem>>, %arg23: memref<512x16xf32, #tpu.memory_space<vmem>>, %arg24: memref<512x16xf32, #tpu.memory_space<vmem>>, %arg25: memref<512x16xf32, #tpu.memory_space<vmem>>, %arg26: memref<512x16xf32, #tpu.memory_space<vmem>>, %arg27: memref<!tpu.dma_semaphore, #tpu.memory_space<semaphore_mem>>, %arg28: memref<!tpu.dma_semaphore, #tpu.memory_space<semaphore_mem>>, %arg29: memref<!tpu.dma_semaphore, #tpu.memory_space<semaphore_mem>>, %arg30: memref<!tpu.dma_semaphore, #tpu.memory_space<semaphore_mem>>, %arg31: memref<!tpu.dma_semaphore, #tpu.memory_space<semaphore_mem>>, %arg32: memref<!tpu.dma_semaphore, #tpu.memory_space<semaphore_mem>>, %arg33: memref<!tpu.dma_semaphore, #tpu.memory_space<semaphore_mem>>, %arg34: memref<!tpu.dma_semaphore, #tpu.memory_space<semaphore_mem>>) attributes {dimension_semantics = [#tpu.dimension_semantics<core_parallel>, #tpu.dimension_semantics<subcore_parallel>], iteration_bounds = array<i64: 2, 16>, scalar_prefetch = 0 : i64, scratch_operands = 28 : i64, tpu.core_type = #tpu.core_type<sc_vector_subcore>, window_params = [{transform_indices = #map}, {transform_indices = #map}, {transform_indices = #map}, {transform_indices = #map1}, {transform_indices = #map1}]} {
    %mul3A = arith.constant 2 : i32
    %mul3A_0 = arith.muli %arg1, %mul3A : i32
    %add3A = arith.addi %mul3A_0, %arg0 : i32
    %iota3A = tpu.iota {dimensions = array<i32: 0>} : vector<16xi32>
    %broadcast_in_dim3A = arith.constant 0 : i32
    %broadcast_in_dim3A_1 = vector.broadcast %broadcast_in_dim3A : i32 to vector<16xi32>
    %broadcast_in_dim3A_2 = arith.constant 1 : i32
    %broadcast_in_dim3A_3 = vector.broadcast %broadcast_in_dim3A_2 : i32 to vector<16xi32>
    %broadcast_in_dim3A_4 = arith.constant 2 : i32
    %broadcast_in_dim3A_5 = vector.broadcast %broadcast_in_dim3A_4 : i32 to vector<16xi32>
    %broadcast_in_dim3A_6 = arith.constant 3 : i32
    %broadcast_in_dim3A_7 = vector.broadcast %broadcast_in_dim3A_6 : i32 to vector<16xi32>
    %broadcast_in_dim3A_8 = arith.constant 0 : i32
    %broadcast_in_dim3A_9 = vector.broadcast %broadcast_in_dim3A_8 : i32 to vector<16xi32>
    %broadcast_in_dim3A_10 = arith.constant 1 : i32
    %broadcast_in_dim3A_11 = vector.broadcast %broadcast_in_dim3A_10 : i32 to vector<16xi32>
    %broadcast_in_dim3A_12 = arith.constant 2 : i32
    %broadcast_in_dim3A_13 = vector.broadcast %broadcast_in_dim3A_12 : i32 to vector<16xi32>
    %broadcast_in_dim3A_14 = arith.constant 3 : i32
    %broadcast_in_dim3A_15 = vector.broadcast %broadcast_in_dim3A_14 : i32 to vector<16xi32>
    %broadcast_in_dim3A_16 = arith.constant 4 : i32
    %broadcast_in_dim3A_17 = vector.broadcast %broadcast_in_dim3A_16 : i32 to vector<16xi32>
    %broadcast_in_dim3A_18 = arith.constant 5 : i32
    %broadcast_in_dim3A_19 = vector.broadcast %broadcast_in_dim3A_18 : i32 to vector<16xi32>
    %broadcast_in_dim3A_20 = arith.constant 6 : i32
    %broadcast_in_dim3A_21 = vector.broadcast %broadcast_in_dim3A_20 : i32 to vector<16xi32>
    %broadcast_in_dim3A_22 = arith.constant 7 : i32
    %broadcast_in_dim3A_23 = vector.broadcast %broadcast_in_dim3A_22 : i32 to vector<16xi32>
    %broadcast_in_dim3A_24 = arith.constant 8 : i32
    %broadcast_in_dim3A_25 = vector.broadcast %broadcast_in_dim3A_24 : i32 to vector<16xi32>
    %broadcast_in_dim3A_26 = arith.constant 9 : i32
    %broadcast_in_dim3A_27 = vector.broadcast %broadcast_in_dim3A_26 : i32 to vector<16xi32>
    %broadcast_in_dim3A_28 = arith.constant 10 : i32
    %broadcast_in_dim3A_29 = vector.broadcast %broadcast_in_dim3A_28 : i32 to vector<16xi32>
    %broadcast_in_dim3A_30 = arith.constant 11 : i32
    %broadcast_in_dim3A_31 = vector.broadcast %broadcast_in_dim3A_30 : i32 to vector<16xi32>
    %broadcast_in_dim3A_32 = arith.constant 12 : i32
    %broadcast_in_dim3A_33 = vector.broadcast %broadcast_in_dim3A_32 : i32 to vector<16xi32>
    %broadcast_in_dim3A_34 = arith.constant 13 : i32
    %broadcast_in_dim3A_35 = vector.broadcast %broadcast_in_dim3A_34 : i32 to vector<16xi32>
    %broadcast_in_dim3A_36 = arith.constant 14 : i32
    %broadcast_in_dim3A_37 = vector.broadcast %broadcast_in_dim3A_36 : i32 to vector<16xi32>
    %broadcast_in_dim3A_38 = arith.constant 15 : i32
    %broadcast_in_dim3A_39 = vector.broadcast %broadcast_in_dim3A_38 : i32 to vector<16xi32>
    %broadcast_in_dim3A_40 = arith.constant 16 : i32
    %broadcast_in_dim3A_41 = vector.broadcast %broadcast_in_dim3A_40 : i32 to vector<16xi32>
    %broadcast_in_dim3A_42 = arith.constant 17 : i32
    %broadcast_in_dim3A_43 = vector.broadcast %broadcast_in_dim3A_42 : i32 to vector<16xi32>
    %broadcast_in_dim3A_44 = arith.constant 18 : i32
    %broadcast_in_dim3A_45 = vector.broadcast %broadcast_in_dim3A_44 : i32 to vector<16xi32>
    %broadcast_in_dim3A_46 = arith.constant 19 : i32
    %broadcast_in_dim3A_47 = vector.broadcast %broadcast_in_dim3A_46 : i32 to vector<16xi32>
    %broadcast_in_dim3A_48 = arith.constant 20 : i32
    %broadcast_in_dim3A_49 = vector.broadcast %broadcast_in_dim3A_48 : i32 to vector<16xi32>
    %broadcast_in_dim3A_50 = arith.constant 21 : i32
    %broadcast_in_dim3A_51 = vector.broadcast %broadcast_in_dim3A_50 : i32 to vector<16xi32>
    %broadcast_in_dim3A_52 = arith.constant 22 : i32
    %broadcast_in_dim3A_53 = vector.broadcast %broadcast_in_dim3A_52 : i32 to vector<16xi32>
    %broadcast_in_dim3A_54 = arith.constant 23 : i32
    %broadcast_in_dim3A_55 = vector.broadcast %broadcast_in_dim3A_54 : i32 to vector<16xi32>
    %broadcast_in_dim3A_56 = arith.constant 24 : i32
    %broadcast_in_dim3A_57 = vector.broadcast %broadcast_in_dim3A_56 : i32 to vector<16xi32>
    %broadcast_in_dim3A_58 = arith.constant 25 : i32
    %broadcast_in_dim3A_59 = vector.broadcast %broadcast_in_dim3A_58 : i32 to vector<16xi32>
    %broadcast_in_dim3A_60 = arith.constant 26 : i32
    %broadcast_in_dim3A_61 = vector.broadcast %broadcast_in_dim3A_60 : i32 to vector<16xi32>
    %broadcast_in_dim3A_62 = arith.constant 27 : i32
    %broadcast_in_dim3A_63 = vector.broadcast %broadcast_in_dim3A_62 : i32 to vector<16xi32>
    %broadcast_in_dim3A_64 = arith.constant 28 : i32
    %broadcast_in_dim3A_65 = vector.broadcast %broadcast_in_dim3A_64 : i32 to vector<16xi32>
    %broadcast_in_dim3A_66 = arith.constant 29 : i32
    %broadcast_in_dim3A_67 = vector.broadcast %broadcast_in_dim3A_66 : i32 to vector<16xi32>
    %broadcast_in_dim3A_68 = arith.constant 30 : i32
    %broadcast_in_dim3A_69 = vector.broadcast %broadcast_in_dim3A_68 : i32 to vector<16xi32>
    %broadcast_in_dim3A_70 = arith.constant 31 : i32
    %broadcast_in_dim3A_71 = vector.broadcast %broadcast_in_dim3A_70 : i32 to vector<16xi32>
    %scan3A = arith.constant 0 : i32
    %scan3A_72 = arith.constant 0 : i32
    %scan3A_73 = arith.constant 64 : i32
    %scan3A_74 = arith.addi %scan3A_72, %scan3A_73 : i32
    %scan3A_75 = arith.constant 1 : i32
    scf.for %scan3A_77 = %scan3A_72 to %scan3A_74 step %scan3A_75  : i32 {
      %mul3A_78 = arith.constant 32768 : i32
      %mul3A_79 = arith.muli %add3A, %mul3A_78 : i32
      %mul3A_80 = arith.constant 512 : i32
      %mul3A_81 = arith.muli %scan3A_77, %mul3A_80 : i32
      %add3A_82 = arith.addi %mul3A_79, %mul3A_81 : i32
      "tpu.region"() ({
        %run_scoped3A = tpu.sem_alloc : memref<!tpu.dma_semaphore, #tpu.memory_space<semaphore_mem>>
        %dma_start3A = tpu.memref_slice %arg2[%add3A_82] : memref<1048576xf32, #tpu.memory_space<hbm>> -> memref<512xf32, #tpu.memory_space<hbm>>
        %dma_start3A_89 = tpu.memref_slice %arg2[%add3A_82] : memref<1048576xf32, #tpu.memory_space<hbm>> -> memref<512xf32, #tpu.memory_space<hbm>>
        tpu.enqueue_dma source(%dma_start3A_89 : memref<512xf32, #tpu.memory_space<hbm>>) target(%arg7 : memref<512xf32, #tpu.memory_space<vmem>>) target_semaphore(%run_scoped3A : memref<!tpu.dma_semaphore, #tpu.memory_space<semaphore_mem>>)
        %dma_wait3A = tpu.memref_slice %arg2[%add3A_82] : memref<1048576xf32, #tpu.memory_space<hbm>> -> memref<512xf32, #tpu.memory_space<hbm>>
        %dma_wait3A_90 = tpu.memref_slice %arg2[%add3A_82] : memref<1048576xf32, #tpu.memory_space<hbm>> -> memref<512xf32, #tpu.memory_space<hbm>>
        tpu.wait_dma2 semaphore(%run_scoped3A : memref<!tpu.dma_semaphore, #tpu.memory_space<semaphore_mem>>) src(%dma_wait3A_90 : memref<512xf32, #tpu.memory_space<hbm>>) dst(%arg7 : memref<512xf32, #tpu.memory_space<vmem>>)
        tpu.yield
      }) : () -> ()
      "tpu.region"() ({
        %run_scoped3A = tpu.sem_alloc : memref<!tpu.dma_semaphore, #tpu.memory_space<semaphore_mem>>
        %dma_start3A = tpu.memref_slice %arg3[%add3A_82] : memref<1048576xf32, #tpu.memory_space<hbm>> -> memref<512xf32, #tpu.memory_space<hbm>>
        %dma_start3A_89 = tpu.memref_slice %arg3[%add3A_82] : memref<1048576xf32, #tpu.memory_space<hbm>> -> memref<512xf32, #tpu.memory_space<hbm>>
        tpu.enqueue_dma source(%dma_start3A_89 : memref<512xf32, #tpu.memory_space<hbm>>) target(%arg8 : memref<512xf32, #tpu.memory_space<vmem>>) target_semaphore(%run_scoped3A : memref<!tpu.dma_semaphore, #tpu.memory_space<semaphore_mem>>)
        %dma_wait3A = tpu.memref_slice %arg3[%add3A_82] : memref<1048576xf32, #tpu.memory_space<hbm>> -> memref<512xf32, #tpu.memory_space<hbm>>
        %dma_wait3A_90 = tpu.memref_slice %arg3[%add3A_82] : memref<1048576xf32, #tpu.memory_space<hbm>> -> memref<512xf32, #tpu.memory_space<hbm>>
        tpu.wait_dma2 semaphore(%run_scoped3A : memref<!tpu.dma_semaphore, #tpu.memory_space<semaphore_mem>>) src(%dma_wait3A_90 : memref<512xf32, #tpu.memory_space<hbm>>) dst(%arg8 : memref<512xf32, #tpu.memory_space<vmem>>)
        tpu.yield
      }) : () -> ()
      "tpu.region"() ({
        %run_scoped3A = tpu.sem_alloc : memref<!tpu.dma_semaphore, #tpu.memory_space<semaphore_mem>>
        %dma_start3A = tpu.memref_slice %arg4[%add3A_82] : memref<1048576xf32, #tpu.memory_space<hbm>> -> memref<512xf32, #tpu.memory_space<hbm>>
        %dma_start3A_89 = tpu.memref_slice %arg4[%add3A_82] : memref<1048576xf32, #tpu.memory_space<hbm>> -> memref<512xf32, #tpu.memory_space<hbm>>
        tpu.enqueue_dma source(%dma_start3A_89 : memref<512xf32, #tpu.memory_space<hbm>>) target(%arg9 : memref<512xf32, #tpu.memory_space<vmem>>) target_semaphore(%run_scoped3A : memref<!tpu.dma_semaphore, #tpu.memory_space<semaphore_mem>>)
        %dma_wait3A = tpu.memref_slice %arg4[%add3A_82] : memref<1048576xf32, #tpu.memory_space<hbm>> -> memref<512xf32, #tpu.memory_space<hbm>>
        %dma_wait3A_90 = tpu.memref_slice %arg4[%add3A_82] : memref<1048576xf32, #tpu.memory_space<hbm>> -> memref<512xf32, #tpu.memory_space<hbm>>
        tpu.wait_dma2 semaphore(%run_scoped3A : memref<!tpu.dma_semaphore, #tpu.memory_space<semaphore_mem>>) src(%dma_wait3A_90 : memref<512xf32, #tpu.memory_space<hbm>>) dst(%arg9 : memref<512xf32, #tpu.memory_space<vmem>>)
        tpu.yield
      }) : () -> ()
      %scan3A_83 = arith.constant 0 : i32
      %scan3A_84 = arith.constant 0 : i32
      %scan3A_85 = arith.constant 8 : i32
      %scan3A_86 = arith.addi %scan3A_84, %scan3A_85 : i32
      %scan3A_87 = arith.constant 1 : i32
      scf.for %scan3A_89 = %scan3A_84 to %scan3A_86 step %scan3A_87  : i32 {
        %mul3A_90 = arith.constant 64 : i32
        %mul3A_91 = arith.muli %scan3A_89, %mul3A_90 : i32
        %scan3A_92 = arith.constant 0 : i32
        %scan3A_93 = arith.constant 0 : i32
        %scan3A_94 = arith.constant 4 : i32
        %scan3A_95 = arith.addi %scan3A_93, %scan3A_94 : i32
        %scan3A_96 = arith.constant 1 : i32
        scf.for %scan3A_234 = %scan3A_93 to %scan3A_95 step %scan3A_96  : i32 {
          %mul3A_235 = arith.constant 16 : i32
          %mul3A_236 = arith.muli %scan3A_234, %mul3A_235 : i32
          %add3A_237 = arith.addi %mul3A_91, %mul3A_236 : i32
          %get3A = arith.index_cast %add3A_237 : i32 to index
          %get3A_238 = tpu.vector_load %arg7[%get3A] {strides = array<i32>} : memref<512xf32, #tpu.memory_space<vmem>>, vector<16xf32>,
          %add3A_239 = arith.addi %mul3A_91, %mul3A_236 : i32
          %get3A_240 = arith.index_cast %add3A_239 : i32 to index
          %get3A_241 = tpu.vector_load %arg8[%get3A_240] {strides = array<i32>} : memref<512xf32, #tpu.memory_space<vmem>>, vector<16xf32>,
          %add3A_242 = arith.addi %mul3A_91, %mul3A_236 : i32
          %get3A_243 = arith.index_cast %add3A_242 : i32 to index
          %get3A_244 = tpu.vector_load %arg9[%get3A_243] {strides = array<i32>} : memref<512xf32, #tpu.memory_space<vmem>>, vector<16xf32>,
          %mul3A_245 = arith.constant 3.100000e+01 : f32
          %mul3A_246 = vector.broadcast %mul3A_245 : f32 to vector<16xf32>
          %mul3A_247 = arith.mulf %get3A_238, %mul3A_246 : vector<16xf32>
          %convert_element_type3A = arith.fptosi %mul3A_247 : vector<16xf32> to vector<16xi32>
          %mul3A_248 = arith.constant 3.100000e+01 : f32
          %mul3A_249 = vector.broadcast %mul3A_248 : f32 to vector<16xf32>
          %mul3A_250 = arith.mulf %get3A_241, %mul3A_249 : vector<16xf32>
          %convert_element_type3A_251 = arith.fptosi %mul3A_250 : vector<16xf32> to vector<16xi32>
          %mul3A_252 = arith.constant 3.100000e+01 : f32
          %mul3A_253 = vector.broadcast %mul3A_252 : f32 to vector<16xf32>
          %mul3A_254 = arith.mulf %get3A_244, %mul3A_253 : vector<16xf32>
          %convert_element_type3A_255 = arith.fptosi %mul3A_254 : vector<16xf32> to vector<16xi32>
          %add3A_256 = arith.constant 1 : i32
          %add3A_257 = vector.broadcast %add3A_256 : i32 to vector<16xi32>
          %add3A_258 = arith.addi %convert_element_type3A, %add3A_257 : vector<16xi32>
          %min3A = arith.constant 31 : i32
          %min3A_259 = vector.broadcast %min3A : i32 to vector<16xi32>
          %min3A_260 = arith.minsi %add3A_258, %min3A_259 : vector<16xi32>
          %add3A_261 = arith.constant 1 : i32
          %add3A_262 = vector.broadcast %add3A_261 : i32 to vector<16xi32>
          %add3A_263 = arith.addi %convert_element_type3A_251, %add3A_262 : vector<16xi32>
          %min3A_264 = arith.constant 31 : i32
          %min3A_265 = vector.broadcast %min3A_264 : i32 to vector<16xi32>
          %min3A_266 = arith.minsi %add3A_263, %min3A_265 : vector<16xi32>
          %add3A_267 = arith.constant 1 : i32
          %add3A_268 = vector.broadcast %add3A_267 : i32 to vector<16xi32>
          %add3A_269 = arith.addi %convert_element_type3A_255, %add3A_268 : vector<16xi32>
          %min3A_270 = arith.constant 31 : i32
          %min3A_271 = vector.broadcast %min3A_270 : i32 to vector<16xi32>
          %min3A_272 = arith.minsi %add3A_269, %min3A_271 : vector<16xi32>
          %mul3A_273 = arith.constant 1024 : i32
          %mul3A_274 = vector.broadcast %mul3A_273 : i32 to vector<16xi32>
          %mul3A_275 = arith.muli %convert_element_type3A, %mul3A_274 : vector<16xi32>
          %add3A_276 = arith.constant 0 : i32
          %add3A_277 = vector.broadcast %add3A_276 : i32 to vector<16xi32>
          %add3A_278 = arith.addi %mul3A_275, %add3A_277 : vector<16xi32>
          %mul3A_279 = arith.constant 1024 : i32
          %mul3A_280 = vector.broadcast %mul3A_279 : i32 to vector<16xi32>
          %mul3A_281 = arith.muli %min3A_260, %mul3A_280 : vector<16xi32>
          %add3A_282 = arith.constant 0 : i32
          %add3A_283 = vector.broadcast %add3A_282 : i32 to vector<16xi32>
          %add3A_284 = arith.addi %mul3A_281, %add3A_283 : vector<16xi32>
          %mul3A_285 = arith.constant 32 : i32
          %mul3A_286 = vector.broadcast %mul3A_285 : i32 to vector<16xi32>
          %mul3A_287 = arith.muli %convert_element_type3A_251, %mul3A_286 : vector<16xi32>
          %mul3A_288 = arith.constant 32 : i32
          %mul3A_289 = vector.broadcast %mul3A_288 : i32 to vector<16xi32>
          %mul3A_290 = arith.muli %min3A_266, %mul3A_289 : vector<16xi32>
          %add3A_291 = arith.addi %add3A_278, %mul3A_287 : vector<16xi32>
          %add3A_292 = arith.addi %add3A_291, %convert_element_type3A_255 : vector<16xi32>
          %add3A_293 = arith.constant 0 : i32
          %add3A_294 = arith.addi %add3A_293, %mul3A_236 : i32
          %swap3A = arith.index_cast %add3A_294 : i32 to index
          %swap3A_295 = tpu.vector_load %arg11[%swap3A] {strides = array<i32>} : memref<512xi32, #tpu.memory_space<vmem>>, vector<16xi32>,
          tpu.vector_store %arg11[%swap3A], %add3A_292 {strides = array<i32>} : memref<512xi32, #tpu.memory_space<vmem>>, vector<16xi32>,
          %add3A_296 = arith.addi %add3A_278, %mul3A_287 : vector<16xi32>
          %add3A_297 = arith.addi %add3A_296, %min3A_272 : vector<16xi32>
          %add3A_298 = arith.constant 64 : i32
          %add3A_299 = arith.addi %add3A_298, %mul3A_236 : i32
          %swap3A_300 = arith.index_cast %add3A_299 : i32 to index
          %swap3A_301 = tpu.vector_load %arg11[%swap3A_300] {strides = array<i32>} : memref<512xi32, #tpu.memory_space<vmem>>, vector<16xi32>,
          tpu.vector_store %arg11[%swap3A_300], %add3A_297 {strides = array<i32>} : memref<512xi32, #tpu.memory_space<vmem>>, vector<16xi32>,
          %add3A_302 = arith.addi %add3A_278, %mul3A_290 : vector<16xi32>
          %add3A_303 = arith.addi %add3A_302, %convert_element_type3A_255 : vector<16xi32>
          %add3A_304 = arith.constant 128 : i32
          %add3A_305 = arith.addi %add3A_304, %mul3A_236 : i32
          %swap3A_306 = arith.index_cast %add3A_305 : i32 to index
          %swap3A_307 = tpu.vector_load %arg11[%swap3A_306] {strides = array<i32>} : memref<512xi32, #tpu.memory_space<vmem>>, vector<16xi32>,
          tpu.vector_store %arg11[%swap3A_306], %add3A_303 {strides = array<i32>} : memref<512xi32, #tpu.memory_space<vmem>>, vector<16xi32>,
          %add3A_308 = arith.addi %add3A_278, %mul3A_290 : vector<16xi32>
          %add3A_309 = arith.addi %add3A_308, %min3A_272 : vector<16xi32>
          %add3A_310 = arith.constant 192 : i32
          %add3A_311 = arith.addi %add3A_310, %mul3A_236 : i32
          %swap3A_312 = arith.index_cast %add3A_311 : i32 to index
          %swap3A_313 = tpu.vector_load %arg11[%swap3A_312] {strides = array<i32>} : memref<512xi32, #tpu.memory_space<vmem>>, vector<16xi32>,
          tpu.vector_store %arg11[%swap3A_312], %add3A_309 {strides = array<i32>} : memref<512xi32, #tpu.memory_space<vmem>>, vector<16xi32>,
          %add3A_314 = arith.addi %add3A_284, %mul3A_287 : vector<16xi32>
          %add3A_315 = arith.addi %add3A_314, %convert_element_type3A_255 : vector<16xi32>
          %add3A_316 = arith.constant 256 : i32
          %add3A_317 = arith.addi %add3A_316, %mul3A_236 : i32
          %swap3A_318 = arith.index_cast %add3A_317 : i32 to index
          %swap3A_319 = tpu.vector_load %arg11[%swap3A_318] {strides = array<i32>} : memref<512xi32, #tpu.memory_space<vmem>>, vector<16xi32>,
          tpu.vector_store %arg11[%swap3A_318], %add3A_315 {strides = array<i32>} : memref<512xi32, #tpu.memory_space<vmem>>, vector<16xi32>,
          %add3A_320 = arith.addi %add3A_284, %mul3A_287 : vector<16xi32>
          %add3A_321 = arith.addi %add3A_320, %min3A_272 : vector<16xi32>
          %add3A_322 = arith.constant 320 : i32
          %add3A_323 = arith.addi %add3A_322, %mul3A_236 : i32
          %swap3A_324 = arith.index_cast %add3A_323 : i32 to index
          %swap3A_325 = tpu.vector_load %arg11[%swap3A_324] {strides = array<i32>} : memref<512xi32, #tpu.memory_space<vmem>>, vector<16xi32>,
          tpu.vector_store %arg11[%swap3A_324], %add3A_321 {strides = array<i32>} : memref<512xi32, #tpu.memory_space<vmem>>, vector<16xi32>,
          %add3A_326 = arith.addi %add3A_284, %mul3A_290 : vector<16xi32>
          %add3A_327 = arith.addi %add3A_326, %convert_element_type3A_255 : vector<16xi32>
          %add3A_328 = arith.constant 384 : i32
          %add3A_329 = arith.addi %add3A_328, %mul3A_236 : i32
          %swap3A_330 = arith.index_cast %add3A_329 : i32 to index
          %swap3A_331 = tpu.vector_load %arg11[%swap3A_330] {strides = array<i32>} : memref<512xi32, #tpu.memory_space<vmem>>, vector<16xi32>,
          tpu.vector_store %arg11[%swap3A_330], %add3A_327 {strides = array<i32>} : memref<512xi32, #tpu.memory_space<vmem>>, vector<16xi32>,
          %add3A_332 = arith.addi %add3A_284, %mul3A_290 : vector<16xi32>
          %add3A_333 = arith.addi %add3A_332, %min3A_272 : vector<16xi32>
          %add3A_334 = arith.constant 448 : i32
          %add3A_335 = arith.addi %add3A_334, %mul3A_236 : i32
          %swap3A_336 = arith.index_cast %add3A_335 : i32 to index
          %swap3A_337 = tpu.vector_load %arg11[%swap3A_336] {strides = array<i32>} : memref<512xi32, #tpu.memory_space<vmem>>, vector<16xi32>,
          tpu.vector_store %arg11[%swap3A_336], %add3A_333 {strides = array<i32>} : memref<512xi32, #tpu.memory_space<vmem>>, vector<16xi32>,
        }
        %scan3A_97 = arith.constant 4 : i32
        %dma_start3A = arith.constant 0 : i32
        %dma_start3A_98 = arith.constant 0 : i32
        %dma_start3A_99 = tpu.memref_slice %arg5[%dma_start3A, %dma_start3A_98] : memref<4194304x16xf32, #tpu.memory_space<hbm>> -> memref<4194304x16xf32, #tpu.memory_space<hbm>>
        tpu.enqueue_indirect_dma source(%dma_start3A_99 : memref<4194304x16xf32, #tpu.memory_space<hbm>>) target(%arg19 : memref<512x16xf32, #tpu.memory_space<vmem>>) offsets(%arg11 : memref<512xi32, #tpu.memory_space<vmem>>) semaphore(%arg27 : memref<!tpu.dma_semaphore, #tpu.memory_space<semaphore_mem>>)
        %scan3A_100 = arith.constant 0 : i32
        %scan3A_101 = arith.constant 0 : i32
        %scan3A_102 = arith.constant 4 : i32
        %scan3A_103 = arith.addi %scan3A_101, %scan3A_102 : i32
        %scan3A_104 = arith.constant 1 : i32
        scf.for %scan3A_234 = %scan3A_101 to %scan3A_103 step %scan3A_104  : i32 {
          %mul3A_235 = arith.constant 16 : i32
          %mul3A_236 = arith.muli %scan3A_234, %mul3A_235 : i32
          %add3A_237 = arith.addi %mul3A_91, %mul3A_236 : i32
          %get3A = arith.index_cast %add3A_237 : i32 to index
          %get3A_238 = tpu.vector_load %arg7[%get3A] {strides = array<i32>} : memref<512xf32, #tpu.memory_space<vmem>>, vector<16xf32>,
          %add3A_239 = arith.addi %mul3A_91, %mul3A_236 : i32
          %get3A_240 = arith.index_cast %add3A_239 : i32 to index
          %get3A_241 = tpu.vector_load %arg8[%get3A_240] {strides = array<i32>} : memref<512xf32, #tpu.memory_space<vmem>>, vector<16xf32>,
          %add3A_242 = arith.addi %mul3A_91, %mul3A_236 : i32
          %get3A_243 = arith.index_cast %add3A_242 : i32 to index
          %get3A_244 = tpu.vector_load %arg9[%get3A_243] {strides = array<i32>} : memref<512xf32, #tpu.memory_space<vmem>>, vector<16xf32>,
          %mul3A_245 = arith.constant 5.100000e+01 : f32
          %mul3A_246 = vector.broadcast %mul3A_245 : f32 to vector<16xf32>
          %mul3A_247 = arith.mulf %get3A_238, %mul3A_246 : vector<16xf32>
          %convert_element_type3A = arith.fptosi %mul3A_247 : vector<16xf32> to vector<16xi32>
          %mul3A_248 = arith.constant 5.100000e+01 : f32
          %mul3A_249 = vector.broadcast %mul3A_248 : f32 to vector<16xf32>
          %mul3A_250 = arith.mulf %get3A_241, %mul3A_249 : vector<16xf32>
          %convert_element_type3A_251 = arith.fptosi %mul3A_250 : vector<16xf32> to vector<16xi32>
          %mul3A_252 = arith.constant 5.100000e+01 : f32
          %mul3A_253 = vector.broadcast %mul3A_252 : f32 to vector<16xf32>
          %mul3A_254 = arith.mulf %get3A_244, %mul3A_253 : vector<16xf32>
          %convert_element_type3A_255 = arith.fptosi %mul3A_254 : vector<16xf32> to vector<16xi32>
          %add3A_256 = arith.constant 1 : i32
          %add3A_257 = vector.broadcast %add3A_256 : i32 to vector<16xi32>
          %add3A_258 = arith.addi %convert_element_type3A, %add3A_257 : vector<16xi32>
          %min3A = arith.constant 51 : i32
          %min3A_259 = vector.broadcast %min3A : i32 to vector<16xi32>
          %min3A_260 = arith.minsi %add3A_258, %min3A_259 : vector<16xi32>
          %add3A_261 = arith.constant 1 : i32
          %add3A_262 = vector.broadcast %add3A_261 : i32 to vector<16xi32>
          %add3A_263 = arith.addi %convert_element_type3A_251, %add3A_262 : vector<16xi32>
          %min3A_264 = arith.constant 51 : i32
          %min3A_265 = vector.broadcast %min3A_264 : i32 to vector<16xi32>
          %min3A_266 = arith.minsi %add3A_263, %min3A_265 : vector<16xi32>
          %add3A_267 = arith.constant 1 : i32
          %add3A_268 = vector.broadcast %add3A_267 : i32 to vector<16xi32>
          %add3A_269 = arith.addi %convert_element_type3A_255, %add3A_268 : vector<16xi32>
          %min3A_270 = arith.constant 51 : i32
          %min3A_271 = vector.broadcast %min3A_270 : i32 to vector<16xi32>
          %min3A_272 = arith.minsi %add3A_269, %min3A_271 : vector<16xi32>
          %mul3A_273 = arith.constant 2704 : i32
          %mul3A_274 = vector.broadcast %mul3A_273 : i32 to vector<16xi32>
          %mul3A_275 = arith.muli %convert_element_type3A, %mul3A_274 : vector<16xi32>
          %add3A_276 = arith.constant 524288 : i32
          %add3A_277 = vector.broadcast %add3A_276 : i32 to vector<16xi32>
          %add3A_278 = arith.addi %mul3A_275, %add3A_277 : vector<16xi32>
          %mul3A_279 = arith.constant 2704 : i32
          %mul3A_280 = vector.broadcast %mul3A_279 : i32 to vector<16xi32>
          %mul3A_281 = arith.muli %min3A_260, %mul3A_280 : vector<16xi32>
          %add3A_282 = arith.constant 524288 : i32
          %add3A_283 = vector.broadcast %add3A_282 : i32 to vector<16xi32>
          %add3A_284 = arith.addi %mul3A_281, %add3A_283 : vector<16xi32>
          %mul3A_285 = arith.constant 52 : i32
          %mul3A_286 = vector.broadcast %mul3A_285 : i32 to vector<16xi32>
          %mul3A_287 = arith.muli %convert_element_type3A_251, %mul3A_286 : vector<16xi32>
          %mul3A_288 = arith.constant 52 : i32
          %mul3A_289 = vector.broadcast %mul3A_288 : i32 to vector<16xi32>
          %mul3A_290 = arith.muli %min3A_266, %mul3A_289 : vector<16xi32>
          %add3A_291 = arith.addi %add3A_278, %mul3A_287 : vector<16xi32>
          %add3A_292 = arith.addi %add3A_291, %convert_element_type3A_255 : vector<16xi32>
          %add3A_293 = arith.constant 0 : i32
          %add3A_294 = arith.addi %add3A_293, %mul3A_236 : i32
          %swap3A = arith.index_cast %add3A_294 : i32 to index
          %swap3A_295 = tpu.vector_load %arg12[%swap3A] {strides = array<i32>} : memref<512xi32, #tpu.memory_space<vmem>>, vector<16xi32>,
          tpu.vector_store %arg12[%swap3A], %add3A_292 {strides = array<i32>} : memref<512xi32, #tpu.memory_space<vmem>>, vector<16xi32>,
          %add3A_296 = arith.addi %add3A_278, %mul3A_287 : vector<16xi32>
          %add3A_297 = arith.addi %add3A_296, %min3A_272 : vector<16xi32>
          %add3A_298 = arith.constant 64 : i32
          %add3A_299 = arith.addi %add3A_298, %mul3A_236 : i32
          %swap3A_300 = arith.index_cast %add3A_299 : i32 to index
          %swap3A_301 = tpu.vector_load %arg12[%swap3A_300] {strides = array<i32>} : memref<512xi32, #tpu.memory_space<vmem>>, vector<16xi32>,
          tpu.vector_store %arg12[%swap3A_300], %add3A_297 {strides = array<i32>} : memref<512xi32, #tpu.memory_space<vmem>>, vector<16xi32>,
          %add3A_302 = arith.addi %add3A_278, %mul3A_290 : vector<16xi32>
          %add3A_303 = arith.addi %add3A_302, %convert_element_type3A_255 : vector<16xi32>
          %add3A_304 = arith.constant 128 : i32
          %add3A_305 = arith.addi %add3A_304, %mul3A_236 : i32
          %swap3A_306 = arith.index_cast %add3A_305 : i32 to index
          %swap3A_307 = tpu.vector_load %arg12[%swap3A_306] {strides = array<i32>} : memref<512xi32, #tpu.memory_space<vmem>>, vector<16xi32>,
          tpu.vector_store %arg12[%swap3A_306], %add3A_303 {strides = array<i32>} : memref<512xi32, #tpu.memory_space<vmem>>, vector<16xi32>,
          %add3A_308 = arith.addi %add3A_278, %mul3A_290 : vector<16xi32>
          %add3A_309 = arith.addi %add3A_308, %min3A_272 : vector<16xi32>
          %add3A_310 = arith.constant 192 : i32
          %add3A_311 = arith.addi %add3A_310, %mul3A_236 : i32
          %swap3A_312 = arith.index_cast %add3A_311 : i32 to index
          %swap3A_313 = tpu.vector_load %arg12[%swap3A_312] {strides = array<i32>} : memref<512xi32, #tpu.memory_space<vmem>>, vector<16xi32>,
          tpu.vector_store %arg12[%swap3A_312], %add3A_309 {strides = array<i32>} : memref<512xi32, #tpu.memory_space<vmem>>, vector<16xi32>,
          %add3A_314 = arith.addi %add3A_284, %mul3A_287 : vector<16xi32>
          %add3A_315 = arith.addi %add3A_314, %convert_element_type3A_255 : vector<16xi32>
          %add3A_316 = arith.constant 256 : i32
          %add3A_317 = arith.addi %add3A_316, %mul3A_236 : i32
          %swap3A_318 = arith.index_cast %add3A_317 : i32 to index
          %swap3A_319 = tpu.vector_load %arg12[%swap3A_318] {strides = array<i32>} : memref<512xi32, #tpu.memory_space<vmem>>, vector<16xi32>,
          tpu.vector_store %arg12[%swap3A_318], %add3A_315 {strides = array<i32>} : memref<512xi32, #tpu.memory_space<vmem>>, vector<16xi32>,
          %add3A_320 = arith.addi %add3A_284, %mul3A_287 : vector<16xi32>
          %add3A_321 = arith.addi %add3A_320, %min3A_272 : vector<16xi32>
          %add3A_322 = arith.constant 320 : i32
          %add3A_323 = arith.addi %add3A_322, %mul3A_236 : i32
          %swap3A_324 = arith.index_cast %add3A_323 : i32 to index
          %swap3A_325 = tpu.vector_load %arg12[%swap3A_324] {strides = array<i32>} : memref<512xi32, #tpu.memory_space<vmem>>, vector<16xi32>,
          tpu.vector_store %arg12[%swap3A_324], %add3A_321 {strides = array<i32>} : memref<512xi32, #tpu.memory_space<vmem>>, vector<16xi32>,
          %add3A_326 = arith.addi %add3A_284, %mul3A_290 : vector<16xi32>
          %add3A_327 = arith.addi %add3A_326, %convert_element_type3A_255 : vector<16xi32>
          %add3A_328 = arith.constant 384 : i32
          %add3A_329 = arith.addi %add3A_328, %mul3A_236 : i32
          %swap3A_330 = arith.index_cast %add3A_329 : i32 to index
          %swap3A_331 = tpu.vector_load %arg12[%swap3A_330] {strides = array<i32>} : memref<512xi32, #tpu.memory_space<vmem>>, vector<16xi32>,
          tpu.vector_store %arg12[%swap3A_330], %add3A_327 {strides = array<i32>} : memref<512xi32, #tpu.memory_space<vmem>>, vector<16xi32>,
          %add3A_332 = arith.addi %add3A_284, %mul3A_290 : vector<16xi32>
          %add3A_333 = arith.addi %add3A_332, %min3A_272 : vector<16xi32>
          %add3A_334 = arith.constant 448 : i32
          %add3A_335 = arith.addi %add3A_334, %mul3A_236 : i32
          %swap3A_336 = arith.index_cast %add3A_335 : i32 to index
          %swap3A_337 = tpu.vector_load %arg12[%swap3A_336] {strides = array<i32>} : memref<512xi32, #tpu.memory_space<vmem>>, vector<16xi32>,
          tpu.vector_store %arg12[%swap3A_336], %add3A_333 {strides = array<i32>} : memref<512xi32, #tpu.memory_space<vmem>>, vector<16xi32>,
        }
        %scan3A_105 = arith.constant 4 : i32
        %dma_start3A_106 = arith.constant 0 : i32
        %dma_start3A_107 = arith.constant 0 : i32
        %dma_start3A_108 = tpu.memref_slice %arg5[%dma_start3A_106, %dma_start3A_107] : memref<4194304x16xf32, #tpu.memory_space<hbm>> -> memref<4194304x16xf32, #tpu.memory_space<hbm>>
        tpu.enqueue_indirect_dma source(%dma_start3A_108 : memref<4194304x16xf32, #tpu.memory_space<hbm>>) target(%arg20 : memref<512x16xf32, #tpu.memory_space<vmem>>) offsets(%arg12 : memref<512xi32, #tpu.memory_space<vmem>>) semaphore(%arg28 : memref<!tpu.dma_semaphore, #tpu.memory_space<semaphore_mem>>)
        %scan3A_109 = arith.constant 0 : i32
        %scan3A_110 = arith.constant 0 : i32
        %scan3A_111 = arith.constant 4 : i32
        %scan3A_112 = arith.addi %scan3A_110, %scan3A_111 : i32
        %scan3A_113 = arith.constant 1 : i32
        scf.for %scan3A_234 = %scan3A_110 to %scan3A_112 step %scan3A_113  : i32 {
          %mul3A_235 = arith.constant 16 : i32
          %mul3A_236 = arith.muli %scan3A_234, %mul3A_235 : i32
          %add3A_237 = arith.addi %mul3A_91, %mul3A_236 : i32
          %get3A = arith.index_cast %add3A_237 : i32 to index
          %get3A_238 = tpu.vector_load %arg7[%get3A] {strides = array<i32>} : memref<512xf32, #tpu.memory_space<vmem>>, vector<16xf32>,
          %add3A_239 = arith.addi %mul3A_91, %mul3A_236 : i32
          %get3A_240 = arith.index_cast %add3A_239 : i32 to index
          %get3A_241 = tpu.vector_load %arg8[%get3A_240] {strides = array<i32>} : memref<512xf32, #tpu.memory_space<vmem>>, vector<16xf32>,
          %add3A_242 = arith.addi %mul3A_91, %mul3A_236 : i32
          %get3A_243 = arith.index_cast %add3A_242 : i32 to index
          %get3A_244 = tpu.vector_load %arg9[%get3A_243] {strides = array<i32>} : memref<512xf32, #tpu.memory_space<vmem>>, vector<16xf32>,
          %mul3A_245 = arith.constant 8.500000e+01 : f32
          %mul3A_246 = vector.broadcast %mul3A_245 : f32 to vector<16xf32>
          %mul3A_247 = arith.mulf %get3A_238, %mul3A_246 : vector<16xf32>
          %convert_element_type3A = arith.fptosi %mul3A_247 : vector<16xf32> to vector<16xi32>
          %mul3A_248 = arith.constant 8.500000e+01 : f32
          %mul3A_249 = vector.broadcast %mul3A_248 : f32 to vector<16xf32>
          %mul3A_250 = arith.mulf %get3A_241, %mul3A_249 : vector<16xf32>
          %convert_element_type3A_251 = arith.fptosi %mul3A_250 : vector<16xf32> to vector<16xi32>
          %mul3A_252 = arith.constant 8.500000e+01 : f32
          %mul3A_253 = vector.broadcast %mul3A_252 : f32 to vector<16xf32>
          %mul3A_254 = arith.mulf %get3A_244, %mul3A_253 : vector<16xf32>
          %convert_element_type3A_255 = arith.fptosi %mul3A_254 : vector<16xf32> to vector<16xi32>
          %add3A_256 = arith.constant 1 : i32
          %add3A_257 = vector.broadcast %add3A_256 : i32 to vector<16xi32>
          %add3A_258 = arith.addi %convert_element_type3A, %add3A_257 : vector<16xi32>
          %min3A = arith.constant 85 : i32
          %min3A_259 = vector.broadcast %min3A : i32 to vector<16xi32>
          %min3A_260 = arith.minsi %add3A_258, %min3A_259 : vector<16xi32>
          %add3A_261 = arith.constant 1 : i32
          %add3A_262 = vector.broadcast %add3A_261 : i32 to vector<16xi32>
          %add3A_263 = arith.addi %convert_element_type3A_251, %add3A_262 : vector<16xi32>
          %min3A_264 = arith.constant 85 : i32
          %min3A_265 = vector.broadcast %min3A_264 : i32 to vector<16xi32>
          %min3A_266 = arith.minsi %add3A_263, %min3A_265 : vector<16xi32>
          %add3A_267 = arith.constant 1 : i32
          %add3A_268 = vector.broadcast %add3A_267 : i32 to vector<16xi32>
          %add3A_269 = arith.addi %convert_element_type3A_255, %add3A_268 : vector<16xi32>
          %min3A_270 = arith.constant 85 : i32
          %min3A_271 = vector.broadcast %min3A_270 : i32 to vector<16xi32>
          %min3A_272 = arith.minsi %add3A_269, %min3A_271 : vector<16xi32>
          %mul3A_273 = arith.constant -1640531535 : i32
          %mul3A_274 = vector.broadcast %mul3A_273 : i32 to vector<16xi32>
          %mul3A_275 = arith.muli %convert_element_type3A_251, %mul3A_274 : vector<16xi32>
          %mul3A_276 = arith.constant -1640531535 : i32
          %mul3A_277 = vector.broadcast %mul3A_276 : i32 to vector<16xi32>
          %mul3A_278 = arith.muli %min3A_266, %mul3A_277 : vector<16xi32>
          %mul3A_279 = arith.constant 805459861 : i32
          %mul3A_280 = vector.broadcast %mul3A_279 : i32 to vector<16xi32>
          %mul3A_281 = arith.muli %convert_element_type3A_255, %mul3A_280 : vector<16xi32>
          %mul3A_282 = arith.constant 805459861 : i32
          %mul3A_283 = vector.broadcast %mul3A_282 : i32 to vector<16xi32>
          %mul3A_284 = arith.muli %min3A_272, %mul3A_283 : vector<16xi32>
          %xor3A = arith.xori %convert_element_type3A, %mul3A_275 : vector<16xi32>
          %xor3A_285 = arith.xori %xor3A, %mul3A_281 : vector<16xi32>
          %and3A = arith.constant 524287 : i32
          %and3A_286 = vector.broadcast %and3A : i32 to vector<16xi32>
          %and3A_287 = arith.andi %xor3A_285, %and3A_286 : vector<16xi32>
          %add3A_288 = arith.constant 1048576 : i32
          %add3A_289 = vector.broadcast %add3A_288 : i32 to vector<16xi32>
          %add3A_290 = arith.addi %and3A_287, %add3A_289 : vector<16xi32>
          %add3A_291 = arith.constant 0 : i32
          %add3A_292 = arith.addi %add3A_291, %mul3A_236 : i32
          %swap3A = arith.index_cast %add3A_292 : i32 to index
          %swap3A_293 = tpu.vector_load %arg13[%swap3A] {strides = array<i32>} : memref<512xi32, #tpu.memory_space<vmem>>, vector<16xi32>,
          tpu.vector_store %arg13[%swap3A], %add3A_290 {strides = array<i32>} : memref<512xi32, #tpu.memory_space<vmem>>, vector<16xi32>,
          %xor3A_294 = arith.xori %convert_element_type3A, %mul3A_275 : vector<16xi32>
          %xor3A_295 = arith.xori %xor3A_294, %mul3A_284 : vector<16xi32>
          %and3A_296 = arith.constant 524287 : i32
          %and3A_297 = vector.broadcast %and3A_296 : i32 to vector<16xi32>
          %and3A_298 = arith.andi %xor3A_295, %and3A_297 : vector<16xi32>
          %add3A_299 = arith.constant 1048576 : i32
          %add3A_300 = vector.broadcast %add3A_299 : i32 to vector<16xi32>
          %add3A_301 = arith.addi %and3A_298, %add3A_300 : vector<16xi32>
          %add3A_302 = arith.constant 64 : i32
          %add3A_303 = arith.addi %add3A_302, %mul3A_236 : i32
          %swap3A_304 = arith.index_cast %add3A_303 : i32 to index
          %swap3A_305 = tpu.vector_load %arg13[%swap3A_304] {strides = array<i32>} : memref<512xi32, #tpu.memory_space<vmem>>, vector<16xi32>,
          tpu.vector_store %arg13[%swap3A_304], %add3A_301 {strides = array<i32>} : memref<512xi32, #tpu.memory_space<vmem>>, vector<16xi32>,
          %xor3A_306 = arith.xori %convert_element_type3A, %mul3A_278 : vector<16xi32>
          %xor3A_307 = arith.xori %xor3A_306, %mul3A_281 : vector<16xi32>
          %and3A_308 = arith.constant 524287 : i32
          %and3A_309 = vector.broadcast %and3A_308 : i32 to vector<16xi32>
          %and3A_310 = arith.andi %xor3A_307, %and3A_309 : vector<16xi32>
          %add3A_311 = arith.constant 1048576 : i32
          %add3A_312 = vector.broadcast %add3A_311 : i32 to vector<16xi32>
          %add3A_313 = arith.addi %and3A_310, %add3A_312 : vector<16xi32>
          %add3A_314 = arith.constant 128 : i32
          %add3A_315 = arith.addi %add3A_314, %mul3A_236 : i32
          %swap3A_316 = arith.index_cast %add3A_315 : i32 to index
          %swap3A_317 = tpu.vector_load %arg13[%swap3A_316] {strides = array<i32>} : memref<512xi32, #tpu.memory_space<vmem>>, vector<16xi32>,
          tpu.vector_store %arg13[%swap3A_316], %add3A_313 {strides = array<i32>} : memref<512xi32, #tpu.memory_space<vmem>>, vector<16xi32>,
          %xor3A_318 = arith.xori %convert_element_type3A, %mul3A_278 : vector<16xi32>
          %xor3A_319 = arith.xori %xor3A_318, %mul3A_284 : vector<16xi32>
          %and3A_320 = arith.constant 524287 : i32
          %and3A_321 = vector.broadcast %and3A_320 : i32 to vector<16xi32>
          %and3A_322 = arith.andi %xor3A_319, %and3A_321 : vector<16xi32>
          %add3A_323 = arith.constant 1048576 : i32
          %add3A_324 = vector.broadcast %add3A_323 : i32 to vector<16xi32>
          %add3A_325 = arith.addi %and3A_322, %add3A_324 : vector<16xi32>
          %add3A_326 = arith.constant 192 : i32
          %add3A_327 = arith.addi %add3A_326, %mul3A_236 : i32
          %swap3A_328 = arith.index_cast %add3A_327 : i32 to index
          %swap3A_329 = tpu.vector_load %arg13[%swap3A_328] {strides = array<i32>} : memref<512xi32, #tpu.memory_space<vmem>>, vector<16xi32>,
          tpu.vector_store %arg13[%swap3A_328], %add3A_325 {strides = array<i32>} : memref<512xi32, #tpu.memory_space<vmem>>, vector<16xi32>,
          %xor3A_330 = arith.xori %min3A_260, %mul3A_275 : vector<16xi32>
          %xor3A_331 = arith.xori %xor3A_330, %mul3A_281 : vector<16xi32>
          %and3A_332 = arith.constant 524287 : i32
          %and3A_333 = vector.broadcast %and3A_332 : i32 to vector<16xi32>
          %and3A_334 = arith.andi %xor3A_331, %and3A_333 : vector<16xi32>
          %add3A_335 = arith.constant 1048576 : i32
          %add3A_336 = vector.broadcast %add3A_335 : i32 to vector<16xi32>
          %add3A_337 = arith.addi %and3A_334, %add3A_336 : vector<16xi32>
          %add3A_338 = arith.constant 256 : i32
          %add3A_339 = arith.addi %add3A_338, %mul3A_236 : i32
          %swap3A_340 = arith.index_cast %add3A_339 : i32 to index
          %swap3A_341 = tpu.vector_load %arg13[%swap3A_340] {strides = array<i32>} : memref<512xi32, #tpu.memory_space<vmem>>, vector<16xi32>,
          tpu.vector_store %arg13[%swap3A_340], %add3A_337 {strides = array<i32>} : memref<512xi32, #tpu.memory_space<vmem>>, vector<16xi32>,
          %xor3A_342 = arith.xori %min3A_260, %mul3A_275 : vector<16xi32>
          %xor3A_343 = arith.xori %xor3A_342, %mul3A_284 : vector<16xi32>
          %and3A_344 = arith.constant 524287 : i32
          %and3A_345 = vector.broadcast %and3A_344 : i32 to vector<16xi32>
          %and3A_346 = arith.andi %xor3A_343, %and3A_345 : vector<16xi32>
          %add3A_347 = arith.constant 1048576 : i32
          %add3A_348 = vector.broadcast %add3A_347 : i32 to vector<16xi32>
          %add3A_349 = arith.addi %and3A_346, %add3A_348 : vector<16xi32>
          %add3A_350 = arith.constant 320 : i32
          %add3A_351 = arith.addi %add3A_350, %mul3A_236 : i32
          %swap3A_352 = arith.index_cast %add3A_351 : i32 to index
          %swap3A_353 = tpu.vector_load %arg13[%swap3A_352] {strides = array<i32>} : memref<512xi32, #tpu.memory_space<vmem>>, vector<16xi32>,
          tpu.vector_store %arg13[%swap3A_352], %add3A_349 {strides = array<i32>} : memref<512xi32, #tpu.memory_space<vmem>>, vector<16xi32>,
          %xor3A_354 = arith.xori %min3A_260, %mul3A_278 : vector<16xi32>
          %xor3A_355 = arith.xori %xor3A_354, %mul3A_281 : vector<16xi32>
          %and3A_356 = arith.constant 524287 : i32
          %and3A_357 = vector.broadcast %and3A_356 : i32 to vector<16xi32>
          %and3A_358 = arith.andi %xor3A_355, %and3A_357 : vector<16xi32>
          %add3A_359 = arith.constant 1048576 : i32
          %add3A_360 = vector.broadcast %add3A_359 : i32 to vector<16xi32>
          %add3A_361 = arith.addi %and3A_358, %add3A_360 : vector<16xi32>
          %add3A_362 = arith.constant 384 : i32
          %add3A_363 = arith.addi %add3A_362, %mul3A_236 : i32
          %swap3A_364 = arith.index_cast %add3A_363 : i32 to index
          %swap3A_365 = tpu.vector_load %arg13[%swap3A_364] {strides = array<i32>} : memref<512xi32, #tpu.memory_space<vmem>>, vector<16xi32>,
          tpu.vector_store %arg13[%swap3A_364], %add3A_361 {strides = array<i32>} : memref<512xi32, #tpu.memory_space<vmem>>, vector<16xi32>,
          %xor3A_366 = arith.xori %min3A_260, %mul3A_278 : vector<16xi32>
          %xor3A_367 = arith.xori %xor3A_366, %mul3A_284 : vector<16xi32>
          %and3A_368 = arith.constant 524287 : i32
          %and3A_369 = vector.broadcast %and3A_368 : i32 to vector<16xi32>
          %and3A_370 = arith.andi %xor3A_367, %and3A_369 : vector<16xi32>
          %add3A_371 = arith.constant 1048576 : i32
          %add3A_372 = vector.broadcast %add3A_371 : i32 to vector<16xi32>
          %add3A_373 = arith.addi %and3A_370, %add3A_372 : vector<16xi32>
          %add3A_374 = arith.constant 448 : i32
          %add3A_375 = arith.addi %add3A_374, %mul3A_236 : i32
          %swap3A_376 = arith.index_cast %add3A_375 : i32 to index
          %swap3A_377 = tpu.vector_load %arg13[%swap3A_376] {strides = array<i32>} : memref<512xi32, #tpu.memory_space<vmem>>, vector<16xi32>,
          tpu.vector_store %arg13[%swap3A_376], %add3A_373 {strides = array<i32>} : memref<512xi32, #tpu.memory_space<vmem>>, vector<16xi32>,
        }
        %scan3A_114 = arith.constant 4 : i32
        %dma_start3A_115 = arith.constant 0 : i32
        %dma_start3A_116 = arith.constant 0 : i32
        %dma_start3A_117 = tpu.memref_slice %arg5[%dma_start3A_115, %dma_start3A_116] : memref<4194304x16xf32, #tpu.memory_space<hbm>> -> memref<4194304x16xf32, #tpu.memory_space<hbm>>
        tpu.enqueue_indirect_dma source(%dma_start3A_117 : memref<4194304x16xf32, #tpu.memory_space<hbm>>) target(%arg21 : memref<512x16xf32, #tpu.memory_space<vmem>>) offsets(%arg13 : memref<512xi32, #tpu.memory_space<vmem>>) semaphore(%arg29 : memref<!tpu.dma_semaphore, #tpu.memory_space<semaphore_mem>>)
        %scan3A_118 = arith.constant 0 : i32
        %scan3A_119 = arith.constant 0 : i32
        %scan3A_120 = arith.constant 4 : i32
        %scan3A_121 = arith.addi %scan3A_119, %scan3A_120 : i32
        %scan3A_122 = arith.constant 1 : i32
        scf.for %scan3A_234 = %scan3A_119 to %scan3A_121 step %scan3A_122  : i32 {
          %mul3A_235 = arith.constant 16 : i32
          %mul3A_236 = arith.muli %scan3A_234, %mul3A_235 : i32
          %add3A_237 = arith.addi %mul3A_91, %mul3A_236 : i32
          %get3A = arith.index_cast %add3A_237 : i32 to index
          %get3A_238 = tpu.vector_load %arg7[%get3A] {strides = array<i32>} : memref<512xf32, #tpu.memory_space<vmem>>, vector<16xf32>,
          %add3A_239 = arith.addi %mul3A_91, %mul3A_236 : i32
          %get3A_240 = arith.index_cast %add3A_239 : i32 to index
          %get3A_241 = tpu.vector_load %arg8[%get3A_240] {strides = array<i32>} : memref<512xf32, #tpu.memory_space<vmem>>, vector<16xf32>,
          %add3A_242 = arith.addi %mul3A_91, %mul3A_236 : i32
          %get3A_243 = arith.index_cast %add3A_242 : i32 to index
          %get3A_244 = tpu.vector_load %arg9[%get3A_243] {strides = array<i32>} : memref<512xf32, #tpu.memory_space<vmem>>, vector<16xf32>,
          %mul3A_245 = arith.constant 1.400000e+02 : f32
          %mul3A_246 = vector.broadcast %mul3A_245 : f32 to vector<16xf32>
          %mul3A_247 = arith.mulf %get3A_238, %mul3A_246 : vector<16xf32>
          %convert_element_type3A = arith.fptosi %mul3A_247 : vector<16xf32> to vector<16xi32>
          %mul3A_248 = arith.constant 1.400000e+02 : f32
          %mul3A_249 = vector.broadcast %mul3A_248 : f32 to vector<16xf32>
          %mul3A_250 = arith.mulf %get3A_241, %mul3A_249 : vector<16xf32>
          %convert_element_type3A_251 = arith.fptosi %mul3A_250 : vector<16xf32> to vector<16xi32>
          %mul3A_252 = arith.constant 1.400000e+02 : f32
          %mul3A_253 = vector.broadcast %mul3A_252 : f32 to vector<16xf32>
          %mul3A_254 = arith.mulf %get3A_244, %mul3A_253 : vector<16xf32>
          %convert_element_type3A_255 = arith.fptosi %mul3A_254 : vector<16xf32> to vector<16xi32>
          %add3A_256 = arith.constant 1 : i32
          %add3A_257 = vector.broadcast %add3A_256 : i32 to vector<16xi32>
          %add3A_258 = arith.addi %convert_element_type3A, %add3A_257 : vector<16xi32>
          %min3A = arith.constant 140 : i32
          %min3A_259 = vector.broadcast %min3A : i32 to vector<16xi32>
          %min3A_260 = arith.minsi %add3A_258, %min3A_259 : vector<16xi32>
          %add3A_261 = arith.constant 1 : i32
          %add3A_262 = vector.broadcast %add3A_261 : i32 to vector<16xi32>
          %add3A_263 = arith.addi %convert_element_type3A_251, %add3A_262 : vector<16xi32>
          %min3A_264 = arith.constant 140 : i32
          %min3A_265 = vector.broadcast %min3A_264 : i32 to vector<16xi32>
          %min3A_266 = arith.minsi %add3A_263, %min3A_265 : vector<16xi32>
          %add3A_267 = arith.constant 1 : i32
          %add3A_268 = vector.broadcast %add3A_267 : i32 to vector<16xi32>
          %add3A_269 = arith.addi %convert_element_type3A_255, %add3A_268 : vector<16xi32>
          %min3A_270 = arith.constant 140 : i32
          %min3A_271 = vector.broadcast %min3A_270 : i32 to vector<16xi32>
          %min3A_272 = arith.minsi %add3A_269, %min3A_271 : vector<16xi32>
          %mul3A_273 = arith.constant -1640531535 : i32
          %mul3A_274 = vector.broadcast %mul3A_273 : i32 to vector<16xi32>
          %mul3A_275 = arith.muli %convert_element_type3A_251, %mul3A_274 : vector<16xi32>
          %mul3A_276 = arith.constant -1640531535 : i32
          %mul3A_277 = vector.broadcast %mul3A_276 : i32 to vector<16xi32>
          %mul3A_278 = arith.muli %min3A_266, %mul3A_277 : vector<16xi32>
          %mul3A_279 = arith.constant 805459861 : i32
          %mul3A_280 = vector.broadcast %mul3A_279 : i32 to vector<16xi32>
          %mul3A_281 = arith.muli %convert_element_type3A_255, %mul3A_280 : vector<16xi32>
          %mul3A_282 = arith.constant 805459861 : i32
          %mul3A_283 = vector.broadcast %mul3A_282 : i32 to vector<16xi32>
          %mul3A_284 = arith.muli %min3A_272, %mul3A_283 : vector<16xi32>
          %xor3A = arith.xori %convert_element_type3A, %mul3A_275 : vector<16xi32>
          %xor3A_285 = arith.xori %xor3A, %mul3A_281 : vector<16xi32>
          %and3A = arith.constant 524287 : i32
          %and3A_286 = vector.broadcast %and3A : i32 to vector<16xi32>
          %and3A_287 = arith.andi %xor3A_285, %and3A_286 : vector<16xi32>
          %add3A_288 = arith.constant 1572864 : i32
          %add3A_289 = vector.broadcast %add3A_288 : i32 to vector<16xi32>
          %add3A_290 = arith.addi %and3A_287, %add3A_289 : vector<16xi32>
          %add3A_291 = arith.constant 0 : i32
          %add3A_292 = arith.addi %add3A_291, %mul3A_236 : i32
          %swap3A = arith.index_cast %add3A_292 : i32 to index
          %swap3A_293 = tpu.vector_load %arg14[%swap3A] {strides = array<i32>} : memref<512xi32, #tpu.memory_space<vmem>>, vector<16xi32>,
          tpu.vector_store %arg14[%swap3A], %add3A_290 {strides = array<i32>} : memref<512xi32, #tpu.memory_space<vmem>>, vector<16xi32>,
          %xor3A_294 = arith.xori %convert_element_type3A, %mul3A_275 : vector<16xi32>
          %xor3A_295 = arith.xori %xor3A_294, %mul3A_284 : vector<16xi32>
          %and3A_296 = arith.constant 524287 : i32
          %and3A_297 = vector.broadcast %and3A_296 : i32 to vector<16xi32>
          %and3A_298 = arith.andi %xor3A_295, %and3A_297 : vector<16xi32>
          %add3A_299 = arith.constant 1572864 : i32
          %add3A_300 = vector.broadcast %add3A_299 : i32 to vector<16xi32>
          %add3A_301 = arith.addi %and3A_298, %add3A_300 : vector<16xi32>
          %add3A_302 = arith.constant 64 : i32
          %add3A_303 = arith.addi %add3A_302, %mul3A_236 : i32
          %swap3A_304 = arith.index_cast %add3A_303 : i32 to index
          %swap3A_305 = tpu.vector_load %arg14[%swap3A_304] {strides = array<i32>} : memref<512xi32, #tpu.memory_space<vmem>>, vector<16xi32>,
          tpu.vector_store %arg14[%swap3A_304], %add3A_301 {strides = array<i32>} : memref<512xi32, #tpu.memory_space<vmem>>, vector<16xi32>,
          %xor3A_306 = arith.xori %convert_element_type3A, %mul3A_278 : vector<16xi32>
          %xor3A_307 = arith.xori %xor3A_306, %mul3A_281 : vector<16xi32>
          %and3A_308 = arith.constant 524287 : i32
          %and3A_309 = vector.broadcast %and3A_308 : i32 to vector<16xi32>
          %and3A_310 = arith.andi %xor3A_307, %and3A_309 : vector<16xi32>
          %add3A_311 = arith.constant 1572864 : i32
          %add3A_312 = vector.broadcast %add3A_311 : i32 to vector<16xi32>
          %add3A_313 = arith.addi %and3A_310, %add3A_312 : vector<16xi32>
          %add3A_314 = arith.constant 128 : i32
          %add3A_315 = arith.addi %add3A_314, %mul3A_236 : i32
          %swap3A_316 = arith.index_cast %add3A_315 : i32 to index
          %swap3A_317 = tpu.vector_load %arg14[%swap3A_316] {strides = array<i32>} : memref<512xi32, #tpu.memory_space<vmem>>, vector<16xi32>,
          tpu.vector_store %arg14[%swap3A_316], %add3A_313 {strides = array<i32>} : memref<512xi32, #tpu.memory_space<vmem>>, vector<16xi32>,
          %xor3A_318 = arith.xori %convert_element_type3A, %mul3A_278 : vector<16xi32>
          %xor3A_319 = arith.xori %xor3A_318, %mul3A_284 : vector<16xi32>
          %and3A_320 = arith.constant 524287 : i32
          %and3A_321 = vector.broadcast %and3A_320 : i32 to vector<16xi32>
          %and3A_322 = arith.andi %xor3A_319, %and3A_321 : vector<16xi32>
          %add3A_323 = arith.constant 1572864 : i32
          %add3A_324 = vector.broadcast %add3A_323 : i32 to vector<16xi32>
          %add3A_325 = arith.addi %and3A_322, %add3A_324 : vector<16xi32>
          %add3A_326 = arith.constant 192 : i32
          %add3A_327 = arith.addi %add3A_326, %mul3A_236 : i32
          %swap3A_328 = arith.index_cast %add3A_327 : i32 to index
          %swap3A_329 = tpu.vector_load %arg14[%swap3A_328] {strides = array<i32>} : memref<512xi32, #tpu.memory_space<vmem>>, vector<16xi32>,
          tpu.vector_store %arg14[%swap3A_328], %add3A_325 {strides = array<i32>} : memref<512xi32, #tpu.memory_space<vmem>>, vector<16xi32>,
          %xor3A_330 = arith.xori %min3A_260, %mul3A_275 : vector<16xi32>
          %xor3A_331 = arith.xori %xor3A_330, %mul3A_281 : vector<16xi32>
          %and3A_332 = arith.constant 524287 : i32
          %and3A_333 = vector.broadcast %and3A_332 : i32 to vector<16xi32>
          %and3A_334 = arith.andi %xor3A_331, %and3A_333 : vector<16xi32>
          %add3A_335 = arith.constant 1572864 : i32
          %add3A_336 = vector.broadcast %add3A_335 : i32 to vector<16xi32>
          %add3A_337 = arith.addi %and3A_334, %add3A_336 : vector<16xi32>
          %add3A_338 = arith.constant 256 : i32
          %add3A_339 = arith.addi %add3A_338, %mul3A_236 : i32
          %swap3A_340 = arith.index_cast %add3A_339 : i32 to index
          %swap3A_341 = tpu.vector_load %arg14[%swap3A_340] {strides = array<i32>} : memref<512xi32, #tpu.memory_space<vmem>>, vector<16xi32>,
          tpu.vector_store %arg14[%swap3A_340], %add3A_337 {strides = array<i32>} : memref<512xi32, #tpu.memory_space<vmem>>, vector<16xi32>,
          %xor3A_342 = arith.xori %min3A_260, %mul3A_275 : vector<16xi32>
          %xor3A_343 = arith.xori %xor3A_342, %mul3A_284 : vector<16xi32>
          %and3A_344 = arith.constant 524287 : i32
          %and3A_345 = vector.broadcast %and3A_344 : i32 to vector<16xi32>
          %and3A_346 = arith.andi %xor3A_343, %and3A_345 : vector<16xi32>
          %add3A_347 = arith.constant 1572864 : i32
          %add3A_348 = vector.broadcast %add3A_347 : i32 to vector<16xi32>
          %add3A_349 = arith.addi %and3A_346, %add3A_348 : vector<16xi32>
          %add3A_350 = arith.constant 320 : i32
          %add3A_351 = arith.addi %add3A_350, %mul3A_236 : i32
          %swap3A_352 = arith.index_cast %add3A_351 : i32 to index
          %swap3A_353 = tpu.vector_load %arg14[%swap3A_352] {strides = array<i32>} : memref<512xi32, #tpu.memory_space<vmem>>, vector<16xi32>,
          tpu.vector_store %arg14[%swap3A_352], %add3A_349 {strides = array<i32>} : memref<512xi32, #tpu.memory_space<vmem>>, vector<16xi32>,
          %xor3A_354 = arith.xori %min3A_260, %mul3A_278 : vector<16xi32>
          %xor3A_355 = arith.xori %xor3A_354, %mul3A_281 : vector<16xi32>
          %and3A_356 = arith.constant 524287 : i32
          %and3A_357 = vector.broadcast %and3A_356 : i32 to vector<16xi32>
          %and3A_358 = arith.andi %xor3A_355, %and3A_357 : vector<16xi32>
          %add3A_359 = arith.constant 1572864 : i32
          %add3A_360 = vector.broadcast %add3A_359 : i32 to vector<16xi32>
          %add3A_361 = arith.addi %and3A_358, %add3A_360 : vector<16xi32>
          %add3A_362 = arith.constant 384 : i32
          %add3A_363 = arith.addi %add3A_362, %mul3A_236 : i32
          %swap3A_364 = arith.index_cast %add3A_363 : i32 to index
          %swap3A_365 = tpu.vector_load %arg14[%swap3A_364] {strides = array<i32>} : memref<512xi32, #tpu.memory_space<vmem>>, vector<16xi32>,
          tpu.vector_store %arg14[%swap3A_364], %add3A_361 {strides = array<i32>} : memref<512xi32, #tpu.memory_space<vmem>>, vector<16xi32>,
          %xor3A_366 = arith.xori %min3A_260, %mul3A_278 : vector<16xi32>
          %xor3A_367 = arith.xori %xor3A_366, %mul3A_284 : vector<16xi32>
          %and3A_368 = arith.constant 524287 : i32
          %and3A_369 = vector.broadcast %and3A_368 : i32 to vector<16xi32>
          %and3A_370 = arith.andi %xor3A_367, %and3A_369 : vector<16xi32>
          %add3A_371 = arith.constant 1572864 : i32
          %add3A_372 = vector.broadcast %add3A_371 : i32 to vector<16xi32>
          %add3A_373 = arith.addi %and3A_370, %add3A_372 : vector<16xi32>
          %add3A_374 = arith.constant 448 : i32
          %add3A_375 = arith.addi %add3A_374, %mul3A_236 : i32
          %swap3A_376 = arith.index_cast %add3A_375 : i32 to index
          %swap3A_377 = tpu.vector_load %arg14[%swap3A_376] {strides = array<i32>} : memref<512xi32, #tpu.memory_space<vmem>>, vector<16xi32>,
          tpu.vector_store %arg14[%swap3A_376], %add3A_373 {strides = array<i32>} : memref<512xi32, #tpu.memory_space<vmem>>, vector<16xi32>,
        }
        %scan3A_123 = arith.constant 4 : i32
        %dma_start3A_124 = arith.constant 0 : i32
        %dma_start3A_125 = arith.constant 0 : i32
        %dma_start3A_126 = tpu.memref_slice %arg5[%dma_start3A_124, %dma_start3A_125] : memref<4194304x16xf32, #tpu.memory_space<hbm>> -> memref<4194304x16xf32, #tpu.memory_space<hbm>>
        tpu.enqueue_indirect_dma source(%dma_start3A_126 : memref<4194304x16xf32, #tpu.memory_space<hbm>>) target(%arg22 : memref<512x16xf32, #tpu.memory_space<vmem>>) offsets(%arg14 : memref<512xi32, #tpu.memory_space<vmem>>) semaphore(%arg30 : memref<!tpu.dma_semaphore, #tpu.memory_space<semaphore_mem>>)
        %scan3A_127 = arith.constant 0 : i32
        %scan3A_128 = arith.constant 0 : i32
        %scan3A_129 = arith.constant 4 : i32
        %scan3A_130 = arith.addi %scan3A_128, %scan3A_129 : i32
        %scan3A_131 = arith.constant 1 : i32
        scf.for %scan3A_234 = %scan3A_128 to %scan3A_130 step %scan3A_131  : i32 {
          %mul3A_235 = arith.constant 16 : i32
          %mul3A_236 = arith.muli %scan3A_234, %mul3A_235 : i32
          %add3A_237 = arith.addi %mul3A_91, %mul3A_236 : i32
          %get3A = arith.index_cast %add3A_237 : i32 to index
          %get3A_238 = tpu.vector_load %arg7[%get3A] {strides = array<i32>} : memref<512xf32, #tpu.memory_space<vmem>>, vector<16xf32>,
          %add3A_239 = arith.addi %mul3A_91, %mul3A_236 : i32
          %get3A_240 = arith.index_cast %add3A_239 : i32 to index
          %get3A_241 = tpu.vector_load %arg8[%get3A_240] {strides = array<i32>} : memref<512xf32, #tpu.memory_space<vmem>>, vector<16xf32>,
          %add3A_242 = arith.addi %mul3A_91, %mul3A_236 : i32
          %get3A_243 = arith.index_cast %add3A_242 : i32 to index
          %get3A_244 = tpu.vector_load %arg9[%get3A_243] {strides = array<i32>} : memref<512xf32, #tpu.memory_space<vmem>>, vector<16xf32>,
          %mul3A_245 = arith.constant 2.300000e+02 : f32
          %mul3A_246 = vector.broadcast %mul3A_245 : f32 to vector<16xf32>
          %mul3A_247 = arith.mulf %get3A_238, %mul3A_246 : vector<16xf32>
          %convert_element_type3A = arith.fptosi %mul3A_247 : vector<16xf32> to vector<16xi32>
          %mul3A_248 = arith.constant 2.300000e+02 : f32
          %mul3A_249 = vector.broadcast %mul3A_248 : f32 to vector<16xf32>
          %mul3A_250 = arith.mulf %get3A_241, %mul3A_249 : vector<16xf32>
          %convert_element_type3A_251 = arith.fptosi %mul3A_250 : vector<16xf32> to vector<16xi32>
          %mul3A_252 = arith.constant 2.300000e+02 : f32
          %mul3A_253 = vector.broadcast %mul3A_252 : f32 to vector<16xf32>
          %mul3A_254 = arith.mulf %get3A_244, %mul3A_253 : vector<16xf32>
          %convert_element_type3A_255 = arith.fptosi %mul3A_254 : vector<16xf32> to vector<16xi32>
          %add3A_256 = arith.constant 1 : i32
          %add3A_257 = vector.broadcast %add3A_256 : i32 to vector<16xi32>
          %add3A_258 = arith.addi %convert_element_type3A, %add3A_257 : vector<16xi32>
          %min3A = arith.constant 230 : i32
          %min3A_259 = vector.broadcast %min3A : i32 to vector<16xi32>
          %min3A_260 = arith.minsi %add3A_258, %min3A_259 : vector<16xi32>
          %add3A_261 = arith.constant 1 : i32
          %add3A_262 = vector.broadcast %add3A_261 : i32 to vector<16xi32>
          %add3A_263 = arith.addi %convert_element_type3A_251, %add3A_262 : vector<16xi32>
          %min3A_264 = arith.constant 230 : i32
          %min3A_265 = vector.broadcast %min3A_264 : i32 to vector<16xi32>
          %min3A_266 = arith.minsi %add3A_263, %min3A_265 : vector<16xi32>
          %add3A_267 = arith.constant 1 : i32
          %add3A_268 = vector.broadcast %add3A_267 : i32 to vector<16xi32>
          %add3A_269 = arith.addi %convert_element_type3A_255, %add3A_268 : vector<16xi32>
          %min3A_270 = arith.constant 230 : i32
          %min3A_271 = vector.broadcast %min3A_270 : i32 to vector<16xi32>
          %min3A_272 = arith.minsi %add3A_269, %min3A_271 : vector<16xi32>
          %mul3A_273 = arith.constant -1640531535 : i32
          %mul3A_274 = vector.broadcast %mul3A_273 : i32 to vector<16xi32>
          %mul3A_275 = arith.muli %convert_element_type3A_251, %mul3A_274 : vector<16xi32>
          %mul3A_276 = arith.constant -1640531535 : i32
          %mul3A_277 = vector.broadcast %mul3A_276 : i32 to vector<16xi32>
          %mul3A_278 = arith.muli %min3A_266, %mul3A_277 : vector<16xi32>
          %mul3A_279 = arith.constant 805459861 : i32
          %mul3A_280 = vector.broadcast %mul3A_279 : i32 to vector<16xi32>
          %mul3A_281 = arith.muli %convert_element_type3A_255, %mul3A_280 : vector<16xi32>
          %mul3A_282 = arith.constant 805459861 : i32
          %mul3A_283 = vector.broadcast %mul3A_282 : i32 to vector<16xi32>
          %mul3A_284 = arith.muli %min3A_272, %mul3A_283 : vector<16xi32>
          %xor3A = arith.xori %convert_element_type3A, %mul3A_275 : vector<16xi32>
          %xor3A_285 = arith.xori %xor3A, %mul3A_281 : vector<16xi32>
          %and3A = arith.constant 524287 : i32
          %and3A_286 = vector.broadcast %and3A : i32 to vector<16xi32>
          %and3A_287 = arith.andi %xor3A_285, %and3A_286 : vector<16xi32>
          %add3A_288 = arith.constant 2097152 : i32
          %add3A_289 = vector.broadcast %add3A_288 : i32 to vector<16xi32>
          %add3A_290 = arith.addi %and3A_287, %add3A_289 : vector<16xi32>
          %add3A_291 = arith.constant 0 : i32
          %add3A_292 = arith.addi %add3A_291, %mul3A_236 : i32
          %swap3A = arith.index_cast %add3A_292 : i32 to index
          %swap3A_293 = tpu.vector_load %arg15[%swap3A] {strides = array<i32>} : memref<512xi32, #tpu.memory_space<vmem>>, vector<16xi32>,
          tpu.vector_store %arg15[%swap3A], %add3A_290 {strides = array<i32>} : memref<512xi32, #tpu.memory_space<vmem>>, vector<16xi32>,
          %xor3A_294 = arith.xori %convert_element_type3A, %mul3A_275 : vector<16xi32>
          %xor3A_295 = arith.xori %xor3A_294, %mul3A_284 : vector<16xi32>
          %and3A_296 = arith.constant 524287 : i32
          %and3A_297 = vector.broadcast %and3A_296 : i32 to vector<16xi32>
          %and3A_298 = arith.andi %xor3A_295, %and3A_297 : vector<16xi32>
          %add3A_299 = arith.constant 2097152 : i32
          %add3A_300 = vector.broadcast %add3A_299 : i32 to vector<16xi32>
          %add3A_301 = arith.addi %and3A_298, %add3A_300 : vector<16xi32>
          %add3A_302 = arith.constant 64 : i32
          %add3A_303 = arith.addi %add3A_302, %mul3A_236 : i32
          %swap3A_304 = arith.index_cast %add3A_303 : i32 to index
          %swap3A_305 = tpu.vector_load %arg15[%swap3A_304] {strides = array<i32>} : memref<512xi32, #tpu.memory_space<vmem>>, vector<16xi32>,
          tpu.vector_store %arg15[%swap3A_304], %add3A_301 {strides = array<i32>} : memref<512xi32, #tpu.memory_space<vmem>>, vector<16xi32>,
          %xor3A_306 = arith.xori %convert_element_type3A, %mul3A_278 : vector<16xi32>
          %xor3A_307 = arith.xori %xor3A_306, %mul3A_281 : vector<16xi32>
          %and3A_308 = arith.constant 524287 : i32
          %and3A_309 = vector.broadcast %and3A_308 : i32 to vector<16xi32>
          %and3A_310 = arith.andi %xor3A_307, %and3A_309 : vector<16xi32>
          %add3A_311 = arith.constant 2097152 : i32
          %add3A_312 = vector.broadcast %add3A_311 : i32 to vector<16xi32>
          %add3A_313 = arith.addi %and3A_310, %add3A_312 : vector<16xi32>
          %add3A_314 = arith.constant 128 : i32
          %add3A_315 = arith.addi %add3A_314, %mul3A_236 : i32
          %swap3A_316 = arith.index_cast %add3A_315 : i32 to index
          %swap3A_317 = tpu.vector_load %arg15[%swap3A_316] {strides = array<i32>} : memref<512xi32, #tpu.memory_space<vmem>>, vector<16xi32>,
          tpu.vector_store %arg15[%swap3A_316], %add3A_313 {strides = array<i32>} : memref<512xi32, #tpu.memory_space<vmem>>, vector<16xi32>,
          %xor3A_318 = arith.xori %convert_element_type3A, %mul3A_278 : vector<16xi32>
          %xor3A_319 = arith.xori %xor3A_318, %mul3A_284 : vector<16xi32>
          %and3A_320 = arith.constant 524287 : i32
          %and3A_321 = vector.broadcast %and3A_320 : i32 to vector<16xi32>
          %and3A_322 = arith.andi %xor3A_319, %and3A_321 : vector<16xi32>
          %add3A_323 = arith.constant 2097152 : i32
          %add3A_324 = vector.broadcast %add3A_323 : i32 to vector<16xi32>
          %add3A_325 = arith.addi %and3A_322, %add3A_324 : vector<16xi32>
          %add3A_326 = arith.constant 192 : i32
          %add3A_327 = arith.addi %add3A_326, %mul3A_236 : i32
          %swap3A_328 = arith.index_cast %add3A_327 : i32 to index
          %swap3A_329 = tpu.vector_load %arg15[%swap3A_328] {strides = array<i32>} : memref<512xi32, #tpu.memory_space<vmem>>, vector<16xi32>,
          tpu.vector_store %arg15[%swap3A_328], %add3A_325 {strides = array<i32>} : memref<512xi32, #tpu.memory_space<vmem>>, vector<16xi32>,
          %xor3A_330 = arith.xori %min3A_260, %mul3A_275 : vector<16xi32>
          %xor3A_331 = arith.xori %xor3A_330, %mul3A_281 : vector<16xi32>
          %and3A_332 = arith.constant 524287 : i32
          %and3A_333 = vector.broadcast %and3A_332 : i32 to vector<16xi32>
          %and3A_334 = arith.andi %xor3A_331, %and3A_333 : vector<16xi32>
          %add3A_335 = arith.constant 2097152 : i32
          %add3A_336 = vector.broadcast %add3A_335 : i32 to vector<16xi32>
          %add3A_337 = arith.addi %and3A_334, %add3A_336 : vector<16xi32>
          %add3A_338 = arith.constant 256 : i32
          %add3A_339 = arith.addi %add3A_338, %mul3A_236 : i32
          %swap3A_340 = arith.index_cast %add3A_339 : i32 to index
          %swap3A_341 = tpu.vector_load %arg15[%swap3A_340] {strides = array<i32>} : memref<512xi32, #tpu.memory_space<vmem>>, vector<16xi32>,
          tpu.vector_store %arg15[%swap3A_340], %add3A_337 {strides = array<i32>} : memref<512xi32, #tpu.memory_space<vmem>>, vector<16xi32>,
          %xor3A_342 = arith.xori %min3A_260, %mul3A_275 : vector<16xi32>
          %xor3A_343 = arith.xori %xor3A_342, %mul3A_284 : vector<16xi32>
          %and3A_344 = arith.constant 524287 : i32
          %and3A_345 = vector.broadcast %and3A_344 : i32 to vector<16xi32>
          %and3A_346 = arith.andi %xor3A_343, %and3A_345 : vector<16xi32>
          %add3A_347 = arith.constant 2097152 : i32
          %add3A_348 = vector.broadcast %add3A_347 : i32 to vector<16xi32>
          %add3A_349 = arith.addi %and3A_346, %add3A_348 : vector<16xi32>
          %add3A_350 = arith.constant 320 : i32
          %add3A_351 = arith.addi %add3A_350, %mul3A_236 : i32
          %swap3A_352 = arith.index_cast %add3A_351 : i32 to index
          %swap3A_353 = tpu.vector_load %arg15[%swap3A_352] {strides = array<i32>} : memref<512xi32, #tpu.memory_space<vmem>>, vector<16xi32>,
          tpu.vector_store %arg15[%swap3A_352], %add3A_349 {strides = array<i32>} : memref<512xi32, #tpu.memory_space<vmem>>, vector<16xi32>,
          %xor3A_354 = arith.xori %min3A_260, %mul3A_278 : vector<16xi32>
          %xor3A_355 = arith.xori %xor3A_354, %mul3A_281 : vector<16xi32>
          %and3A_356 = arith.constant 524287 : i32
          %and3A_357 = vector.broadcast %and3A_356 : i32 to vector<16xi32>
          %and3A_358 = arith.andi %xor3A_355, %and3A_357 : vector<16xi32>
          %add3A_359 = arith.constant 2097152 : i32
          %add3A_360 = vector.broadcast %add3A_359 : i32 to vector<16xi32>
          %add3A_361 = arith.addi %and3A_358, %add3A_360 : vector<16xi32>
          %add3A_362 = arith.constant 384 : i32
          %add3A_363 = arith.addi %add3A_362, %mul3A_236 : i32
          %swap3A_364 = arith.index_cast %add3A_363 : i32 to index
          %swap3A_365 = tpu.vector_load %arg15[%swap3A_364] {strides = array<i32>} : memref<512xi32, #tpu.memory_space<vmem>>, vector<16xi32>,
          tpu.vector_store %arg15[%swap3A_364], %add3A_361 {strides = array<i32>} : memref<512xi32, #tpu.memory_space<vmem>>, vector<16xi32>,
          %xor3A_366 = arith.xori %min3A_260, %mul3A_278 : vector<16xi32>
          %xor3A_367 = arith.xori %xor3A_366, %mul3A_284 : vector<16xi32>
          %and3A_368 = arith.constant 524287 : i32
          %and3A_369 = vector.broadcast %and3A_368 : i32 to vector<16xi32>
          %and3A_370 = arith.andi %xor3A_367, %and3A_369 : vector<16xi32>
          %add3A_371 = arith.constant 2097152 : i32
          %add3A_372 = vector.broadcast %add3A_371 : i32 to vector<16xi32>
          %add3A_373 = arith.addi %and3A_370, %add3A_372 : vector<16xi32>
          %add3A_374 = arith.constant 448 : i32
          %add3A_375 = arith.addi %add3A_374, %mul3A_236 : i32
          %swap3A_376 = arith.index_cast %add3A_375 : i32 to index
          %swap3A_377 = tpu.vector_load %arg15[%swap3A_376] {strides = array<i32>} : memref<512xi32, #tpu.memory_space<vmem>>, vector<16xi32>,
          tpu.vector_store %arg15[%swap3A_376], %add3A_373 {strides = array<i32>} : memref<512xi32, #tpu.memory_space<vmem>>, vector<16xi32>,
        }
        %scan3A_132 = arith.constant 4 : i32
        %dma_start3A_133 = arith.constant 0 : i32
        %dma_start3A_134 = arith.constant 0 : i32
        %dma_start3A_135 = tpu.memref_slice %arg5[%dma_start3A_133, %dma_start3A_134] : memref<4194304x16xf32, #tpu.memory_space<hbm>> -> memref<4194304x16xf32, #tpu.memory_space<hbm>>
        tpu.enqueue_indirect_dma source(%dma_start3A_135 : memref<4194304x16xf32, #tpu.memory_space<hbm>>) target(%arg23 : memref<512x16xf32, #tpu.memory_space<vmem>>) offsets(%arg15 : memref<512xi32, #tpu.memory_space<vmem>>) semaphore(%arg31 : memref<!tpu.dma_semaphore, #tpu.memory_space<semaphore_mem>>)
        %scan3A_136 = arith.constant 0 : i32
        %scan3A_137 = arith.constant 0 : i32
        %scan3A_138 = arith.constant 4 : i32
        %scan3A_139 = arith.addi %scan3A_137, %scan3A_138 : i32
        %scan3A_140 = arith.constant 1 : i32
        scf.for %scan3A_234 = %scan3A_137 to %scan3A_139 step %scan3A_140  : i32 {
          %mul3A_235 = arith.constant 16 : i32
          %mul3A_236 = arith.muli %scan3A_234, %mul3A_235 : i32
          %add3A_237 = arith.addi %mul3A_91, %mul3A_236 : i32
          %get3A = arith.index_cast %add3A_237 : i32 to index
          %get3A_238 = tpu.vector_load %arg7[%get3A] {strides = array<i32>} : memref<512xf32, #tpu.memory_space<vmem>>, vector<16xf32>,
          %add3A_239 = arith.addi %mul3A_91, %mul3A_236 : i32
          %get3A_240 = arith.index_cast %add3A_239 : i32 to index
          %get3A_241 = tpu.vector_load %arg8[%get3A_240] {strides = array<i32>} : memref<512xf32, #tpu.memory_space<vmem>>, vector<16xf32>,
          %add3A_242 = arith.addi %mul3A_91, %mul3A_236 : i32
          %get3A_243 = arith.index_cast %add3A_242 : i32 to index
          %get3A_244 = tpu.vector_load %arg9[%get3A_243] {strides = array<i32>} : memref<512xf32, #tpu.memory_space<vmem>>, vector<16xf32>,
          %mul3A_245 = arith.constant 3.790000e+02 : f32
          %mul3A_246 = vector.broadcast %mul3A_245 : f32 to vector<16xf32>
          %mul3A_247 = arith.mulf %get3A_238, %mul3A_246 : vector<16xf32>
          %convert_element_type3A = arith.fptosi %mul3A_247 : vector<16xf32> to vector<16xi32>
          %mul3A_248 = arith.constant 3.790000e+02 : f32
          %mul3A_249 = vector.broadcast %mul3A_248 : f32 to vector<16xf32>
          %mul3A_250 = arith.mulf %get3A_241, %mul3A_249 : vector<16xf32>
          %convert_element_type3A_251 = arith.fptosi %mul3A_250 : vector<16xf32> to vector<16xi32>
          %mul3A_252 = arith.constant 3.790000e+02 : f32
          %mul3A_253 = vector.broadcast %mul3A_252 : f32 to vector<16xf32>
          %mul3A_254 = arith.mulf %get3A_244, %mul3A_253 : vector<16xf32>
          %convert_element_type3A_255 = arith.fptosi %mul3A_254 : vector<16xf32> to vector<16xi32>
          %add3A_256 = arith.constant 1 : i32
          %add3A_257 = vector.broadcast %add3A_256 : i32 to vector<16xi32>
          %add3A_258 = arith.addi %convert_element_type3A, %add3A_257 : vector<16xi32>
          %min3A = arith.constant 379 : i32
          %min3A_259 = vector.broadcast %min3A : i32 to vector<16xi32>
          %min3A_260 = arith.minsi %add3A_258, %min3A_259 : vector<16xi32>
          %add3A_261 = arith.constant 1 : i32
          %add3A_262 = vector.broadcast %add3A_261 : i32 to vector<16xi32>
          %add3A_263 = arith.addi %convert_element_type3A_251, %add3A_262 : vector<16xi32>
          %min3A_264 = arith.constant 379 : i32
          %min3A_265 = vector.broadcast %min3A_264 : i32 to vector<16xi32>
          %min3A_266 = arith.minsi %add3A_263, %min3A_265 : vector<16xi32>
          %add3A_267 = arith.constant 1 : i32
          %add3A_268 = vector.broadcast %add3A_267 : i32 to vector<16xi32>
          %add3A_269 = arith.addi %convert_element_type3A_255, %add3A_268 : vector<16xi32>
          %min3A_270 = arith.constant 379 : i32
          %min3A_271 = vector.broadcast %min3A_270 : i32 to vector<16xi32>
          %min3A_272 = arith.minsi %add3A_269, %min3A_271 : vector<16xi32>
          %mul3A_273 = arith.constant -1640531535 : i32
          %mul3A_274 = vector.broadcast %mul3A_273 : i32 to vector<16xi32>
          %mul3A_275 = arith.muli %convert_element_type3A_251, %mul3A_274 : vector<16xi32>
          %mul3A_276 = arith.constant -1640531535 : i32
          %mul3A_277 = vector.broadcast %mul3A_276 : i32 to vector<16xi32>
          %mul3A_278 = arith.muli %min3A_266, %mul3A_277 : vector<16xi32>
          %mul3A_279 = arith.constant 805459861 : i32
          %mul3A_280 = vector.broadcast %mul3A_279 : i32 to vector<16xi32>
          %mul3A_281 = arith.muli %convert_element_type3A_255, %mul3A_280 : vector<16xi32>
          %mul3A_282 = arith.constant 805459861 : i32
          %mul3A_283 = vector.broadcast %mul3A_282 : i32 to vector<16xi32>
          %mul3A_284 = arith.muli %min3A_272, %mul3A_283 : vector<16xi32>
          %xor3A = arith.xori %convert_element_type3A, %mul3A_275 : vector<16xi32>
          %xor3A_285 = arith.xori %xor3A, %mul3A_281 : vector<16xi32>
          %and3A = arith.constant 524287 : i32
          %and3A_286 = vector.broadcast %and3A : i32 to vector<16xi32>
          %and3A_287 = arith.andi %xor3A_285, %and3A_286 : vector<16xi32>
          %add3A_288 = arith.constant 2621440 : i32
          %add3A_289 = vector.broadcast %add3A_288 : i32 to vector<16xi32>
          %add3A_290 = arith.addi %and3A_287, %add3A_289 : vector<16xi32>
          %add3A_291 = arith.constant 0 : i32
          %add3A_292 = arith.addi %add3A_291, %mul3A_236 : i32
          %swap3A = arith.index_cast %add3A_292 : i32 to index
          %swap3A_293 = tpu.vector_load %arg16[%swap3A] {strides = array<i32>} : memref<512xi32, #tpu.memory_space<vmem>>, vector<16xi32>,
          tpu.vector_store %arg16[%swap3A], %add3A_290 {strides = array<i32>} : memref<512xi32, #tpu.memory_space<vmem>>, vector<16xi32>,
          %xor3A_294 = arith.xori %convert_element_type3A, %mul3A_275 : vector<16xi32>
          %xor3A_295 = arith.xori %xor3A_294, %mul3A_284 : vector<16xi32>
          %and3A_296 = arith.constant 524287 : i32
          %and3A_297 = vector.broadcast %and3A_296 : i32 to vector<16xi32>
          %and3A_298 = arith.andi %xor3A_295, %and3A_297 : vector<16xi32>
          %add3A_299 = arith.constant 2621440 : i32
          %add3A_300 = vector.broadcast %add3A_299 : i32 to vector<16xi32>
          %add3A_301 = arith.addi %and3A_298, %add3A_300 : vector<16xi32>
          %add3A_302 = arith.constant 64 : i32
          %add3A_303 = arith.addi %add3A_302, %mul3A_236 : i32
          %swap3A_304 = arith.index_cast %add3A_303 : i32 to index
          %swap3A_305 = tpu.vector_load %arg16[%swap3A_304] {strides = array<i32>} : memref<512xi32, #tpu.memory_space<vmem>>, vector<16xi32>,
          tpu.vector_store %arg16[%swap3A_304], %add3A_301 {strides = array<i32>} : memref<512xi32, #tpu.memory_space<vmem>>, vector<16xi32>,
          %xor3A_306 = arith.xori %convert_element_type3A, %mul3A_278 : vector<16xi32>
          %xor3A_307 = arith.xori %xor3A_306, %mul3A_281 : vector<16xi32>
          %and3A_308 = arith.constant 524287 : i32
          %and3A_309 = vector.broadcast %and3A_308 : i32 to vector<16xi32>
          %and3A_310 = arith.andi %xor3A_307, %and3A_309 : vector<16xi32>
          %add3A_311 = arith.constant 2621440 : i32
          %add3A_312 = vector.broadcast %add3A_311 : i32 to vector<16xi32>
          %add3A_313 = arith.addi %and3A_310, %add3A_312 : vector<16xi32>
          %add3A_314 = arith.constant 128 : i32
          %add3A_315 = arith.addi %add3A_314, %mul3A_236 : i32
          %swap3A_316 = arith.index_cast %add3A_315 : i32 to index
          %swap3A_317 = tpu.vector_load %arg16[%swap3A_316] {strides = array<i32>} : memref<512xi32, #tpu.memory_space<vmem>>, vector<16xi32>,
          tpu.vector_store %arg16[%swap3A_316], %add3A_313 {strides = array<i32>} : memref<512xi32, #tpu.memory_space<vmem>>, vector<16xi32>,
          %xor3A_318 = arith.xori %convert_element_type3A, %mul3A_278 : vector<16xi32>
          %xor3A_319 = arith.xori %xor3A_318, %mul3A_284 : vector<16xi32>
          %and3A_320 = arith.constant 524287 : i32
          %and3A_321 = vector.broadcast %and3A_320 : i32 to vector<16xi32>
          %and3A_322 = arith.andi %xor3A_319, %and3A_321 : vector<16xi32>
          %add3A_323 = arith.constant 2621440 : i32
          %add3A_324 = vector.broadcast %add3A_323 : i32 to vector<16xi32>
          %add3A_325 = arith.addi %and3A_322, %add3A_324 : vector<16xi32>
          %add3A_326 = arith.constant 192 : i32
          %add3A_327 = arith.addi %add3A_326, %mul3A_236 : i32
          %swap3A_328 = arith.index_cast %add3A_327 : i32 to index
          %swap3A_329 = tpu.vector_load %arg16[%swap3A_328] {strides = array<i32>} : memref<512xi32, #tpu.memory_space<vmem>>, vector<16xi32>,
          tpu.vector_store %arg16[%swap3A_328], %add3A_325 {strides = array<i32>} : memref<512xi32, #tpu.memory_space<vmem>>, vector<16xi32>,
          %xor3A_330 = arith.xori %min3A_260, %mul3A_275 : vector<16xi32>
          %xor3A_331 = arith.xori %xor3A_330, %mul3A_281 : vector<16xi32>
          %and3A_332 = arith.constant 524287 : i32
          %and3A_333 = vector.broadcast %and3A_332 : i32 to vector<16xi32>
          %and3A_334 = arith.andi %xor3A_331, %and3A_333 : vector<16xi32>
          %add3A_335 = arith.constant 2621440 : i32
          %add3A_336 = vector.broadcast %add3A_335 : i32 to vector<16xi32>
          %add3A_337 = arith.addi %and3A_334, %add3A_336 : vector<16xi32>
          %add3A_338 = arith.constant 256 : i32
          %add3A_339 = arith.addi %add3A_338, %mul3A_236 : i32
          %swap3A_340 = arith.index_cast %add3A_339 : i32 to index
          %swap3A_341 = tpu.vector_load %arg16[%swap3A_340] {strides = array<i32>} : memref<512xi32, #tpu.memory_space<vmem>>, vector<16xi32>,
          tpu.vector_store %arg16[%swap3A_340], %add3A_337 {strides = array<i32>} : memref<512xi32, #tpu.memory_space<vmem>>, vector<16xi32>,
          %xor3A_342 = arith.xori %min3A_260, %mul3A_275 : vector<16xi32>
          %xor3A_343 = arith.xori %xor3A_342, %mul3A_284 : vector<16xi32>
          %and3A_344 = arith.constant 524287 : i32
          %and3A_345 = vector.broadcast %and3A_344 : i32 to vector<16xi32>
          %and3A_346 = arith.andi %xor3A_343, %and3A_345 : vector<16xi32>
          %add3A_347 = arith.constant 2621440 : i32
          %add3A_348 = vector.broadcast %add3A_347 : i32 to vector<16xi32>
          %add3A_349 = arith.addi %and3A_346, %add3A_348 : vector<16xi32>
          %add3A_350 = arith.constant 320 : i32
          %add3A_351 = arith.addi %add3A_350, %mul3A_236 : i32
          %swap3A_352 = arith.index_cast %add3A_351 : i32 to index
          %swap3A_353 = tpu.vector_load %arg16[%swap3A_352] {strides = array<i32>} : memref<512xi32, #tpu.memory_space<vmem>>, vector<16xi32>,
          tpu.vector_store %arg16[%swap3A_352], %add3A_349 {strides = array<i32>} : memref<512xi32, #tpu.memory_space<vmem>>, vector<16xi32>,
          %xor3A_354 = arith.xori %min3A_260, %mul3A_278 : vector<16xi32>
          %xor3A_355 = arith.xori %xor3A_354, %mul3A_281 : vector<16xi32>
          %and3A_356 = arith.constant 524287 : i32
          %and3A_357 = vector.broadcast %and3A_356 : i32 to vector<16xi32>
          %and3A_358 = arith.andi %xor3A_355, %and3A_357 : vector<16xi32>
          %add3A_359 = arith.constant 2621440 : i32
          %add3A_360 = vector.broadcast %add3A_359 : i32 to vector<16xi32>
          %add3A_361 = arith.addi %and3A_358, %add3A_360 : vector<16xi32>
          %add3A_362 = arith.constant 384 : i32
          %add3A_363 = arith.addi %add3A_362, %mul3A_236 : i32
          %swap3A_364 = arith.index_cast %add3A_363 : i32 to index
          %swap3A_365 = tpu.vector_load %arg16[%swap3A_364] {strides = array<i32>} : memref<512xi32, #tpu.memory_space<vmem>>, vector<16xi32>,
          tpu.vector_store %arg16[%swap3A_364], %add3A_361 {strides = array<i32>} : memref<512xi32, #tpu.memory_space<vmem>>, vector<16xi32>,
          %xor3A_366 = arith.xori %min3A_260, %mul3A_278 : vector<16xi32>
          %xor3A_367 = arith.xori %xor3A_366, %mul3A_284 : vector<16xi32>
          %and3A_368 = arith.constant 524287 : i32
          %and3A_369 = vector.broadcast %and3A_368 : i32 to vector<16xi32>
          %and3A_370 = arith.andi %xor3A_367, %and3A_369 : vector<16xi32>
          %add3A_371 = arith.constant 2621440 : i32
          %add3A_372 = vector.broadcast %add3A_371 : i32 to vector<16xi32>
          %add3A_373 = arith.addi %and3A_370, %add3A_372 : vector<16xi32>
          %add3A_374 = arith.constant 448 : i32
          %add3A_375 = arith.addi %add3A_374, %mul3A_236 : i32
          %swap3A_376 = arith.index_cast %add3A_375 : i32 to index
          %swap3A_377 = tpu.vector_load %arg16[%swap3A_376] {strides = array<i32>} : memref<512xi32, #tpu.memory_space<vmem>>, vector<16xi32>,
          tpu.vector_store %arg16[%swap3A_376], %add3A_373 {strides = array<i32>} : memref<512xi32, #tpu.memory_space<vmem>>, vector<16xi32>,
        }
        %scan3A_141 = arith.constant 4 : i32
        %dma_start3A_142 = arith.constant 0 : i32
        %dma_start3A_143 = arith.constant 0 : i32
        %dma_start3A_144 = tpu.memref_slice %arg5[%dma_start3A_142, %dma_start3A_143] : memref<4194304x16xf32, #tpu.memory_space<hbm>> -> memref<4194304x16xf32, #tpu.memory_space<hbm>>
        tpu.enqueue_indirect_dma source(%dma_start3A_144 : memref<4194304x16xf32, #tpu.memory_space<hbm>>) target(%arg24 : memref<512x16xf32, #tpu.memory_space<vmem>>) offsets(%arg16 : memref<512xi32, #tpu.memory_space<vmem>>) semaphore(%arg32 : memref<!tpu.dma_semaphore, #tpu.memory_space<semaphore_mem>>)
        %scan3A_145 = arith.constant 0 : i32
        %scan3A_146 = arith.constant 0 : i32
        %scan3A_147 = arith.constant 4 : i32
        %scan3A_148 = arith.addi %scan3A_146, %scan3A_147 : i32
        %scan3A_149 = arith.constant 1 : i32
        scf.for %scan3A_234 = %scan3A_146 to %scan3A_148 step %scan3A_149  : i32 {
          %mul3A_235 = arith.constant 16 : i32
          %mul3A_236 = arith.muli %scan3A_234, %mul3A_235 : i32
          %add3A_237 = arith.addi %mul3A_91, %mul3A_236 : i32
          %get3A = arith.index_cast %add3A_237 : i32 to index
          %get3A_238 = tpu.vector_load %arg7[%get3A] {strides = array<i32>} : memref<512xf32, #tpu.memory_space<vmem>>, vector<16xf32>,
          %add3A_239 = arith.addi %mul3A_91, %mul3A_236 : i32
          %get3A_240 = arith.index_cast %add3A_239 : i32 to index
          %get3A_241 = tpu.vector_load %arg8[%get3A_240] {strides = array<i32>} : memref<512xf32, #tpu.memory_space<vmem>>, vector<16xf32>,
          %add3A_242 = arith.addi %mul3A_91, %mul3A_236 : i32
          %get3A_243 = arith.index_cast %add3A_242 : i32 to index
          %get3A_244 = tpu.vector_load %arg9[%get3A_243] {strides = array<i32>} : memref<512xf32, #tpu.memory_space<vmem>>, vector<16xf32>,
          %mul3A_245 = arith.constant 6.230000e+02 : f32
          %mul3A_246 = vector.broadcast %mul3A_245 : f32 to vector<16xf32>
          %mul3A_247 = arith.mulf %get3A_238, %mul3A_246 : vector<16xf32>
          %convert_element_type3A = arith.fptosi %mul3A_247 : vector<16xf32> to vector<16xi32>
          %mul3A_248 = arith.constant 6.230000e+02 : f32
          %mul3A_249 = vector.broadcast %mul3A_248 : f32 to vector<16xf32>
          %mul3A_250 = arith.mulf %get3A_241, %mul3A_249 : vector<16xf32>
          %convert_element_type3A_251 = arith.fptosi %mul3A_250 : vector<16xf32> to vector<16xi32>
          %mul3A_252 = arith.constant 6.230000e+02 : f32
          %mul3A_253 = vector.broadcast %mul3A_252 : f32 to vector<16xf32>
          %mul3A_254 = arith.mulf %get3A_244, %mul3A_253 : vector<16xf32>
          %convert_element_type3A_255 = arith.fptosi %mul3A_254 : vector<16xf32> to vector<16xi32>
          %add3A_256 = arith.constant 1 : i32
          %add3A_257 = vector.broadcast %add3A_256 : i32 to vector<16xi32>
          %add3A_258 = arith.addi %convert_element_type3A, %add3A_257 : vector<16xi32>
          %min3A = arith.constant 623 : i32
          %min3A_259 = vector.broadcast %min3A : i32 to vector<16xi32>
          %min3A_260 = arith.minsi %add3A_258, %min3A_259 : vector<16xi32>
          %add3A_261 = arith.constant 1 : i32
          %add3A_262 = vector.broadcast %add3A_261 : i32 to vector<16xi32>
          %add3A_263 = arith.addi %convert_element_type3A_251, %add3A_262 : vector<16xi32>
          %min3A_264 = arith.constant 623 : i32
          %min3A_265 = vector.broadcast %min3A_264 : i32 to vector<16xi32>
          %min3A_266 = arith.minsi %add3A_263, %min3A_265 : vector<16xi32>
          %add3A_267 = arith.constant 1 : i32
          %add3A_268 = vector.broadcast %add3A_267 : i32 to vector<16xi32>
          %add3A_269 = arith.addi %convert_element_type3A_255, %add3A_268 : vector<16xi32>
          %min3A_270 = arith.constant 623 : i32
          %min3A_271 = vector.broadcast %min3A_270 : i32 to vector<16xi32>
          %min3A_272 = arith.minsi %add3A_269, %min3A_271 : vector<16xi32>
          %mul3A_273 = arith.constant -1640531535 : i32
          %mul3A_274 = vector.broadcast %mul3A_273 : i32 to vector<16xi32>
          %mul3A_275 = arith.muli %convert_element_type3A_251, %mul3A_274 : vector<16xi32>
          %mul3A_276 = arith.constant -1640531535 : i32
          %mul3A_277 = vector.broadcast %mul3A_276 : i32 to vector<16xi32>
          %mul3A_278 = arith.muli %min3A_266, %mul3A_277 : vector<16xi32>
          %mul3A_279 = arith.constant 805459861 : i32
          %mul3A_280 = vector.broadcast %mul3A_279 : i32 to vector<16xi32>
          %mul3A_281 = arith.muli %convert_element_type3A_255, %mul3A_280 : vector<16xi32>
          %mul3A_282 = arith.constant 805459861 : i32
          %mul3A_283 = vector.broadcast %mul3A_282 : i32 to vector<16xi32>
          %mul3A_284 = arith.muli %min3A_272, %mul3A_283 : vector<16xi32>
          %xor3A = arith.xori %convert_element_type3A, %mul3A_275 : vector<16xi32>
          %xor3A_285 = arith.xori %xor3A, %mul3A_281 : vector<16xi32>
          %and3A = arith.constant 524287 : i32
          %and3A_286 = vector.broadcast %and3A : i32 to vector<16xi32>
          %and3A_287 = arith.andi %xor3A_285, %and3A_286 : vector<16xi32>
          %add3A_288 = arith.constant 3145728 : i32
          %add3A_289 = vector.broadcast %add3A_288 : i32 to vector<16xi32>
          %add3A_290 = arith.addi %and3A_287, %add3A_289 : vector<16xi32>
          %add3A_291 = arith.constant 0 : i32
          %add3A_292 = arith.addi %add3A_291, %mul3A_236 : i32
          %swap3A = arith.index_cast %add3A_292 : i32 to index
          %swap3A_293 = tpu.vector_load %arg17[%swap3A] {strides = array<i32>} : memref<512xi32, #tpu.memory_space<vmem>>, vector<16xi32>,
          tpu.vector_store %arg17[%swap3A], %add3A_290 {strides = array<i32>} : memref<512xi32, #tpu.memory_space<vmem>>, vector<16xi32>,
          %xor3A_294 = arith.xori %convert_element_type3A, %mul3A_275 : vector<16xi32>
          %xor3A_295 = arith.xori %xor3A_294, %mul3A_284 : vector<16xi32>
          %and3A_296 = arith.constant 524287 : i32
          %and3A_297 = vector.broadcast %and3A_296 : i32 to vector<16xi32>
          %and3A_298 = arith.andi %xor3A_295, %and3A_297 : vector<16xi32>
          %add3A_299 = arith.constant 3145728 : i32
          %add3A_300 = vector.broadcast %add3A_299 : i32 to vector<16xi32>
          %add3A_301 = arith.addi %and3A_298, %add3A_300 : vector<16xi32>
          %add3A_302 = arith.constant 64 : i32
          %add3A_303 = arith.addi %add3A_302, %mul3A_236 : i32
          %swap3A_304 = arith.index_cast %add3A_303 : i32 to index
          %swap3A_305 = tpu.vector_load %arg17[%swap3A_304] {strides = array<i32>} : memref<512xi32, #tpu.memory_space<vmem>>, vector<16xi32>,
          tpu.vector_store %arg17[%swap3A_304], %add3A_301 {strides = array<i32>} : memref<512xi32, #tpu.memory_space<vmem>>, vector<16xi32>,
          %xor3A_306 = arith.xori %convert_element_type3A, %mul3A_278 : vector<16xi32>
          %xor3A_307 = arith.xori %xor3A_306, %mul3A_281 : vector<16xi32>
          %and3A_308 = arith.constant 524287 : i32
          %and3A_309 = vector.broadcast %and3A_308 : i32 to vector<16xi32>
          %and3A_310 = arith.andi %xor3A_307, %and3A_309 : vector<16xi32>
          %add3A_311 = arith.constant 3145728 : i32
          %add3A_312 = vector.broadcast %add3A_311 : i32 to vector<16xi32>
          %add3A_313 = arith.addi %and3A_310, %add3A_312 : vector<16xi32>
          %add3A_314 = arith.constant 128 : i32
          %add3A_315 = arith.addi %add3A_314, %mul3A_236 : i32
          %swap3A_316 = arith.index_cast %add3A_315 : i32 to index
          %swap3A_317 = tpu.vector_load %arg17[%swap3A_316] {strides = array<i32>} : memref<512xi32, #tpu.memory_space<vmem>>, vector<16xi32>,
          tpu.vector_store %arg17[%swap3A_316], %add3A_313 {strides = array<i32>} : memref<512xi32, #tpu.memory_space<vmem>>, vector<16xi32>,
          %xor3A_318 = arith.xori %convert_element_type3A, %mul3A_278 : vector<16xi32>
          %xor3A_319 = arith.xori %xor3A_318, %mul3A_284 : vector<16xi32>
          %and3A_320 = arith.constant 524287 : i32
          %and3A_321 = vector.broadcast %and3A_320 : i32 to vector<16xi32>
          %and3A_322 = arith.andi %xor3A_319, %and3A_321 : vector<16xi32>
          %add3A_323 = arith.constant 3145728 : i32
          %add3A_324 = vector.broadcast %add3A_323 : i32 to vector<16xi32>
          %add3A_325 = arith.addi %and3A_322, %add3A_324 : vector<16xi32>
          %add3A_326 = arith.constant 192 : i32
          %add3A_327 = arith.addi %add3A_326, %mul3A_236 : i32
          %swap3A_328 = arith.index_cast %add3A_327 : i32 to index
          %swap3A_329 = tpu.vector_load %arg17[%swap3A_328] {strides = array<i32>} : memref<512xi32, #tpu.memory_space<vmem>>, vector<16xi32>,
          tpu.vector_store %arg17[%swap3A_328], %add3A_325 {strides = array<i32>} : memref<512xi32, #tpu.memory_space<vmem>>, vector<16xi32>,
          %xor3A_330 = arith.xori %min3A_260, %mul3A_275 : vector<16xi32>
          %xor3A_331 = arith.xori %xor3A_330, %mul3A_281 : vector<16xi32>
          %and3A_332 = arith.constant 524287 : i32
          %and3A_333 = vector.broadcast %and3A_332 : i32 to vector<16xi32>
          %and3A_334 = arith.andi %xor3A_331, %and3A_333 : vector<16xi32>
          %add3A_335 = arith.constant 3145728 : i32
          %add3A_336 = vector.broadcast %add3A_335 : i32 to vector<16xi32>
          %add3A_337 = arith.addi %and3A_334, %add3A_336 : vector<16xi32>
          %add3A_338 = arith.constant 256 : i32
          %add3A_339 = arith.addi %add3A_338, %mul3A_236 : i32
          %swap3A_340 = arith.index_cast %add3A_339 : i32 to index
          %swap3A_341 = tpu.vector_load %arg17[%swap3A_340] {strides = array<i32>} : memref<512xi32, #tpu.memory_space<vmem>>, vector<16xi32>,
          tpu.vector_store %arg17[%swap3A_340], %add3A_337 {strides = array<i32>} : memref<512xi32, #tpu.memory_space<vmem>>, vector<16xi32>,
          %xor3A_342 = arith.xori %min3A_260, %mul3A_275 : vector<16xi32>
          %xor3A_343 = arith.xori %xor3A_342, %mul3A_284 : vector<16xi32>
          %and3A_344 = arith.constant 524287 : i32
          %and3A_345 = vector.broadcast %and3A_344 : i32 to vector<16xi32>
          %and3A_346 = arith.andi %xor3A_343, %and3A_345 : vector<16xi32>
          %add3A_347 = arith.constant 3145728 : i32
          %add3A_348 = vector.broadcast %add3A_347 : i32 to vector<16xi32>
          %add3A_349 = arith.addi %and3A_346, %add3A_348 : vector<16xi32>
          %add3A_350 = arith.constant 320 : i32
          %add3A_351 = arith.addi %add3A_350, %mul3A_236 : i32
          %swap3A_352 = arith.index_cast %add3A_351 : i32 to index
          %swap3A_353 = tpu.vector_load %arg17[%swap3A_352] {strides = array<i32>} : memref<512xi32, #tpu.memory_space<vmem>>, vector<16xi32>,
          tpu.vector_store %arg17[%swap3A_352], %add3A_349 {strides = array<i32>} : memref<512xi32, #tpu.memory_space<vmem>>, vector<16xi32>,
          %xor3A_354 = arith.xori %min3A_260, %mul3A_278 : vector<16xi32>
          %xor3A_355 = arith.xori %xor3A_354, %mul3A_281 : vector<16xi32>
          %and3A_356 = arith.constant 524287 : i32
          %and3A_357 = vector.broadcast %and3A_356 : i32 to vector<16xi32>
          %and3A_358 = arith.andi %xor3A_355, %and3A_357 : vector<16xi32>
          %add3A_359 = arith.constant 3145728 : i32
          %add3A_360 = vector.broadcast %add3A_359 : i32 to vector<16xi32>
          %add3A_361 = arith.addi %and3A_358, %add3A_360 : vector<16xi32>
          %add3A_362 = arith.constant 384 : i32
          %add3A_363 = arith.addi %add3A_362, %mul3A_236 : i32
          %swap3A_364 = arith.index_cast %add3A_363 : i32 to index
          %swap3A_365 = tpu.vector_load %arg17[%swap3A_364] {strides = array<i32>} : memref<512xi32, #tpu.memory_space<vmem>>, vector<16xi32>,
          tpu.vector_store %arg17[%swap3A_364], %add3A_361 {strides = array<i32>} : memref<512xi32, #tpu.memory_space<vmem>>, vector<16xi32>,
          %xor3A_366 = arith.xori %min3A_260, %mul3A_278 : vector<16xi32>
          %xor3A_367 = arith.xori %xor3A_366, %mul3A_284 : vector<16xi32>
          %and3A_368 = arith.constant 524287 : i32
          %and3A_369 = vector.broadcast %and3A_368 : i32 to vector<16xi32>
          %and3A_370 = arith.andi %xor3A_367, %and3A_369 : vector<16xi32>
          %add3A_371 = arith.constant 3145728 : i32
          %add3A_372 = vector.broadcast %add3A_371 : i32 to vector<16xi32>
          %add3A_373 = arith.addi %and3A_370, %add3A_372 : vector<16xi32>
          %add3A_374 = arith.constant 448 : i32
          %add3A_375 = arith.addi %add3A_374, %mul3A_236 : i32
          %swap3A_376 = arith.index_cast %add3A_375 : i32 to index
          %swap3A_377 = tpu.vector_load %arg17[%swap3A_376] {strides = array<i32>} : memref<512xi32, #tpu.memory_space<vmem>>, vector<16xi32>,
          tpu.vector_store %arg17[%swap3A_376], %add3A_373 {strides = array<i32>} : memref<512xi32, #tpu.memory_space<vmem>>, vector<16xi32>,
        }
        %scan3A_150 = arith.constant 4 : i32
        %dma_start3A_151 = arith.constant 0 : i32
        %dma_start3A_152 = arith.constant 0 : i32
        %dma_start3A_153 = tpu.memref_slice %arg5[%dma_start3A_151, %dma_start3A_152] : memref<4194304x16xf32, #tpu.memory_space<hbm>> -> memref<4194304x16xf32, #tpu.memory_space<hbm>>
        tpu.enqueue_indirect_dma source(%dma_start3A_153 : memref<4194304x16xf32, #tpu.memory_space<hbm>>) target(%arg25 : memref<512x16xf32, #tpu.memory_space<vmem>>) offsets(%arg17 : memref<512xi32, #tpu.memory_space<vmem>>) semaphore(%arg33 : memref<!tpu.dma_semaphore, #tpu.memory_space<semaphore_mem>>)
        %scan3A_154 = arith.constant 0 : i32
        %scan3A_155 = arith.constant 0 : i32
        %scan3A_156 = arith.constant 4 : i32
        %scan3A_157 = arith.addi %scan3A_155, %scan3A_156 : i32
        %scan3A_158 = arith.constant 1 : i32
        scf.for %scan3A_234 = %scan3A_155 to %scan3A_157 step %scan3A_158  : i32 {
          %mul3A_235 = arith.constant 16 : i32
          %mul3A_236 = arith.muli %scan3A_234, %mul3A_235 : i32
          %add3A_237 = arith.addi %mul3A_91, %mul3A_236 : i32
          %get3A = arith.index_cast %add3A_237 : i32 to index
          %get3A_238 = tpu.vector_load %arg7[%get3A] {strides = array<i32>} : memref<512xf32, #tpu.memory_space<vmem>>, vector<16xf32>,
          %add3A_239 = arith.addi %mul3A_91, %mul3A_236 : i32
          %get3A_240 = arith.index_cast %add3A_239 : i32 to index
          %get3A_241 = tpu.vector_load %arg8[%get3A_240] {strides = array<i32>} : memref<512xf32, #tpu.memory_space<vmem>>, vector<16xf32>,
          %add3A_242 = arith.addi %mul3A_91, %mul3A_236 : i32
          %get3A_243 = arith.index_cast %add3A_242 : i32 to index
          %get3A_244 = tpu.vector_load %arg9[%get3A_243] {strides = array<i32>} : memref<512xf32, #tpu.memory_space<vmem>>, vector<16xf32>,
          %mul3A_245 = arith.constant 1.023000e+03 : f32
          %mul3A_246 = vector.broadcast %mul3A_245 : f32 to vector<16xf32>
          %mul3A_247 = arith.mulf %get3A_238, %mul3A_246 : vector<16xf32>
          %convert_element_type3A = arith.fptosi %mul3A_247 : vector<16xf32> to vector<16xi32>
          %mul3A_248 = arith.constant 1.023000e+03 : f32
          %mul3A_249 = vector.broadcast %mul3A_248 : f32 to vector<16xf32>
          %mul3A_250 = arith.mulf %get3A_241, %mul3A_249 : vector<16xf32>
          %convert_element_type3A_251 = arith.fptosi %mul3A_250 : vector<16xf32> to vector<16xi32>
          %mul3A_252 = arith.constant 1.023000e+03 : f32
          %mul3A_253 = vector.broadcast %mul3A_252 : f32 to vector<16xf32>
          %mul3A_254 = arith.mulf %get3A_244, %mul3A_253 : vector<16xf32>
          %convert_element_type3A_255 = arith.fptosi %mul3A_254 : vector<16xf32> to vector<16xi32>
          %add3A_256 = arith.constant 1 : i32
          %add3A_257 = vector.broadcast %add3A_256 : i32 to vector<16xi32>
          %add3A_258 = arith.addi %convert_element_type3A, %add3A_257 : vector<16xi32>
          %min3A = arith.constant 1023 : i32
          %min3A_259 = vector.broadcast %min3A : i32 to vector<16xi32>
          %min3A_260 = arith.minsi %add3A_258, %min3A_259 : vector<16xi32>
          %add3A_261 = arith.constant 1 : i32
          %add3A_262 = vector.broadcast %add3A_261 : i32 to vector<16xi32>
          %add3A_263 = arith.addi %convert_element_type3A_251, %add3A_262 : vector<16xi32>
          %min3A_264 = arith.constant 1023 : i32
          %min3A_265 = vector.broadcast %min3A_264 : i32 to vector<16xi32>
          %min3A_266 = arith.minsi %add3A_263, %min3A_265 : vector<16xi32>
          %add3A_267 = arith.constant 1 : i32
          %add3A_268 = vector.broadcast %add3A_267 : i32 to vector<16xi32>
          %add3A_269 = arith.addi %convert_element_type3A_255, %add3A_268 : vector<16xi32>
          %min3A_270 = arith.constant 1023 : i32
          %min3A_271 = vector.broadcast %min3A_270 : i32 to vector<16xi32>
          %min3A_272 = arith.minsi %add3A_269, %min3A_271 : vector<16xi32>
          %mul3A_273 = arith.constant -1640531535 : i32
          %mul3A_274 = vector.broadcast %mul3A_273 : i32 to vector<16xi32>
          %mul3A_275 = arith.muli %convert_element_type3A_251, %mul3A_274 : vector<16xi32>
          %mul3A_276 = arith.constant -1640531535 : i32
          %mul3A_277 = vector.broadcast %mul3A_276 : i32 to vector<16xi32>
          %mul3A_278 = arith.muli %min3A_266, %mul3A_277 : vector<16xi32>
          %mul3A_279 = arith.constant 805459861 : i32
          %mul3A_280 = vector.broadcast %mul3A_279 : i32 to vector<16xi32>
          %mul3A_281 = arith.muli %convert_element_type3A_255, %mul3A_280 : vector<16xi32>
          %mul3A_282 = arith.constant 805459861 : i32
          %mul3A_283 = vector.broadcast %mul3A_282 : i32 to vector<16xi32>
          %mul3A_284 = arith.muli %min3A_272, %mul3A_283 : vector<16xi32>
          %xor3A = arith.xori %convert_element_type3A, %mul3A_275 : vector<16xi32>
          %xor3A_285 = arith.xori %xor3A, %mul3A_281 : vector<16xi32>
          %and3A = arith.constant 524287 : i32
          %and3A_286 = vector.broadcast %and3A : i32 to vector<16xi32>
          %and3A_287 = arith.andi %xor3A_285, %and3A_286 : vector<16xi32>
          %add3A_288 = arith.constant 3670016 : i32
          %add3A_289 = vector.broadcast %add3A_288 : i32 to vector<16xi32>
          %add3A_290 = arith.addi %and3A_287, %add3A_289 : vector<16xi32>
          %add3A_291 = arith.constant 0 : i32
          %add3A_292 = arith.addi %add3A_291, %mul3A_236 : i32
          %swap3A = arith.index_cast %add3A_292 : i32 to index
          %swap3A_293 = tpu.vector_load %arg18[%swap3A] {strides = array<i32>} : memref<512xi32, #tpu.memory_space<vmem>>, vector<16xi32>,
          tpu.vector_store %arg18[%swap3A], %add3A_290 {strides = array<i32>} : memref<512xi32, #tpu.memory_space<vmem>>, vector<16xi32>,
          %xor3A_294 = arith.xori %convert_element_type3A, %mul3A_275 : vector<16xi32>
          %xor3A_295 = arith.xori %xor3A_294, %mul3A_284 : vector<16xi32>
          %and3A_296 = arith.constant 524287 : i32
          %and3A_297 = vector.broadcast %and3A_296 : i32 to vector<16xi32>
          %and3A_298 = arith.andi %xor3A_295, %and3A_297 : vector<16xi32>
          %add3A_299 = arith.constant 3670016 : i32
          %add3A_300 = vector.broadcast %add3A_299 : i32 to vector<16xi32>
          %add3A_301 = arith.addi %and3A_298, %add3A_300 : vector<16xi32>
          %add3A_302 = arith.constant 64 : i32
          %add3A_303 = arith.addi %add3A_302, %mul3A_236 : i32
          %swap3A_304 = arith.index_cast %add3A_303 : i32 to index
          %swap3A_305 = tpu.vector_load %arg18[%swap3A_304] {strides = array<i32>} : memref<512xi32, #tpu.memory_space<vmem>>, vector<16xi32>,
          tpu.vector_store %arg18[%swap3A_304], %add3A_301 {strides = array<i32>} : memref<512xi32, #tpu.memory_space<vmem>>, vector<16xi32>,
          %xor3A_306 = arith.xori %convert_element_type3A, %mul3A_278 : vector<16xi32>
          %xor3A_307 = arith.xori %xor3A_306, %mul3A_281 : vector<16xi32>
          %and3A_308 = arith.constant 524287 : i32
          %and3A_309 = vector.broadcast %and3A_308 : i32 to vector<16xi32>
          %and3A_310 = arith.andi %xor3A_307, %and3A_309 : vector<16xi32>
          %add3A_311 = arith.constant 3670016 : i32
          %add3A_312 = vector.broadcast %add3A_311 : i32 to vector<16xi32>
          %add3A_313 = arith.addi %and3A_310, %add3A_312 : vector<16xi32>
          %add3A_314 = arith.constant 128 : i32
          %add3A_315 = arith.addi %add3A_314, %mul3A_236 : i32
          %swap3A_316 = arith.index_cast %add3A_315 : i32 to index
          %swap3A_317 = tpu.vector_load %arg18[%swap3A_316] {strides = array<i32>} : memref<512xi32, #tpu.memory_space<vmem>>, vector<16xi32>,
          tpu.vector_store %arg18[%swap3A_316], %add3A_313 {strides = array<i32>} : memref<512xi32, #tpu.memory_space<vmem>>, vector<16xi32>,
          %xor3A_318 = arith.xori %convert_element_type3A, %mul3A_278 : vector<16xi32>
          %xor3A_319 = arith.xori %xor3A_318, %mul3A_284 : vector<16xi32>
          %and3A_320 = arith.constant 524287 : i32
          %and3A_321 = vector.broadcast %and3A_320 : i32 to vector<16xi32>
          %and3A_322 = arith.andi %xor3A_319, %and3A_321 : vector<16xi32>
          %add3A_323 = arith.constant 3670016 : i32
          %add3A_324 = vector.broadcast %add3A_323 : i32 to vector<16xi32>
          %add3A_325 = arith.addi %and3A_322, %add3A_324 : vector<16xi32>
          %add3A_326 = arith.constant 192 : i32
          %add3A_327 = arith.addi %add3A_326, %mul3A_236 : i32
          %swap3A_328 = arith.index_cast %add3A_327 : i32 to index
          %swap3A_329 = tpu.vector_load %arg18[%swap3A_328] {strides = array<i32>} : memref<512xi32, #tpu.memory_space<vmem>>, vector<16xi32>,
          tpu.vector_store %arg18[%swap3A_328], %add3A_325 {strides = array<i32>} : memref<512xi32, #tpu.memory_space<vmem>>, vector<16xi32>,
          %xor3A_330 = arith.xori %min3A_260, %mul3A_275 : vector<16xi32>
          %xor3A_331 = arith.xori %xor3A_330, %mul3A_281 : vector<16xi32>
          %and3A_332 = arith.constant 524287 : i32
          %and3A_333 = vector.broadcast %and3A_332 : i32 to vector<16xi32>
          %and3A_334 = arith.andi %xor3A_331, %and3A_333 : vector<16xi32>
          %add3A_335 = arith.constant 3670016 : i32
          %add3A_336 = vector.broadcast %add3A_335 : i32 to vector<16xi32>
          %add3A_337 = arith.addi %and3A_334, %add3A_336 : vector<16xi32>
          %add3A_338 = arith.constant 256 : i32
          %add3A_339 = arith.addi %add3A_338, %mul3A_236 : i32
          %swap3A_340 = arith.index_cast %add3A_339 : i32 to index
          %swap3A_341 = tpu.vector_load %arg18[%swap3A_340] {strides = array<i32>} : memref<512xi32, #tpu.memory_space<vmem>>, vector<16xi32>,
          tpu.vector_store %arg18[%swap3A_340], %add3A_337 {strides = array<i32>} : memref<512xi32, #tpu.memory_space<vmem>>, vector<16xi32>,
          %xor3A_342 = arith.xori %min3A_260, %mul3A_275 : vector<16xi32>
          %xor3A_343 = arith.xori %xor3A_342, %mul3A_284 : vector<16xi32>
          %and3A_344 = arith.constant 524287 : i32
          %and3A_345 = vector.broadcast %and3A_344 : i32 to vector<16xi32>
          %and3A_346 = arith.andi %xor3A_343, %and3A_345 : vector<16xi32>
          %add3A_347 = arith.constant 3670016 : i32
          %add3A_348 = vector.broadcast %add3A_347 : i32 to vector<16xi32>
          %add3A_349 = arith.addi %and3A_346, %add3A_348 : vector<16xi32>
          %add3A_350 = arith.constant 320 : i32
          %add3A_351 = arith.addi %add3A_350, %mul3A_236 : i32
          %swap3A_352 = arith.index_cast %add3A_351 : i32 to index
          %swap3A_353 = tpu.vector_load %arg18[%swap3A_352] {strides = array<i32>} : memref<512xi32, #tpu.memory_space<vmem>>, vector<16xi32>,
          tpu.vector_store %arg18[%swap3A_352], %add3A_349 {strides = array<i32>} : memref<512xi32, #tpu.memory_space<vmem>>, vector<16xi32>,
          %xor3A_354 = arith.xori %min3A_260, %mul3A_278 : vector<16xi32>
          %xor3A_355 = arith.xori %xor3A_354, %mul3A_281 : vector<16xi32>
          %and3A_356 = arith.constant 524287 : i32
          %and3A_357 = vector.broadcast %and3A_356 : i32 to vector<16xi32>
          %and3A_358 = arith.andi %xor3A_355, %and3A_357 : vector<16xi32>
          %add3A_359 = arith.constant 3670016 : i32
          %add3A_360 = vector.broadcast %add3A_359 : i32 to vector<16xi32>
          %add3A_361 = arith.addi %and3A_358, %add3A_360 : vector<16xi32>
          %add3A_362 = arith.constant 384 : i32
          %add3A_363 = arith.addi %add3A_362, %mul3A_236 : i32
          %swap3A_364 = arith.index_cast %add3A_363 : i32 to index
          %swap3A_365 = tpu.vector_load %arg18[%swap3A_364] {strides = array<i32>} : memref<512xi32, #tpu.memory_space<vmem>>, vector<16xi32>,
          tpu.vector_store %arg18[%swap3A_364], %add3A_361 {strides = array<i32>} : memref<512xi32, #tpu.memory_space<vmem>>, vector<16xi32>,
          %xor3A_366 = arith.xori %min3A_260, %mul3A_278 : vector<16xi32>
          %xor3A_367 = arith.xori %xor3A_366, %mul3A_284 : vector<16xi32>
          %and3A_368 = arith.constant 524287 : i32
          %and3A_369 = vector.broadcast %and3A_368 : i32 to vector<16xi32>
          %and3A_370 = arith.andi %xor3A_367, %and3A_369 : vector<16xi32>
          %add3A_371 = arith.constant 3670016 : i32
          %add3A_372 = vector.broadcast %add3A_371 : i32 to vector<16xi32>
          %add3A_373 = arith.addi %and3A_370, %add3A_372 : vector<16xi32>
          %add3A_374 = arith.constant 448 : i32
          %add3A_375 = arith.addi %add3A_374, %mul3A_236 : i32
          %swap3A_376 = arith.index_cast %add3A_375 : i32 to index
          %swap3A_377 = tpu.vector_load %arg18[%swap3A_376] {strides = array<i32>} : memref<512xi32, #tpu.memory_space<vmem>>, vector<16xi32>,
          tpu.vector_store %arg18[%swap3A_376], %add3A_373 {strides = array<i32>} : memref<512xi32, #tpu.memory_space<vmem>>, vector<16xi32>,
        }
        %scan3A_159 = arith.constant 4 : i32
        %dma_start3A_160 = arith.constant 0 : i32
        %dma_start3A_161 = arith.constant 0 : i32
        %dma_start3A_162 = tpu.memref_slice %arg5[%dma_start3A_160, %dma_start3A_161] : memref<4194304x16xf32, #tpu.memory_space<hbm>> -> memref<4194304x16xf32, #tpu.memory_space<hbm>>
        tpu.enqueue_indirect_dma source(%dma_start3A_162 : memref<4194304x16xf32, #tpu.memory_space<hbm>>) target(%arg26 : memref<512x16xf32, #tpu.memory_space<vmem>>) offsets(%arg18 : memref<512xi32, #tpu.memory_space<vmem>>) semaphore(%arg34 : memref<!tpu.dma_semaphore, #tpu.memory_space<semaphore_mem>>)
        %dma_wait3A = arith.constant 0 : i32
        %dma_wait3A_163 = arith.constant 0 : i32
        %dma_wait3A_164 = tpu.memref_slice %arg5[%dma_wait3A, %dma_wait3A_163] : memref<4194304x16xf32, #tpu.memory_space<hbm>> -> memref<4194304x16xf32, #tpu.memory_space<hbm>>
        tpu.wait_indirect_dma semaphore(%arg27 : memref<!tpu.dma_semaphore, #tpu.memory_space<semaphore_mem>>) src(%dma_wait3A_164 : memref<4194304x16xf32, #tpu.memory_space<hbm>>) dst(%arg19 : memref<512x16xf32, #tpu.memory_space<vmem>>)
        %scan3A_165 = arith.constant 0 : i32
        %scan3A_166 = arith.constant 0 : i32
        %scan3A_167 = arith.constant 4 : i32
        %scan3A_168 = arith.addi %scan3A_166, %scan3A_167 : i32
        %scan3A_169 = arith.constant 1 : i32
        scf.for %scan3A_234 = %scan3A_166 to %scan3A_168 step %scan3A_169  : i32 {
          %mul3A_235 = arith.constant 16 : i32
          %mul3A_236 = arith.muli %scan3A_234, %mul3A_235 : i32
          %add3A_237 = arith.addi %mul3A_91, %mul3A_236 : i32
          %get3A = arith.index_cast %add3A_237 : i32 to index
          %get3A_238 = tpu.vector_load %arg7[%get3A] {strides = array<i32>} : memref<512xf32, #tpu.memory_space<vmem>>, vector<16xf32>,
          %add3A_239 = arith.addi %mul3A_91, %mul3A_236 : i32
          %get3A_240 = arith.index_cast %add3A_239 : i32 to index
          %get3A_241 = tpu.vector_load %arg8[%get3A_240] {strides = array<i32>} : memref<512xf32, #tpu.memory_space<vmem>>, vector<16xf32>,
          %add3A_242 = arith.addi %mul3A_91, %mul3A_236 : i32
          %get3A_243 = arith.index_cast %add3A_242 : i32 to index
          %get3A_244 = tpu.vector_load %arg9[%get3A_243] {strides = array<i32>} : memref<512xf32, #tpu.memory_space<vmem>>, vector<16xf32>,
          %add3A_245 = vector.broadcast %mul3A_236 : i32 to vector<16xi32>
          %add3A_246 = arith.addi %iota3A, %add3A_245 : vector<16xi32>
          %add3A_247 = vector.broadcast %mul3A_91 : i32 to vector<16xi32>
          %add3A_248 = arith.addi %add3A_246, %add3A_247 : vector<16xi32>
          %mul3A_249 = arith.constant 3.100000e+01 : f32
          %mul3A_250 = vector.broadcast %mul3A_249 : f32 to vector<16xf32>
          %mul3A_251 = arith.mulf %get3A_238, %mul3A_250 : vector<16xf32>
          %mul3A_252 = arith.constant 3.100000e+01 : f32
          %mul3A_253 = vector.broadcast %mul3A_252 : f32 to vector<16xf32>
          %mul3A_254 = arith.mulf %get3A_241, %mul3A_253 : vector<16xf32>
          %mul3A_255 = arith.constant 3.100000e+01 : f32
          %mul3A_256 = vector.broadcast %mul3A_255 : f32 to vector<16xf32>
          %mul3A_257 = arith.mulf %get3A_244, %mul3A_256 : vector<16xf32>
          %convert_element_type3A = arith.fptosi %mul3A_251 : vector<16xf32> to vector<16xi32>
          %convert_element_type3A_258 = arith.fptosi %mul3A_254 : vector<16xf32> to vector<16xi32>
          %convert_element_type3A_259 = arith.fptosi %mul3A_257 : vector<16xf32> to vector<16xi32>
          %convert_element_type3A_260 = arith.sitofp %convert_element_type3A : vector<16xi32> to vector<16xf32>
          %sub3A = arith.subf %mul3A_251, %convert_element_type3A_260 : vector<16xf32>
          %convert_element_type3A_261 = arith.sitofp %convert_element_type3A_258 : vector<16xi32> to vector<16xf32>
          %sub3A_262 = arith.subf %mul3A_254, %convert_element_type3A_261 : vector<16xf32>
          %convert_element_type3A_263 = arith.sitofp %convert_element_type3A_259 : vector<16xi32> to vector<16xf32>
          %sub3A_264 = arith.subf %mul3A_257, %convert_element_type3A_263 : vector<16xf32>
          %sub3A_265 = arith.constant 1.000000e+00 : f32
          %sub3A_266 = vector.broadcast %sub3A_265 : f32 to vector<16xf32>
          %sub3A_267 = arith.subf %sub3A_266, %sub3A : vector<16xf32>
          %sub3A_268 = arith.constant 1.000000e+00 : f32
          %sub3A_269 = vector.broadcast %sub3A_268 : f32 to vector<16xf32>
          %sub3A_270 = arith.subf %sub3A_269, %sub3A_262 : vector<16xf32>
          %sub3A_271 = arith.constant 1.000000e+00 : f32
          %sub3A_272 = vector.broadcast %sub3A_271 : f32 to vector<16xf32>
          %sub3A_273 = arith.subf %sub3A_272, %sub3A_264 : vector<16xf32>
          %mul3A_274 = arith.mulf %sub3A_267, %sub3A_270 : vector<16xf32>
          %mul3A_275 = arith.mulf %sub3A_267, %sub3A_262 : vector<16xf32>
          %mul3A_276 = arith.mulf %sub3A, %sub3A_270 : vector<16xf32>
          %mul3A_277 = arith.mulf %sub3A, %sub3A_262 : vector<16xf32>
          %mul3A_278 = arith.mulf %mul3A_274, %sub3A_273 : vector<16xf32>
          %add3A_279 = arith.constant 0 : i32
          %add3A_280 = vector.broadcast %add3A_279 : i32 to vector<16xi32>
          %add3A_281 = arith.addi %add3A_246, %add3A_280 : vector<16xi32>
          %gather3A = tpu.vector_load_idx %arg19[%add3A_281, %broadcast_in_dim3A_1] : memref<512x16xf32, #tpu.memory_space<vmem>>[vector<16xi32>, vector<16xi32>], vector<16xf32>,
          %gather3A_282 = tpu.vector_load_idx %arg19[%add3A_281, %broadcast_in_dim3A_3] : memref<512x16xf32, #tpu.memory_space<vmem>>[vector<16xi32>, vector<16xi32>], vector<16xf32>,
          %gather3A_283 = tpu.vector_load_idx %arg19[%add3A_281, %broadcast_in_dim3A_5] : memref<512x16xf32, #tpu.memory_space<vmem>>[vector<16xi32>, vector<16xi32>], vector<16xf32>,
          %gather3A_284 = tpu.vector_load_idx %arg19[%add3A_281, %broadcast_in_dim3A_7] : memref<512x16xf32, #tpu.memory_space<vmem>>[vector<16xi32>, vector<16xi32>], vector<16xf32>,
          %mul3A_285 = arith.mulf %mul3A_278, %gather3A : vector<16xf32>
          %mul3A_286 = arith.mulf %mul3A_278, %gather3A_282 : vector<16xf32>
          %mul3A_287 = arith.mulf %mul3A_278, %gather3A_283 : vector<16xf32>
          %mul3A_288 = arith.mulf %mul3A_278, %gather3A_284 : vector<16xf32>
          %mul3A_289 = arith.mulf %mul3A_274, %sub3A_264 : vector<16xf32>
          %add3A_290 = arith.constant 64 : i32
          %add3A_291 = vector.broadcast %add3A_290 : i32 to vector<16xi32>
          %add3A_292 = arith.addi %add3A_246, %add3A_291 : vector<16xi32>
          %gather3A_293 = tpu.vector_load_idx %arg19[%add3A_292, %broadcast_in_dim3A_1] : memref<512x16xf32, #tpu.memory_space<vmem>>[vector<16xi32>, vector<16xi32>], vector<16xf32>,
          %gather3A_294 = tpu.vector_load_idx %arg19[%add3A_292, %broadcast_in_dim3A_3] : memref<512x16xf32, #tpu.memory_space<vmem>>[vector<16xi32>, vector<16xi32>], vector<16xf32>,
          %gather3A_295 = tpu.vector_load_idx %arg19[%add3A_292, %broadcast_in_dim3A_5] : memref<512x16xf32, #tpu.memory_space<vmem>>[vector<16xi32>, vector<16xi32>], vector<16xf32>,
          %gather3A_296 = tpu.vector_load_idx %arg19[%add3A_292, %broadcast_in_dim3A_7] : memref<512x16xf32, #tpu.memory_space<vmem>>[vector<16xi32>, vector<16xi32>], vector<16xf32>,
          %mul3A_297 = arith.mulf %mul3A_289, %gather3A_293 : vector<16xf32>
          %add3A_298 = arith.addf %mul3A_285, %mul3A_297 : vector<16xf32>
          %mul3A_299 = arith.mulf %mul3A_289, %gather3A_294 : vector<16xf32>
          %add3A_300 = arith.addf %mul3A_286, %mul3A_299 : vector<16xf32>
          %mul3A_301 = arith.mulf %mul3A_289, %gather3A_295 : vector<16xf32>
          %add3A_302 = arith.addf %mul3A_287, %mul3A_301 : vector<16xf32>
          %mul3A_303 = arith.mulf %mul3A_289, %gather3A_296 : vector<16xf32>
          %add3A_304 = arith.addf %mul3A_288, %mul3A_303 : vector<16xf32>
          %mul3A_305 = arith.mulf %mul3A_275, %sub3A_273 : vector<16xf32>
          %add3A_306 = arith.constant 128 : i32
          %add3A_307 = vector.broadcast %add3A_306 : i32 to vector<16xi32>
          %add3A_308 = arith.addi %add3A_246, %add3A_307 : vector<16xi32>
          %gather3A_309 = tpu.vector_load_idx %arg19[%add3A_308, %broadcast_in_dim3A_1] : memref<512x16xf32, #tpu.memory_space<vmem>>[vector<16xi32>, vector<16xi32>], vector<16xf32>,
          %gather3A_310 = tpu.vector_load_idx %arg19[%add3A_308, %broadcast_in_dim3A_3] : memref<512x16xf32, #tpu.memory_space<vmem>>[vector<16xi32>, vector<16xi32>], vector<16xf32>,
          %gather3A_311 = tpu.vector_load_idx %arg19[%add3A_308, %broadcast_in_dim3A_5] : memref<512x16xf32, #tpu.memory_space<vmem>>[vector<16xi32>, vector<16xi32>], vector<16xf32>,
          %gather3A_312 = tpu.vector_load_idx %arg19[%add3A_308, %broadcast_in_dim3A_7] : memref<512x16xf32, #tpu.memory_space<vmem>>[vector<16xi32>, vector<16xi32>], vector<16xf32>,
          %mul3A_313 = arith.mulf %mul3A_305, %gather3A_309 : vector<16xf32>
          %add3A_314 = arith.addf %add3A_298, %mul3A_313 : vector<16xf32>
          %mul3A_315 = arith.mulf %mul3A_305, %gather3A_310 : vector<16xf32>
          %add3A_316 = arith.addf %add3A_300, %mul3A_315 : vector<16xf32>
          %mul3A_317 = arith.mulf %mul3A_305, %gather3A_311 : vector<16xf32>
          %add3A_318 = arith.addf %add3A_302, %mul3A_317 : vector<16xf32>
          %mul3A_319 = arith.mulf %mul3A_305, %gather3A_312 : vector<16xf32>
          %add3A_320 = arith.addf %add3A_304, %mul3A_319 : vector<16xf32>
          %mul3A_321 = arith.mulf %mul3A_275, %sub3A_264 : vector<16xf32>
          %add3A_322 = arith.constant 192 : i32
          %add3A_323 = vector.broadcast %add3A_322 : i32 to vector<16xi32>
          %add3A_324 = arith.addi %add3A_246, %add3A_323 : vector<16xi32>
          %gather3A_325 = tpu.vector_load_idx %arg19[%add3A_324, %broadcast_in_dim3A_1] : memref<512x16xf32, #tpu.memory_space<vmem>>[vector<16xi32>, vector<16xi32>], vector<16xf32>,
          %gather3A_326 = tpu.vector_load_idx %arg19[%add3A_324, %broadcast_in_dim3A_3] : memref<512x16xf32, #tpu.memory_space<vmem>>[vector<16xi32>, vector<16xi32>], vector<16xf32>,
          %gather3A_327 = tpu.vector_load_idx %arg19[%add3A_324, %broadcast_in_dim3A_5] : memref<512x16xf32, #tpu.memory_space<vmem>>[vector<16xi32>, vector<16xi32>], vector<16xf32>,
          %gather3A_328 = tpu.vector_load_idx %arg19[%add3A_324, %broadcast_in_dim3A_7] : memref<512x16xf32, #tpu.memory_space<vmem>>[vector<16xi32>, vector<16xi32>], vector<16xf32>,
          %mul3A_329 = arith.mulf %mul3A_321, %gather3A_325 : vector<16xf32>
          %add3A_330 = arith.addf %add3A_314, %mul3A_329 : vector<16xf32>
          %mul3A_331 = arith.mulf %mul3A_321, %gather3A_326 : vector<16xf32>
          %add3A_332 = arith.addf %add3A_316, %mul3A_331 : vector<16xf32>
          %mul3A_333 = arith.mulf %mul3A_321, %gather3A_327 : vector<16xf32>
          %add3A_334 = arith.addf %add3A_318, %mul3A_333 : vector<16xf32>
          %mul3A_335 = arith.mulf %mul3A_321, %gather3A_328 : vector<16xf32>
          %add3A_336 = arith.addf %add3A_320, %mul3A_335 : vector<16xf32>
          %mul3A_337 = arith.mulf %mul3A_276, %sub3A_273 : vector<16xf32>
          %add3A_338 = arith.constant 256 : i32
          %add3A_339 = vector.broadcast %add3A_338 : i32 to vector<16xi32>
          %add3A_340 = arith.addi %add3A_246, %add3A_339 : vector<16xi32>
          %gather3A_341 = tpu.vector_load_idx %arg19[%add3A_340, %broadcast_in_dim3A_1] : memref<512x16xf32, #tpu.memory_space<vmem>>[vector<16xi32>, vector<16xi32>], vector<16xf32>,
          %gather3A_342 = tpu.vector_load_idx %arg19[%add3A_340, %broadcast_in_dim3A_3] : memref<512x16xf32, #tpu.memory_space<vmem>>[vector<16xi32>, vector<16xi32>], vector<16xf32>,
          %gather3A_343 = tpu.vector_load_idx %arg19[%add3A_340, %broadcast_in_dim3A_5] : memref<512x16xf32, #tpu.memory_space<vmem>>[vector<16xi32>, vector<16xi32>], vector<16xf32>,
          %gather3A_344 = tpu.vector_load_idx %arg19[%add3A_340, %broadcast_in_dim3A_7] : memref<512x16xf32, #tpu.memory_space<vmem>>[vector<16xi32>, vector<16xi32>], vector<16xf32>,
          %mul3A_345 = arith.mulf %mul3A_337, %gather3A_341 : vector<16xf32>
          %add3A_346 = arith.addf %add3A_330, %mul3A_345 : vector<16xf32>
          %mul3A_347 = arith.mulf %mul3A_337, %gather3A_342 : vector<16xf32>
          %add3A_348 = arith.addf %add3A_332, %mul3A_347 : vector<16xf32>
          %mul3A_349 = arith.mulf %mul3A_337, %gather3A_343 : vector<16xf32>
          %add3A_350 = arith.addf %add3A_334, %mul3A_349 : vector<16xf32>
          %mul3A_351 = arith.mulf %mul3A_337, %gather3A_344 : vector<16xf32>
          %add3A_352 = arith.addf %add3A_336, %mul3A_351 : vector<16xf32>
          %mul3A_353 = arith.mulf %mul3A_276, %sub3A_264 : vector<16xf32>
          %add3A_354 = arith.constant 320 : i32
          %add3A_355 = vector.broadcast %add3A_354 : i32 to vector<16xi32>
          %add3A_356 = arith.addi %add3A_246, %add3A_355 : vector<16xi32>
          %gather3A_357 = tpu.vector_load_idx %arg19[%add3A_356, %broadcast_in_dim3A_1] : memref<512x16xf32, #tpu.memory_space<vmem>>[vector<16xi32>, vector<16xi32>], vector<16xf32>,
          %gather3A_358 = tpu.vector_load_idx %arg19[%add3A_356, %broadcast_in_dim3A_3] : memref<512x16xf32, #tpu.memory_space<vmem>>[vector<16xi32>, vector<16xi32>], vector<16xf32>,
          %gather3A_359 = tpu.vector_load_idx %arg19[%add3A_356, %broadcast_in_dim3A_5] : memref<512x16xf32, #tpu.memory_space<vmem>>[vector<16xi32>, vector<16xi32>], vector<16xf32>,
          %gather3A_360 = tpu.vector_load_idx %arg19[%add3A_356, %broadcast_in_dim3A_7] : memref<512x16xf32, #tpu.memory_space<vmem>>[vector<16xi32>, vector<16xi32>], vector<16xf32>,
          %mul3A_361 = arith.mulf %mul3A_353, %gather3A_357 : vector<16xf32>
          %add3A_362 = arith.addf %add3A_346, %mul3A_361 : vector<16xf32>
          %mul3A_363 = arith.mulf %mul3A_353, %gather3A_358 : vector<16xf32>
          %add3A_364 = arith.addf %add3A_348, %mul3A_363 : vector<16xf32>
          %mul3A_365 = arith.mulf %mul3A_353, %gather3A_359 : vector<16xf32>
          %add3A_366 = arith.addf %add3A_350, %mul3A_365 : vector<16xf32>
          %mul3A_367 = arith.mulf %mul3A_353, %gather3A_360 : vector<16xf32>
          %add3A_368 = arith.addf %add3A_352, %mul3A_367 : vector<16xf32>
          %mul3A_369 = arith.mulf %mul3A_277, %sub3A_273 : vector<16xf32>
          %add3A_370 = arith.constant 384 : i32
          %add3A_371 = vector.broadcast %add3A_370 : i32 to vector<16xi32>
          %add3A_372 = arith.addi %add3A_246, %add3A_371 : vector<16xi32>
          %gather3A_373 = tpu.vector_load_idx %arg19[%add3A_372, %broadcast_in_dim3A_1] : memref<512x16xf32, #tpu.memory_space<vmem>>[vector<16xi32>, vector<16xi32>], vector<16xf32>,
          %gather3A_374 = tpu.vector_load_idx %arg19[%add3A_372, %broadcast_in_dim3A_3] : memref<512x16xf32, #tpu.memory_space<vmem>>[vector<16xi32>, vector<16xi32>], vector<16xf32>,
          %gather3A_375 = tpu.vector_load_idx %arg19[%add3A_372, %broadcast_in_dim3A_5] : memref<512x16xf32, #tpu.memory_space<vmem>>[vector<16xi32>, vector<16xi32>], vector<16xf32>,
          %gather3A_376 = tpu.vector_load_idx %arg19[%add3A_372, %broadcast_in_dim3A_7] : memref<512x16xf32, #tpu.memory_space<vmem>>[vector<16xi32>, vector<16xi32>], vector<16xf32>,
          %mul3A_377 = arith.mulf %mul3A_369, %gather3A_373 : vector<16xf32>
          %add3A_378 = arith.addf %add3A_362, %mul3A_377 : vector<16xf32>
          %mul3A_379 = arith.mulf %mul3A_369, %gather3A_374 : vector<16xf32>
          %add3A_380 = arith.addf %add3A_364, %mul3A_379 : vector<16xf32>
          %mul3A_381 = arith.mulf %mul3A_369, %gather3A_375 : vector<16xf32>
          %add3A_382 = arith.addf %add3A_366, %mul3A_381 : vector<16xf32>
          %mul3A_383 = arith.mulf %mul3A_369, %gather3A_376 : vector<16xf32>
          %add3A_384 = arith.addf %add3A_368, %mul3A_383 : vector<16xf32>
          %mul3A_385 = arith.mulf %mul3A_277, %sub3A_264 : vector<16xf32>
          %add3A_386 = arith.constant 448 : i32
          %add3A_387 = vector.broadcast %add3A_386 : i32 to vector<16xi32>
          %add3A_388 = arith.addi %add3A_246, %add3A_387 : vector<16xi32>
          %gather3A_389 = tpu.vector_load_idx %arg19[%add3A_388, %broadcast_in_dim3A_1] : memref<512x16xf32, #tpu.memory_space<vmem>>[vector<16xi32>, vector<16xi32>], vector<16xf32>,
          %gather3A_390 = tpu.vector_load_idx %arg19[%add3A_388, %broadcast_in_dim3A_3] : memref<512x16xf32, #tpu.memory_space<vmem>>[vector<16xi32>, vector<16xi32>], vector<16xf32>,
          %gather3A_391 = tpu.vector_load_idx %arg19[%add3A_388, %broadcast_in_dim3A_5] : memref<512x16xf32, #tpu.memory_space<vmem>>[vector<16xi32>, vector<16xi32>], vector<16xf32>,
          %gather3A_392 = tpu.vector_load_idx %arg19[%add3A_388, %broadcast_in_dim3A_7] : memref<512x16xf32, #tpu.memory_space<vmem>>[vector<16xi32>, vector<16xi32>], vector<16xf32>,
          %mul3A_393 = arith.mulf %mul3A_385, %gather3A_389 : vector<16xf32>
          %add3A_394 = arith.addf %add3A_378, %mul3A_393 : vector<16xf32>
          %mul3A_395 = arith.mulf %mul3A_385, %gather3A_390 : vector<16xf32>
          %add3A_396 = arith.addf %add3A_380, %mul3A_395 : vector<16xf32>
          %mul3A_397 = arith.mulf %mul3A_385, %gather3A_391 : vector<16xf32>
          %add3A_398 = arith.addf %add3A_382, %mul3A_397 : vector<16xf32>
          %mul3A_399 = arith.mulf %mul3A_385, %gather3A_392 : vector<16xf32>
          %add3A_400 = arith.addf %add3A_384, %mul3A_399 : vector<16xf32>
          tpu.vector_store_idx %arg10[%broadcast_in_dim3A_9, %add3A_248], %add3A_394 : memref<32x512xf32, #tpu.memory_space<vmem>>[vector<16xi32>, vector<16xi32>], vector<16xf32>,
          tpu.vector_store_idx %arg10[%broadcast_in_dim3A_11, %add3A_248], %add3A_396 : memref<32x512xf32, #tpu.memory_space<vmem>>[vector<16xi32>, vector<16xi32>], vector<16xf32>,
          tpu.vector_store_idx %arg10[%broadcast_in_dim3A_41, %add3A_248], %add3A_398 : memref<32x512xf32, #tpu.memory_space<vmem>>[vector<16xi32>, vector<16xi32>], vector<16xf32>,
          tpu.vector_store_idx %arg10[%broadcast_in_dim3A_43, %add3A_248], %add3A_400 : memref<32x512xf32, #tpu.memory_space<vmem>>[vector<16xi32>, vector<16xi32>], vector<16xf32>,
        }
        %scan3A_170 = arith.constant 4 : i32
        %dma_wait3A_171 = arith.constant 0 : i32
        %dma_wait3A_172 = arith.constant 0 : i32
        %dma_wait3A_173 = tpu.memref_slice %arg5[%dma_wait3A_171, %dma_wait3A_172] : memref<4194304x16xf32, #tpu.memory_space<hbm>> -> memref<4194304x16xf32, #tpu.memory_space<hbm>>
        tpu.wait_indirect_dma semaphore(%arg28 : memref<!tpu.dma_semaphore, #tpu.memory_space<semaphore_mem>>) src(%dma_wait3A_173 : memref<4194304x16xf32, #tpu.memory_space<hbm>>) dst(%arg20 : memref<512x16xf32, #tpu.memory_space<vmem>>)
        %scan3A_174 = arith.constant 0 : i32
        %scan3A_175 = arith.constant 0 : i32
        %scan3A_176 = arith.constant 4 : i32
        %scan3A_177 = arith.addi %scan3A_175, %scan3A_176 : i32
        %scan3A_178 = arith.constant 1 : i32
        scf.for %scan3A_234 = %scan3A_175 to %scan3A_177 step %scan3A_178  : i32 {
          %mul3A_235 = arith.constant 16 : i32
          %mul3A_236 = arith.muli %scan3A_234, %mul3A_235 : i32
          %add3A_237 = arith.addi %mul3A_91, %mul3A_236 : i32
          %get3A = arith.index_cast %add3A_237 : i32 to index
          %get3A_238 = tpu.vector_load %arg7[%get3A] {strides = array<i32>} : memref<512xf32, #tpu.memory_space<vmem>>, vector<16xf32>,
          %add3A_239 = arith.addi %mul3A_91, %mul3A_236 : i32
          %get3A_240 = arith.index_cast %add3A_239 : i32 to index
          %get3A_241 = tpu.vector_load %arg8[%get3A_240] {strides = array<i32>} : memref<512xf32, #tpu.memory_space<vmem>>, vector<16xf32>,
          %add3A_242 = arith.addi %mul3A_91, %mul3A_236 : i32
          %get3A_243 = arith.index_cast %add3A_242 : i32 to index
          %get3A_244 = tpu.vector_load %arg9[%get3A_243] {strides = array<i32>} : memref<512xf32, #tpu.memory_space<vmem>>, vector<16xf32>,
          %add3A_245 = vector.broadcast %mul3A_236 : i32 to vector<16xi32>
          %add3A_246 = arith.addi %iota3A, %add3A_245 : vector<16xi32>
          %add3A_247 = vector.broadcast %mul3A_91 : i32 to vector<16xi32>
          %add3A_248 = arith.addi %add3A_246, %add3A_247 : vector<16xi32>
          %mul3A_249 = arith.constant 5.100000e+01 : f32
          %mul3A_250 = vector.broadcast %mul3A_249 : f32 to vector<16xf32>
          %mul3A_251 = arith.mulf %get3A_238, %mul3A_250 : vector<16xf32>
          %mul3A_252 = arith.constant 5.100000e+01 : f32
          %mul3A_253 = vector.broadcast %mul3A_252 : f32 to vector<16xf32>
          %mul3A_254 = arith.mulf %get3A_241, %mul3A_253 : vector<16xf32>
          %mul3A_255 = arith.constant 5.100000e+01 : f32
          %mul3A_256 = vector.broadcast %mul3A_255 : f32 to vector<16xf32>
          %mul3A_257 = arith.mulf %get3A_244, %mul3A_256 : vector<16xf32>
          %convert_element_type3A = arith.fptosi %mul3A_251 : vector<16xf32> to vector<16xi32>
          %convert_element_type3A_258 = arith.fptosi %mul3A_254 : vector<16xf32> to vector<16xi32>
          %convert_element_type3A_259 = arith.fptosi %mul3A_257 : vector<16xf32> to vector<16xi32>
          %convert_element_type3A_260 = arith.sitofp %convert_element_type3A : vector<16xi32> to vector<16xf32>
          %sub3A = arith.subf %mul3A_251, %convert_element_type3A_260 : vector<16xf32>
          %convert_element_type3A_261 = arith.sitofp %convert_element_type3A_258 : vector<16xi32> to vector<16xf32>
          %sub3A_262 = arith.subf %mul3A_254, %convert_element_type3A_261 : vector<16xf32>
          %convert_element_type3A_263 = arith.sitofp %convert_element_type3A_259 : vector<16xi32> to vector<16xf32>
          %sub3A_264 = arith.subf %mul3A_257, %convert_element_type3A_263 : vector<16xf32>
          %sub3A_265 = arith.constant 1.000000e+00 : f32
          %sub3A_266 = vector.broadcast %sub3A_265 : f32 to vector<16xf32>
          %sub3A_267 = arith.subf %sub3A_266, %sub3A : vector<16xf32>
          %sub3A_268 = arith.constant 1.000000e+00 : f32
          %sub3A_269 = vector.broadcast %sub3A_268 : f32 to vector<16xf32>
          %sub3A_270 = arith.subf %sub3A_269, %sub3A_262 : vector<16xf32>
          %sub3A_271 = arith.constant 1.000000e+00 : f32
          %sub3A_272 = vector.broadcast %sub3A_271 : f32 to vector<16xf32>
          %sub3A_273 = arith.subf %sub3A_272, %sub3A_264 : vector<16xf32>
          %mul3A_274 = arith.mulf %sub3A_267, %sub3A_270 : vector<16xf32>
          %mul3A_275 = arith.mulf %sub3A_267, %sub3A_262 : vector<16xf32>
          %mul3A_276 = arith.mulf %sub3A, %sub3A_270 : vector<16xf32>
          %mul3A_277 = arith.mulf %sub3A, %sub3A_262 : vector<16xf32>
          %mul3A_278 = arith.mulf %mul3A_274, %sub3A_273 : vector<16xf32>
          %add3A_279 = arith.constant 0 : i32
          %add3A_280 = vector.broadcast %add3A_279 : i32 to vector<16xi32>
          %add3A_281 = arith.addi %add3A_246, %add3A_280 : vector<16xi32>
          %gather3A = tpu.vector_load_idx %arg20[%add3A_281, %broadcast_in_dim3A_1] : memref<512x16xf32, #tpu.memory_space<vmem>>[vector<16xi32>, vector<16xi32>], vector<16xf32>,
          %gather3A_282 = tpu.vector_load_idx %arg20[%add3A_281, %broadcast_in_dim3A_3] : memref<512x16xf32, #tpu.memory_space<vmem>>[vector<16xi32>, vector<16xi32>], vector<16xf32>,
          %gather3A_283 = tpu.vector_load_idx %arg20[%add3A_281, %broadcast_in_dim3A_5] : memref<512x16xf32, #tpu.memory_space<vmem>>[vector<16xi32>, vector<16xi32>], vector<16xf32>,
          %gather3A_284 = tpu.vector_load_idx %arg20[%add3A_281, %broadcast_in_dim3A_7] : memref<512x16xf32, #tpu.memory_space<vmem>>[vector<16xi32>, vector<16xi32>], vector<16xf32>,
          %mul3A_285 = arith.mulf %mul3A_278, %gather3A : vector<16xf32>
          %mul3A_286 = arith.mulf %mul3A_278, %gather3A_282 : vector<16xf32>
          %mul3A_287 = arith.mulf %mul3A_278, %gather3A_283 : vector<16xf32>
          %mul3A_288 = arith.mulf %mul3A_278, %gather3A_284 : vector<16xf32>
          %mul3A_289 = arith.mulf %mul3A_274, %sub3A_264 : vector<16xf32>
          %add3A_290 = arith.constant 64 : i32
          %add3A_291 = vector.broadcast %add3A_290 : i32 to vector<16xi32>
          %add3A_292 = arith.addi %add3A_246, %add3A_291 : vector<16xi32>
          %gather3A_293 = tpu.vector_load_idx %arg20[%add3A_292, %broadcast_in_dim3A_1] : memref<512x16xf32, #tpu.memory_space<vmem>>[vector<16xi32>, vector<16xi32>], vector<16xf32>,
          %gather3A_294 = tpu.vector_load_idx %arg20[%add3A_292, %broadcast_in_dim3A_3] : memref<512x16xf32, #tpu.memory_space<vmem>>[vector<16xi32>, vector<16xi32>], vector<16xf32>,
          %gather3A_295 = tpu.vector_load_idx %arg20[%add3A_292, %broadcast_in_dim3A_5] : memref<512x16xf32, #tpu.memory_space<vmem>>[vector<16xi32>, vector<16xi32>], vector<16xf32>,
          %gather3A_296 = tpu.vector_load_idx %arg20[%add3A_292, %broadcast_in_dim3A_7] : memref<512x16xf32, #tpu.memory_space<vmem>>[vector<16xi32>, vector<16xi32>], vector<16xf32>,
          %mul3A_297 = arith.mulf %mul3A_289, %gather3A_293 : vector<16xf32>
          %add3A_298 = arith.addf %mul3A_285, %mul3A_297 : vector<16xf32>
          %mul3A_299 = arith.mulf %mul3A_289, %gather3A_294 : vector<16xf32>
          %add3A_300 = arith.addf %mul3A_286, %mul3A_299 : vector<16xf32>
          %mul3A_301 = arith.mulf %mul3A_289, %gather3A_295 : vector<16xf32>
          %add3A_302 = arith.addf %mul3A_287, %mul3A_301 : vector<16xf32>
          %mul3A_303 = arith.mulf %mul3A_289, %gather3A_296 : vector<16xf32>
          %add3A_304 = arith.addf %mul3A_288, %mul3A_303 : vector<16xf32>
          %mul3A_305 = arith.mulf %mul3A_275, %sub3A_273 : vector<16xf32>
          %add3A_306 = arith.constant 128 : i32
          %add3A_307 = vector.broadcast %add3A_306 : i32 to vector<16xi32>
          %add3A_308 = arith.addi %add3A_246, %add3A_307 : vector<16xi32>
          %gather3A_309 = tpu.vector_load_idx %arg20[%add3A_308, %broadcast_in_dim3A_1] : memref<512x16xf32, #tpu.memory_space<vmem>>[vector<16xi32>, vector<16xi32>], vector<16xf32>,
          %gather3A_310 = tpu.vector_load_idx %arg20[%add3A_308, %broadcast_in_dim3A_3] : memref<512x16xf32, #tpu.memory_space<vmem>>[vector<16xi32>, vector<16xi32>], vector<16xf32>,
          %gather3A_311 = tpu.vector_load_idx %arg20[%add3A_308, %broadcast_in_dim3A_5] : memref<512x16xf32, #tpu.memory_space<vmem>>[vector<16xi32>, vector<16xi32>], vector<16xf32>,
          %gather3A_312 = tpu.vector_load_idx %arg20[%add3A_308, %broadcast_in_dim3A_7] : memref<512x16xf32, #tpu.memory_space<vmem>>[vector<16xi32>, vector<16xi32>], vector<16xf32>,
          %mul3A_313 = arith.mulf %mul3A_305, %gather3A_309 : vector<16xf32>
          %add3A_314 = arith.addf %add3A_298, %mul3A_313 : vector<16xf32>
          %mul3A_315 = arith.mulf %mul3A_305, %gather3A_310 : vector<16xf32>
          %add3A_316 = arith.addf %add3A_300, %mul3A_315 : vector<16xf32>
          %mul3A_317 = arith.mulf %mul3A_305, %gather3A_311 : vector<16xf32>
          %add3A_318 = arith.addf %add3A_302, %mul3A_317 : vector<16xf32>
          %mul3A_319 = arith.mulf %mul3A_305, %gather3A_312 : vector<16xf32>
          %add3A_320 = arith.addf %add3A_304, %mul3A_319 : vector<16xf32>
          %mul3A_321 = arith.mulf %mul3A_275, %sub3A_264 : vector<16xf32>
          %add3A_322 = arith.constant 192 : i32
          %add3A_323 = vector.broadcast %add3A_322 : i32 to vector<16xi32>
          %add3A_324 = arith.addi %add3A_246, %add3A_323 : vector<16xi32>
          %gather3A_325 = tpu.vector_load_idx %arg20[%add3A_324, %broadcast_in_dim3A_1] : memref<512x16xf32, #tpu.memory_space<vmem>>[vector<16xi32>, vector<16xi32>], vector<16xf32>,
          %gather3A_326 = tpu.vector_load_idx %arg20[%add3A_324, %broadcast_in_dim3A_3] : memref<512x16xf32, #tpu.memory_space<vmem>>[vector<16xi32>, vector<16xi32>], vector<16xf32>,
          %gather3A_327 = tpu.vector_load_idx %arg20[%add3A_324, %broadcast_in_dim3A_5] : memref<512x16xf32, #tpu.memory_space<vmem>>[vector<16xi32>, vector<16xi32>], vector<16xf32>,
          %gather3A_328 = tpu.vector_load_idx %arg20[%add3A_324, %broadcast_in_dim3A_7] : memref<512x16xf32, #tpu.memory_space<vmem>>[vector<16xi32>, vector<16xi32>], vector<16xf32>,
          %mul3A_329 = arith.mulf %mul3A_321, %gather3A_325 : vector<16xf32>
          %add3A_330 = arith.addf %add3A_314, %mul3A_329 : vector<16xf32>
          %mul3A_331 = arith.mulf %mul3A_321, %gather3A_326 : vector<16xf32>
          %add3A_332 = arith.addf %add3A_316, %mul3A_331 : vector<16xf32>
          %mul3A_333 = arith.mulf %mul3A_321, %gather3A_327 : vector<16xf32>
          %add3A_334 = arith.addf %add3A_318, %mul3A_333 : vector<16xf32>
          %mul3A_335 = arith.mulf %mul3A_321, %gather3A_328 : vector<16xf32>
          %add3A_336 = arith.addf %add3A_320, %mul3A_335 : vector<16xf32>
          %mul3A_337 = arith.mulf %mul3A_276, %sub3A_273 : vector<16xf32>
          %add3A_338 = arith.constant 256 : i32
          %add3A_339 = vector.broadcast %add3A_338 : i32 to vector<16xi32>
          %add3A_340 = arith.addi %add3A_246, %add3A_339 : vector<16xi32>
          %gather3A_341 = tpu.vector_load_idx %arg20[%add3A_340, %broadcast_in_dim3A_1] : memref<512x16xf32, #tpu.memory_space<vmem>>[vector<16xi32>, vector<16xi32>], vector<16xf32>,
          %gather3A_342 = tpu.vector_load_idx %arg20[%add3A_340, %broadcast_in_dim3A_3] : memref<512x16xf32, #tpu.memory_space<vmem>>[vector<16xi32>, vector<16xi32>], vector<16xf32>,
          %gather3A_343 = tpu.vector_load_idx %arg20[%add3A_340, %broadcast_in_dim3A_5] : memref<512x16xf32, #tpu.memory_space<vmem>>[vector<16xi32>, vector<16xi32>], vector<16xf32>,
          %gather3A_344 = tpu.vector_load_idx %arg20[%add3A_340, %broadcast_in_dim3A_7] : memref<512x16xf32, #tpu.memory_space<vmem>>[vector<16xi32>, vector<16xi32>], vector<16xf32>,
          %mul3A_345 = arith.mulf %mul3A_337, %gather3A_341 : vector<16xf32>
          %add3A_346 = arith.addf %add3A_330, %mul3A_345 : vector<16xf32>
          %mul3A_347 = arith.mulf %mul3A_337, %gather3A_342 : vector<16xf32>
          %add3A_348 = arith.addf %add3A_332, %mul3A_347 : vector<16xf32>
          %mul3A_349 = arith.mulf %mul3A_337, %gather3A_343 : vector<16xf32>
          %add3A_350 = arith.addf %add3A_334, %mul3A_349 : vector<16xf32>
          %mul3A_351 = arith.mulf %mul3A_337, %gather3A_344 : vector<16xf32>
          %add3A_352 = arith.addf %add3A_336, %mul3A_351 : vector<16xf32>
          %mul3A_353 = arith.mulf %mul3A_276, %sub3A_264 : vector<16xf32>
          %add3A_354 = arith.constant 320 : i32
          %add3A_355 = vector.broadcast %add3A_354 : i32 to vector<16xi32>
          %add3A_356 = arith.addi %add3A_246, %add3A_355 : vector<16xi32>
          %gather3A_357 = tpu.vector_load_idx %arg20[%add3A_356, %broadcast_in_dim3A_1] : memref<512x16xf32, #tpu.memory_space<vmem>>[vector<16xi32>, vector<16xi32>], vector<16xf32>,
          %gather3A_358 = tpu.vector_load_idx %arg20[%add3A_356, %broadcast_in_dim3A_3] : memref<512x16xf32, #tpu.memory_space<vmem>>[vector<16xi32>, vector<16xi32>], vector<16xf32>,
          %gather3A_359 = tpu.vector_load_idx %arg20[%add3A_356, %broadcast_in_dim3A_5] : memref<512x16xf32, #tpu.memory_space<vmem>>[vector<16xi32>, vector<16xi32>], vector<16xf32>,
          %gather3A_360 = tpu.vector_load_idx %arg20[%add3A_356, %broadcast_in_dim3A_7] : memref<512x16xf32, #tpu.memory_space<vmem>>[vector<16xi32>, vector<16xi32>], vector<16xf32>,
          %mul3A_361 = arith.mulf %mul3A_353, %gather3A_357 : vector<16xf32>
          %add3A_362 = arith.addf %add3A_346, %mul3A_361 : vector<16xf32>
          %mul3A_363 = arith.mulf %mul3A_353, %gather3A_358 : vector<16xf32>
          %add3A_364 = arith.addf %add3A_348, %mul3A_363 : vector<16xf32>
          %mul3A_365 = arith.mulf %mul3A_353, %gather3A_359 : vector<16xf32>
          %add3A_366 = arith.addf %add3A_350, %mul3A_365 : vector<16xf32>
          %mul3A_367 = arith.mulf %mul3A_353, %gather3A_360 : vector<16xf32>
          %add3A_368 = arith.addf %add3A_352, %mul3A_367 : vector<16xf32>
          %mul3A_369 = arith.mulf %mul3A_277, %sub3A_273 : vector<16xf32>
          %add3A_370 = arith.constant 384 : i32
          %add3A_371 = vector.broadcast %add3A_370 : i32 to vector<16xi32>
          %add3A_372 = arith.addi %add3A_246, %add3A_371 : vector<16xi32>
          %gather3A_373 = tpu.vector_load_idx %arg20[%add3A_372, %broadcast_in_dim3A_1] : memref<512x16xf32, #tpu.memory_space<vmem>>[vector<16xi32>, vector<16xi32>], vector<16xf32>,
          %gather3A_374 = tpu.vector_load_idx %arg20[%add3A_372, %broadcast_in_dim3A_3] : memref<512x16xf32, #tpu.memory_space<vmem>>[vector<16xi32>, vector<16xi32>], vector<16xf32>,
          %gather3A_375 = tpu.vector_load_idx %arg20[%add3A_372, %broadcast_in_dim3A_5] : memref<512x16xf32, #tpu.memory_space<vmem>>[vector<16xi32>, vector<16xi32>], vector<16xf32>,
          %gather3A_376 = tpu.vector_load_idx %arg20[%add3A_372, %broadcast_in_dim3A_7] : memref<512x16xf32, #tpu.memory_space<vmem>>[vector<16xi32>, vector<16xi32>], vector<16xf32>,
          %mul3A_377 = arith.mulf %mul3A_369, %gather3A_373 : vector<16xf32>
          %add3A_378 = arith.addf %add3A_362, %mul3A_377 : vector<16xf32>
          %mul3A_379 = arith.mulf %mul3A_369, %gather3A_374 : vector<16xf32>
          %add3A_380 = arith.addf %add3A_364, %mul3A_379 : vector<16xf32>
          %mul3A_381 = arith.mulf %mul3A_369, %gather3A_375 : vector<16xf32>
          %add3A_382 = arith.addf %add3A_366, %mul3A_381 : vector<16xf32>
          %mul3A_383 = arith.mulf %mul3A_369, %gather3A_376 : vector<16xf32>
          %add3A_384 = arith.addf %add3A_368, %mul3A_383 : vector<16xf32>
          %mul3A_385 = arith.mulf %mul3A_277, %sub3A_264 : vector<16xf32>
          %add3A_386 = arith.constant 448 : i32
          %add3A_387 = vector.broadcast %add3A_386 : i32 to vector<16xi32>
          %add3A_388 = arith.addi %add3A_246, %add3A_387 : vector<16xi32>
          %gather3A_389 = tpu.vector_load_idx %arg20[%add3A_388, %broadcast_in_dim3A_1] : memref<512x16xf32, #tpu.memory_space<vmem>>[vector<16xi32>, vector<16xi32>], vector<16xf32>,
          %gather3A_390 = tpu.vector_load_idx %arg20[%add3A_388, %broadcast_in_dim3A_3] : memref<512x16xf32, #tpu.memory_space<vmem>>[vector<16xi32>, vector<16xi32>], vector<16xf32>,
          %gather3A_391 = tpu.vector_load_idx %arg20[%add3A_388, %broadcast_in_dim3A_5] : memref<512x16xf32, #tpu.memory_space<vmem>>[vector<16xi32>, vector<16xi32>], vector<16xf32>,
          %gather3A_392 = tpu.vector_load_idx %arg20[%add3A_388, %broadcast_in_dim3A_7] : memref<512x16xf32, #tpu.memory_space<vmem>>[vector<16xi32>, vector<16xi32>], vector<16xf32>,
          %mul3A_393 = arith.mulf %mul3A_385, %gather3A_389 : vector<16xf32>
          %add3A_394 = arith.addf %add3A_378, %mul3A_393 : vector<16xf32>
          %mul3A_395 = arith.mulf %mul3A_385, %gather3A_390 : vector<16xf32>
          %add3A_396 = arith.addf %add3A_380, %mul3A_395 : vector<16xf32>
          %mul3A_397 = arith.mulf %mul3A_385, %gather3A_391 : vector<16xf32>
          %add3A_398 = arith.addf %add3A_382, %mul3A_397 : vector<16xf32>
          %mul3A_399 = arith.mulf %mul3A_385, %gather3A_392 : vector<16xf32>
          %add3A_400 = arith.addf %add3A_384, %mul3A_399 : vector<16xf32>
          tpu.vector_store_idx %arg10[%broadcast_in_dim3A_13, %add3A_248], %add3A_394 : memref<32x512xf32, #tpu.memory_space<vmem>>[vector<16xi32>, vector<16xi32>], vector<16xf32>,
          tpu.vector_store_idx %arg10[%broadcast_in_dim3A_15, %add3A_248], %add3A_396 : memref<32x512xf32, #tpu.memory_space<vmem>>[vector<16xi32>, vector<16xi32>], vector<16xf32>,
          tpu.vector_store_idx %arg10[%broadcast_in_dim3A_45, %add3A_248], %add3A_398 : memref<32x512xf32, #tpu.memory_space<vmem>>[vector<16xi32>, vector<16xi32>], vector<16xf32>,
          tpu.vector_store_idx %arg10[%broadcast_in_dim3A_47, %add3A_248], %add3A_400 : memref<32x512xf32, #tpu.memory_space<vmem>>[vector<16xi32>, vector<16xi32>], vector<16xf32>,
        }
        %scan3A_179 = arith.constant 4 : i32
        %dma_wait3A_180 = arith.constant 0 : i32
        %dma_wait3A_181 = arith.constant 0 : i32
        %dma_wait3A_182 = tpu.memref_slice %arg5[%dma_wait3A_180, %dma_wait3A_181] : memref<4194304x16xf32, #tpu.memory_space<hbm>> -> memref<4194304x16xf32, #tpu.memory_space<hbm>>
        tpu.wait_indirect_dma semaphore(%arg29 : memref<!tpu.dma_semaphore, #tpu.memory_space<semaphore_mem>>) src(%dma_wait3A_182 : memref<4194304x16xf32, #tpu.memory_space<hbm>>) dst(%arg21 : memref<512x16xf32, #tpu.memory_space<vmem>>)
        %scan3A_183 = arith.constant 0 : i32
        %scan3A_184 = arith.constant 0 : i32
        %scan3A_185 = arith.constant 4 : i32
        %scan3A_186 = arith.addi %scan3A_184, %scan3A_185 : i32
        %scan3A_187 = arith.constant 1 : i32
        scf.for %scan3A_234 = %scan3A_184 to %scan3A_186 step %scan3A_187  : i32 {
          %mul3A_235 = arith.constant 16 : i32
          %mul3A_236 = arith.muli %scan3A_234, %mul3A_235 : i32
          %add3A_237 = arith.addi %mul3A_91, %mul3A_236 : i32
          %get3A = arith.index_cast %add3A_237 : i32 to index
          %get3A_238 = tpu.vector_load %arg7[%get3A] {strides = array<i32>} : memref<512xf32, #tpu.memory_space<vmem>>, vector<16xf32>,
          %add3A_239 = arith.addi %mul3A_91, %mul3A_236 : i32
          %get3A_240 = arith.index_cast %add3A_239 : i32 to index
          %get3A_241 = tpu.vector_load %arg8[%get3A_240] {strides = array<i32>} : memref<512xf32, #tpu.memory_space<vmem>>, vector<16xf32>,
          %add3A_242 = arith.addi %mul3A_91, %mul3A_236 : i32
          %get3A_243 = arith.index_cast %add3A_242 : i32 to index
          %get3A_244 = tpu.vector_load %arg9[%get3A_243] {strides = array<i32>} : memref<512xf32, #tpu.memory_space<vmem>>, vector<16xf32>,
          %add3A_245 = vector.broadcast %mul3A_236 : i32 to vector<16xi32>
          %add3A_246 = arith.addi %iota3A, %add3A_245 : vector<16xi32>
          %add3A_247 = vector.broadcast %mul3A_91 : i32 to vector<16xi32>
          %add3A_248 = arith.addi %add3A_246, %add3A_247 : vector<16xi32>
          %mul3A_249 = arith.constant 8.500000e+01 : f32
          %mul3A_250 = vector.broadcast %mul3A_249 : f32 to vector<16xf32>
          %mul3A_251 = arith.mulf %get3A_238, %mul3A_250 : vector<16xf32>
          %mul3A_252 = arith.constant 8.500000e+01 : f32
          %mul3A_253 = vector.broadcast %mul3A_252 : f32 to vector<16xf32>
          %mul3A_254 = arith.mulf %get3A_241, %mul3A_253 : vector<16xf32>
          %mul3A_255 = arith.constant 8.500000e+01 : f32
          %mul3A_256 = vector.broadcast %mul3A_255 : f32 to vector<16xf32>
          %mul3A_257 = arith.mulf %get3A_244, %mul3A_256 : vector<16xf32>
          %convert_element_type3A = arith.fptosi %mul3A_251 : vector<16xf32> to vector<16xi32>
          %convert_element_type3A_258 = arith.fptosi %mul3A_254 : vector<16xf32> to vector<16xi32>
          %convert_element_type3A_259 = arith.fptosi %mul3A_257 : vector<16xf32> to vector<16xi32>
          %convert_element_type3A_260 = arith.sitofp %convert_element_type3A : vector<16xi32> to vector<16xf32>
          %sub3A = arith.subf %mul3A_251, %convert_element_type3A_260 : vector<16xf32>
          %convert_element_type3A_261 = arith.sitofp %convert_element_type3A_258 : vector<16xi32> to vector<16xf32>
          %sub3A_262 = arith.subf %mul3A_254, %convert_element_type3A_261 : vector<16xf32>
          %convert_element_type3A_263 = arith.sitofp %convert_element_type3A_259 : vector<16xi32> to vector<16xf32>
          %sub3A_264 = arith.subf %mul3A_257, %convert_element_type3A_263 : vector<16xf32>
          %sub3A_265 = arith.constant 1.000000e+00 : f32
          %sub3A_266 = vector.broadcast %sub3A_265 : f32 to vector<16xf32>
          %sub3A_267 = arith.subf %sub3A_266, %sub3A : vector<16xf32>
          %sub3A_268 = arith.constant 1.000000e+00 : f32
          %sub3A_269 = vector.broadcast %sub3A_268 : f32 to vector<16xf32>
          %sub3A_270 = arith.subf %sub3A_269, %sub3A_262 : vector<16xf32>
          %sub3A_271 = arith.constant 1.000000e+00 : f32
          %sub3A_272 = vector.broadcast %sub3A_271 : f32 to vector<16xf32>
          %sub3A_273 = arith.subf %sub3A_272, %sub3A_264 : vector<16xf32>
          %mul3A_274 = arith.mulf %sub3A_267, %sub3A_270 : vector<16xf32>
          %mul3A_275 = arith.mulf %sub3A_267, %sub3A_262 : vector<16xf32>
          %mul3A_276 = arith.mulf %sub3A, %sub3A_270 : vector<16xf32>
          %mul3A_277 = arith.mulf %sub3A, %sub3A_262 : vector<16xf32>
          %mul3A_278 = arith.mulf %mul3A_274, %sub3A_273 : vector<16xf32>
          %add3A_279 = arith.constant 0 : i32
          %add3A_280 = vector.broadcast %add3A_279 : i32 to vector<16xi32>
          %add3A_281 = arith.addi %add3A_246, %add3A_280 : vector<16xi32>
          %gather3A = tpu.vector_load_idx %arg21[%add3A_281, %broadcast_in_dim3A_1] : memref<512x16xf32, #tpu.memory_space<vmem>>[vector<16xi32>, vector<16xi32>], vector<16xf32>,
          %gather3A_282 = tpu.vector_load_idx %arg21[%add3A_281, %broadcast_in_dim3A_3] : memref<512x16xf32, #tpu.memory_space<vmem>>[vector<16xi32>, vector<16xi32>], vector<16xf32>,
          %gather3A_283 = tpu.vector_load_idx %arg21[%add3A_281, %broadcast_in_dim3A_5] : memref<512x16xf32, #tpu.memory_space<vmem>>[vector<16xi32>, vector<16xi32>], vector<16xf32>,
          %gather3A_284 = tpu.vector_load_idx %arg21[%add3A_281, %broadcast_in_dim3A_7] : memref<512x16xf32, #tpu.memory_space<vmem>>[vector<16xi32>, vector<16xi32>], vector<16xf32>,
          %mul3A_285 = arith.mulf %mul3A_278, %gather3A : vector<16xf32>
          %mul3A_286 = arith.mulf %mul3A_278, %gather3A_282 : vector<16xf32>
          %mul3A_287 = arith.mulf %mul3A_278, %gather3A_283 : vector<16xf32>
          %mul3A_288 = arith.mulf %mul3A_278, %gather3A_284 : vector<16xf32>
          %mul3A_289 = arith.mulf %mul3A_274, %sub3A_264 : vector<16xf32>
          %add3A_290 = arith.constant 64 : i32
          %add3A_291 = vector.broadcast %add3A_290 : i32 to vector<16xi32>
          %add3A_292 = arith.addi %add3A_246, %add3A_291 : vector<16xi32>
          %gather3A_293 = tpu.vector_load_idx %arg21[%add3A_292, %broadcast_in_dim3A_1] : memref<512x16xf32, #tpu.memory_space<vmem>>[vector<16xi32>, vector<16xi32>], vector<16xf32>,
          %gather3A_294 = tpu.vector_load_idx %arg21[%add3A_292, %broadcast_in_dim3A_3] : memref<512x16xf32, #tpu.memory_space<vmem>>[vector<16xi32>, vector<16xi32>], vector<16xf32>,
          %gather3A_295 = tpu.vector_load_idx %arg21[%add3A_292, %broadcast_in_dim3A_5] : memref<512x16xf32, #tpu.memory_space<vmem>>[vector<16xi32>, vector<16xi32>], vector<16xf32>,
          %gather3A_296 = tpu.vector_load_idx %arg21[%add3A_292, %broadcast_in_dim3A_7] : memref<512x16xf32, #tpu.memory_space<vmem>>[vector<16xi32>, vector<16xi32>], vector<16xf32>,
          %mul3A_297 = arith.mulf %mul3A_289, %gather3A_293 : vector<16xf32>
          %add3A_298 = arith.addf %mul3A_285, %mul3A_297 : vector<16xf32>
          %mul3A_299 = arith.mulf %mul3A_289, %gather3A_294 : vector<16xf32>
          %add3A_300 = arith.addf %mul3A_286, %mul3A_299 : vector<16xf32>
          %mul3A_301 = arith.mulf %mul3A_289, %gather3A_295 : vector<16xf32>
          %add3A_302 = arith.addf %mul3A_287, %mul3A_301 : vector<16xf32>
          %mul3A_303 = arith.mulf %mul3A_289, %gather3A_296 : vector<16xf32>
          %add3A_304 = arith.addf %mul3A_288, %mul3A_303 : vector<16xf32>
          %mul3A_305 = arith.mulf %mul3A_275, %sub3A_273 : vector<16xf32>
          %add3A_306 = arith.constant 128 : i32
          %add3A_307 = vector.broadcast %add3A_306 : i32 to vector<16xi32>
          %add3A_308 = arith.addi %add3A_246, %add3A_307 : vector<16xi32>
          %gather3A_309 = tpu.vector_load_idx %arg21[%add3A_308, %broadcast_in_dim3A_1] : memref<512x16xf32, #tpu.memory_space<vmem>>[vector<16xi32>, vector<16xi32>], vector<16xf32>,
          %gather3A_310 = tpu.vector_load_idx %arg21[%add3A_308, %broadcast_in_dim3A_3] : memref<512x16xf32, #tpu.memory_space<vmem>>[vector<16xi32>, vector<16xi32>], vector<16xf32>,
          %gather3A_311 = tpu.vector_load_idx %arg21[%add3A_308, %broadcast_in_dim3A_5] : memref<512x16xf32, #tpu.memory_space<vmem>>[vector<16xi32>, vector<16xi32>], vector<16xf32>,
          %gather3A_312 = tpu.vector_load_idx %arg21[%add3A_308, %broadcast_in_dim3A_7] : memref<512x16xf32, #tpu.memory_space<vmem>>[vector<16xi32>, vector<16xi32>], vector<16xf32>,
          %mul3A_313 = arith.mulf %mul3A_305, %gather3A_309 : vector<16xf32>
          %add3A_314 = arith.addf %add3A_298, %mul3A_313 : vector<16xf32>
          %mul3A_315 = arith.mulf %mul3A_305, %gather3A_310 : vector<16xf32>
          %add3A_316 = arith.addf %add3A_300, %mul3A_315 : vector<16xf32>
          %mul3A_317 = arith.mulf %mul3A_305, %gather3A_311 : vector<16xf32>
          %add3A_318 = arith.addf %add3A_302, %mul3A_317 : vector<16xf32>
          %mul3A_319 = arith.mulf %mul3A_305, %gather3A_312 : vector<16xf32>
          %add3A_320 = arith.addf %add3A_304, %mul3A_319 : vector<16xf32>
          %mul3A_321 = arith.mulf %mul3A_275, %sub3A_264 : vector<16xf32>
          %add3A_322 = arith.constant 192 : i32
          %add3A_323 = vector.broadcast %add3A_322 : i32 to vector<16xi32>
          %add3A_324 = arith.addi %add3A_246, %add3A_323 : vector<16xi32>
          %gather3A_325 = tpu.vector_load_idx %arg21[%add3A_324, %broadcast_in_dim3A_1] : memref<512x16xf32, #tpu.memory_space<vmem>>[vector<16xi32>, vector<16xi32>], vector<16xf32>,
          %gather3A_326 = tpu.vector_load_idx %arg21[%add3A_324, %broadcast_in_dim3A_3] : memref<512x16xf32, #tpu.memory_space<vmem>>[vector<16xi32>, vector<16xi32>], vector<16xf32>,
          %gather3A_327 = tpu.vector_load_idx %arg21[%add3A_324, %broadcast_in_dim3A_5] : memref<512x16xf32, #tpu.memory_space<vmem>>[vector<16xi32>, vector<16xi32>], vector<16xf32>,
          %gather3A_328 = tpu.vector_load_idx %arg21[%add3A_324, %broadcast_in_dim3A_7] : memref<512x16xf32, #tpu.memory_space<vmem>>[vector<16xi32>, vector<16xi32>], vector<16xf32>,
          %mul3A_329 = arith.mulf %mul3A_321, %gather3A_325 : vector<16xf32>
          %add3A_330 = arith.addf %add3A_314, %mul3A_329 : vector<16xf32>
          %mul3A_331 = arith.mulf %mul3A_321, %gather3A_326 : vector<16xf32>
          %add3A_332 = arith.addf %add3A_316, %mul3A_331 : vector<16xf32>
          %mul3A_333 = arith.mulf %mul3A_321, %gather3A_327 : vector<16xf32>
          %add3A_334 = arith.addf %add3A_318, %mul3A_333 : vector<16xf32>
          %mul3A_335 = arith.mulf %mul3A_321, %gather3A_328 : vector<16xf32>
          %add3A_336 = arith.addf %add3A_320, %mul3A_335 : vector<16xf32>
          %mul3A_337 = arith.mulf %mul3A_276, %sub3A_273 : vector<16xf32>
          %add3A_338 = arith.constant 256 : i32
          %add3A_339 = vector.broadcast %add3A_338 : i32 to vector<16xi32>
          %add3A_340 = arith.addi %add3A_246, %add3A_339 : vector<16xi32>
          %gather3A_341 = tpu.vector_load_idx %arg21[%add3A_340, %broadcast_in_dim3A_1] : memref<512x16xf32, #tpu.memory_space<vmem>>[vector<16xi32>, vector<16xi32>], vector<16xf32>,
          %gather3A_342 = tpu.vector_load_idx %arg21[%add3A_340, %broadcast_in_dim3A_3] : memref<512x16xf32, #tpu.memory_space<vmem>>[vector<16xi32>, vector<16xi32>], vector<16xf32>,
          %gather3A_343 = tpu.vector_load_idx %arg21[%add3A_340, %broadcast_in_dim3A_5] : memref<512x16xf32, #tpu.memory_space<vmem>>[vector<16xi32>, vector<16xi32>], vector<16xf32>,
          %gather3A_344 = tpu.vector_load_idx %arg21[%add3A_340, %broadcast_in_dim3A_7] : memref<512x16xf32, #tpu.memory_space<vmem>>[vector<16xi32>, vector<16xi32>], vector<16xf32>,
          %mul3A_345 = arith.mulf %mul3A_337, %gather3A_341 : vector<16xf32>
          %add3A_346 = arith.addf %add3A_330, %mul3A_345 : vector<16xf32>
          %mul3A_347 = arith.mulf %mul3A_337, %gather3A_342 : vector<16xf32>
          %add3A_348 = arith.addf %add3A_332, %mul3A_347 : vector<16xf32>
          %mul3A_349 = arith.mulf %mul3A_337, %gather3A_343 : vector<16xf32>
          %add3A_350 = arith.addf %add3A_334, %mul3A_349 : vector<16xf32>
          %mul3A_351 = arith.mulf %mul3A_337, %gather3A_344 : vector<16xf32>
          %add3A_352 = arith.addf %add3A_336, %mul3A_351 : vector<16xf32>
          %mul3A_353 = arith.mulf %mul3A_276, %sub3A_264 : vector<16xf32>
          %add3A_354 = arith.constant 320 : i32
          %add3A_355 = vector.broadcast %add3A_354 : i32 to vector<16xi32>
          %add3A_356 = arith.addi %add3A_246, %add3A_355 : vector<16xi32>
          %gather3A_357 = tpu.vector_load_idx %arg21[%add3A_356, %broadcast_in_dim3A_1] : memref<512x16xf32, #tpu.memory_space<vmem>>[vector<16xi32>, vector<16xi32>], vector<16xf32>,
          %gather3A_358 = tpu.vector_load_idx %arg21[%add3A_356, %broadcast_in_dim3A_3] : memref<512x16xf32, #tpu.memory_space<vmem>>[vector<16xi32>, vector<16xi32>], vector<16xf32>,
          %gather3A_359 = tpu.vector_load_idx %arg21[%add3A_356, %broadcast_in_dim3A_5] : memref<512x16xf32, #tpu.memory_space<vmem>>[vector<16xi32>, vector<16xi32>], vector<16xf32>,
          %gather3A_360 = tpu.vector_load_idx %arg21[%add3A_356, %broadcast_in_dim3A_7] : memref<512x16xf32, #tpu.memory_space<vmem>>[vector<16xi32>, vector<16xi32>], vector<16xf32>,
          %mul3A_361 = arith.mulf %mul3A_353, %gather3A_357 : vector<16xf32>
          %add3A_362 = arith.addf %add3A_346, %mul3A_361 : vector<16xf32>
          %mul3A_363 = arith.mulf %mul3A_353, %gather3A_358 : vector<16xf32>
          %add3A_364 = arith.addf %add3A_348, %mul3A_363 : vector<16xf32>
          %mul3A_365 = arith.mulf %mul3A_353, %gather3A_359 : vector<16xf32>
          %add3A_366 = arith.addf %add3A_350, %mul3A_365 : vector<16xf32>
          %mul3A_367 = arith.mulf %mul3A_353, %gather3A_360 : vector<16xf32>
          %add3A_368 = arith.addf %add3A_352, %mul3A_367 : vector<16xf32>
          %mul3A_369 = arith.mulf %mul3A_277, %sub3A_273 : vector<16xf32>
          %add3A_370 = arith.constant 384 : i32
          %add3A_371 = vector.broadcast %add3A_370 : i32 to vector<16xi32>
          %add3A_372 = arith.addi %add3A_246, %add3A_371 : vector<16xi32>
          %gather3A_373 = tpu.vector_load_idx %arg21[%add3A_372, %broadcast_in_dim3A_1] : memref<512x16xf32, #tpu.memory_space<vmem>>[vector<16xi32>, vector<16xi32>], vector<16xf32>,
          %gather3A_374 = tpu.vector_load_idx %arg21[%add3A_372, %broadcast_in_dim3A_3] : memref<512x16xf32, #tpu.memory_space<vmem>>[vector<16xi32>, vector<16xi32>], vector<16xf32>,
          %gather3A_375 = tpu.vector_load_idx %arg21[%add3A_372, %broadcast_in_dim3A_5] : memref<512x16xf32, #tpu.memory_space<vmem>>[vector<16xi32>, vector<16xi32>], vector<16xf32>,
          %gather3A_376 = tpu.vector_load_idx %arg21[%add3A_372, %broadcast_in_dim3A_7] : memref<512x16xf32, #tpu.memory_space<vmem>>[vector<16xi32>, vector<16xi32>], vector<16xf32>,
          %mul3A_377 = arith.mulf %mul3A_369, %gather3A_373 : vector<16xf32>
          %add3A_378 = arith.addf %add3A_362, %mul3A_377 : vector<16xf32>
          %mul3A_379 = arith.mulf %mul3A_369, %gather3A_374 : vector<16xf32>
          %add3A_380 = arith.addf %add3A_364, %mul3A_379 : vector<16xf32>
          %mul3A_381 = arith.mulf %mul3A_369, %gather3A_375 : vector<16xf32>
          %add3A_382 = arith.addf %add3A_366, %mul3A_381 : vector<16xf32>
          %mul3A_383 = arith.mulf %mul3A_369, %gather3A_376 : vector<16xf32>
          %add3A_384 = arith.addf %add3A_368, %mul3A_383 : vector<16xf32>
          %mul3A_385 = arith.mulf %mul3A_277, %sub3A_264 : vector<16xf32>
          %add3A_386 = arith.constant 448 : i32
          %add3A_387 = vector.broadcast %add3A_386 : i32 to vector<16xi32>
          %add3A_388 = arith.addi %add3A_246, %add3A_387 : vector<16xi32>
          %gather3A_389 = tpu.vector_load_idx %arg21[%add3A_388, %broadcast_in_dim3A_1] : memref<512x16xf32, #tpu.memory_space<vmem>>[vector<16xi32>, vector<16xi32>], vector<16xf32>,
          %gather3A_390 = tpu.vector_load_idx %arg21[%add3A_388, %broadcast_in_dim3A_3] : memref<512x16xf32, #tpu.memory_space<vmem>>[vector<16xi32>, vector<16xi32>], vector<16xf32>,
          %gather3A_391 = tpu.vector_load_idx %arg21[%add3A_388, %broadcast_in_dim3A_5] : memref<512x16xf32, #tpu.memory_space<vmem>>[vector<16xi32>, vector<16xi32>], vector<16xf32>,
          %gather3A_392 = tpu.vector_load_idx %arg21[%add3A_388, %broadcast_in_dim3A_7] : memref<512x16xf32, #tpu.memory_space<vmem>>[vector<16xi32>, vector<16xi32>], vector<16xf32>,
          %mul3A_393 = arith.mulf %mul3A_385, %gather3A_389 : vector<16xf32>
          %add3A_394 = arith.addf %add3A_378, %mul3A_393 : vector<16xf32>
          %mul3A_395 = arith.mulf %mul3A_385, %gather3A_390 : vector<16xf32>
          %add3A_396 = arith.addf %add3A_380, %mul3A_395 : vector<16xf32>
          %mul3A_397 = arith.mulf %mul3A_385, %gather3A_391 : vector<16xf32>
          %add3A_398 = arith.addf %add3A_382, %mul3A_397 : vector<16xf32>
          %mul3A_399 = arith.mulf %mul3A_385, %gather3A_392 : vector<16xf32>
          %add3A_400 = arith.addf %add3A_384, %mul3A_399 : vector<16xf32>
          tpu.vector_store_idx %arg10[%broadcast_in_dim3A_17, %add3A_248], %add3A_394 : memref<32x512xf32, #tpu.memory_space<vmem>>[vector<16xi32>, vector<16xi32>], vector<16xf32>,
          tpu.vector_store_idx %arg10[%broadcast_in_dim3A_19, %add3A_248], %add3A_396 : memref<32x512xf32, #tpu.memory_space<vmem>>[vector<16xi32>, vector<16xi32>], vector<16xf32>,
          tpu.vector_store_idx %arg10[%broadcast_in_dim3A_49, %add3A_248], %add3A_398 : memref<32x512xf32, #tpu.memory_space<vmem>>[vector<16xi32>, vector<16xi32>], vector<16xf32>,
          tpu.vector_store_idx %arg10[%broadcast_in_dim3A_51, %add3A_248], %add3A_400 : memref<32x512xf32, #tpu.memory_space<vmem>>[vector<16xi32>, vector<16xi32>], vector<16xf32>,
        }
        %scan3A_188 = arith.constant 4 : i32
        %dma_wait3A_189 = arith.constant 0 : i32
        %dma_wait3A_190 = arith.constant 0 : i32
        %dma_wait3A_191 = tpu.memref_slice %arg5[%dma_wait3A_189, %dma_wait3A_190] : memref<4194304x16xf32, #tpu.memory_space<hbm>> -> memref<4194304x16xf32, #tpu.memory_space<hbm>>
        tpu.wait_indirect_dma semaphore(%arg30 : memref<!tpu.dma_semaphore, #tpu.memory_space<semaphore_mem>>) src(%dma_wait3A_191 : memref<4194304x16xf32, #tpu.memory_space<hbm>>) dst(%arg22 : memref<512x16xf32, #tpu.memory_space<vmem>>)
        %scan3A_192 = arith.constant 0 : i32
        %scan3A_193 = arith.constant 0 : i32
        %scan3A_194 = arith.constant 4 : i32
        %scan3A_195 = arith.addi %scan3A_193, %scan3A_194 : i32
        %scan3A_196 = arith.constant 1 : i32
        scf.for %scan3A_234 = %scan3A_193 to %scan3A_195 step %scan3A_196  : i32 {
          %mul3A_235 = arith.constant 16 : i32
          %mul3A_236 = arith.muli %scan3A_234, %mul3A_235 : i32
          %add3A_237 = arith.addi %mul3A_91, %mul3A_236 : i32
          %get3A = arith.index_cast %add3A_237 : i32 to index
          %get3A_238 = tpu.vector_load %arg7[%get3A] {strides = array<i32>} : memref<512xf32, #tpu.memory_space<vmem>>, vector<16xf32>,
          %add3A_239 = arith.addi %mul3A_91, %mul3A_236 : i32
          %get3A_240 = arith.index_cast %add3A_239 : i32 to index
          %get3A_241 = tpu.vector_load %arg8[%get3A_240] {strides = array<i32>} : memref<512xf32, #tpu.memory_space<vmem>>, vector<16xf32>,
          %add3A_242 = arith.addi %mul3A_91, %mul3A_236 : i32
          %get3A_243 = arith.index_cast %add3A_242 : i32 to index
          %get3A_244 = tpu.vector_load %arg9[%get3A_243] {strides = array<i32>} : memref<512xf32, #tpu.memory_space<vmem>>, vector<16xf32>,
          %add3A_245 = vector.broadcast %mul3A_236 : i32 to vector<16xi32>
          %add3A_246 = arith.addi %iota3A, %add3A_245 : vector<16xi32>
          %add3A_247 = vector.broadcast %mul3A_91 : i32 to vector<16xi32>
          %add3A_248 = arith.addi %add3A_246, %add3A_247 : vector<16xi32>
          %mul3A_249 = arith.constant 1.400000e+02 : f32
          %mul3A_250 = vector.broadcast %mul3A_249 : f32 to vector<16xf32>
          %mul3A_251 = arith.mulf %get3A_238, %mul3A_250 : vector<16xf32>
          %mul3A_252 = arith.constant 1.400000e+02 : f32
          %mul3A_253 = vector.broadcast %mul3A_252 : f32 to vector<16xf32>
          %mul3A_254 = arith.mulf %get3A_241, %mul3A_253 : vector<16xf32>
          %mul3A_255 = arith.constant 1.400000e+02 : f32
          %mul3A_256 = vector.broadcast %mul3A_255 : f32 to vector<16xf32>
          %mul3A_257 = arith.mulf %get3A_244, %mul3A_256 : vector<16xf32>
          %convert_element_type3A = arith.fptosi %mul3A_251 : vector<16xf32> to vector<16xi32>
          %convert_element_type3A_258 = arith.fptosi %mul3A_254 : vector<16xf32> to vector<16xi32>
          %convert_element_type3A_259 = arith.fptosi %mul3A_257 : vector<16xf32> to vector<16xi32>
          %convert_element_type3A_260 = arith.sitofp %convert_element_type3A : vector<16xi32> to vector<16xf32>
          %sub3A = arith.subf %mul3A_251, %convert_element_type3A_260 : vector<16xf32>
          %convert_element_type3A_261 = arith.sitofp %convert_element_type3A_258 : vector<16xi32> to vector<16xf32>
          %sub3A_262 = arith.subf %mul3A_254, %convert_element_type3A_261 : vector<16xf32>
          %convert_element_type3A_263 = arith.sitofp %convert_element_type3A_259 : vector<16xi32> to vector<16xf32>
          %sub3A_264 = arith.subf %mul3A_257, %convert_element_type3A_263 : vector<16xf32>
          %sub3A_265 = arith.constant 1.000000e+00 : f32
          %sub3A_266 = vector.broadcast %sub3A_265 : f32 to vector<16xf32>
          %sub3A_267 = arith.subf %sub3A_266, %sub3A : vector<16xf32>
          %sub3A_268 = arith.constant 1.000000e+00 : f32
          %sub3A_269 = vector.broadcast %sub3A_268 : f32 to vector<16xf32>
          %sub3A_270 = arith.subf %sub3A_269, %sub3A_262 : vector<16xf32>
          %sub3A_271 = arith.constant 1.000000e+00 : f32
          %sub3A_272 = vector.broadcast %sub3A_271 : f32 to vector<16xf32>
          %sub3A_273 = arith.subf %sub3A_272, %sub3A_264 : vector<16xf32>
          %mul3A_274 = arith.mulf %sub3A_267, %sub3A_270 : vector<16xf32>
          %mul3A_275 = arith.mulf %sub3A_267, %sub3A_262 : vector<16xf32>
          %mul3A_276 = arith.mulf %sub3A, %sub3A_270 : vector<16xf32>
          %mul3A_277 = arith.mulf %sub3A, %sub3A_262 : vector<16xf32>
          %mul3A_278 = arith.mulf %mul3A_274, %sub3A_273 : vector<16xf32>
          %add3A_279 = arith.constant 0 : i32
          %add3A_280 = vector.broadcast %add3A_279 : i32 to vector<16xi32>
          %add3A_281 = arith.addi %add3A_246, %add3A_280 : vector<16xi32>
          %gather3A = tpu.vector_load_idx %arg22[%add3A_281, %broadcast_in_dim3A_1] : memref<512x16xf32, #tpu.memory_space<vmem>>[vector<16xi32>, vector<16xi32>], vector<16xf32>,
          %gather3A_282 = tpu.vector_load_idx %arg22[%add3A_281, %broadcast_in_dim3A_3] : memref<512x16xf32, #tpu.memory_space<vmem>>[vector<16xi32>, vector<16xi32>], vector<16xf32>,
          %gather3A_283 = tpu.vector_load_idx %arg22[%add3A_281, %broadcast_in_dim3A_5] : memref<512x16xf32, #tpu.memory_space<vmem>>[vector<16xi32>, vector<16xi32>], vector<16xf32>,
          %gather3A_284 = tpu.vector_load_idx %arg22[%add3A_281, %broadcast_in_dim3A_7] : memref<512x16xf32, #tpu.memory_space<vmem>>[vector<16xi32>, vector<16xi32>], vector<16xf32>,
          %mul3A_285 = arith.mulf %mul3A_278, %gather3A : vector<16xf32>
          %mul3A_286 = arith.mulf %mul3A_278, %gather3A_282 : vector<16xf32>
          %mul3A_287 = arith.mulf %mul3A_278, %gather3A_283 : vector<16xf32>
          %mul3A_288 = arith.mulf %mul3A_278, %gather3A_284 : vector<16xf32>
          %mul3A_289 = arith.mulf %mul3A_274, %sub3A_264 : vector<16xf32>
          %add3A_290 = arith.constant 64 : i32
          %add3A_291 = vector.broadcast %add3A_290 : i32 to vector<16xi32>
          %add3A_292 = arith.addi %add3A_246, %add3A_291 : vector<16xi32>
          %gather3A_293 = tpu.vector_load_idx %arg22[%add3A_292, %broadcast_in_dim3A_1] : memref<512x16xf32, #tpu.memory_space<vmem>>[vector<16xi32>, vector<16xi32>], vector<16xf32>,
          %gather3A_294 = tpu.vector_load_idx %arg22[%add3A_292, %broadcast_in_dim3A_3] : memref<512x16xf32, #tpu.memory_space<vmem>>[vector<16xi32>, vector<16xi32>], vector<16xf32>,
          %gather3A_295 = tpu.vector_load_idx %arg22[%add3A_292, %broadcast_in_dim3A_5] : memref<512x16xf32, #tpu.memory_space<vmem>>[vector<16xi32>, vector<16xi32>], vector<16xf32>,
          %gather3A_296 = tpu.vector_load_idx %arg22[%add3A_292, %broadcast_in_dim3A_7] : memref<512x16xf32, #tpu.memory_space<vmem>>[vector<16xi32>, vector<16xi32>], vector<16xf32>,
          %mul3A_297 = arith.mulf %mul3A_289, %gather3A_293 : vector<16xf32>
          %add3A_298 = arith.addf %mul3A_285, %mul3A_297 : vector<16xf32>
          %mul3A_299 = arith.mulf %mul3A_289, %gather3A_294 : vector<16xf32>
          %add3A_300 = arith.addf %mul3A_286, %mul3A_299 : vector<16xf32>
          %mul3A_301 = arith.mulf %mul3A_289, %gather3A_295 : vector<16xf32>
          %add3A_302 = arith.addf %mul3A_287, %mul3A_301 : vector<16xf32>
          %mul3A_303 = arith.mulf %mul3A_289, %gather3A_296 : vector<16xf32>
          %add3A_304 = arith.addf %mul3A_288, %mul3A_303 : vector<16xf32>
          %mul3A_305 = arith.mulf %mul3A_275, %sub3A_273 : vector<16xf32>
          %add3A_306 = arith.constant 128 : i32
          %add3A_307 = vector.broadcast %add3A_306 : i32 to vector<16xi32>
          %add3A_308 = arith.addi %add3A_246, %add3A_307 : vector<16xi32>
          %gather3A_309 = tpu.vector_load_idx %arg22[%add3A_308, %broadcast_in_dim3A_1] : memref<512x16xf32, #tpu.memory_space<vmem>>[vector<16xi32>, vector<16xi32>], vector<16xf32>,
          %gather3A_310 = tpu.vector_load_idx %arg22[%add3A_308, %broadcast_in_dim3A_3] : memref<512x16xf32, #tpu.memory_space<vmem>>[vector<16xi32>, vector<16xi32>], vector<16xf32>,
          %gather3A_311 = tpu.vector_load_idx %arg22[%add3A_308, %broadcast_in_dim3A_5] : memref<512x16xf32, #tpu.memory_space<vmem>>[vector<16xi32>, vector<16xi32>], vector<16xf32>,
          %gather3A_312 = tpu.vector_load_idx %arg22[%add3A_308, %broadcast_in_dim3A_7] : memref<512x16xf32, #tpu.memory_space<vmem>>[vector<16xi32>, vector<16xi32>], vector<16xf32>,
          %mul3A_313 = arith.mulf %mul3A_305, %gather3A_309 : vector<16xf32>
          %add3A_314 = arith.addf %add3A_298, %mul3A_313 : vector<16xf32>
          %mul3A_315 = arith.mulf %mul3A_305, %gather3A_310 : vector<16xf32>
          %add3A_316 = arith.addf %add3A_300, %mul3A_315 : vector<16xf32>
          %mul3A_317 = arith.mulf %mul3A_305, %gather3A_311 : vector<16xf32>
          %add3A_318 = arith.addf %add3A_302, %mul3A_317 : vector<16xf32>
          %mul3A_319 = arith.mulf %mul3A_305, %gather3A_312 : vector<16xf32>
          %add3A_320 = arith.addf %add3A_304, %mul3A_319 : vector<16xf32>
          %mul3A_321 = arith.mulf %mul3A_275, %sub3A_264 : vector<16xf32>
          %add3A_322 = arith.constant 192 : i32
          %add3A_323 = vector.broadcast %add3A_322 : i32 to vector<16xi32>
          %add3A_324 = arith.addi %add3A_246, %add3A_323 : vector<16xi32>
          %gather3A_325 = tpu.vector_load_idx %arg22[%add3A_324, %broadcast_in_dim3A_1] : memref<512x16xf32, #tpu.memory_space<vmem>>[vector<16xi32>, vector<16xi32>], vector<16xf32>,
          %gather3A_326 = tpu.vector_load_idx %arg22[%add3A_324, %broadcast_in_dim3A_3] : memref<512x16xf32, #tpu.memory_space<vmem>>[vector<16xi32>, vector<16xi32>], vector<16xf32>,
          %gather3A_327 = tpu.vector_load_idx %arg22[%add3A_324, %broadcast_in_dim3A_5] : memref<512x16xf32, #tpu.memory_space<vmem>>[vector<16xi32>, vector<16xi32>], vector<16xf32>,
          %gather3A_328 = tpu.vector_load_idx %arg22[%add3A_324, %broadcast_in_dim3A_7] : memref<512x16xf32, #tpu.memory_space<vmem>>[vector<16xi32>, vector<16xi32>], vector<16xf32>,
          %mul3A_329 = arith.mulf %mul3A_321, %gather3A_325 : vector<16xf32>
          %add3A_330 = arith.addf %add3A_314, %mul3A_329 : vector<16xf32>
          %mul3A_331 = arith.mulf %mul3A_321, %gather3A_326 : vector<16xf32>
          %add3A_332 = arith.addf %add3A_316, %mul3A_331 : vector<16xf32>
          %mul3A_333 = arith.mulf %mul3A_321, %gather3A_327 : vector<16xf32>
          %add3A_334 = arith.addf %add3A_318, %mul3A_333 : vector<16xf32>
          %mul3A_335 = arith.mulf %mul3A_321, %gather3A_328 : vector<16xf32>
          %add3A_336 = arith.addf %add3A_320, %mul3A_335 : vector<16xf32>
          %mul3A_337 = arith.mulf %mul3A_276, %sub3A_273 : vector<16xf32>
          %add3A_338 = arith.constant 256 : i32
          %add3A_339 = vector.broadcast %add3A_338 : i32 to vector<16xi32>
          %add3A_340 = arith.addi %add3A_246, %add3A_339 : vector<16xi32>
          %gather3A_341 = tpu.vector_load_idx %arg22[%add3A_340, %broadcast_in_dim3A_1] : memref<512x16xf32, #tpu.memory_space<vmem>>[vector<16xi32>, vector<16xi32>], vector<16xf32>,
          %gather3A_342 = tpu.vector_load_idx %arg22[%add3A_340, %broadcast_in_dim3A_3] : memref<512x16xf32, #tpu.memory_space<vmem>>[vector<16xi32>, vector<16xi32>], vector<16xf32>,
          %gather3A_343 = tpu.vector_load_idx %arg22[%add3A_340, %broadcast_in_dim3A_5] : memref<512x16xf32, #tpu.memory_space<vmem>>[vector<16xi32>, vector<16xi32>], vector<16xf32>,
          %gather3A_344 = tpu.vector_load_idx %arg22[%add3A_340, %broadcast_in_dim3A_7] : memref<512x16xf32, #tpu.memory_space<vmem>>[vector<16xi32>, vector<16xi32>], vector<16xf32>,
          %mul3A_345 = arith.mulf %mul3A_337, %gather3A_341 : vector<16xf32>
          %add3A_346 = arith.addf %add3A_330, %mul3A_345 : vector<16xf32>
          %mul3A_347 = arith.mulf %mul3A_337, %gather3A_342 : vector<16xf32>
          %add3A_348 = arith.addf %add3A_332, %mul3A_347 : vector<16xf32>
          %mul3A_349 = arith.mulf %mul3A_337, %gather3A_343 : vector<16xf32>
          %add3A_350 = arith.addf %add3A_334, %mul3A_349 : vector<16xf32>
          %mul3A_351 = arith.mulf %mul3A_337, %gather3A_344 : vector<16xf32>
          %add3A_352 = arith.addf %add3A_336, %mul3A_351 : vector<16xf32>
          %mul3A_353 = arith.mulf %mul3A_276, %sub3A_264 : vector<16xf32>
          %add3A_354 = arith.constant 320 : i32
          %add3A_355 = vector.broadcast %add3A_354 : i32 to vector<16xi32>
          %add3A_356 = arith.addi %add3A_246, %add3A_355 : vector<16xi32>
          %gather3A_357 = tpu.vector_load_idx %arg22[%add3A_356, %broadcast_in_dim3A_1] : memref<512x16xf32, #tpu.memory_space<vmem>>[vector<16xi32>, vector<16xi32>], vector<16xf32>,
          %gather3A_358 = tpu.vector_load_idx %arg22[%add3A_356, %broadcast_in_dim3A_3] : memref<512x16xf32, #tpu.memory_space<vmem>>[vector<16xi32>, vector<16xi32>], vector<16xf32>,
          %gather3A_359 = tpu.vector_load_idx %arg22[%add3A_356, %broadcast_in_dim3A_5] : memref<512x16xf32, #tpu.memory_space<vmem>>[vector<16xi32>, vector<16xi32>], vector<16xf32>,
          %gather3A_360 = tpu.vector_load_idx %arg22[%add3A_356, %broadcast_in_dim3A_7] : memref<512x16xf32, #tpu.memory_space<vmem>>[vector<16xi32>, vector<16xi32>], vector<16xf32>,
          %mul3A_361 = arith.mulf %mul3A_353, %gather3A_357 : vector<16xf32>
          %add3A_362 = arith.addf %add3A_346, %mul3A_361 : vector<16xf32>
          %mul3A_363 = arith.mulf %mul3A_353, %gather3A_358 : vector<16xf32>
          %add3A_364 = arith.addf %add3A_348, %mul3A_363 : vector<16xf32>
          %mul3A_365 = arith.mulf %mul3A_353, %gather3A_359 : vector<16xf32>
          %add3A_366 = arith.addf %add3A_350, %mul3A_365 : vector<16xf32>
          %mul3A_367 = arith.mulf %mul3A_353, %gather3A_360 : vector<16xf32>
          %add3A_368 = arith.addf %add3A_352, %mul3A_367 : vector<16xf32>
          %mul3A_369 = arith.mulf %mul3A_277, %sub3A_273 : vector<16xf32>
          %add3A_370 = arith.constant 384 : i32
          %add3A_371 = vector.broadcast %add3A_370 : i32 to vector<16xi32>
          %add3A_372 = arith.addi %add3A_246, %add3A_371 : vector<16xi32>
          %gather3A_373 = tpu.vector_load_idx %arg22[%add3A_372, %broadcast_in_dim3A_1] : memref<512x16xf32, #tpu.memory_space<vmem>>[vector<16xi32>, vector<16xi32>], vector<16xf32>,
          %gather3A_374 = tpu.vector_load_idx %arg22[%add3A_372, %broadcast_in_dim3A_3] : memref<512x16xf32, #tpu.memory_space<vmem>>[vector<16xi32>, vector<16xi32>], vector<16xf32>,
          %gather3A_375 = tpu.vector_load_idx %arg22[%add3A_372, %broadcast_in_dim3A_5] : memref<512x16xf32, #tpu.memory_space<vmem>>[vector<16xi32>, vector<16xi32>], vector<16xf32>,
          %gather3A_376 = tpu.vector_load_idx %arg22[%add3A_372, %broadcast_in_dim3A_7] : memref<512x16xf32, #tpu.memory_space<vmem>>[vector<16xi32>, vector<16xi32>], vector<16xf32>,
          %mul3A_377 = arith.mulf %mul3A_369, %gather3A_373 : vector<16xf32>
          %add3A_378 = arith.addf %add3A_362, %mul3A_377 : vector<16xf32>
          %mul3A_379 = arith.mulf %mul3A_369, %gather3A_374 : vector<16xf32>
          %add3A_380 = arith.addf %add3A_364, %mul3A_379 : vector<16xf32>
          %mul3A_381 = arith.mulf %mul3A_369, %gather3A_375 : vector<16xf32>
          %add3A_382 = arith.addf %add3A_366, %mul3A_381 : vector<16xf32>
          %mul3A_383 = arith.mulf %mul3A_369, %gather3A_376 : vector<16xf32>
          %add3A_384 = arith.addf %add3A_368, %mul3A_383 : vector<16xf32>
          %mul3A_385 = arith.mulf %mul3A_277, %sub3A_264 : vector<16xf32>
          %add3A_386 = arith.constant 448 : i32
          %add3A_387 = vector.broadcast %add3A_386 : i32 to vector<16xi32>
          %add3A_388 = arith.addi %add3A_246, %add3A_387 : vector<16xi32>
          %gather3A_389 = tpu.vector_load_idx %arg22[%add3A_388, %broadcast_in_dim3A_1] : memref<512x16xf32, #tpu.memory_space<vmem>>[vector<16xi32>, vector<16xi32>], vector<16xf32>,
          %gather3A_390 = tpu.vector_load_idx %arg22[%add3A_388, %broadcast_in_dim3A_3] : memref<512x16xf32, #tpu.memory_space<vmem>>[vector<16xi32>, vector<16xi32>], vector<16xf32>,
          %gather3A_391 = tpu.vector_load_idx %arg22[%add3A_388, %broadcast_in_dim3A_5] : memref<512x16xf32, #tpu.memory_space<vmem>>[vector<16xi32>, vector<16xi32>], vector<16xf32>,
          %gather3A_392 = tpu.vector_load_idx %arg22[%add3A_388, %broadcast_in_dim3A_7] : memref<512x16xf32, #tpu.memory_space<vmem>>[vector<16xi32>, vector<16xi32>], vector<16xf32>,
          %mul3A_393 = arith.mulf %mul3A_385, %gather3A_389 : vector<16xf32>
          %add3A_394 = arith.addf %add3A_378, %mul3A_393 : vector<16xf32>
          %mul3A_395 = arith.mulf %mul3A_385, %gather3A_390 : vector<16xf32>
          %add3A_396 = arith.addf %add3A_380, %mul3A_395 : vector<16xf32>
          %mul3A_397 = arith.mulf %mul3A_385, %gather3A_391 : vector<16xf32>
          %add3A_398 = arith.addf %add3A_382, %mul3A_397 : vector<16xf32>
          %mul3A_399 = arith.mulf %mul3A_385, %gather3A_392 : vector<16xf32>
          %add3A_400 = arith.addf %add3A_384, %mul3A_399 : vector<16xf32>
          tpu.vector_store_idx %arg10[%broadcast_in_dim3A_21, %add3A_248], %add3A_394 : memref<32x512xf32, #tpu.memory_space<vmem>>[vector<16xi32>, vector<16xi32>], vector<16xf32>,
          tpu.vector_store_idx %arg10[%broadcast_in_dim3A_23, %add3A_248], %add3A_396 : memref<32x512xf32, #tpu.memory_space<vmem>>[vector<16xi32>, vector<16xi32>], vector<16xf32>,
          tpu.vector_store_idx %arg10[%broadcast_in_dim3A_53, %add3A_248], %add3A_398 : memref<32x512xf32, #tpu.memory_space<vmem>>[vector<16xi32>, vector<16xi32>], vector<16xf32>,
          tpu.vector_store_idx %arg10[%broadcast_in_dim3A_55, %add3A_248], %add3A_400 : memref<32x512xf32, #tpu.memory_space<vmem>>[vector<16xi32>, vector<16xi32>], vector<16xf32>,
        }
        %scan3A_197 = arith.constant 4 : i32
        %dma_wait3A_198 = arith.constant 0 : i32
        %dma_wait3A_199 = arith.constant 0 : i32
        %dma_wait3A_200 = tpu.memref_slice %arg5[%dma_wait3A_198, %dma_wait3A_199] : memref<4194304x16xf32, #tpu.memory_space<hbm>> -> memref<4194304x16xf32, #tpu.memory_space<hbm>>
        tpu.wait_indirect_dma semaphore(%arg31 : memref<!tpu.dma_semaphore, #tpu.memory_space<semaphore_mem>>) src(%dma_wait3A_200 : memref<4194304x16xf32, #tpu.memory_space<hbm>>) dst(%arg23 : memref<512x16xf32, #tpu.memory_space<vmem>>)
        %scan3A_201 = arith.constant 0 : i32
        %scan3A_202 = arith.constant 0 : i32
        %scan3A_203 = arith.constant 4 : i32
        %scan3A_204 = arith.addi %scan3A_202, %scan3A_203 : i32
        %scan3A_205 = arith.constant 1 : i32
        scf.for %scan3A_234 = %scan3A_202 to %scan3A_204 step %scan3A_205  : i32 {
          %mul3A_235 = arith.constant 16 : i32
          %mul3A_236 = arith.muli %scan3A_234, %mul3A_235 : i32
          %add3A_237 = arith.addi %mul3A_91, %mul3A_236 : i32
          %get3A = arith.index_cast %add3A_237 : i32 to index
          %get3A_238 = tpu.vector_load %arg7[%get3A] {strides = array<i32>} : memref<512xf32, #tpu.memory_space<vmem>>, vector<16xf32>,
          %add3A_239 = arith.addi %mul3A_91, %mul3A_236 : i32
          %get3A_240 = arith.index_cast %add3A_239 : i32 to index
          %get3A_241 = tpu.vector_load %arg8[%get3A_240] {strides = array<i32>} : memref<512xf32, #tpu.memory_space<vmem>>, vector<16xf32>,
          %add3A_242 = arith.addi %mul3A_91, %mul3A_236 : i32
          %get3A_243 = arith.index_cast %add3A_242 : i32 to index
          %get3A_244 = tpu.vector_load %arg9[%get3A_243] {strides = array<i32>} : memref<512xf32, #tpu.memory_space<vmem>>, vector<16xf32>,
          %add3A_245 = vector.broadcast %mul3A_236 : i32 to vector<16xi32>
          %add3A_246 = arith.addi %iota3A, %add3A_245 : vector<16xi32>
          %add3A_247 = vector.broadcast %mul3A_91 : i32 to vector<16xi32>
          %add3A_248 = arith.addi %add3A_246, %add3A_247 : vector<16xi32>
          %mul3A_249 = arith.constant 2.300000e+02 : f32
          %mul3A_250 = vector.broadcast %mul3A_249 : f32 to vector<16xf32>
          %mul3A_251 = arith.mulf %get3A_238, %mul3A_250 : vector<16xf32>
          %mul3A_252 = arith.constant 2.300000e+02 : f32
          %mul3A_253 = vector.broadcast %mul3A_252 : f32 to vector<16xf32>
          %mul3A_254 = arith.mulf %get3A_241, %mul3A_253 : vector<16xf32>
          %mul3A_255 = arith.constant 2.300000e+02 : f32
          %mul3A_256 = vector.broadcast %mul3A_255 : f32 to vector<16xf32>
          %mul3A_257 = arith.mulf %get3A_244, %mul3A_256 : vector<16xf32>
          %convert_element_type3A = arith.fptosi %mul3A_251 : vector<16xf32> to vector<16xi32>
          %convert_element_type3A_258 = arith.fptosi %mul3A_254 : vector<16xf32> to vector<16xi32>
          %convert_element_type3A_259 = arith.fptosi %mul3A_257 : vector<16xf32> to vector<16xi32>
          %convert_element_type3A_260 = arith.sitofp %convert_element_type3A : vector<16xi32> to vector<16xf32>
          %sub3A = arith.subf %mul3A_251, %convert_element_type3A_260 : vector<16xf32>
          %convert_element_type3A_261 = arith.sitofp %convert_element_type3A_258 : vector<16xi32> to vector<16xf32>
          %sub3A_262 = arith.subf %mul3A_254, %convert_element_type3A_261 : vector<16xf32>
          %convert_element_type3A_263 = arith.sitofp %convert_element_type3A_259 : vector<16xi32> to vector<16xf32>
          %sub3A_264 = arith.subf %mul3A_257, %convert_element_type3A_263 : vector<16xf32>
          %sub3A_265 = arith.constant 1.000000e+00 : f32
          %sub3A_266 = vector.broadcast %sub3A_265 : f32 to vector<16xf32>
          %sub3A_267 = arith.subf %sub3A_266, %sub3A : vector<16xf32>
          %sub3A_268 = arith.constant 1.000000e+00 : f32
          %sub3A_269 = vector.broadcast %sub3A_268 : f32 to vector<16xf32>
          %sub3A_270 = arith.subf %sub3A_269, %sub3A_262 : vector<16xf32>
          %sub3A_271 = arith.constant 1.000000e+00 : f32
          %sub3A_272 = vector.broadcast %sub3A_271 : f32 to vector<16xf32>
          %sub3A_273 = arith.subf %sub3A_272, %sub3A_264 : vector<16xf32>
          %mul3A_274 = arith.mulf %sub3A_267, %sub3A_270 : vector<16xf32>
          %mul3A_275 = arith.mulf %sub3A_267, %sub3A_262 : vector<16xf32>
          %mul3A_276 = arith.mulf %sub3A, %sub3A_270 : vector<16xf32>
          %mul3A_277 = arith.mulf %sub3A, %sub3A_262 : vector<16xf32>
          %mul3A_278 = arith.mulf %mul3A_274, %sub3A_273 : vector<16xf32>
          %add3A_279 = arith.constant 0 : i32
          %add3A_280 = vector.broadcast %add3A_279 : i32 to vector<16xi32>
          %add3A_281 = arith.addi %add3A_246, %add3A_280 : vector<16xi32>
          %gather3A = tpu.vector_load_idx %arg23[%add3A_281, %broadcast_in_dim3A_1] : memref<512x16xf32, #tpu.memory_space<vmem>>[vector<16xi32>, vector<16xi32>], vector<16xf32>,
          %gather3A_282 = tpu.vector_load_idx %arg23[%add3A_281, %broadcast_in_dim3A_3] : memref<512x16xf32, #tpu.memory_space<vmem>>[vector<16xi32>, vector<16xi32>], vector<16xf32>,
          %gather3A_283 = tpu.vector_load_idx %arg23[%add3A_281, %broadcast_in_dim3A_5] : memref<512x16xf32, #tpu.memory_space<vmem>>[vector<16xi32>, vector<16xi32>], vector<16xf32>,
          %gather3A_284 = tpu.vector_load_idx %arg23[%add3A_281, %broadcast_in_dim3A_7] : memref<512x16xf32, #tpu.memory_space<vmem>>[vector<16xi32>, vector<16xi32>], vector<16xf32>,
          %mul3A_285 = arith.mulf %mul3A_278, %gather3A : vector<16xf32>
          %mul3A_286 = arith.mulf %mul3A_278, %gather3A_282 : vector<16xf32>
          %mul3A_287 = arith.mulf %mul3A_278, %gather3A_283 : vector<16xf32>
          %mul3A_288 = arith.mulf %mul3A_278, %gather3A_284 : vector<16xf32>
          %mul3A_289 = arith.mulf %mul3A_274, %sub3A_264 : vector<16xf32>
          %add3A_290 = arith.constant 64 : i32
          %add3A_291 = vector.broadcast %add3A_290 : i32 to vector<16xi32>
          %add3A_292 = arith.addi %add3A_246, %add3A_291 : vector<16xi32>
          %gather3A_293 = tpu.vector_load_idx %arg23[%add3A_292, %broadcast_in_dim3A_1] : memref<512x16xf32, #tpu.memory_space<vmem>>[vector<16xi32>, vector<16xi32>], vector<16xf32>,
          %gather3A_294 = tpu.vector_load_idx %arg23[%add3A_292, %broadcast_in_dim3A_3] : memref<512x16xf32, #tpu.memory_space<vmem>>[vector<16xi32>, vector<16xi32>], vector<16xf32>,
          %gather3A_295 = tpu.vector_load_idx %arg23[%add3A_292, %broadcast_in_dim3A_5] : memref<512x16xf32, #tpu.memory_space<vmem>>[vector<16xi32>, vector<16xi32>], vector<16xf32>,
          %gather3A_296 = tpu.vector_load_idx %arg23[%add3A_292, %broadcast_in_dim3A_7] : memref<512x16xf32, #tpu.memory_space<vmem>>[vector<16xi32>, vector<16xi32>], vector<16xf32>,
          %mul3A_297 = arith.mulf %mul3A_289, %gather3A_293 : vector<16xf32>
          %add3A_298 = arith.addf %mul3A_285, %mul3A_297 : vector<16xf32>
          %mul3A_299 = arith.mulf %mul3A_289, %gather3A_294 : vector<16xf32>
          %add3A_300 = arith.addf %mul3A_286, %mul3A_299 : vector<16xf32>
          %mul3A_301 = arith.mulf %mul3A_289, %gather3A_295 : vector<16xf32>
          %add3A_302 = arith.addf %mul3A_287, %mul3A_301 : vector<16xf32>
          %mul3A_303 = arith.mulf %mul3A_289, %gather3A_296 : vector<16xf32>
          %add3A_304 = arith.addf %mul3A_288, %mul3A_303 : vector<16xf32>
          %mul3A_305 = arith.mulf %mul3A_275, %sub3A_273 : vector<16xf32>
          %add3A_306 = arith.constant 128 : i32
          %add3A_307 = vector.broadcast %add3A_306 : i32 to vector<16xi32>
          %add3A_308 = arith.addi %add3A_246, %add3A_307 : vector<16xi32>
          %gather3A_309 = tpu.vector_load_idx %arg23[%add3A_308, %broadcast_in_dim3A_1] : memref<512x16xf32, #tpu.memory_space<vmem>>[vector<16xi32>, vector<16xi32>], vector<16xf32>,
          %gather3A_310 = tpu.vector_load_idx %arg23[%add3A_308, %broadcast_in_dim3A_3] : memref<512x16xf32, #tpu.memory_space<vmem>>[vector<16xi32>, vector<16xi32>], vector<16xf32>,
          %gather3A_311 = tpu.vector_load_idx %arg23[%add3A_308, %broadcast_in_dim3A_5] : memref<512x16xf32, #tpu.memory_space<vmem>>[vector<16xi32>, vector<16xi32>], vector<16xf32>,
          %gather3A_312 = tpu.vector_load_idx %arg23[%add3A_308, %broadcast_in_dim3A_7] : memref<512x16xf32, #tpu.memory_space<vmem>>[vector<16xi32>, vector<16xi32>], vector<16xf32>,
          %mul3A_313 = arith.mulf %mul3A_305, %gather3A_309 : vector<16xf32>
          %add3A_314 = arith.addf %add3A_298, %mul3A_313 : vector<16xf32>
          %mul3A_315 = arith.mulf %mul3A_305, %gather3A_310 : vector<16xf32>
          %add3A_316 = arith.addf %add3A_300, %mul3A_315 : vector<16xf32>
          %mul3A_317 = arith.mulf %mul3A_305, %gather3A_311 : vector<16xf32>
          %add3A_318 = arith.addf %add3A_302, %mul3A_317 : vector<16xf32>
          %mul3A_319 = arith.mulf %mul3A_305, %gather3A_312 : vector<16xf32>
          %add3A_320 = arith.addf %add3A_304, %mul3A_319 : vector<16xf32>
          %mul3A_321 = arith.mulf %mul3A_275, %sub3A_264 : vector<16xf32>
          %add3A_322 = arith.constant 192 : i32
          %add3A_323 = vector.broadcast %add3A_322 : i32 to vector<16xi32>
          %add3A_324 = arith.addi %add3A_246, %add3A_323 : vector<16xi32>
          %gather3A_325 = tpu.vector_load_idx %arg23[%add3A_324, %broadcast_in_dim3A_1] : memref<512x16xf32, #tpu.memory_space<vmem>>[vector<16xi32>, vector<16xi32>], vector<16xf32>,
          %gather3A_326 = tpu.vector_load_idx %arg23[%add3A_324, %broadcast_in_dim3A_3] : memref<512x16xf32, #tpu.memory_space<vmem>>[vector<16xi32>, vector<16xi32>], vector<16xf32>,
          %gather3A_327 = tpu.vector_load_idx %arg23[%add3A_324, %broadcast_in_dim3A_5] : memref<512x16xf32, #tpu.memory_space<vmem>>[vector<16xi32>, vector<16xi32>], vector<16xf32>,
          %gather3A_328 = tpu.vector_load_idx %arg23[%add3A_324, %broadcast_in_dim3A_7] : memref<512x16xf32, #tpu.memory_space<vmem>>[vector<16xi32>, vector<16xi32>], vector<16xf32>,
          %mul3A_329 = arith.mulf %mul3A_321, %gather3A_325 : vector<16xf32>
          %add3A_330 = arith.addf %add3A_314, %mul3A_329 : vector<16xf32>
          %mul3A_331 = arith.mulf %mul3A_321, %gather3A_326 : vector<16xf32>
          %add3A_332 = arith.addf %add3A_316, %mul3A_331 : vector<16xf32>
          %mul3A_333 = arith.mulf %mul3A_321, %gather3A_327 : vector<16xf32>
          %add3A_334 = arith.addf %add3A_318, %mul3A_333 : vector<16xf32>
          %mul3A_335 = arith.mulf %mul3A_321, %gather3A_328 : vector<16xf32>
          %add3A_336 = arith.addf %add3A_320, %mul3A_335 : vector<16xf32>
          %mul3A_337 = arith.mulf %mul3A_276, %sub3A_273 : vector<16xf32>
          %add3A_338 = arith.constant 256 : i32
          %add3A_339 = vector.broadcast %add3A_338 : i32 to vector<16xi32>
          %add3A_340 = arith.addi %add3A_246, %add3A_339 : vector<16xi32>
          %gather3A_341 = tpu.vector_load_idx %arg23[%add3A_340, %broadcast_in_dim3A_1] : memref<512x16xf32, #tpu.memory_space<vmem>>[vector<16xi32>, vector<16xi32>], vector<16xf32>,
          %gather3A_342 = tpu.vector_load_idx %arg23[%add3A_340, %broadcast_in_dim3A_3] : memref<512x16xf32, #tpu.memory_space<vmem>>[vector<16xi32>, vector<16xi32>], vector<16xf32>,
          %gather3A_343 = tpu.vector_load_idx %arg23[%add3A_340, %broadcast_in_dim3A_5] : memref<512x16xf32, #tpu.memory_space<vmem>>[vector<16xi32>, vector<16xi32>], vector<16xf32>,
          %gather3A_344 = tpu.vector_load_idx %arg23[%add3A_340, %broadcast_in_dim3A_7] : memref<512x16xf32, #tpu.memory_space<vmem>>[vector<16xi32>, vector<16xi32>], vector<16xf32>,
          %mul3A_345 = arith.mulf %mul3A_337, %gather3A_341 : vector<16xf32>
          %add3A_346 = arith.addf %add3A_330, %mul3A_345 : vector<16xf32>
          %mul3A_347 = arith.mulf %mul3A_337, %gather3A_342 : vector<16xf32>
          %add3A_348 = arith.addf %add3A_332, %mul3A_347 : vector<16xf32>
          %mul3A_349 = arith.mulf %mul3A_337, %gather3A_343 : vector<16xf32>
          %add3A_350 = arith.addf %add3A_334, %mul3A_349 : vector<16xf32>
          %mul3A_351 = arith.mulf %mul3A_337, %gather3A_344 : vector<16xf32>
          %add3A_352 = arith.addf %add3A_336, %mul3A_351 : vector<16xf32>
          %mul3A_353 = arith.mulf %mul3A_276, %sub3A_264 : vector<16xf32>
          %add3A_354 = arith.constant 320 : i32
          %add3A_355 = vector.broadcast %add3A_354 : i32 to vector<16xi32>
          %add3A_356 = arith.addi %add3A_246, %add3A_355 : vector<16xi32>
          %gather3A_357 = tpu.vector_load_idx %arg23[%add3A_356, %broadcast_in_dim3A_1] : memref<512x16xf32, #tpu.memory_space<vmem>>[vector<16xi32>, vector<16xi32>], vector<16xf32>,
          %gather3A_358 = tpu.vector_load_idx %arg23[%add3A_356, %broadcast_in_dim3A_3] : memref<512x16xf32, #tpu.memory_space<vmem>>[vector<16xi32>, vector<16xi32>], vector<16xf32>,
          %gather3A_359 = tpu.vector_load_idx %arg23[%add3A_356, %broadcast_in_dim3A_5] : memref<512x16xf32, #tpu.memory_space<vmem>>[vector<16xi32>, vector<16xi32>], vector<16xf32>,
          %gather3A_360 = tpu.vector_load_idx %arg23[%add3A_356, %broadcast_in_dim3A_7] : memref<512x16xf32, #tpu.memory_space<vmem>>[vector<16xi32>, vector<16xi32>], vector<16xf32>,
          %mul3A_361 = arith.mulf %mul3A_353, %gather3A_357 : vector<16xf32>
          %add3A_362 = arith.addf %add3A_346, %mul3A_361 : vector<16xf32>
          %mul3A_363 = arith.mulf %mul3A_353, %gather3A_358 : vector<16xf32>
          %add3A_364 = arith.addf %add3A_348, %mul3A_363 : vector<16xf32>
          %mul3A_365 = arith.mulf %mul3A_353, %gather3A_359 : vector<16xf32>
          %add3A_366 = arith.addf %add3A_350, %mul3A_365 : vector<16xf32>
          %mul3A_367 = arith.mulf %mul3A_353, %gather3A_360 : vector<16xf32>
          %add3A_368 = arith.addf %add3A_352, %mul3A_367 : vector<16xf32>
          %mul3A_369 = arith.mulf %mul3A_277, %sub3A_273 : vector<16xf32>
          %add3A_370 = arith.constant 384 : i32
          %add3A_371 = vector.broadcast %add3A_370 : i32 to vector<16xi32>
          %add3A_372 = arith.addi %add3A_246, %add3A_371 : vector<16xi32>
          %gather3A_373 = tpu.vector_load_idx %arg23[%add3A_372, %broadcast_in_dim3A_1] : memref<512x16xf32, #tpu.memory_space<vmem>>[vector<16xi32>, vector<16xi32>], vector<16xf32>,
          %gather3A_374 = tpu.vector_load_idx %arg23[%add3A_372, %broadcast_in_dim3A_3] : memref<512x16xf32, #tpu.memory_space<vmem>>[vector<16xi32>, vector<16xi32>], vector<16xf32>,
          %gather3A_375 = tpu.vector_load_idx %arg23[%add3A_372, %broadcast_in_dim3A_5] : memref<512x16xf32, #tpu.memory_space<vmem>>[vector<16xi32>, vector<16xi32>], vector<16xf32>,
          %gather3A_376 = tpu.vector_load_idx %arg23[%add3A_372, %broadcast_in_dim3A_7] : memref<512x16xf32, #tpu.memory_space<vmem>>[vector<16xi32>, vector<16xi32>], vector<16xf32>,
          %mul3A_377 = arith.mulf %mul3A_369, %gather3A_373 : vector<16xf32>
          %add3A_378 = arith.addf %add3A_362, %mul3A_377 : vector<16xf32>
          %mul3A_379 = arith.mulf %mul3A_369, %gather3A_374 : vector<16xf32>
          %add3A_380 = arith.addf %add3A_364, %mul3A_379 : vector<16xf32>
          %mul3A_381 = arith.mulf %mul3A_369, %gather3A_375 : vector<16xf32>
          %add3A_382 = arith.addf %add3A_366, %mul3A_381 : vector<16xf32>
          %mul3A_383 = arith.mulf %mul3A_369, %gather3A_376 : vector<16xf32>
          %add3A_384 = arith.addf %add3A_368, %mul3A_383 : vector<16xf32>
          %mul3A_385 = arith.mulf %mul3A_277, %sub3A_264 : vector<16xf32>
          %add3A_386 = arith.constant 448 : i32
          %add3A_387 = vector.broadcast %add3A_386 : i32 to vector<16xi32>
          %add3A_388 = arith.addi %add3A_246, %add3A_387 : vector<16xi32>
          %gather3A_389 = tpu.vector_load_idx %arg23[%add3A_388, %broadcast_in_dim3A_1] : memref<512x16xf32, #tpu.memory_space<vmem>>[vector<16xi32>, vector<16xi32>], vector<16xf32>,
          %gather3A_390 = tpu.vector_load_idx %arg23[%add3A_388, %broadcast_in_dim3A_3] : memref<512x16xf32, #tpu.memory_space<vmem>>[vector<16xi32>, vector<16xi32>], vector<16xf32>,
          %gather3A_391 = tpu.vector_load_idx %arg23[%add3A_388, %broadcast_in_dim3A_5] : memref<512x16xf32, #tpu.memory_space<vmem>>[vector<16xi32>, vector<16xi32>], vector<16xf32>,
          %gather3A_392 = tpu.vector_load_idx %arg23[%add3A_388, %broadcast_in_dim3A_7] : memref<512x16xf32, #tpu.memory_space<vmem>>[vector<16xi32>, vector<16xi32>], vector<16xf32>,
          %mul3A_393 = arith.mulf %mul3A_385, %gather3A_389 : vector<16xf32>
          %add3A_394 = arith.addf %add3A_378, %mul3A_393 : vector<16xf32>
          %mul3A_395 = arith.mulf %mul3A_385, %gather3A_390 : vector<16xf32>
          %add3A_396 = arith.addf %add3A_380, %mul3A_395 : vector<16xf32>
          %mul3A_397 = arith.mulf %mul3A_385, %gather3A_391 : vector<16xf32>
          %add3A_398 = arith.addf %add3A_382, %mul3A_397 : vector<16xf32>
          %mul3A_399 = arith.mulf %mul3A_385, %gather3A_392 : vector<16xf32>
          %add3A_400 = arith.addf %add3A_384, %mul3A_399 : vector<16xf32>
          tpu.vector_store_idx %arg10[%broadcast_in_dim3A_25, %add3A_248], %add3A_394 : memref<32x512xf32, #tpu.memory_space<vmem>>[vector<16xi32>, vector<16xi32>], vector<16xf32>,
          tpu.vector_store_idx %arg10[%broadcast_in_dim3A_27, %add3A_248], %add3A_396 : memref<32x512xf32, #tpu.memory_space<vmem>>[vector<16xi32>, vector<16xi32>], vector<16xf32>,
          tpu.vector_store_idx %arg10[%broadcast_in_dim3A_57, %add3A_248], %add3A_398 : memref<32x512xf32, #tpu.memory_space<vmem>>[vector<16xi32>, vector<16xi32>], vector<16xf32>,
          tpu.vector_store_idx %arg10[%broadcast_in_dim3A_59, %add3A_248], %add3A_400 : memref<32x512xf32, #tpu.memory_space<vmem>>[vector<16xi32>, vector<16xi32>], vector<16xf32>,
        }
        %scan3A_206 = arith.constant 4 : i32
        %dma_wait3A_207 = arith.constant 0 : i32
        %dma_wait3A_208 = arith.constant 0 : i32
        %dma_wait3A_209 = tpu.memref_slice %arg5[%dma_wait3A_207, %dma_wait3A_208] : memref<4194304x16xf32, #tpu.memory_space<hbm>> -> memref<4194304x16xf32, #tpu.memory_space<hbm>>
        tpu.wait_indirect_dma semaphore(%arg32 : memref<!tpu.dma_semaphore, #tpu.memory_space<semaphore_mem>>) src(%dma_wait3A_209 : memref<4194304x16xf32, #tpu.memory_space<hbm>>) dst(%arg24 : memref<512x16xf32, #tpu.memory_space<vmem>>)
        %scan3A_210 = arith.constant 0 : i32
        %scan3A_211 = arith.constant 0 : i32
        %scan3A_212 = arith.constant 4 : i32
        %scan3A_213 = arith.addi %scan3A_211, %scan3A_212 : i32
        %scan3A_214 = arith.constant 1 : i32
        scf.for %scan3A_234 = %scan3A_211 to %scan3A_213 step %scan3A_214  : i32 {
          %mul3A_235 = arith.constant 16 : i32
          %mul3A_236 = arith.muli %scan3A_234, %mul3A_235 : i32
          %add3A_237 = arith.addi %mul3A_91, %mul3A_236 : i32
          %get3A = arith.index_cast %add3A_237 : i32 to index
          %get3A_238 = tpu.vector_load %arg7[%get3A] {strides = array<i32>} : memref<512xf32, #tpu.memory_space<vmem>>, vector<16xf32>,
          %add3A_239 = arith.addi %mul3A_91, %mul3A_236 : i32
          %get3A_240 = arith.index_cast %add3A_239 : i32 to index
          %get3A_241 = tpu.vector_load %arg8[%get3A_240] {strides = array<i32>} : memref<512xf32, #tpu.memory_space<vmem>>, vector<16xf32>,
          %add3A_242 = arith.addi %mul3A_91, %mul3A_236 : i32
          %get3A_243 = arith.index_cast %add3A_242 : i32 to index
          %get3A_244 = tpu.vector_load %arg9[%get3A_243] {strides = array<i32>} : memref<512xf32, #tpu.memory_space<vmem>>, vector<16xf32>,
          %add3A_245 = vector.broadcast %mul3A_236 : i32 to vector<16xi32>
          %add3A_246 = arith.addi %iota3A, %add3A_245 : vector<16xi32>
          %add3A_247 = vector.broadcast %mul3A_91 : i32 to vector<16xi32>
          %add3A_248 = arith.addi %add3A_246, %add3A_247 : vector<16xi32>
          %mul3A_249 = arith.constant 3.790000e+02 : f32
          %mul3A_250 = vector.broadcast %mul3A_249 : f32 to vector<16xf32>
          %mul3A_251 = arith.mulf %get3A_238, %mul3A_250 : vector<16xf32>
          %mul3A_252 = arith.constant 3.790000e+02 : f32
          %mul3A_253 = vector.broadcast %mul3A_252 : f32 to vector<16xf32>
          %mul3A_254 = arith.mulf %get3A_241, %mul3A_253 : vector<16xf32>
          %mul3A_255 = arith.constant 3.790000e+02 : f32
          %mul3A_256 = vector.broadcast %mul3A_255 : f32 to vector<16xf32>
          %mul3A_257 = arith.mulf %get3A_244, %mul3A_256 : vector<16xf32>
          %convert_element_type3A = arith.fptosi %mul3A_251 : vector<16xf32> to vector<16xi32>
          %convert_element_type3A_258 = arith.fptosi %mul3A_254 : vector<16xf32> to vector<16xi32>
          %convert_element_type3A_259 = arith.fptosi %mul3A_257 : vector<16xf32> to vector<16xi32>
          %convert_element_type3A_260 = arith.sitofp %convert_element_type3A : vector<16xi32> to vector<16xf32>
          %sub3A = arith.subf %mul3A_251, %convert_element_type3A_260 : vector<16xf32>
          %convert_element_type3A_261 = arith.sitofp %convert_element_type3A_258 : vector<16xi32> to vector<16xf32>
          %sub3A_262 = arith.subf %mul3A_254, %convert_element_type3A_261 : vector<16xf32>
          %convert_element_type3A_263 = arith.sitofp %convert_element_type3A_259 : vector<16xi32> to vector<16xf32>
          %sub3A_264 = arith.subf %mul3A_257, %convert_element_type3A_263 : vector<16xf32>
          %sub3A_265 = arith.constant 1.000000e+00 : f32
          %sub3A_266 = vector.broadcast %sub3A_265 : f32 to vector<16xf32>
          %sub3A_267 = arith.subf %sub3A_266, %sub3A : vector<16xf32>
          %sub3A_268 = arith.constant 1.000000e+00 : f32
          %sub3A_269 = vector.broadcast %sub3A_268 : f32 to vector<16xf32>
          %sub3A_270 = arith.subf %sub3A_269, %sub3A_262 : vector<16xf32>
          %sub3A_271 = arith.constant 1.000000e+00 : f32
          %sub3A_272 = vector.broadcast %sub3A_271 : f32 to vector<16xf32>
          %sub3A_273 = arith.subf %sub3A_272, %sub3A_264 : vector<16xf32>
          %mul3A_274 = arith.mulf %sub3A_267, %sub3A_270 : vector<16xf32>
          %mul3A_275 = arith.mulf %sub3A_267, %sub3A_262 : vector<16xf32>
          %mul3A_276 = arith.mulf %sub3A, %sub3A_270 : vector<16xf32>
          %mul3A_277 = arith.mulf %sub3A, %sub3A_262 : vector<16xf32>
          %mul3A_278 = arith.mulf %mul3A_274, %sub3A_273 : vector<16xf32>
          %add3A_279 = arith.constant 0 : i32
          %add3A_280 = vector.broadcast %add3A_279 : i32 to vector<16xi32>
          %add3A_281 = arith.addi %add3A_246, %add3A_280 : vector<16xi32>
          %gather3A = tpu.vector_load_idx %arg24[%add3A_281, %broadcast_in_dim3A_1] : memref<512x16xf32, #tpu.memory_space<vmem>>[vector<16xi32>, vector<16xi32>], vector<16xf32>,
          %gather3A_282 = tpu.vector_load_idx %arg24[%add3A_281, %broadcast_in_dim3A_3] : memref<512x16xf32, #tpu.memory_space<vmem>>[vector<16xi32>, vector<16xi32>], vector<16xf32>,
          %gather3A_283 = tpu.vector_load_idx %arg24[%add3A_281, %broadcast_in_dim3A_5] : memref<512x16xf32, #tpu.memory_space<vmem>>[vector<16xi32>, vector<16xi32>], vector<16xf32>,
          %gather3A_284 = tpu.vector_load_idx %arg24[%add3A_281, %broadcast_in_dim3A_7] : memref<512x16xf32, #tpu.memory_space<vmem>>[vector<16xi32>, vector<16xi32>], vector<16xf32>,
          %mul3A_285 = arith.mulf %mul3A_278, %gather3A : vector<16xf32>
          %mul3A_286 = arith.mulf %mul3A_278, %gather3A_282 : vector<16xf32>
          %mul3A_287 = arith.mulf %mul3A_278, %gather3A_283 : vector<16xf32>
          %mul3A_288 = arith.mulf %mul3A_278, %gather3A_284 : vector<16xf32>
          %mul3A_289 = arith.mulf %mul3A_274, %sub3A_264 : vector<16xf32>
          %add3A_290 = arith.constant 64 : i32
          %add3A_291 = vector.broadcast %add3A_290 : i32 to vector<16xi32>
          %add3A_292 = arith.addi %add3A_246, %add3A_291 : vector<16xi32>
          %gather3A_293 = tpu.vector_load_idx %arg24[%add3A_292, %broadcast_in_dim3A_1] : memref<512x16xf32, #tpu.memory_space<vmem>>[vector<16xi32>, vector<16xi32>], vector<16xf32>,
          %gather3A_294 = tpu.vector_load_idx %arg24[%add3A_292, %broadcast_in_dim3A_3] : memref<512x16xf32, #tpu.memory_space<vmem>>[vector<16xi32>, vector<16xi32>], vector<16xf32>,
          %gather3A_295 = tpu.vector_load_idx %arg24[%add3A_292, %broadcast_in_dim3A_5] : memref<512x16xf32, #tpu.memory_space<vmem>>[vector<16xi32>, vector<16xi32>], vector<16xf32>,
          %gather3A_296 = tpu.vector_load_idx %arg24[%add3A_292, %broadcast_in_dim3A_7] : memref<512x16xf32, #tpu.memory_space<vmem>>[vector<16xi32>, vector<16xi32>], vector<16xf32>,
          %mul3A_297 = arith.mulf %mul3A_289, %gather3A_293 : vector<16xf32>
          %add3A_298 = arith.addf %mul3A_285, %mul3A_297 : vector<16xf32>
          %mul3A_299 = arith.mulf %mul3A_289, %gather3A_294 : vector<16xf32>
          %add3A_300 = arith.addf %mul3A_286, %mul3A_299 : vector<16xf32>
          %mul3A_301 = arith.mulf %mul3A_289, %gather3A_295 : vector<16xf32>
          %add3A_302 = arith.addf %mul3A_287, %mul3A_301 : vector<16xf32>
          %mul3A_303 = arith.mulf %mul3A_289, %gather3A_296 : vector<16xf32>
          %add3A_304 = arith.addf %mul3A_288, %mul3A_303 : vector<16xf32>
          %mul3A_305 = arith.mulf %mul3A_275, %sub3A_273 : vector<16xf32>
          %add3A_306 = arith.constant 128 : i32
          %add3A_307 = vector.broadcast %add3A_306 : i32 to vector<16xi32>
          %add3A_308 = arith.addi %add3A_246, %add3A_307 : vector<16xi32>
          %gather3A_309 = tpu.vector_load_idx %arg24[%add3A_308, %broadcast_in_dim3A_1] : memref<512x16xf32, #tpu.memory_space<vmem>>[vector<16xi32>, vector<16xi32>], vector<16xf32>,
          %gather3A_310 = tpu.vector_load_idx %arg24[%add3A_308, %broadcast_in_dim3A_3] : memref<512x16xf32, #tpu.memory_space<vmem>>[vector<16xi32>, vector<16xi32>], vector<16xf32>,
          %gather3A_311 = tpu.vector_load_idx %arg24[%add3A_308, %broadcast_in_dim3A_5] : memref<512x16xf32, #tpu.memory_space<vmem>>[vector<16xi32>, vector<16xi32>], vector<16xf32>,
          %gather3A_312 = tpu.vector_load_idx %arg24[%add3A_308, %broadcast_in_dim3A_7] : memref<512x16xf32, #tpu.memory_space<vmem>>[vector<16xi32>, vector<16xi32>], vector<16xf32>,
          %mul3A_313 = arith.mulf %mul3A_305, %gather3A_309 : vector<16xf32>
          %add3A_314 = arith.addf %add3A_298, %mul3A_313 : vector<16xf32>
          %mul3A_315 = arith.mulf %mul3A_305, %gather3A_310 : vector<16xf32>
          %add3A_316 = arith.addf %add3A_300, %mul3A_315 : vector<16xf32>
          %mul3A_317 = arith.mulf %mul3A_305, %gather3A_311 : vector<16xf32>
          %add3A_318 = arith.addf %add3A_302, %mul3A_317 : vector<16xf32>
          %mul3A_319 = arith.mulf %mul3A_305, %gather3A_312 : vector<16xf32>
          %add3A_320 = arith.addf %add3A_304, %mul3A_319 : vector<16xf32>
          %mul3A_321 = arith.mulf %mul3A_275, %sub3A_264 : vector<16xf32>
          %add3A_322 = arith.constant 192 : i32
          %add3A_323 = vector.broadcast %add3A_322 : i32 to vector<16xi32>
          %add3A_324 = arith.addi %add3A_246, %add3A_323 : vector<16xi32>
          %gather3A_325 = tpu.vector_load_idx %arg24[%add3A_324, %broadcast_in_dim3A_1] : memref<512x16xf32, #tpu.memory_space<vmem>>[vector<16xi32>, vector<16xi32>], vector<16xf32>,
          %gather3A_326 = tpu.vector_load_idx %arg24[%add3A_324, %broadcast_in_dim3A_3] : memref<512x16xf32, #tpu.memory_space<vmem>>[vector<16xi32>, vector<16xi32>], vector<16xf32>,
          %gather3A_327 = tpu.vector_load_idx %arg24[%add3A_324, %broadcast_in_dim3A_5] : memref<512x16xf32, #tpu.memory_space<vmem>>[vector<16xi32>, vector<16xi32>], vector<16xf32>,
          %gather3A_328 = tpu.vector_load_idx %arg24[%add3A_324, %broadcast_in_dim3A_7] : memref<512x16xf32, #tpu.memory_space<vmem>>[vector<16xi32>, vector<16xi32>], vector<16xf32>,
          %mul3A_329 = arith.mulf %mul3A_321, %gather3A_325 : vector<16xf32>
          %add3A_330 = arith.addf %add3A_314, %mul3A_329 : vector<16xf32>
          %mul3A_331 = arith.mulf %mul3A_321, %gather3A_326 : vector<16xf32>
          %add3A_332 = arith.addf %add3A_316, %mul3A_331 : vector<16xf32>
          %mul3A_333 = arith.mulf %mul3A_321, %gather3A_327 : vector<16xf32>
          %add3A_334 = arith.addf %add3A_318, %mul3A_333 : vector<16xf32>
          %mul3A_335 = arith.mulf %mul3A_321, %gather3A_328 : vector<16xf32>
          %add3A_336 = arith.addf %add3A_320, %mul3A_335 : vector<16xf32>
          %mul3A_337 = arith.mulf %mul3A_276, %sub3A_273 : vector<16xf32>
          %add3A_338 = arith.constant 256 : i32
          %add3A_339 = vector.broadcast %add3A_338 : i32 to vector<16xi32>
          %add3A_340 = arith.addi %add3A_246, %add3A_339 : vector<16xi32>
          %gather3A_341 = tpu.vector_load_idx %arg24[%add3A_340, %broadcast_in_dim3A_1] : memref<512x16xf32, #tpu.memory_space<vmem>>[vector<16xi32>, vector<16xi32>], vector<16xf32>,
          %gather3A_342 = tpu.vector_load_idx %arg24[%add3A_340, %broadcast_in_dim3A_3] : memref<512x16xf32, #tpu.memory_space<vmem>>[vector<16xi32>, vector<16xi32>], vector<16xf32>,
          %gather3A_343 = tpu.vector_load_idx %arg24[%add3A_340, %broadcast_in_dim3A_5] : memref<512x16xf32, #tpu.memory_space<vmem>>[vector<16xi32>, vector<16xi32>], vector<16xf32>,
          %gather3A_344 = tpu.vector_load_idx %arg24[%add3A_340, %broadcast_in_dim3A_7] : memref<512x16xf32, #tpu.memory_space<vmem>>[vector<16xi32>, vector<16xi32>], vector<16xf32>,
          %mul3A_345 = arith.mulf %mul3A_337, %gather3A_341 : vector<16xf32>
          %add3A_346 = arith.addf %add3A_330, %mul3A_345 : vector<16xf32>
          %mul3A_347 = arith.mulf %mul3A_337, %gather3A_342 : vector<16xf32>
          %add3A_348 = arith.addf %add3A_332, %mul3A_347 : vector<16xf32>
          %mul3A_349 = arith.mulf %mul3A_337, %gather3A_343 : vector<16xf32>
          %add3A_350 = arith.addf %add3A_334, %mul3A_349 : vector<16xf32>
          %mul3A_351 = arith.mulf %mul3A_337, %gather3A_344 : vector<16xf32>
          %add3A_352 = arith.addf %add3A_336, %mul3A_351 : vector<16xf32>
          %mul3A_353 = arith.mulf %mul3A_276, %sub3A_264 : vector<16xf32>
          %add3A_354 = arith.constant 320 : i32
          %add3A_355 = vector.broadcast %add3A_354 : i32 to vector<16xi32>
          %add3A_356 = arith.addi %add3A_246, %add3A_355 : vector<16xi32>
          %gather3A_357 = tpu.vector_load_idx %arg24[%add3A_356, %broadcast_in_dim3A_1] : memref<512x16xf32, #tpu.memory_space<vmem>>[vector<16xi32>, vector<16xi32>], vector<16xf32>,
          %gather3A_358 = tpu.vector_load_idx %arg24[%add3A_356, %broadcast_in_dim3A_3] : memref<512x16xf32, #tpu.memory_space<vmem>>[vector<16xi32>, vector<16xi32>], vector<16xf32>,
          %gather3A_359 = tpu.vector_load_idx %arg24[%add3A_356, %broadcast_in_dim3A_5] : memref<512x16xf32, #tpu.memory_space<vmem>>[vector<16xi32>, vector<16xi32>], vector<16xf32>,
          %gather3A_360 = tpu.vector_load_idx %arg24[%add3A_356, %broadcast_in_dim3A_7] : memref<512x16xf32, #tpu.memory_space<vmem>>[vector<16xi32>, vector<16xi32>], vector<16xf32>,
          %mul3A_361 = arith.mulf %mul3A_353, %gather3A_357 : vector<16xf32>
          %add3A_362 = arith.addf %add3A_346, %mul3A_361 : vector<16xf32>
          %mul3A_363 = arith.mulf %mul3A_353, %gather3A_358 : vector<16xf32>
          %add3A_364 = arith.addf %add3A_348, %mul3A_363 : vector<16xf32>
          %mul3A_365 = arith.mulf %mul3A_353, %gather3A_359 : vector<16xf32>
          %add3A_366 = arith.addf %add3A_350, %mul3A_365 : vector<16xf32>
          %mul3A_367 = arith.mulf %mul3A_353, %gather3A_360 : vector<16xf32>
          %add3A_368 = arith.addf %add3A_352, %mul3A_367 : vector<16xf32>
          %mul3A_369 = arith.mulf %mul3A_277, %sub3A_273 : vector<16xf32>
          %add3A_370 = arith.constant 384 : i32
          %add3A_371 = vector.broadcast %add3A_370 : i32 to vector<16xi32>
          %add3A_372 = arith.addi %add3A_246, %add3A_371 : vector<16xi32>
          %gather3A_373 = tpu.vector_load_idx %arg24[%add3A_372, %broadcast_in_dim3A_1] : memref<512x16xf32, #tpu.memory_space<vmem>>[vector<16xi32>, vector<16xi32>], vector<16xf32>,
          %gather3A_374 = tpu.vector_load_idx %arg24[%add3A_372, %broadcast_in_dim3A_3] : memref<512x16xf32, #tpu.memory_space<vmem>>[vector<16xi32>, vector<16xi32>], vector<16xf32>,
          %gather3A_375 = tpu.vector_load_idx %arg24[%add3A_372, %broadcast_in_dim3A_5] : memref<512x16xf32, #tpu.memory_space<vmem>>[vector<16xi32>, vector<16xi32>], vector<16xf32>,
          %gather3A_376 = tpu.vector_load_idx %arg24[%add3A_372, %broadcast_in_dim3A_7] : memref<512x16xf32, #tpu.memory_space<vmem>>[vector<16xi32>, vector<16xi32>], vector<16xf32>,
          %mul3A_377 = arith.mulf %mul3A_369, %gather3A_373 : vector<16xf32>
          %add3A_378 = arith.addf %add3A_362, %mul3A_377 : vector<16xf32>
          %mul3A_379 = arith.mulf %mul3A_369, %gather3A_374 : vector<16xf32>
          %add3A_380 = arith.addf %add3A_364, %mul3A_379 : vector<16xf32>
          %mul3A_381 = arith.mulf %mul3A_369, %gather3A_375 : vector<16xf32>
          %add3A_382 = arith.addf %add3A_366, %mul3A_381 : vector<16xf32>
          %mul3A_383 = arith.mulf %mul3A_369, %gather3A_376 : vector<16xf32>
          %add3A_384 = arith.addf %add3A_368, %mul3A_383 : vector<16xf32>
          %mul3A_385 = arith.mulf %mul3A_277, %sub3A_264 : vector<16xf32>
          %add3A_386 = arith.constant 448 : i32
          %add3A_387 = vector.broadcast %add3A_386 : i32 to vector<16xi32>
          %add3A_388 = arith.addi %add3A_246, %add3A_387 : vector<16xi32>
          %gather3A_389 = tpu.vector_load_idx %arg24[%add3A_388, %broadcast_in_dim3A_1] : memref<512x16xf32, #tpu.memory_space<vmem>>[vector<16xi32>, vector<16xi32>], vector<16xf32>,
          %gather3A_390 = tpu.vector_load_idx %arg24[%add3A_388, %broadcast_in_dim3A_3] : memref<512x16xf32, #tpu.memory_space<vmem>>[vector<16xi32>, vector<16xi32>], vector<16xf32>,
          %gather3A_391 = tpu.vector_load_idx %arg24[%add3A_388, %broadcast_in_dim3A_5] : memref<512x16xf32, #tpu.memory_space<vmem>>[vector<16xi32>, vector<16xi32>], vector<16xf32>,
          %gather3A_392 = tpu.vector_load_idx %arg24[%add3A_388, %broadcast_in_dim3A_7] : memref<512x16xf32, #tpu.memory_space<vmem>>[vector<16xi32>, vector<16xi32>], vector<16xf32>,
          %mul3A_393 = arith.mulf %mul3A_385, %gather3A_389 : vector<16xf32>
          %add3A_394 = arith.addf %add3A_378, %mul3A_393 : vector<16xf32>
          %mul3A_395 = arith.mulf %mul3A_385, %gather3A_390 : vector<16xf32>
          %add3A_396 = arith.addf %add3A_380, %mul3A_395 : vector<16xf32>
          %mul3A_397 = arith.mulf %mul3A_385, %gather3A_391 : vector<16xf32>
          %add3A_398 = arith.addf %add3A_382, %mul3A_397 : vector<16xf32>
          %mul3A_399 = arith.mulf %mul3A_385, %gather3A_392 : vector<16xf32>
          %add3A_400 = arith.addf %add3A_384, %mul3A_399 : vector<16xf32>
          tpu.vector_store_idx %arg10[%broadcast_in_dim3A_29, %add3A_248], %add3A_394 : memref<32x512xf32, #tpu.memory_space<vmem>>[vector<16xi32>, vector<16xi32>], vector<16xf32>,
          tpu.vector_store_idx %arg10[%broadcast_in_dim3A_31, %add3A_248], %add3A_396 : memref<32x512xf32, #tpu.memory_space<vmem>>[vector<16xi32>, vector<16xi32>], vector<16xf32>,
          tpu.vector_store_idx %arg10[%broadcast_in_dim3A_61, %add3A_248], %add3A_398 : memref<32x512xf32, #tpu.memory_space<vmem>>[vector<16xi32>, vector<16xi32>], vector<16xf32>,
          tpu.vector_store_idx %arg10[%broadcast_in_dim3A_63, %add3A_248], %add3A_400 : memref<32x512xf32, #tpu.memory_space<vmem>>[vector<16xi32>, vector<16xi32>], vector<16xf32>,
        }
        %scan3A_215 = arith.constant 4 : i32
        %dma_wait3A_216 = arith.constant 0 : i32
        %dma_wait3A_217 = arith.constant 0 : i32
        %dma_wait3A_218 = tpu.memref_slice %arg5[%dma_wait3A_216, %dma_wait3A_217] : memref<4194304x16xf32, #tpu.memory_space<hbm>> -> memref<4194304x16xf32, #tpu.memory_space<hbm>>
        tpu.wait_indirect_dma semaphore(%arg33 : memref<!tpu.dma_semaphore, #tpu.memory_space<semaphore_mem>>) src(%dma_wait3A_218 : memref<4194304x16xf32, #tpu.memory_space<hbm>>) dst(%arg25 : memref<512x16xf32, #tpu.memory_space<vmem>>)
        %scan3A_219 = arith.constant 0 : i32
        %scan3A_220 = arith.constant 0 : i32
        %scan3A_221 = arith.constant 4 : i32
        %scan3A_222 = arith.addi %scan3A_220, %scan3A_221 : i32
        %scan3A_223 = arith.constant 1 : i32
        scf.for %scan3A_234 = %scan3A_220 to %scan3A_222 step %scan3A_223  : i32 {
          %mul3A_235 = arith.constant 16 : i32
          %mul3A_236 = arith.muli %scan3A_234, %mul3A_235 : i32
          %add3A_237 = arith.addi %mul3A_91, %mul3A_236 : i32
          %get3A = arith.index_cast %add3A_237 : i32 to index
          %get3A_238 = tpu.vector_load %arg7[%get3A] {strides = array<i32>} : memref<512xf32, #tpu.memory_space<vmem>>, vector<16xf32>,
          %add3A_239 = arith.addi %mul3A_91, %mul3A_236 : i32
          %get3A_240 = arith.index_cast %add3A_239 : i32 to index
          %get3A_241 = tpu.vector_load %arg8[%get3A_240] {strides = array<i32>} : memref<512xf32, #tpu.memory_space<vmem>>, vector<16xf32>,
          %add3A_242 = arith.addi %mul3A_91, %mul3A_236 : i32
          %get3A_243 = arith.index_cast %add3A_242 : i32 to index
          %get3A_244 = tpu.vector_load %arg9[%get3A_243] {strides = array<i32>} : memref<512xf32, #tpu.memory_space<vmem>>, vector<16xf32>,
          %add3A_245 = vector.broadcast %mul3A_236 : i32 to vector<16xi32>
          %add3A_246 = arith.addi %iota3A, %add3A_245 : vector<16xi32>
          %add3A_247 = vector.broadcast %mul3A_91 : i32 to vector<16xi32>
          %add3A_248 = arith.addi %add3A_246, %add3A_247 : vector<16xi32>
          %mul3A_249 = arith.constant 6.230000e+02 : f32
          %mul3A_250 = vector.broadcast %mul3A_249 : f32 to vector<16xf32>
          %mul3A_251 = arith.mulf %get3A_238, %mul3A_250 : vector<16xf32>
          %mul3A_252 = arith.constant 6.230000e+02 : f32
          %mul3A_253 = vector.broadcast %mul3A_252 : f32 to vector<16xf32>
          %mul3A_254 = arith.mulf %get3A_241, %mul3A_253 : vector<16xf32>
          %mul3A_255 = arith.constant 6.230000e+02 : f32
          %mul3A_256 = vector.broadcast %mul3A_255 : f32 to vector<16xf32>
          %mul3A_257 = arith.mulf %get3A_244, %mul3A_256 : vector<16xf32>
          %convert_element_type3A = arith.fptosi %mul3A_251 : vector<16xf32> to vector<16xi32>
          %convert_element_type3A_258 = arith.fptosi %mul3A_254 : vector<16xf32> to vector<16xi32>
          %convert_element_type3A_259 = arith.fptosi %mul3A_257 : vector<16xf32> to vector<16xi32>
          %convert_element_type3A_260 = arith.sitofp %convert_element_type3A : vector<16xi32> to vector<16xf32>
          %sub3A = arith.subf %mul3A_251, %convert_element_type3A_260 : vector<16xf32>
          %convert_element_type3A_261 = arith.sitofp %convert_element_type3A_258 : vector<16xi32> to vector<16xf32>
          %sub3A_262 = arith.subf %mul3A_254, %convert_element_type3A_261 : vector<16xf32>
          %convert_element_type3A_263 = arith.sitofp %convert_element_type3A_259 : vector<16xi32> to vector<16xf32>
          %sub3A_264 = arith.subf %mul3A_257, %convert_element_type3A_263 : vector<16xf32>
          %sub3A_265 = arith.constant 1.000000e+00 : f32
          %sub3A_266 = vector.broadcast %sub3A_265 : f32 to vector<16xf32>
          %sub3A_267 = arith.subf %sub3A_266, %sub3A : vector<16xf32>
          %sub3A_268 = arith.constant 1.000000e+00 : f32
          %sub3A_269 = vector.broadcast %sub3A_268 : f32 to vector<16xf32>
          %sub3A_270 = arith.subf %sub3A_269, %sub3A_262 : vector<16xf32>
          %sub3A_271 = arith.constant 1.000000e+00 : f32
          %sub3A_272 = vector.broadcast %sub3A_271 : f32 to vector<16xf32>
          %sub3A_273 = arith.subf %sub3A_272, %sub3A_264 : vector<16xf32>
          %mul3A_274 = arith.mulf %sub3A_267, %sub3A_270 : vector<16xf32>
          %mul3A_275 = arith.mulf %sub3A_267, %sub3A_262 : vector<16xf32>
          %mul3A_276 = arith.mulf %sub3A, %sub3A_270 : vector<16xf32>
          %mul3A_277 = arith.mulf %sub3A, %sub3A_262 : vector<16xf32>
          %mul3A_278 = arith.mulf %mul3A_274, %sub3A_273 : vector<16xf32>
          %add3A_279 = arith.constant 0 : i32
          %add3A_280 = vector.broadcast %add3A_279 : i32 to vector<16xi32>
          %add3A_281 = arith.addi %add3A_246, %add3A_280 : vector<16xi32>
          %gather3A = tpu.vector_load_idx %arg25[%add3A_281, %broadcast_in_dim3A_1] : memref<512x16xf32, #tpu.memory_space<vmem>>[vector<16xi32>, vector<16xi32>], vector<16xf32>,
          %gather3A_282 = tpu.vector_load_idx %arg25[%add3A_281, %broadcast_in_dim3A_3] : memref<512x16xf32, #tpu.memory_space<vmem>>[vector<16xi32>, vector<16xi32>], vector<16xf32>,
          %gather3A_283 = tpu.vector_load_idx %arg25[%add3A_281, %broadcast_in_dim3A_5] : memref<512x16xf32, #tpu.memory_space<vmem>>[vector<16xi32>, vector<16xi32>], vector<16xf32>,
          %gather3A_284 = tpu.vector_load_idx %arg25[%add3A_281, %broadcast_in_dim3A_7] : memref<512x16xf32, #tpu.memory_space<vmem>>[vector<16xi32>, vector<16xi32>], vector<16xf32>,
          %mul3A_285 = arith.mulf %mul3A_278, %gather3A : vector<16xf32>
          %mul3A_286 = arith.mulf %mul3A_278, %gather3A_282 : vector<16xf32>
          %mul3A_287 = arith.mulf %mul3A_278, %gather3A_283 : vector<16xf32>
          %mul3A_288 = arith.mulf %mul3A_278, %gather3A_284 : vector<16xf32>
          %mul3A_289 = arith.mulf %mul3A_274, %sub3A_264 : vector<16xf32>
          %add3A_290 = arith.constant 64 : i32
          %add3A_291 = vector.broadcast %add3A_290 : i32 to vector<16xi32>
          %add3A_292 = arith.addi %add3A_246, %add3A_291 : vector<16xi32>
          %gather3A_293 = tpu.vector_load_idx %arg25[%add3A_292, %broadcast_in_dim3A_1] : memref<512x16xf32, #tpu.memory_space<vmem>>[vector<16xi32>, vector<16xi32>], vector<16xf32>,
          %gather3A_294 = tpu.vector_load_idx %arg25[%add3A_292, %broadcast_in_dim3A_3] : memref<512x16xf32, #tpu.memory_space<vmem>>[vector<16xi32>, vector<16xi32>], vector<16xf32>,
          %gather3A_295 = tpu.vector_load_idx %arg25[%add3A_292, %broadcast_in_dim3A_5] : memref<512x16xf32, #tpu.memory_space<vmem>>[vector<16xi32>, vector<16xi32>], vector<16xf32>,
          %gather3A_296 = tpu.vector_load_idx %arg25[%add3A_292, %broadcast_in_dim3A_7] : memref<512x16xf32, #tpu.memory_space<vmem>>[vector<16xi32>, vector<16xi32>], vector<16xf32>,
          %mul3A_297 = arith.mulf %mul3A_289, %gather3A_293 : vector<16xf32>
          %add3A_298 = arith.addf %mul3A_285, %mul3A_297 : vector<16xf32>
          %mul3A_299 = arith.mulf %mul3A_289, %gather3A_294 : vector<16xf32>
          %add3A_300 = arith.addf %mul3A_286, %mul3A_299 : vector<16xf32>
          %mul3A_301 = arith.mulf %mul3A_289, %gather3A_295 : vector<16xf32>
          %add3A_302 = arith.addf %mul3A_287, %mul3A_301 : vector<16xf32>
          %mul3A_303 = arith.mulf %mul3A_289, %gather3A_296 : vector<16xf32>
          %add3A_304 = arith.addf %mul3A_288, %mul3A_303 : vector<16xf32>
          %mul3A_305 = arith.mulf %mul3A_275, %sub3A_273 : vector<16xf32>
          %add3A_306 = arith.constant 128 : i32
          %add3A_307 = vector.broadcast %add3A_306 : i32 to vector<16xi32>
          %add3A_308 = arith.addi %add3A_246, %add3A_307 : vector<16xi32>
          %gather3A_309 = tpu.vector_load_idx %arg25[%add3A_308, %broadcast_in_dim3A_1] : memref<512x16xf32, #tpu.memory_space<vmem>>[vector<16xi32>, vector<16xi32>], vector<16xf32>,
          %gather3A_310 = tpu.vector_load_idx %arg25[%add3A_308, %broadcast_in_dim3A_3] : memref<512x16xf32, #tpu.memory_space<vmem>>[vector<16xi32>, vector<16xi32>], vector<16xf32>,
          %gather3A_311 = tpu.vector_load_idx %arg25[%add3A_308, %broadcast_in_dim3A_5] : memref<512x16xf32, #tpu.memory_space<vmem>>[vector<16xi32>, vector<16xi32>], vector<16xf32>,
          %gather3A_312 = tpu.vector_load_idx %arg25[%add3A_308, %broadcast_in_dim3A_7] : memref<512x16xf32, #tpu.memory_space<vmem>>[vector<16xi32>, vector<16xi32>], vector<16xf32>,
          %mul3A_313 = arith.mulf %mul3A_305, %gather3A_309 : vector<16xf32>
          %add3A_314 = arith.addf %add3A_298, %mul3A_313 : vector<16xf32>
          %mul3A_315 = arith.mulf %mul3A_305, %gather3A_310 : vector<16xf32>
          %add3A_316 = arith.addf %add3A_300, %mul3A_315 : vector<16xf32>
          %mul3A_317 = arith.mulf %mul3A_305, %gather3A_311 : vector<16xf32>
          %add3A_318 = arith.addf %add3A_302, %mul3A_317 : vector<16xf32>
          %mul3A_319 = arith.mulf %mul3A_305, %gather3A_312 : vector<16xf32>
          %add3A_320 = arith.addf %add3A_304, %mul3A_319 : vector<16xf32>
          %mul3A_321 = arith.mulf %mul3A_275, %sub3A_264 : vector<16xf32>
          %add3A_322 = arith.constant 192 : i32
          %add3A_323 = vector.broadcast %add3A_322 : i32 to vector<16xi32>
          %add3A_324 = arith.addi %add3A_246, %add3A_323 : vector<16xi32>
          %gather3A_325 = tpu.vector_load_idx %arg25[%add3A_324, %broadcast_in_dim3A_1] : memref<512x16xf32, #tpu.memory_space<vmem>>[vector<16xi32>, vector<16xi32>], vector<16xf32>,
          %gather3A_326 = tpu.vector_load_idx %arg25[%add3A_324, %broadcast_in_dim3A_3] : memref<512x16xf32, #tpu.memory_space<vmem>>[vector<16xi32>, vector<16xi32>], vector<16xf32>,
          %gather3A_327 = tpu.vector_load_idx %arg25[%add3A_324, %broadcast_in_dim3A_5] : memref<512x16xf32, #tpu.memory_space<vmem>>[vector<16xi32>, vector<16xi32>], vector<16xf32>,
          %gather3A_328 = tpu.vector_load_idx %arg25[%add3A_324, %broadcast_in_dim3A_7] : memref<512x16xf32, #tpu.memory_space<vmem>>[vector<16xi32>, vector<16xi32>], vector<16xf32>,
          %mul3A_329 = arith.mulf %mul3A_321, %gather3A_325 : vector<16xf32>
          %add3A_330 = arith.addf %add3A_314, %mul3A_329 : vector<16xf32>
          %mul3A_331 = arith.mulf %mul3A_321, %gather3A_326 : vector<16xf32>
          %add3A_332 = arith.addf %add3A_316, %mul3A_331 : vector<16xf32>
          %mul3A_333 = arith.mulf %mul3A_321, %gather3A_327 : vector<16xf32>
          %add3A_334 = arith.addf %add3A_318, %mul3A_333 : vector<16xf32>
          %mul3A_335 = arith.mulf %mul3A_321, %gather3A_328 : vector<16xf32>
          %add3A_336 = arith.addf %add3A_320, %mul3A_335 : vector<16xf32>
          %mul3A_337 = arith.mulf %mul3A_276, %sub3A_273 : vector<16xf32>
          %add3A_338 = arith.constant 256 : i32
          %add3A_339 = vector.broadcast %add3A_338 : i32 to vector<16xi32>
          %add3A_340 = arith.addi %add3A_246, %add3A_339 : vector<16xi32>
          %gather3A_341 = tpu.vector_load_idx %arg25[%add3A_340, %broadcast_in_dim3A_1] : memref<512x16xf32, #tpu.memory_space<vmem>>[vector<16xi32>, vector<16xi32>], vector<16xf32>,
          %gather3A_342 = tpu.vector_load_idx %arg25[%add3A_340, %broadcast_in_dim3A_3] : memref<512x16xf32, #tpu.memory_space<vmem>>[vector<16xi32>, vector<16xi32>], vector<16xf32>,
          %gather3A_343 = tpu.vector_load_idx %arg25[%add3A_340, %broadcast_in_dim3A_5] : memref<512x16xf32, #tpu.memory_space<vmem>>[vector<16xi32>, vector<16xi32>], vector<16xf32>,
          %gather3A_344 = tpu.vector_load_idx %arg25[%add3A_340, %broadcast_in_dim3A_7] : memref<512x16xf32, #tpu.memory_space<vmem>>[vector<16xi32>, vector<16xi32>], vector<16xf32>,
          %mul3A_345 = arith.mulf %mul3A_337, %gather3A_341 : vector<16xf32>
          %add3A_346 = arith.addf %add3A_330, %mul3A_345 : vector<16xf32>
          %mul3A_347 = arith.mulf %mul3A_337, %gather3A_342 : vector<16xf32>
          %add3A_348 = arith.addf %add3A_332, %mul3A_347 : vector<16xf32>
          %mul3A_349 = arith.mulf %mul3A_337, %gather3A_343 : vector<16xf32>
          %add3A_350 = arith.addf %add3A_334, %mul3A_349 : vector<16xf32>
          %mul3A_351 = arith.mulf %mul3A_337, %gather3A_344 : vector<16xf32>
          %add3A_352 = arith.addf %add3A_336, %mul3A_351 : vector<16xf32>
          %mul3A_353 = arith.mulf %mul3A_276, %sub3A_264 : vector<16xf32>
          %add3A_354 = arith.constant 320 : i32
          %add3A_355 = vector.broadcast %add3A_354 : i32 to vector<16xi32>
          %add3A_356 = arith.addi %add3A_246, %add3A_355 : vector<16xi32>
          %gather3A_357 = tpu.vector_load_idx %arg25[%add3A_356, %broadcast_in_dim3A_1] : memref<512x16xf32, #tpu.memory_space<vmem>>[vector<16xi32>, vector<16xi32>], vector<16xf32>,
          %gather3A_358 = tpu.vector_load_idx %arg25[%add3A_356, %broadcast_in_dim3A_3] : memref<512x16xf32, #tpu.memory_space<vmem>>[vector<16xi32>, vector<16xi32>], vector<16xf32>,
          %gather3A_359 = tpu.vector_load_idx %arg25[%add3A_356, %broadcast_in_dim3A_5] : memref<512x16xf32, #tpu.memory_space<vmem>>[vector<16xi32>, vector<16xi32>], vector<16xf32>,
          %gather3A_360 = tpu.vector_load_idx %arg25[%add3A_356, %broadcast_in_dim3A_7] : memref<512x16xf32, #tpu.memory_space<vmem>>[vector<16xi32>, vector<16xi32>], vector<16xf32>,
          %mul3A_361 = arith.mulf %mul3A_353, %gather3A_357 : vector<16xf32>
          %add3A_362 = arith.addf %add3A_346, %mul3A_361 : vector<16xf32>
          %mul3A_363 = arith.mulf %mul3A_353, %gather3A_358 : vector<16xf32>
          %add3A_364 = arith.addf %add3A_348, %mul3A_363 : vector<16xf32>
          %mul3A_365 = arith.mulf %mul3A_353, %gather3A_359 : vector<16xf32>
          %add3A_366 = arith.addf %add3A_350, %mul3A_365 : vector<16xf32>
          %mul3A_367 = arith.mulf %mul3A_353, %gather3A_360 : vector<16xf32>
          %add3A_368 = arith.addf %add3A_352, %mul3A_367 : vector<16xf32>
          %mul3A_369 = arith.mulf %mul3A_277, %sub3A_273 : vector<16xf32>
          %add3A_370 = arith.constant 384 : i32
          %add3A_371 = vector.broadcast %add3A_370 : i32 to vector<16xi32>
          %add3A_372 = arith.addi %add3A_246, %add3A_371 : vector<16xi32>
          %gather3A_373 = tpu.vector_load_idx %arg25[%add3A_372, %broadcast_in_dim3A_1] : memref<512x16xf32, #tpu.memory_space<vmem>>[vector<16xi32>, vector<16xi32>], vector<16xf32>,
          %gather3A_374 = tpu.vector_load_idx %arg25[%add3A_372, %broadcast_in_dim3A_3] : memref<512x16xf32, #tpu.memory_space<vmem>>[vector<16xi32>, vector<16xi32>], vector<16xf32>,
          %gather3A_375 = tpu.vector_load_idx %arg25[%add3A_372, %broadcast_in_dim3A_5] : memref<512x16xf32, #tpu.memory_space<vmem>>[vector<16xi32>, vector<16xi32>], vector<16xf32>,
          %gather3A_376 = tpu.vector_load_idx %arg25[%add3A_372, %broadcast_in_dim3A_7] : memref<512x16xf32, #tpu.memory_space<vmem>>[vector<16xi32>, vector<16xi32>], vector<16xf32>,
          %mul3A_377 = arith.mulf %mul3A_369, %gather3A_373 : vector<16xf32>
          %add3A_378 = arith.addf %add3A_362, %mul3A_377 : vector<16xf32>
          %mul3A_379 = arith.mulf %mul3A_369, %gather3A_374 : vector<16xf32>
          %add3A_380 = arith.addf %add3A_364, %mul3A_379 : vector<16xf32>
          %mul3A_381 = arith.mulf %mul3A_369, %gather3A_375 : vector<16xf32>
          %add3A_382 = arith.addf %add3A_366, %mul3A_381 : vector<16xf32>
          %mul3A_383 = arith.mulf %mul3A_369, %gather3A_376 : vector<16xf32>
          %add3A_384 = arith.addf %add3A_368, %mul3A_383 : vector<16xf32>
          %mul3A_385 = arith.mulf %mul3A_277, %sub3A_264 : vector<16xf32>
          %add3A_386 = arith.constant 448 : i32
          %add3A_387 = vector.broadcast %add3A_386 : i32 to vector<16xi32>
          %add3A_388 = arith.addi %add3A_246, %add3A_387 : vector<16xi32>
          %gather3A_389 = tpu.vector_load_idx %arg25[%add3A_388, %broadcast_in_dim3A_1] : memref<512x16xf32, #tpu.memory_space<vmem>>[vector<16xi32>, vector<16xi32>], vector<16xf32>,
          %gather3A_390 = tpu.vector_load_idx %arg25[%add3A_388, %broadcast_in_dim3A_3] : memref<512x16xf32, #tpu.memory_space<vmem>>[vector<16xi32>, vector<16xi32>], vector<16xf32>,
          %gather3A_391 = tpu.vector_load_idx %arg25[%add3A_388, %broadcast_in_dim3A_5] : memref<512x16xf32, #tpu.memory_space<vmem>>[vector<16xi32>, vector<16xi32>], vector<16xf32>,
          %gather3A_392 = tpu.vector_load_idx %arg25[%add3A_388, %broadcast_in_dim3A_7] : memref<512x16xf32, #tpu.memory_space<vmem>>[vector<16xi32>, vector<16xi32>], vector<16xf32>,
          %mul3A_393 = arith.mulf %mul3A_385, %gather3A_389 : vector<16xf32>
          %add3A_394 = arith.addf %add3A_378, %mul3A_393 : vector<16xf32>
          %mul3A_395 = arith.mulf %mul3A_385, %gather3A_390 : vector<16xf32>
          %add3A_396 = arith.addf %add3A_380, %mul3A_395 : vector<16xf32>
          %mul3A_397 = arith.mulf %mul3A_385, %gather3A_391 : vector<16xf32>
          %add3A_398 = arith.addf %add3A_382, %mul3A_397 : vector<16xf32>
          %mul3A_399 = arith.mulf %mul3A_385, %gather3A_392 : vector<16xf32>
          %add3A_400 = arith.addf %add3A_384, %mul3A_399 : vector<16xf32>
          tpu.vector_store_idx %arg10[%broadcast_in_dim3A_33, %add3A_248], %add3A_394 : memref<32x512xf32, #tpu.memory_space<vmem>>[vector<16xi32>, vector<16xi32>], vector<16xf32>,
          tpu.vector_store_idx %arg10[%broadcast_in_dim3A_35, %add3A_248], %add3A_396 : memref<32x512xf32, #tpu.memory_space<vmem>>[vector<16xi32>, vector<16xi32>], vector<16xf32>,
          tpu.vector_store_idx %arg10[%broadcast_in_dim3A_65, %add3A_248], %add3A_398 : memref<32x512xf32, #tpu.memory_space<vmem>>[vector<16xi32>, vector<16xi32>], vector<16xf32>,
          tpu.vector_store_idx %arg10[%broadcast_in_dim3A_67, %add3A_248], %add3A_400 : memref<32x512xf32, #tpu.memory_space<vmem>>[vector<16xi32>, vector<16xi32>], vector<16xf32>,
        }
        %scan3A_224 = arith.constant 4 : i32
        %dma_wait3A_225 = arith.constant 0 : i32
        %dma_wait3A_226 = arith.constant 0 : i32
        %dma_wait3A_227 = tpu.memref_slice %arg5[%dma_wait3A_225, %dma_wait3A_226] : memref<4194304x16xf32, #tpu.memory_space<hbm>> -> memref<4194304x16xf32, #tpu.memory_space<hbm>>
        tpu.wait_indirect_dma semaphore(%arg34 : memref<!tpu.dma_semaphore, #tpu.memory_space<semaphore_mem>>) src(%dma_wait3A_227 : memref<4194304x16xf32, #tpu.memory_space<hbm>>) dst(%arg26 : memref<512x16xf32, #tpu.memory_space<vmem>>)
        %scan3A_228 = arith.constant 0 : i32
        %scan3A_229 = arith.constant 0 : i32
        %scan3A_230 = arith.constant 4 : i32
        %scan3A_231 = arith.addi %scan3A_229, %scan3A_230 : i32
        %scan3A_232 = arith.constant 1 : i32
        scf.for %scan3A_234 = %scan3A_229 to %scan3A_231 step %scan3A_232  : i32 {
          %mul3A_235 = arith.constant 16 : i32
          %mul3A_236 = arith.muli %scan3A_234, %mul3A_235 : i32
          %add3A_237 = arith.addi %mul3A_91, %mul3A_236 : i32
          %get3A = arith.index_cast %add3A_237 : i32 to index
          %get3A_238 = tpu.vector_load %arg7[%get3A] {strides = array<i32>} : memref<512xf32, #tpu.memory_space<vmem>>, vector<16xf32>,
          %add3A_239 = arith.addi %mul3A_91, %mul3A_236 : i32
          %get3A_240 = arith.index_cast %add3A_239 : i32 to index
          %get3A_241 = tpu.vector_load %arg8[%get3A_240] {strides = array<i32>} : memref<512xf32, #tpu.memory_space<vmem>>, vector<16xf32>,
          %add3A_242 = arith.addi %mul3A_91, %mul3A_236 : i32
          %get3A_243 = arith.index_cast %add3A_242 : i32 to index
          %get3A_244 = tpu.vector_load %arg9[%get3A_243] {strides = array<i32>} : memref<512xf32, #tpu.memory_space<vmem>>, vector<16xf32>,
          %add3A_245 = vector.broadcast %mul3A_236 : i32 to vector<16xi32>
          %add3A_246 = arith.addi %iota3A, %add3A_245 : vector<16xi32>
          %add3A_247 = vector.broadcast %mul3A_91 : i32 to vector<16xi32>
          %add3A_248 = arith.addi %add3A_246, %add3A_247 : vector<16xi32>
          %mul3A_249 = arith.constant 1.023000e+03 : f32
          %mul3A_250 = vector.broadcast %mul3A_249 : f32 to vector<16xf32>
          %mul3A_251 = arith.mulf %get3A_238, %mul3A_250 : vector<16xf32>
          %mul3A_252 = arith.constant 1.023000e+03 : f32
          %mul3A_253 = vector.broadcast %mul3A_252 : f32 to vector<16xf32>
          %mul3A_254 = arith.mulf %get3A_241, %mul3A_253 : vector<16xf32>
          %mul3A_255 = arith.constant 1.023000e+03 : f32
          %mul3A_256 = vector.broadcast %mul3A_255 : f32 to vector<16xf32>
          %mul3A_257 = arith.mulf %get3A_244, %mul3A_256 : vector<16xf32>
          %convert_element_type3A = arith.fptosi %mul3A_251 : vector<16xf32> to vector<16xi32>
          %convert_element_type3A_258 = arith.fptosi %mul3A_254 : vector<16xf32> to vector<16xi32>
          %convert_element_type3A_259 = arith.fptosi %mul3A_257 : vector<16xf32> to vector<16xi32>
          %convert_element_type3A_260 = arith.sitofp %convert_element_type3A : vector<16xi32> to vector<16xf32>
          %sub3A = arith.subf %mul3A_251, %convert_element_type3A_260 : vector<16xf32>
          %convert_element_type3A_261 = arith.sitofp %convert_element_type3A_258 : vector<16xi32> to vector<16xf32>
          %sub3A_262 = arith.subf %mul3A_254, %convert_element_type3A_261 : vector<16xf32>
          %convert_element_type3A_263 = arith.sitofp %convert_element_type3A_259 : vector<16xi32> to vector<16xf32>
          %sub3A_264 = arith.subf %mul3A_257, %convert_element_type3A_263 : vector<16xf32>
          %sub3A_265 = arith.constant 1.000000e+00 : f32
          %sub3A_266 = vector.broadcast %sub3A_265 : f32 to vector<16xf32>
          %sub3A_267 = arith.subf %sub3A_266, %sub3A : vector<16xf32>
          %sub3A_268 = arith.constant 1.000000e+00 : f32
          %sub3A_269 = vector.broadcast %sub3A_268 : f32 to vector<16xf32>
          %sub3A_270 = arith.subf %sub3A_269, %sub3A_262 : vector<16xf32>
          %sub3A_271 = arith.constant 1.000000e+00 : f32
          %sub3A_272 = vector.broadcast %sub3A_271 : f32 to vector<16xf32>
          %sub3A_273 = arith.subf %sub3A_272, %sub3A_264 : vector<16xf32>
          %mul3A_274 = arith.mulf %sub3A_267, %sub3A_270 : vector<16xf32>
          %mul3A_275 = arith.mulf %sub3A_267, %sub3A_262 : vector<16xf32>
          %mul3A_276 = arith.mulf %sub3A, %sub3A_270 : vector<16xf32>
          %mul3A_277 = arith.mulf %sub3A, %sub3A_262 : vector<16xf32>
          %mul3A_278 = arith.mulf %mul3A_274, %sub3A_273 : vector<16xf32>
          %add3A_279 = arith.constant 0 : i32
          %add3A_280 = vector.broadcast %add3A_279 : i32 to vector<16xi32>
          %add3A_281 = arith.addi %add3A_246, %add3A_280 : vector<16xi32>
          %gather3A = tpu.vector_load_idx %arg26[%add3A_281, %broadcast_in_dim3A_1] : memref<512x16xf32, #tpu.memory_space<vmem>>[vector<16xi32>, vector<16xi32>], vector<16xf32>,
          %gather3A_282 = tpu.vector_load_idx %arg26[%add3A_281, %broadcast_in_dim3A_3] : memref<512x16xf32, #tpu.memory_space<vmem>>[vector<16xi32>, vector<16xi32>], vector<16xf32>,
          %gather3A_283 = tpu.vector_load_idx %arg26[%add3A_281, %broadcast_in_dim3A_5] : memref<512x16xf32, #tpu.memory_space<vmem>>[vector<16xi32>, vector<16xi32>], vector<16xf32>,
          %gather3A_284 = tpu.vector_load_idx %arg26[%add3A_281, %broadcast_in_dim3A_7] : memref<512x16xf32, #tpu.memory_space<vmem>>[vector<16xi32>, vector<16xi32>], vector<16xf32>,
          %mul3A_285 = arith.mulf %mul3A_278, %gather3A : vector<16xf32>
          %mul3A_286 = arith.mulf %mul3A_278, %gather3A_282 : vector<16xf32>
          %mul3A_287 = arith.mulf %mul3A_278, %gather3A_283 : vector<16xf32>
          %mul3A_288 = arith.mulf %mul3A_278, %gather3A_284 : vector<16xf32>
          %mul3A_289 = arith.mulf %mul3A_274, %sub3A_264 : vector<16xf32>
          %add3A_290 = arith.constant 64 : i32
          %add3A_291 = vector.broadcast %add3A_290 : i32 to vector<16xi32>
          %add3A_292 = arith.addi %add3A_246, %add3A_291 : vector<16xi32>
          %gather3A_293 = tpu.vector_load_idx %arg26[%add3A_292, %broadcast_in_dim3A_1] : memref<512x16xf32, #tpu.memory_space<vmem>>[vector<16xi32>, vector<16xi32>], vector<16xf32>,
          %gather3A_294 = tpu.vector_load_idx %arg26[%add3A_292, %broadcast_in_dim3A_3] : memref<512x16xf32, #tpu.memory_space<vmem>>[vector<16xi32>, vector<16xi32>], vector<16xf32>,
          %gather3A_295 = tpu.vector_load_idx %arg26[%add3A_292, %broadcast_in_dim3A_5] : memref<512x16xf32, #tpu.memory_space<vmem>>[vector<16xi32>, vector<16xi32>], vector<16xf32>,
          %gather3A_296 = tpu.vector_load_idx %arg26[%add3A_292, %broadcast_in_dim3A_7] : memref<512x16xf32, #tpu.memory_space<vmem>>[vector<16xi32>, vector<16xi32>], vector<16xf32>,
          %mul3A_297 = arith.mulf %mul3A_289, %gather3A_293 : vector<16xf32>
          %add3A_298 = arith.addf %mul3A_285, %mul3A_297 : vector<16xf32>
          %mul3A_299 = arith.mulf %mul3A_289, %gather3A_294 : vector<16xf32>
          %add3A_300 = arith.addf %mul3A_286, %mul3A_299 : vector<16xf32>
          %mul3A_301 = arith.mulf %mul3A_289, %gather3A_295 : vector<16xf32>
          %add3A_302 = arith.addf %mul3A_287, %mul3A_301 : vector<16xf32>
          %mul3A_303 = arith.mulf %mul3A_289, %gather3A_296 : vector<16xf32>
          %add3A_304 = arith.addf %mul3A_288, %mul3A_303 : vector<16xf32>
          %mul3A_305 = arith.mulf %mul3A_275, %sub3A_273 : vector<16xf32>
          %add3A_306 = arith.constant 128 : i32
          %add3A_307 = vector.broadcast %add3A_306 : i32 to vector<16xi32>
          %add3A_308 = arith.addi %add3A_246, %add3A_307 : vector<16xi32>
          %gather3A_309 = tpu.vector_load_idx %arg26[%add3A_308, %broadcast_in_dim3A_1] : memref<512x16xf32, #tpu.memory_space<vmem>>[vector<16xi32>, vector<16xi32>], vector<16xf32>,
          %gather3A_310 = tpu.vector_load_idx %arg26[%add3A_308, %broadcast_in_dim3A_3] : memref<512x16xf32, #tpu.memory_space<vmem>>[vector<16xi32>, vector<16xi32>], vector<16xf32>,
          %gather3A_311 = tpu.vector_load_idx %arg26[%add3A_308, %broadcast_in_dim3A_5] : memref<512x16xf32, #tpu.memory_space<vmem>>[vector<16xi32>, vector<16xi32>], vector<16xf32>,
          %gather3A_312 = tpu.vector_load_idx %arg26[%add3A_308, %broadcast_in_dim3A_7] : memref<512x16xf32, #tpu.memory_space<vmem>>[vector<16xi32>, vector<16xi32>], vector<16xf32>,
          %mul3A_313 = arith.mulf %mul3A_305, %gather3A_309 : vector<16xf32>
          %add3A_314 = arith.addf %add3A_298, %mul3A_313 : vector<16xf32>
          %mul3A_315 = arith.mulf %mul3A_305, %gather3A_310 : vector<16xf32>
          %add3A_316 = arith.addf %add3A_300, %mul3A_315 : vector<16xf32>
          %mul3A_317 = arith.mulf %mul3A_305, %gather3A_311 : vector<16xf32>
          %add3A_318 = arith.addf %add3A_302, %mul3A_317 : vector<16xf32>
          %mul3A_319 = arith.mulf %mul3A_305, %gather3A_312 : vector<16xf32>
          %add3A_320 = arith.addf %add3A_304, %mul3A_319 : vector<16xf32>
          %mul3A_321 = arith.mulf %mul3A_275, %sub3A_264 : vector<16xf32>
          %add3A_322 = arith.constant 192 : i32
          %add3A_323 = vector.broadcast %add3A_322 : i32 to vector<16xi32>
          %add3A_324 = arith.addi %add3A_246, %add3A_323 : vector<16xi32>
          %gather3A_325 = tpu.vector_load_idx %arg26[%add3A_324, %broadcast_in_dim3A_1] : memref<512x16xf32, #tpu.memory_space<vmem>>[vector<16xi32>, vector<16xi32>], vector<16xf32>,
          %gather3A_326 = tpu.vector_load_idx %arg26[%add3A_324, %broadcast_in_dim3A_3] : memref<512x16xf32, #tpu.memory_space<vmem>>[vector<16xi32>, vector<16xi32>], vector<16xf32>,
          %gather3A_327 = tpu.vector_load_idx %arg26[%add3A_324, %broadcast_in_dim3A_5] : memref<512x16xf32, #tpu.memory_space<vmem>>[vector<16xi32>, vector<16xi32>], vector<16xf32>,
          %gather3A_328 = tpu.vector_load_idx %arg26[%add3A_324, %broadcast_in_dim3A_7] : memref<512x16xf32, #tpu.memory_space<vmem>>[vector<16xi32>, vector<16xi32>], vector<16xf32>,
          %mul3A_329 = arith.mulf %mul3A_321, %gather3A_325 : vector<16xf32>
          %add3A_330 = arith.addf %add3A_314, %mul3A_329 : vector<16xf32>
          %mul3A_331 = arith.mulf %mul3A_321, %gather3A_326 : vector<16xf32>
          %add3A_332 = arith.addf %add3A_316, %mul3A_331 : vector<16xf32>
          %mul3A_333 = arith.mulf %mul3A_321, %gather3A_327 : vector<16xf32>
          %add3A_334 = arith.addf %add3A_318, %mul3A_333 : vector<16xf32>
          %mul3A_335 = arith.mulf %mul3A_321, %gather3A_328 : vector<16xf32>
          %add3A_336 = arith.addf %add3A_320, %mul3A_335 : vector<16xf32>
          %mul3A_337 = arith.mulf %mul3A_276, %sub3A_273 : vector<16xf32>
          %add3A_338 = arith.constant 256 : i32
          %add3A_339 = vector.broadcast %add3A_338 : i32 to vector<16xi32>
          %add3A_340 = arith.addi %add3A_246, %add3A_339 : vector<16xi32>
          %gather3A_341 = tpu.vector_load_idx %arg26[%add3A_340, %broadcast_in_dim3A_1] : memref<512x16xf32, #tpu.memory_space<vmem>>[vector<16xi32>, vector<16xi32>], vector<16xf32>,
          %gather3A_342 = tpu.vector_load_idx %arg26[%add3A_340, %broadcast_in_dim3A_3] : memref<512x16xf32, #tpu.memory_space<vmem>>[vector<16xi32>, vector<16xi32>], vector<16xf32>,
          %gather3A_343 = tpu.vector_load_idx %arg26[%add3A_340, %broadcast_in_dim3A_5] : memref<512x16xf32, #tpu.memory_space<vmem>>[vector<16xi32>, vector<16xi32>], vector<16xf32>,
          %gather3A_344 = tpu.vector_load_idx %arg26[%add3A_340, %broadcast_in_dim3A_7] : memref<512x16xf32, #tpu.memory_space<vmem>>[vector<16xi32>, vector<16xi32>], vector<16xf32>,
          %mul3A_345 = arith.mulf %mul3A_337, %gather3A_341 : vector<16xf32>
          %add3A_346 = arith.addf %add3A_330, %mul3A_345 : vector<16xf32>
          %mul3A_347 = arith.mulf %mul3A_337, %gather3A_342 : vector<16xf32>
          %add3A_348 = arith.addf %add3A_332, %mul3A_347 : vector<16xf32>
          %mul3A_349 = arith.mulf %mul3A_337, %gather3A_343 : vector<16xf32>
          %add3A_350 = arith.addf %add3A_334, %mul3A_349 : vector<16xf32>
          %mul3A_351 = arith.mulf %mul3A_337, %gather3A_344 : vector<16xf32>
          %add3A_352 = arith.addf %add3A_336, %mul3A_351 : vector<16xf32>
          %mul3A_353 = arith.mulf %mul3A_276, %sub3A_264 : vector<16xf32>
          %add3A_354 = arith.constant 320 : i32
          %add3A_355 = vector.broadcast %add3A_354 : i32 to vector<16xi32>
          %add3A_356 = arith.addi %add3A_246, %add3A_355 : vector<16xi32>
          %gather3A_357 = tpu.vector_load_idx %arg26[%add3A_356, %broadcast_in_dim3A_1] : memref<512x16xf32, #tpu.memory_space<vmem>>[vector<16xi32>, vector<16xi32>], vector<16xf32>,
          %gather3A_358 = tpu.vector_load_idx %arg26[%add3A_356, %broadcast_in_dim3A_3] : memref<512x16xf32, #tpu.memory_space<vmem>>[vector<16xi32>, vector<16xi32>], vector<16xf32>,
          %gather3A_359 = tpu.vector_load_idx %arg26[%add3A_356, %broadcast_in_dim3A_5] : memref<512x16xf32, #tpu.memory_space<vmem>>[vector<16xi32>, vector<16xi32>], vector<16xf32>,
          %gather3A_360 = tpu.vector_load_idx %arg26[%add3A_356, %broadcast_in_dim3A_7] : memref<512x16xf32, #tpu.memory_space<vmem>>[vector<16xi32>, vector<16xi32>], vector<16xf32>,
          %mul3A_361 = arith.mulf %mul3A_353, %gather3A_357 : vector<16xf32>
          %add3A_362 = arith.addf %add3A_346, %mul3A_361 : vector<16xf32>
          %mul3A_363 = arith.mulf %mul3A_353, %gather3A_358 : vector<16xf32>
          %add3A_364 = arith.addf %add3A_348, %mul3A_363 : vector<16xf32>
          %mul3A_365 = arith.mulf %mul3A_353, %gather3A_359 : vector<16xf32>
          %add3A_366 = arith.addf %add3A_350, %mul3A_365 : vector<16xf32>
          %mul3A_367 = arith.mulf %mul3A_353, %gather3A_360 : vector<16xf32>
          %add3A_368 = arith.addf %add3A_352, %mul3A_367 : vector<16xf32>
          %mul3A_369 = arith.mulf %mul3A_277, %sub3A_273 : vector<16xf32>
          %add3A_370 = arith.constant 384 : i32
          %add3A_371 = vector.broadcast %add3A_370 : i32 to vector<16xi32>
          %add3A_372 = arith.addi %add3A_246, %add3A_371 : vector<16xi32>
          %gather3A_373 = tpu.vector_load_idx %arg26[%add3A_372, %broadcast_in_dim3A_1] : memref<512x16xf32, #tpu.memory_space<vmem>>[vector<16xi32>, vector<16xi32>], vector<16xf32>,
          %gather3A_374 = tpu.vector_load_idx %arg26[%add3A_372, %broadcast_in_dim3A_3] : memref<512x16xf32, #tpu.memory_space<vmem>>[vector<16xi32>, vector<16xi32>], vector<16xf32>,
          %gather3A_375 = tpu.vector_load_idx %arg26[%add3A_372, %broadcast_in_dim3A_5] : memref<512x16xf32, #tpu.memory_space<vmem>>[vector<16xi32>, vector<16xi32>], vector<16xf32>,
          %gather3A_376 = tpu.vector_load_idx %arg26[%add3A_372, %broadcast_in_dim3A_7] : memref<512x16xf32, #tpu.memory_space<vmem>>[vector<16xi32>, vector<16xi32>], vector<16xf32>,
          %mul3A_377 = arith.mulf %mul3A_369, %gather3A_373 : vector<16xf32>
          %add3A_378 = arith.addf %add3A_362, %mul3A_377 : vector<16xf32>
          %mul3A_379 = arith.mulf %mul3A_369, %gather3A_374 : vector<16xf32>
          %add3A_380 = arith.addf %add3A_364, %mul3A_379 : vector<16xf32>
          %mul3A_381 = arith.mulf %mul3A_369, %gather3A_375 : vector<16xf32>
          %add3A_382 = arith.addf %add3A_366, %mul3A_381 : vector<16xf32>
          %mul3A_383 = arith.mulf %mul3A_369, %gather3A_376 : vector<16xf32>
          %add3A_384 = arith.addf %add3A_368, %mul3A_383 : vector<16xf32>
          %mul3A_385 = arith.mulf %mul3A_277, %sub3A_264 : vector<16xf32>
          %add3A_386 = arith.constant 448 : i32
          %add3A_387 = vector.broadcast %add3A_386 : i32 to vector<16xi32>
          %add3A_388 = arith.addi %add3A_246, %add3A_387 : vector<16xi32>
          %gather3A_389 = tpu.vector_load_idx %arg26[%add3A_388, %broadcast_in_dim3A_1] : memref<512x16xf32, #tpu.memory_space<vmem>>[vector<16xi32>, vector<16xi32>], vector<16xf32>,
          %gather3A_390 = tpu.vector_load_idx %arg26[%add3A_388, %broadcast_in_dim3A_3] : memref<512x16xf32, #tpu.memory_space<vmem>>[vector<16xi32>, vector<16xi32>], vector<16xf32>,
          %gather3A_391 = tpu.vector_load_idx %arg26[%add3A_388, %broadcast_in_dim3A_5] : memref<512x16xf32, #tpu.memory_space<vmem>>[vector<16xi32>, vector<16xi32>], vector<16xf32>,
          %gather3A_392 = tpu.vector_load_idx %arg26[%add3A_388, %broadcast_in_dim3A_7] : memref<512x16xf32, #tpu.memory_space<vmem>>[vector<16xi32>, vector<16xi32>], vector<16xf32>,
          %mul3A_393 = arith.mulf %mul3A_385, %gather3A_389 : vector<16xf32>
          %add3A_394 = arith.addf %add3A_378, %mul3A_393 : vector<16xf32>
          %mul3A_395 = arith.mulf %mul3A_385, %gather3A_390 : vector<16xf32>
          %add3A_396 = arith.addf %add3A_380, %mul3A_395 : vector<16xf32>
          %mul3A_397 = arith.mulf %mul3A_385, %gather3A_391 : vector<16xf32>
          %add3A_398 = arith.addf %add3A_382, %mul3A_397 : vector<16xf32>
          %mul3A_399 = arith.mulf %mul3A_385, %gather3A_392 : vector<16xf32>
          %add3A_400 = arith.addf %add3A_384, %mul3A_399 : vector<16xf32>
          tpu.vector_store_idx %arg10[%broadcast_in_dim3A_37, %add3A_248], %add3A_394 : memref<32x512xf32, #tpu.memory_space<vmem>>[vector<16xi32>, vector<16xi32>], vector<16xf32>,
          tpu.vector_store_idx %arg10[%broadcast_in_dim3A_39, %add3A_248], %add3A_396 : memref<32x512xf32, #tpu.memory_space<vmem>>[vector<16xi32>, vector<16xi32>], vector<16xf32>,
          tpu.vector_store_idx %arg10[%broadcast_in_dim3A_69, %add3A_248], %add3A_398 : memref<32x512xf32, #tpu.memory_space<vmem>>[vector<16xi32>, vector<16xi32>], vector<16xf32>,
          tpu.vector_store_idx %arg10[%broadcast_in_dim3A_71, %add3A_248], %add3A_400 : memref<32x512xf32, #tpu.memory_space<vmem>>[vector<16xi32>, vector<16xi32>], vector<16xf32>,
        }
        %scan3A_233 = arith.constant 4 : i32
      }
      %scan3A_88 = arith.constant 8 : i32
      "tpu.region"() ({
        %run_scoped3A = tpu.sem_alloc : memref<!tpu.dma_semaphore, #tpu.memory_space<semaphore_mem>>
        %dma_start3A = arith.constant 0 : i32
        %dma_start3A_89 = tpu.memref_slice %arg6[%dma_start3A, %add3A_82] : memref<32x1048576xf32, #tpu.memory_space<hbm>> -> memref<32x512xf32, #tpu.memory_space<hbm>>
        %dma_start3A_90 = arith.constant 0 : i32
        %dma_start3A_91 = tpu.memref_slice %arg6[%dma_start3A_90, %add3A_82] : memref<32x1048576xf32, #tpu.memory_space<hbm>> -> memref<32x512xf32, #tpu.memory_space<hbm>>
        tpu.enqueue_dma source(%arg10 : memref<32x512xf32, #tpu.memory_space<vmem>>) target(%dma_start3A_91 : memref<32x512xf32, #tpu.memory_space<hbm>>) target_semaphore(%run_scoped3A : memref<!tpu.dma_semaphore, #tpu.memory_space<semaphore_mem>>)
        %dma_wait3A = arith.constant 0 : i32
        %dma_wait3A_92 = tpu.memref_slice %arg6[%dma_wait3A, %add3A_82] : memref<32x1048576xf32, #tpu.memory_space<hbm>> -> memref<32x512xf32, #tpu.memory_space<hbm>>
        %dma_wait3A_93 = arith.constant 0 : i32
        %dma_wait3A_94 = tpu.memref_slice %arg6[%dma_wait3A_93, %add3A_82] : memref<32x1048576xf32, #tpu.memory_space<hbm>> -> memref<32x512xf32, #tpu.memory_space<hbm>>
        tpu.wait_dma2 semaphore(%run_scoped3A : memref<!tpu.dma_semaphore, #tpu.memory_space<semaphore_mem>>) src(%arg10 : memref<32x512xf32, #tpu.memory_space<vmem>>) dst(%dma_wait3A_94 : memref<32x512xf32, #tpu.memory_space<hbm>>)
        tpu.yield
      }) : () -> ()
    }
    %scan3A_76 = arith.constant 64 : i32
    return
  }
}

module attributes {stable_mosaic.version = 14 : i64} {
  func.func @body(%arg0: i32, %arg1: memref<32x64x128xf32, #tpu.memory_space<vmem>>, %arg2: memref<64x32xf32, #tpu.memory_space<vmem>>, %arg3: memref<64x1xf32, #tpu.memory_space<vmem>>, %arg4: memref<2x64xf32, #tpu.memory_space<vmem>>, %arg5: memref<2x1xf32, #tpu.memory_space<vmem>>, %arg6: memref<64x128xf32, #tpu.memory_space<vmem>>, %arg7: memref<64x128xf32, #tpu.memory_space<vmem>>) attributes {dimension_semantics = [#tpu.dimension_semantics<arbitrary>], iteration_bounds = array<i64: 128>, scalar_prefetch = 0 : i64, scratch_operands = 0 : i64, tpu.core_type = #tpu.core_type<tc>, window_params = [{transform_indices = @transform_0, window_bounds = array<i64: 32, 64, 128>}, {pipeline_mode = #tpu.pipeline_mode<synchronous>, transform_indices = @transform_1, window_bounds = array<i64: 64, 32>}, {pipeline_mode = #tpu.pipeline_mode<synchronous>, transform_indices = @transform_2, window_bounds = array<i64: 64, 1>}, {pipeline_mode = #tpu.pipeline_mode<synchronous>, transform_indices = @transform_3, window_bounds = array<i64: 2, 64>}, {pipeline_mode = #tpu.pipeline_mode<synchronous>, transform_indices = @transform_4, window_bounds = array<i64: 2, 1>}, {transform_indices = @transform_5, window_bounds = array<i64: 64, 128>}, {transform_indices = @transform_6, window_bounds = array<i64: 64, 128>}]} {
    %get3A = arith.constant 0 : index
    %get3A_0 = arith.constant 0 : index
    %get3A_1 = arith.constant 0 : index
    %get3A_2 = vector.load %arg1[%get3A, %get3A_0, %get3A_1] : memref<32x64x128xf32, #tpu.memory_space<vmem>>, vector<32x64x128xf32>
    %reshape3A = vector.shape_cast %get3A_2 : vector<32x64x128xf32> to vector<32x8192xf32>
    %get3A_3 = arith.constant 0 : index
    %get3A_4 = arith.constant 0 : index
    %get3A_5 = vector.load %arg2[%get3A_3, %get3A_4] : memref<64x32xf32, #tpu.memory_space<vmem>>, vector<64x32xf32>
    %dot_general3A = arith.constant dense<0.000000e+00> : vector<64x8192xf32>
    %dot_general3A_6 = tpu.matmul %get3A_5, %reshape3A, %dot_general3A {dimension_numbers = #tpu.dot_dimension_numbers<[1], [0], [0], [1], [0, 0, 1, 1], [], []>, precision = #tpu.contract_precision<fp32>, transpose_lhs_hint = false} : vector<64x32xf32>, vector<32x8192xf32>, vector<64x8192xf32> -> vector<64x8192xf32>
    %get3A_7 = arith.constant 0 : index
    %get3A_8 = arith.constant 0 : index
    %get3A_9 = vector.load %arg3[%get3A_7, %get3A_8] : memref<64x1xf32, #tpu.memory_space<vmem>>, vector<64x1xf32>
    %add3A = vector.broadcast %get3A_9 : vector<64x1xf32> to vector<64x8192xf32>
    %add3A_10 = arith.addf %dot_general3A_6, %add3A : vector<64x8192xf32>
    %max3A = arith.constant 0.000000e+00 : f32
    %max3A_11 = vector.broadcast %max3A : f32 to vector<64x8192xf32>
    %max3A_12 = arith.maximumf %add3A_10, %max3A_11 : vector<64x8192xf32>
    %get3A_13 = arith.constant 0 : index
    %get3A_14 = arith.constant 0 : index
    %get3A_15 = vector.load %arg4[%get3A_13, %get3A_14] : memref<2x64xf32, #tpu.memory_space<vmem>>, vector<2x64xf32>
    %dot_general3A_16 = arith.constant dense<0.000000e+00> : vector<2x8192xf32>
    %dot_general3A_17 = tpu.matmul %get3A_15, %max3A_12, %dot_general3A_16 {dimension_numbers = #tpu.dot_dimension_numbers<[1], [0], [0], [1], [0, 0, 1, 1], [], []>, precision = #tpu.contract_precision<fp32>, transpose_lhs_hint = false} : vector<2x64xf32>, vector<64x8192xf32>, vector<2x8192xf32> -> vector<2x8192xf32>
    %get3A_18 = arith.constant 0 : index
    %get3A_19 = arith.constant 0 : index
    %get3A_20 = vector.load %arg5[%get3A_18, %get3A_19] : memref<2x1xf32, #tpu.memory_space<vmem>>, vector<2x1xf32>
    %add3A_21 = vector.broadcast %get3A_20 : vector<2x1xf32> to vector<2x8192xf32>
    %add3A_22 = arith.addf %dot_general3A_17, %add3A_21 : vector<2x8192xf32>
    %neg3A = arith.constant 0.000000e+00 : f32
    %neg3A_23 = vector.broadcast %neg3A : f32 to vector<2x8192xf32>
    %neg3A_24 = arith.subf %neg3A_23, %add3A_22 : vector<2x8192xf32>
    %exp3A = math.exp %neg3A_24 : vector<2x8192xf32>
    %add3A_25 = arith.constant 1.000000e+00 : f32
    %add3A_26 = vector.broadcast %add3A_25 : f32 to vector<2x8192xf32>
    %add3A_27 = arith.addf %add3A_26, %exp3A : vector<2x8192xf32>
    %div3A = arith.constant 1.000000e+00 : f32
    %div3A_28 = vector.broadcast %div3A : f32 to vector<2x8192xf32>
    %div3A_29 = arith.divf %div3A_28, %add3A_27 : vector<2x8192xf32>
    %slice3A = vector.extract_strided_slice %div3A_29 {offsets = [0, 0], sizes = [1, 8192], strides = [1, 1]} : vector<2x8192xf32> to vector<1x8192xf32>
    %reshape3A_30 = vector.shape_cast %slice3A : vector<1x8192xf32> to vector<64x128xf32>
    %swap3A = arith.constant 0 : index
    %swap3A_31 = arith.constant 0 : index
    %swap3A_32 = vector.load %arg6[%swap3A, %swap3A_31] : memref<64x128xf32, #tpu.memory_space<vmem>>, vector<64x128xf32>
    tpu.vector_store %arg6[%swap3A, %swap3A_31], %reshape3A_30 {strides = array<i32>} : memref<64x128xf32, #tpu.memory_space<vmem>>, vector<64x128xf32>,
    %slice3A_33 = vector.extract_strided_slice %div3A_29 {offsets = [1, 0], sizes = [1, 8192], strides = [1, 1]} : vector<2x8192xf32> to vector<1x8192xf32>
    %reshape3A_34 = vector.shape_cast %slice3A_33 : vector<1x8192xf32> to vector<64x128xf32>
    %swap3A_35 = arith.constant 0 : index
    %swap3A_36 = arith.constant 0 : index
    %swap3A_37 = vector.load %arg7[%swap3A_35, %swap3A_36] : memref<64x128xf32, #tpu.memory_space<vmem>>, vector<64x128xf32>
    tpu.vector_store %arg7[%swap3A_35, %swap3A_36], %reshape3A_34 {strides = array<i32>} : memref<64x128xf32, #tpu.memory_space<vmem>>, vector<64x128xf32>,
    return
  }
  func.func @transform_0(%arg0: i32) -> (i32, i32, i32) {
    %c0_i32 = arith.constant 0 : i32
    %c0_i32_0 = arith.constant 0 : i32
    %c0_i32_1 = arith.constant 0 : i32
    return %c0_i32, %arg0, %c0_i32_0 : i32, i32, i32
  }
  func.func @transform_1(%arg0: i32) -> (i32, i32) {
    %c0_i32 = arith.constant 0 : i32
    %c0_i32_0 = arith.constant 0 : i32
    %c0_i32_1 = arith.constant 0 : i32
    return %c0_i32, %c0_i32_0 : i32, i32
  }
  func.func @transform_2(%arg0: i32) -> (i32, i32) {
    %c0_i32 = arith.constant 0 : i32
    %c0_i32_0 = arith.constant 0 : i32
    %c0_i32_1 = arith.constant 0 : i32
    return %c0_i32, %c0_i32_0 : i32, i32
  }
  func.func @transform_3(%arg0: i32) -> (i32, i32) {
    %c0_i32 = arith.constant 0 : i32
    %c0_i32_0 = arith.constant 0 : i32
    %c0_i32_1 = arith.constant 0 : i32
    return %c0_i32, %c0_i32_0 : i32, i32
  }
  func.func @transform_4(%arg0: i32) -> (i32, i32) {
    %c0_i32 = arith.constant 0 : i32
    %c0_i32_0 = arith.constant 0 : i32
    %c0_i32_1 = arith.constant 0 : i32
    return %c0_i32, %c0_i32_0 : i32, i32
  }
  func.func @transform_5(%arg0: i32) -> (i32, i32) {
    %c0_i32 = arith.constant 0 : i32
    %c0_i32_0 = arith.constant 0 : i32
    return %arg0, %c0_i32 : i32, i32
  }
  func.func @transform_6(%arg0: i32) -> (i32, i32) {
    %c0_i32 = arith.constant 0 : i32
    %c0_i32_0 = arith.constant 0 : i32
    return %arg0, %c0_i32 : i32, i32
  }
}

</mosaic_0001>

<sc_bundles>
// kernel: kernel.5.cloned.1.call-start
scs
__scs_entry_jumppad:
0x0: {  	(pc) =	sbr.rel $0x88, $3  }
0x1: {  	(tag) =	ssettag $0x0;
	lr =	simm.s32 $0x1  }
0x2: {  	[smem:$0x3F95] =	sst lr;
	_ =	strace $0xD0000000  }
0x3: {  	_ = 	snop  }
0x4: {  	_ = 	snop  }
0x5: {  	_ = 	snop  }
0x6: {  	_ = 	snop  }
0x7: {  	_ = 	snop  }
__scs_overlays_trampoline_lowered:
0x8: {  	[smem:$0x3FA4] =	sst s0  }
0x9: {  	[smem:$0x3FA5] =	sst s1  }
0xa: {  	[smem:$0x3FA6] =	sst s2  }
0xb: {  	[smem:$0x3FA7] =	sst s3  }
0xc: {  	[smem:$0x3FA8] =	sst s4  }
0xd: {  	[smem:$0x3FA9] =	sst s5  }
0xe: {  	[smem:$0x3FAA] =	sst s6  }
0xf: {  	[smem:$0x3FAB] =	sst s7  }
0x10: {  	[smem:$0x3FAC] =	sst s8  }
0x11: {  	[smem:$0x3FAD] =	sst s9;
	s0 =	simm.s32 @!p0 $0x0  }
0x12: {  	s1 =	sld [smem:$0x3F93];
	s0 =	simm.s32 @p0 $0x1  }
0x13: {  	[smem:$0x3FAE] =	sst s0;
	s0 =	simm.s32 @!p1 $0x0  }
0x14: {  	s2 =	sld [smem:$0x3F92];
	s0 =	simm.s32 @p1 $0x1  }
0x15: {  	[smem:$0x3FAF] =	sst s0;
	s0 =	simm.s32 @!p2 $0x0  }
0x16: {  	s3 =	sld [smem:$0x3FDB];
	s0 =	simm.s32 @p2 $0x1  }
0x17: {  	s4 =	simm.s32 $0x1BF5;
	[smem:$0x3FB1] =	sst s0  }
0x18: {  	s0 =	sld [smem:$0x3F94];
	_ =	swait.ge [sflag:s4], $0x0  }
0x19: {  	s7 =	sld [smem:$0x3F95]  }
0x1a: {  	s8 =	sadd.s32 $0xFFFFE003, lr  }
0x1b: {  	s9 =	sadd.s32 $0xFFFFFEF7, lr;
	s5 =	simm.s32 $0xFFFFFFFF;
	p2 =	slt.u32 s8, $0xFFFFF086  }
0x1c: {  	p1 =	slt.u32 s9, $0xF7A;
	s5 =	simm.s32 @!p2 $0x0  }
0x1d: {  	s5 =	simm.s32 @p1 $0x1;
	p0 =	seq.s32 s7, s2  }
0x1e: {  	s7 =	smul.u32 @!p0 $0xF7A, s2;
	p2 =	seq.s32 @!p0 s5, $0x0  }
0x1f: {  	s9 =	smul.u32 $0xF7A, s1;
	s8 =	simm.s32 @!p0 $0x1BF5;
	p2 =	por !p2, p0  }
0x20: {  	[sflag:s8] =	ssyncset.s32 @!p0 $0xFFFFF086;
	s6 =	sadd.s32 @!p0 s3, s7;
	s7 =	simm.s32 @!p0 $0x108  }
0x21: {  	s3 =	sadd.s32 s3, s9;
	s6 =	sadd.s32 @!p0 $0x88, s6;
	s7 =	simm.s32 @p2 $0x1082  }
0x22: {  	[simem:s7], [sflag:s8] =	dma.local @!p0 [hbm:s6], $0xF7A  }
0x23: {  	s9 =	sor.u32 $0xD0000000, s2;
	s6 =	simm.s32 $0x108;
	_ =	swait.ge @!p0 [sflag:s8], $0x0  }
0x24: {  	s3 =	sadd.s32 $0x88, s3;
	s6 =	simm.s32 @!p1 $0x1082;
	[sflag:s4] =	ssyncset.s32 $0xFFFFF086  }
0x25: {  	[simem:s6], [sflag:s4] =	dma.local [hbm:s3], $0xF7A  }
0x26: {  	[smem:$0x3F95] =	sst s1;
	(tag) =	ssettag s2;
	_ =	strace s9  }
0x27: {  	s1 =	sld [smem:$0x3FA5]  }
0x28: {  	s2 =	sld [smem:$0x3FA6]  }
0x29: {  	s4 =	sld [smem:$0x3FA8]  }
0x2a: {  	p0 =	seq.s32 s5, $0x0;
	s5 =	sld [smem:$0x3FA9]  }
0x2b: {  	s6 =	sld [smem:$0x3FAA]  }
0x2c: {  	s7 =	sld [smem:$0x3FAB]  }
0x2d: {  	s3 =	simm.s32 $0x108;
	s8 =	sld [smem:$0x3FAC]  }
0x2e: {  	s3 =	simm.s32 @!p0 $0x1082;
	s9 =	sld [smem:$0x3FAD]  }
0x2f: {  	lr =	sadd.s32 s0, s3;
	s0 =	sld [smem:$0x3FA4]  }
0x30: {  	s3 =	sld [smem:$0x3FA7]  }
0x31: {  	[smem:$0x3FB0] =	sst s10  }
0x32: {  	s10 =	sld [smem:$0x3FAE];
	_ =	sdelay $0x3  }
0x33: {  	p0 =	seq.s32 s10, $0x1;
	s10 =	sld [smem:$0x3FB0];
	_ =	sdelay $0x3  }
0x34: {  	[smem:$0x3FB0] =	sst s10  }
0x35: {  	s10 =	sld [smem:$0x3FAF];
	_ =	sdelay $0x3  }
0x36: {  	p1 =	seq.s32 s10, $0x1;
	s10 =	sld [smem:$0x3FB0];
	_ =	sdelay $0x3  }
0x37: {  	[smem:$0x3FB0] =	sst s10  }
0x38: {  	s10 =	sld [smem:$0x3FB1]  }
0x39: {  	_ = 	snop;
	(pc) =	sbr.ind lr, $3  }
0x3a: {  	_ = 	snop  }
0x3b: {  	_ = 	snop  }
0x3c: {  	p2 =	seq.s32 s10, $0x1;
	s10 =	sld [smem:$0x3FB0]  }
0x3d: {  	_ =	shalt  }
0x3e: {  	_ =	shalt  }
0x3f: {  	_ =	shalt  }
0x40: {  	_ =	shalt  }
0x41: {  	_ =	shalt  }
0x42: {  	_ =	shalt  }
0x43: {  	_ =	shalt  }
0x44: {  	_ =	shalt  }
0x45: {  	_ =	shalt  }
0x46: {  	_ =	shalt  }
0x47: {  	_ =	shalt  }
0x48: {  	_ =	shalt  }
0x49: {  	_ =	shalt  }
0x4a: {  	_ =	shalt  }
0x4b: {  	_ =	shalt  }
0x4c: {  	_ =	shalt  }
0x4d: {  	_ =	shalt  }
0x4e: {  	_ =	shalt  }
0x4f: {  	_ =	shalt  }
0x50: {  	_ =	shalt  }
0x51: {  	_ =	shalt  }
0x52: {  	_ =	shalt  }
0x53: {  	_ =	shalt  }
0x54: {  	_ =	shalt  }
0x55: {  	_ =	shalt  }
0x56: {  	_ =	shalt  }
0x57: {  	_ =	shalt  }
0x58: {  	_ =	shalt  }
0x59: {  	_ =	shalt  }
0x5a: {  	_ =	shalt  }
0x5b: {  	_ =	shalt  }
0x5c: {  	_ =	shalt  }
0x5d: {  	_ =	shalt  }
0x5e: {  	_ =	shalt  }
0x5f: {  	_ =	shalt  }
0x60: {  	_ =	shalt  }
0x61: {  	_ =	shalt  }
0x62: {  	_ =	shalt  }
0x63: {  	_ =	shalt  }
0x64: {  	_ =	shalt  }
0x65: {  	_ =	shalt  }
0x66: {  	_ =	shalt  }
0x67: {  	_ =	shalt  }
0x68: {  	_ =	shalt  }
0x69: {  	_ =	shalt  }
0x6a: {  	_ =	shalt  }
0x6b: {  	_ =	shalt  }
0x6c: {  	_ =	shalt  }
0x6d: {  	_ =	shalt  }
0x6e: {  	_ =	shalt  }
0x6f: {  	_ =	shalt  }
0x70: {  	_ =	shalt  }
0x71: {  	_ =	shalt  }
0x72: {  	_ =	shalt  }
0x73: {  	_ =	shalt  }
0x74: {  	_ =	shalt  }
0x75: {  	_ =	shalt  }
0x76: {  	_ =	shalt  }
0x77: {  	_ =	shalt  }
0x78: {  	_ =	shalt  }
0x79: {  	_ =	shalt  }
0x7a: {  	_ =	shalt  }
0x7b: {  	_ =	shalt  }
0x7c: {  	_ =	shalt  }
0x7d: {  	_ =	shalt  }
0x7e: {  	_ =	shalt  }
0x7f: {  	_ =	shalt  }
0x80: {  	_ =	shalt  }
0x81: {  	_ =	shalt  }
0x82: {  	_ =	shalt  }
0x83: {  	_ =	shalt  }
0x84: {  	_ =	shalt  }
0x85: {  	_ =	shalt  }
0x86: {  	_ =	shalt  }
0x87: {  	_ =	shalt  }
.Lfunc_end0:
.L_simem_size_0:
called_computation_lowered:
.L_overlay_start_0:
0x88: {  	s2 =	sld [smem:$0x3FD9]  }
0x89: {  	s3 =	sld [smem:$0x3FFE];
	_ =	sdelay $0x1  }
0x8a: {  	s1 =	srdreg.scid  }
0x8b: {  	s0 =	sand.u32 $0x1, s1  }
0x8c: {  	s17 =	sshll.u32 s0, $0xA;
	s2 =	sadd.s32 s3, s2  }
0x8d: {  	s2 =	sadd.s32 s2, s17  }
0x8e: {  	[smem:$0x3FBC] =	sst s2  }
0x8f: {  	_ = 	snop  }
0x90: {  	s2 =	sld [smem:$0x3FC7]  }
0x91: {  	s18 =	sld [smem:$0x3FC2];
	(tm) =	ssettm $0x1  }
0x92: {  	s4 =	sld [smem:$0x3FFB];
	_ =	sdelay $0x3  }
0x93: {  	_ =	strace s4  }
0x94: {  	s4 =	sld [smem:$0x3FFC];
	_ =	sdelay $0x3  }
0x95: {  	_ =	strace s4  }
0x96: {  	s4 =	sld [smem:$0x3FFD];
	_ =	sdelay $0x3  }
0x97: {  	_ =	strace s4  }
0x98: {  	_ =	strace $0x8FFFFFFF  }
0x99: {  	s19 =	sld [smem:$0x3FDB];
	_ =	sdelay $0x1  }
0x9a: {  	s5 =	simm.s32 $_scs_section_size  }
0x9b: {  	s6 =	simm.s32 $_size__tile_overlayer_lowered;
	s7 =	simm.s32 $_tile_overlayer_lowered  }
0x9c: {  	s22 =	simm.s32 $0x1BFF;
	s21 =	sshll.u32 s7, $0x1;
	s4 =	sadd.s32 s5, s19  }
0x9d: {  	s8 =	simm.s32 $0x0;
	s20 =	sshll.u32 s6, $0x1;
	s6 =	sadd.s32 s21, s4  }
0x9e: {  	[timem:s8], [sflag:s22] =	dma.local [hbm:s6], s20  }
0x9f: {  	_ =	swait.ge [sflag:s22], s20  }
0xa0: {  	s5 =	ssub.s32 $0x0, s20;
	[sflag:s22] =	ssyncset.done $0x0  }
0xa1: {  	[sflag:s22] =	ssyncadd.s32 s5;
	_ =	sdelay $0x1  }
0xa2: {  	s23 =	simm.s32 $0x1B8B  }
0xa3: {  	_ =	swait.ge [sflag:s23], $0x1  }
0xa4: {  	[sflag:s23] =	ssyncset.done $0x0  }
0xa5: {  	s25 =	simm.s32 $0x1B8E;
	s24 =	sld [smem:$0x3FFE];
	[sflag:s23] =	ssyncadd.s32 $0xFFFFFFFF  }
0xa6: {  	s26 =	simm.s32 $execute0_lowered;
	[smem:$0x3FD2] =	sst s25  }
0xa7: {  	s6 =	sshll.u32 s26, $0x1;
	_ =	strace $0x80000046;
	[dreg:$0x1] =	wrdreg $0xFFFFFFFF  }
0xa8: {  	s28 =	simm.s32 $_size_execute0_lowered;
	s4 =	sadd.s32 s4, s6;
	[dreg:$0x0] =	wrdreg $0x0  }
0xa9: {  	s6 =	sshll.u32 s28, $0x1;
	[dreg:$0x2] =	wrdreg s4  }
0xaa: {  	[dreg:$0x3] =	wrdreg s6  }
0xab: {  	[dreg:$0x4] =	wrdreg $0xC0  }
0xac: {  	_ =	task [dreg:s8], $0x5FFFF  }
0xad: {  	[dreg:$0x1] =	wrdreg $0xFFFFFFFF  }
0xae: {  	[dreg:$0x0] =	wrdreg $0x60  }
0xaf: {  	[dreg:$0x2] =	wrdreg s2  }
0xb0: {  	[dreg:$0x3] =	wrdreg s18  }
0xb1: {  	[dreg:$0x4] =	wrdreg s24  }
0xb2: {  	[dreg:$0x5] =	wrdreg $0x9  }
0xb3: {  	_ =	task.clear_ibuf [dreg:s8], $0x6FFFF;
	_ =	strace $0x90000046  }
0xb4: {  	s29 =	simm.s32 $0x9;
	_ =	strace $0x80000048  }
0xb5: {  	_ =	swait.ge [sflag:s29], $0x1  }
0xb6: {  	[sflag:s29] =	ssyncadd.s32 $0xFFFFFFFF  }
0xb7: {  	_ =	strace $0x90000048  }
0xb8: {  	_ =	sfence  }
0xb9: {  	s30 =	sld [smem:$0x0];
	_ =	sdelay $0x2  }
0xba: {  	s31 =	sshll.u32 s1, $0xD;
	s1 =	sshrl.u32 s1, $0x2  }
0xbb: {  	s3 =	sand.u32 $0x4000, s31;
	s1 =	sadd.s32 s1, s30  }
0xbc: {  	s0 =	sor.u32 s3, s0;
	s1 =	sshll.u32 s1, $0x11  }
0xbd: {  	s0 =	sor.u32 s1, s0  }
0xbe: {  	s0 =	sadd.s32 $0x8F2B, s0  }
0xbf: {  	[sflag:s0] =	ssyncadd.remote.s32 $0x1  }
0xc0: {  	_ =	sfence.sel $0xFFFF  }
0xc1: {  	[dreg:$0x0] =	wrdreg $0xFFFFFFFF;
	(pc) =	sbr.abs _section_cstart, $3  }
0xc2: {  	[dreg:$0x1] =	wrdreg $0xFFFFFFFF  }
0xc3: {  	_ =	task.clear_ibuf [dreg:s8], $0x2FFFF;
	_ =	strace $0x9FFFFFFF  }
0xc4: {  	(tm) =	ssettm $0x7FFFFFFF  }
0xc5: {  	_ =	shalt  }
tec
execute0_lowered:
.L_overlay_start_1:
0x0: {  	(tag) =	ssettag $0x1  }
0x1: {  	s1 =	rddreg [dreg:$0x0]  }
0x2: {  	s2 =	rddreg [dreg:$0x1]  }
0x3: {  	s4 =	rddreg [dreg:$0x2]  }
0x4: {  	s0 =	rddreg [dreg:$0x3]  }
0x5: {  	s3 =	simm.s32 $0x0;
	s5 =	srdreg.scid;
	s9 =	simm.s32 $0x1000  }
0x6: {  	s10 =	simm.s32 $0x2000;
	s11 =	simm.s32 $0x0;
	s6 =	sand.u32 $0x1, s5  }
0x7: {  	[smem:$0x7FF] =	sst s3;
	s5 =	sadd.s32 $0x2000, s4;
	s7 =	ssub.s32 $0x2, s6  }
0x8: {  	s4 =	stileid.u32;
	_ =	strace $0x80000047;
	s8 =	sshrl.u32 s7, $0x1  }
0x9: {  	v0 =	vlaneseq.u32;
	s31 =	sshll.u32 s4, $0x7;
	s6 =	sshll.u32 s6, $0x6;
	s7 =	ssub.s32 s7, s8  }
0xa: {  	v1 =	vand.u32 $0x7, v0;
	v2 =	vor.u32 $0x80, v0;
	s6 =	sor.u32 s6, s31;
	s8 =	simm.s32 $0x1;
	s7 =	smax.u32 s7, $0x1  }
.LBB2_1:
0xb: {  	s12 =	simm.s32 $0x0  }
.LBB2_2:
0xc: {  	s13 =	sadd.s32 s6, s12  }
0xd: {  	s15 =	simm.s32 $0x0;
	s14 =	sshll.u32 s13, $0x9  }
0xe: {  	s17 =	sand.u32 $0x70, s15;
	s16 =	sadd.s32 s1, s14  }
0xf: {  	v3 =	vor.u32 s17, v0;
	[tilespmem:s15], [sflag:$0x1] =	stream.linear.gather [hbm4b:s16+s15], $0x1000, $0x38;
	[tilespmem:$0xA000] =	vst v63  }
0x10: {  	s30 =	simm.s32 $0x0;
	v4 =	vand.u32 $0x78, v3;
	_ =	swait.ge [sflag:s8], $0x1000  }
0x11: {  	v4 =	vor.u32 s30, v4;
	[sflag:s8] =	ssyncset.done $0x0  }
0x12: {  	s14 =	sadd.s32 s2, s14;
	v5 =	vor.u32 v1, v4;
	[sflag:s8] =	ssyncadd.s32 $0xFFFFF000  }
0x13: {  	[tilespmem:s9], [sflag:$0x1] =	stream.linear.gather [hbm4b:s14+s15], $0x1000, $0x38;
	[tilespmem:$0xA000] =	vst v63  }
0x14: {  	_ =	swait.ge [sflag:s8], $0x1000  }
0x15: {  	s31 =	simm.s32 $0x0;
	[sflag:s8] =	ssyncset.done $0x0  }
0x16: {  	v3 =	vor.u32 s31, v3;
	v4 =	vmov s17;
	[sflag:s8] =	ssyncadd.s32 $0xFFFFF000  }
0x17: {  	v3 =	vshll.u32 v3, $0x4;
	v4 =	vor.u32 s30, v4;
	v6 =	vld.idx.msk [tilespmem:v5+s3+$0x0], $0xffff  }
0x18: {  	v4 =	vor.u32 v2, v4;
	_ =	sdelay $0x3  }
0x19: {  	[tilespmem:v3+s10+$0x0] =	vst.idx.msk $0xffff, v6  }
0x1a: {  	v7 =	vor.u32 $0x1, v3;
	v6 =	vld.idx.msk [tilespmem:v4+s3+$0x0], $0xffff;
	_ =	sdelay $0x4  }
0x1b: {  	[tilespmem:v7+s10+$0x0] =	vst.idx.msk $0xffff, v6  }
0x1c: {  	v6 =	vor.u32 $0x2, v3;
	v5 =	vld.idx.msk [tilespmem:v5+s9+$0x0], $0xffff;
	_ =	sdelay $0x2  }
0x1d: {  	s14 =	simm.s32 $0x10  }
0x1e: {  	s16 =	simm.s32 $0x2;
	s15 =	simm.s32 $0x1;
	s17 =	sand.u32 $0x70, s14  }
.LBB2_3:
0x1f: {  	p0 =	sne.s32 s16, $0x7F;
	s18 =	sshrl.u32 s15, $0x3;
	v7 =	vor.u32 s17, v0;
	[tilespmem:v6+s10+$0x0] =	vst.idx.msk $0xffff, v5;
	s15 =	smov.u32 s16  }
0x20: {  	v5 =	vand.u32 $0x78, v7;
	s19 =	sshll.u32 s18, $0x8;
	v4 =	vld.idx.msk [tilespmem:v4+s9+$0x0], $0xffff  }
0x21: {  	v3 =	vor.u32 $0x3, v3;
	v5 =	vor.u32 s19, v5  }
0x22: {  	v5 =	vor.u32 v1, v5;
	_ =	sdelay $0x3  }
0x23: {  	s18 =	sshll.u32 s18, $0x7;
	[tilespmem:v3+s10+$0x0] =	vst.idx.msk $0xffff, v4  }
0x24: {  	v4 =	vmov s17;
	v3 =	vor.u32 s18, v7;
	v6 =	vld.idx.msk [tilespmem:v5+s3+$0x0], $0xffff  }
0x25: {  	v3 =	vshll.u32 v3, $0x4;
	v4 =	vor.u32 s19, v4  }
0x26: {  	v4 =	vor.u32 v2, v4;
	_ =	sdelay $0x3  }
0x27: {  	[tilespmem:v3+s10+$0x0] =	vst.idx.msk $0xffff, v6  }
0x28: {  	v6 =	vld.idx.msk [tilespmem:v4+s3+$0x0], $0xffff  }
0x29: {  	v7 =	vor.u32 $0x1, v3;
	_ =	sdelay $0x4  }
0x2a: {  	[tilespmem:v7+s10+$0x0] =	vst.idx.msk $0xffff, v6  }
0x2b: {  	v5 =	vld.idx.msk [tilespmem:v5+s9+$0x0], $0xffff  }
.Ltmp0:
0x2c: {  	v6 =	vor.u32 $0x2, v3;
	(pc) =	sbr.rel @p0 .LBB2_3-.Ltmp0, $3  }
0x2d: {  	_ =	sdelay $0x1  }
0x2e: {  	s14 =	sadd.s32 $0x10, s14  }
0x2f: {  	s16 =	sadd.s32 $0x1, s16;
	s17 =	sand.u32 $0x70, s14  }
0x30: {  	_ =	sdelay $0x2  }
0x31: {  	s14 =	sshrl.u32 s15, $0x3;
	v7 =	vor.u32 s17, v0  }
0x32: {  	[tilespmem:v6+s10+$0x0] =	vst.idx.msk $0xffff, v5;
	v60 =	vand.u32 $0x78, v7;
	s15 =	sshll.u32 s14, $0x8  }
0x33: {  	v3 =	vor.u32 $0x3, v3;
	v4 =	vld.idx.msk [tilespmem:v4+s9+$0x0], $0xffff;
	v5 =	vor.u32 s15, v60  }
0x34: {  	v5 =	vor.u32 v1, v5;
	_ =	sdelay $0x2  }
0x35: {  	s14 =	sshll.u32 s14, $0x7  }
0x36: {  	v61 =	vor.u32 s14, v7;
	[tilespmem:v3+s10+$0x0] =	vst.idx.msk $0xffff, v4;
	v3 =	vmov s17  }
0x37: {  	v4 =	vshll.u32 v61, $0x4;
	v3 =	vor.u32 s15, v3;
	v6 =	vld.idx.msk [tilespmem:v5+s3+$0x0], $0xffff  }
0x38: {  	v3 =	vor.u32 v2, v3;
	_ =	sdelay $0x3  }
0x39: {  	[tilespmem:v4+s10+$0x0] =	vst.idx.msk $0xffff, v6  }
0x3a: {  	v62 =	vor.u32 $0x1, v4;
	v6 =	vld.idx.msk [tilespmem:v3+s3+$0x0], $0xffff;
	_ =	sdelay $0x4  }
0x3b: {  	[tilespmem:v62+s10+$0x0] =	vst.idx.msk $0xffff, v6  }
0x3c: {  	v63 =	vor.u32 $0x2, v4;
	v5 =	vld.idx.msk [tilespmem:v5+s9+$0x0], $0xffff;
	_ =	sdelay $0x4  }
0x3d: {  	[tilespmem:v63+s10+$0x0] =	vst.idx.msk $0xffff, v5  }
0x3e: {  	v4 =	vor.u32 $0x3, v4;
	v3 =	vld.idx.msk [tilespmem:v3+s9+$0x0], $0xffff;
	_ =	sdelay $0x2  }
0x3f: {  	s12 =	sadd.s32 $0x1, s12  }
0x40: {  	s13 =	sshll.u32 s13, $0xC;
	p0 =	sne.s32 s12, $0x40  }
.Ltmp1:
0x41: {  	s13 =	sadd.s32 s5, s13;
	[tilespmem:v4+s10+$0x0] =	vst.idx.msk $0xffff, v3;
	(pc) =	sbr.rel @p0 .LBB2_2-.Ltmp1, $4  }
0x42: {  	[hbm4b:s13+s3] =	stream.linear.scatter [tilespmem:s10], [sflag:$0x1], $0x8000, $0x38;
	[tilespmem:$0xA000] =	vst v63  }
0x43: {  	_ =	swait.ge [sflag:s8], $0x8000  }
0x44: {  	[sflag:s8] =	ssyncset.done $0x0  }
0x45: {  	[sflag:s8] =	ssyncadd.s32 $0xFFFF8000  }
0x46: {  	s11 =	sadd.s32 $0x1, s11  }
0x47: {  	p0 =	sne.s32 s11, s7  }
.Ltmp2:
0x48: {  	_ = 	snop;
	(pc) =	sbr.rel @p0 .LBB2_1-.Ltmp2, $1  }
0x49: {  	_ =	sdelay $0x3  }
0x4a: {  	_ =	sfence.sel $0x180000  }
0x4b: {  	[bflag:$0x0] =	sbarrier.arrive $0xFFFF  }
0x4c: {  	p0 =	sne.s32 s4, $0x0;
	_ =	strace $0x90000047  }
0x4d: {  	s0 =	sadd.s32 @!p0 $0x100000, s0;
	[bflag:$0x2] =	sbarrier.arrive $0xFFFF  }
0x4e: {  	[sflag:s0] =	ssyncadd.tile.s32 @!p0 $0x1;
	_ =	shalt  }
.Lfunc_end2:
_tile_overlayer_lowered:
.L_overlay_start_2:
0x4f: {  	(tag) =	ssettag $0x2  }
0x50: {  	s0 =	rddreg [dreg:$0x0];
	s2 =	stileid.u32  }
0x51: {  	s1 =	rddreg [dreg:$0x1];
	p0 =	sne.s32 s2, $0x0  }
0x52: {  	s3 =	rddreg [dreg:$0x2];
	[bflag:$0x3] =	sbarrier.arrive $0xFFFF;
	s2 =	simm.s32 @!p0 $0x1C01  }
0x53: {  	[timem:s3], [sflag:s2] =	dma.local @!p0 [hbm:s0], s1  }
0x54: {  	s0 =	simm.s32 @!p0 $0x1  }
0x55: {  	_ =	swait.ge @!p0 [sflag:s0], s1  }
0x56: {  	s1 =	ssub.s32 @!p0 $0x0, s1;
	[sflag:s0] =	ssyncset.done @!p0 $0x0  }
0x57: {  	[sflag:s0] =	ssyncadd.s32 @!p0 s1  }
0x58: {  	[bflag:$0x3] =	sbarrier.arrive $0xFFFF  }
0x59: {  	_ =	shalt  }

// kernel: kernel.8.cloned.1.call-start
scs
__scs_entry_jumppad:
0x0: {  	(pc) =	sbr.rel $0x88, $3  }
0x1: {  	(tag) =	ssettag $0x0;
	lr =	simm.s32 $0x1  }
0x2: {  	[smem:$0x3F95] =	sst lr;
	_ =	strace $0xD0000000  }
0x3: {  	_ = 	snop  }
0x4: {  	_ = 	snop  }
0x5: {  	_ = 	snop  }
0x6: {  	_ = 	snop  }
0x7: {  	_ = 	snop  }
__scs_overlays_trampoline_lowered:
0x8: {  	[smem:$0x3FA4] =	sst s0  }
0x9: {  	[smem:$0x3FA5] =	sst s1  }
0xa: {  	[smem:$0x3FA6] =	sst s2  }
0xb: {  	[smem:$0x3FA7] =	sst s3  }
0xc: {  	[smem:$0x3FA8] =	sst s4  }
0xd: {  	[smem:$0x3FA9] =	sst s5  }
0xe: {  	[smem:$0x3FAA] =	sst s6  }
0xf: {  	[smem:$0x3FAB] =	sst s7  }
0x10: {  	[smem:$0x3FAC] =	sst s8  }
0x11: {  	[smem:$0x3FAD] =	sst s9;
	s0 =	simm.s32 @!p0 $0x0  }
0x12: {  	s1 =	sld [smem:$0x3F93];
	s0 =	simm.s32 @p0 $0x1  }
0x13: {  	[smem:$0x3FAE] =	sst s0;
	s0 =	simm.s32 @!p1 $0x0  }
0x14: {  	s2 =	sld [smem:$0x3F92];
	s0 =	simm.s32 @p1 $0x1  }
0x15: {  	[smem:$0x3FAF] =	sst s0;
	s0 =	simm.s32 @!p2 $0x0  }
0x16: {  	s3 =	sld [smem:$0x3FDB];
	s0 =	simm.s32 @p2 $0x1  }
0x17: {  	s4 =	simm.s32 $0x1BF5;
	[smem:$0x3FB1] =	sst s0  }
0x18: {  	s0 =	sld [smem:$0x3F94];
	_ =	swait.ge [sflag:s4], $0x0  }
0x19: {  	s7 =	sld [smem:$0x3F95]  }
0x1a: {  	s8 =	sadd.s32 $0xFFFFE003, lr  }
0x1b: {  	s9 =	sadd.s32 $0xFFFFFEF7, lr;
	s5 =	simm.s32 $0xFFFFFFFF;
	p2 =	slt.u32 s8, $0xFFFFF086  }
0x1c: {  	p1 =	slt.u32 s9, $0xF7A;
	s5 =	simm.s32 @!p2 $0x0  }
0x1d: {  	s5 =	simm.s32 @p1 $0x1;
	p0 =	seq.s32 s7, s2  }
0x1e: {  	s7 =	smul.u32 @!p0 $0xF7A, s2;
	p2 =	seq.s32 @!p0 s5, $0x0  }
0x1f: {  	s9 =	smul.u32 $0xF7A, s1;
	s8 =	simm.s32 @!p0 $0x1BF5;
	p2 =	por !p2, p0  }
0x20: {  	[sflag:s8] =	ssyncset.s32 @!p0 $0xFFFFF086;
	s6 =	sadd.s32 @!p0 s3, s7;
	s7 =	simm.s32 @!p0 $0x108  }
0x21: {  	s3 =	sadd.s32 s3, s9;
	s6 =	sadd.s32 @!p0 $0x88, s6;
	s7 =	simm.s32 @p2 $0x1082  }
0x22: {  	[simem:s7], [sflag:s8] =	dma.local @!p0 [hbm:s6], $0xF7A  }
0x23: {  	s9 =	sor.u32 $0xD0000000, s2;
	s6 =	simm.s32 $0x108;
	_ =	swait.ge @!p0 [sflag:s8], $0x0  }
0x24: {  	s3 =	sadd.s32 $0x88, s3;
	s6 =	simm.s32 @!p1 $0x1082;
	[sflag:s4] =	ssyncset.s32 $0xFFFFF086  }
0x25: {  	[simem:s6], [sflag:s4] =	dma.local [hbm:s3], $0xF7A  }
0x26: {  	[smem:$0x3F95] =	sst s1;
	(tag) =	ssettag s2;
	_ =	strace s9  }
0x27: {  	s1 =	sld [smem:$0x3FA5]  }
0x28: {  	s2 =	sld [smem:$0x3FA6]  }
0x29: {  	s4 =	sld [smem:$0x3FA8]  }
0x2a: {  	p0 =	seq.s32 s5, $0x0;
	s5 =	sld [smem:$0x3FA9]  }
0x2b: {  	s6 =	sld [smem:$0x3FAA]  }
0x2c: {  	s7 =	sld [smem:$0x3FAB]  }
0x2d: {  	s3 =	simm.s32 $0x108;
	s8 =	sld [smem:$0x3FAC]  }
0x2e: {  	s3 =	simm.s32 @!p0 $0x1082;
	s9 =	sld [smem:$0x3FAD]  }
0x2f: {  	lr =	sadd.s32 s0, s3;
	s0 =	sld [smem:$0x3FA4]  }
0x30: {  	s3 =	sld [smem:$0x3FA7]  }
0x31: {  	[smem:$0x3FB0] =	sst s10  }
0x32: {  	s10 =	sld [smem:$0x3FAE];
	_ =	sdelay $0x3  }
0x33: {  	p0 =	seq.s32 s10, $0x1;
	s10 =	sld [smem:$0x3FB0];
	_ =	sdelay $0x3  }
0x34: {  	[smem:$0x3FB0] =	sst s10  }
0x35: {  	s10 =	sld [smem:$0x3FAF];
	_ =	sdelay $0x3  }
0x36: {  	p1 =	seq.s32 s10, $0x1;
	s10 =	sld [smem:$0x3FB0];
	_ =	sdelay $0x3  }
0x37: {  	[smem:$0x3FB0] =	sst s10  }
0x38: {  	s10 =	sld [smem:$0x3FB1]  }
0x39: {  	_ = 	snop;
	(pc) =	sbr.ind lr, $3  }
0x3a: {  	_ = 	snop  }
0x3b: {  	_ = 	snop  }
0x3c: {  	p2 =	seq.s32 s10, $0x1;
	s10 =	sld [smem:$0x3FB0]  }
0x3d: {  	_ =	shalt  }
0x3e: {  	_ =	shalt  }
0x3f: {  	_ =	shalt  }
0x40: {  	_ =	shalt  }
0x41: {  	_ =	shalt  }
0x42: {  	_ =	shalt  }
0x43: {  	_ =	shalt  }
0x44: {  	_ =	shalt  }
0x45: {  	_ =	shalt  }
0x46: {  	_ =	shalt  }
0x47: {  	_ =	shalt  }
0x48: {  	_ =	shalt  }
0x49: {  	_ =	shalt  }
0x4a: {  	_ =	shalt  }
0x4b: {  	_ =	shalt  }
0x4c: {  	_ =	shalt  }
0x4d: {  	_ =	shalt  }
0x4e: {  	_ =	shalt  }
0x4f: {  	_ =	shalt  }
0x50: {  	_ =	shalt  }
0x51: {  	_ =	shalt  }
0x52: {  	_ =	shalt  }
0x53: {  	_ =	shalt  }
0x54: {  	_ =	shalt  }
0x55: {  	_ =	shalt  }
0x56: {  	_ =	shalt  }
0x57: {  	_ =	shalt  }
0x58: {  	_ =	shalt  }
0x59: {  	_ =	shalt  }
0x5a: {  	_ =	shalt  }
0x5b: {  	_ =	shalt  }
0x5c: {  	_ =	shalt  }
0x5d: {  	_ =	shalt  }
0x5e: {  	_ =	shalt  }
0x5f: {  	_ =	shalt  }
0x60: {  	_ =	shalt  }
0x61: {  	_ =	shalt  }
0x62: {  	_ =	shalt  }
0x63: {  	_ =	shalt  }
0x64: {  	_ =	shalt  }
0x65: {  	_ =	shalt  }
0x66: {  	_ =	shalt  }
0x67: {  	_ =	shalt  }
0x68: {  	_ =	shalt  }
0x69: {  	_ =	shalt  }
0x6a: {  	_ =	shalt  }
0x6b: {  	_ =	shalt  }
0x6c: {  	_ =	shalt  }
0x6d: {  	_ =	shalt  }
0x6e: {  	_ =	shalt  }
0x6f: {  	_ =	shalt  }
0x70: {  	_ =	shalt  }
0x71: {  	_ =	shalt  }
0x72: {  	_ =	shalt  }
0x73: {  	_ =	shalt  }
0x74: {  	_ =	shalt  }
0x75: {  	_ =	shalt  }
0x76: {  	_ =	shalt  }
0x77: {  	_ =	shalt  }
0x78: {  	_ =	shalt  }
0x79: {  	_ =	shalt  }
0x7a: {  	_ =	shalt  }
0x7b: {  	_ =	shalt  }
0x7c: {  	_ =	shalt  }
0x7d: {  	_ =	shalt  }
0x7e: {  	_ =	shalt  }
0x7f: {  	_ =	shalt  }
0x80: {  	_ =	shalt  }
0x81: {  	_ =	shalt  }
0x82: {  	_ =	shalt  }
0x83: {  	_ =	shalt  }
0x84: {  	_ =	shalt  }
0x85: {  	_ =	shalt  }
0x86: {  	_ =	shalt  }
0x87: {  	_ =	shalt  }
.Lfunc_end0:
.L_simem_size_0:
called_computation.1_lowered:
.L_overlay_start_0:
0x88: {  	s2 =	sld [smem:$0x3FD9]  }
0x89: {  	s3 =	sld [smem:$0x3FFE];
	_ =	sdelay $0x1  }
0x8a: {  	s1 =	srdreg.scid  }
0x8b: {  	s0 =	sand.u32 $0x1, s1  }
0x8c: {  	s14 =	sshll.u32 s0, $0xA;
	s2 =	sadd.s32 s3, s2  }
0x8d: {  	s2 =	sadd.s32 s2, s14  }
0x8e: {  	[smem:$0x3FBC] =	sst s2  }
0x8f: {  	_ = 	snop  }
0x90: {  	s2 =	sld [smem:$0x3FD0];
	_ =	sdelay $0x2  }
0x91: {  	s15 =	simm.s32 $0xA;
	s4 =	simm.s32 $0x10  }
0x92: {  	[smem:s4], [sflag:s15] =	dma.local [hbm:s2], $0x1  }
0x93: {  	_ =	swait.eq [sflag:s15], $0x1  }
0x94: {  	[sflag:s15] =	ssyncset.done $0x0  }
0x95: {  	s16 =	sld [smem:$0x10];
	[sflag:s15] =	ssyncadd.s32 $0xFFFFFFFF  }
0x96: {  	s17 =	sld [smem:$0x11];
	(tm) =	ssettm $0x1  }
0x97: {  	s18 =	sld [smem:$0x3FFB];
	_ =	sdelay $0x3  }
0x98: {  	_ =	strace s18  }
0x99: {  	s4 =	sld [smem:$0x3FFC];
	_ =	sdelay $0x3  }
0x9a: {  	_ =	strace s4  }
0x9b: {  	s4 =	sld [smem:$0x3FFD];
	_ =	sdelay $0x3  }
0x9c: {  	_ =	strace s4  }
0x9d: {  	_ =	strace $0x8FFFFFFF  }
0x9e: {  	s19 =	sld [smem:$0x3FDB];
	_ =	sdelay $0x1  }
0x9f: {  	s5 =	simm.s32 $_scs_section_size  }
0xa0: {  	s6 =	simm.s32 $_size__tile_overlayer_lowered;
	s7 =	simm.s32 $_tile_overlayer_lowered  }
0xa1: {  	s22 =	simm.s32 $0x1BFF;
	s21 =	sshll.u32 s7, $0x1;
	s4 =	sadd.s32 s5, s19  }
0xa2: {  	s8 =	simm.s32 $0x0;
	s20 =	sshll.u32 s6, $0x1;
	s6 =	sadd.s32 s21, s4  }
0xa3: {  	[timem:s8], [sflag:s22] =	dma.local [hbm:s6], s20  }
0xa4: {  	_ =	swait.ge [sflag:s22], s20  }
0xa5: {  	s5 =	ssub.s32 $0x0, s20;
	[sflag:s22] =	ssyncset.done $0x0  }
0xa6: {  	[sflag:s22] =	ssyncadd.s32 s5;
	_ =	sdelay $0x1  }
0xa7: {  	s23 =	simm.s32 $0x1B8B  }
0xa8: {  	_ =	swait.ge [sflag:s23], $0x1  }
0xa9: {  	[sflag:s23] =	ssyncset.done $0x0  }
0xaa: {  	s25 =	simm.s32 $0x1B8E;
	s24 =	sld [smem:$0x3FFE];
	[sflag:s23] =	ssyncadd.s32 $0xFFFFFFFF  }
0xab: {  	s26 =	simm.s32 $execute0_lowered;
	[smem:$0x3FD2] =	sst s25  }
0xac: {  	s6 =	sshll.u32 s26, $0x1;
	_ =	strace $0x80000049;
	[dreg:$0x1] =	wrdreg $0xFFFFFFFF  }
0xad: {  	s28 =	simm.s32 $_size_execute0_lowered;
	s4 =	sadd.s32 s4, s6;
	[dreg:$0x0] =	wrdreg $0x0  }
0xae: {  	s6 =	sshll.u32 s28, $0x1;
	[dreg:$0x2] =	wrdreg s4  }
0xaf: {  	[dreg:$0x3] =	wrdreg s6  }
0xb0: {  	[dreg:$0x4] =	wrdreg $0xC0  }
0xb1: {  	_ =	task [dreg:s8], $0x5FFFF  }
0xb2: {  	[dreg:$0x1] =	wrdreg $0xFFFFFFFF  }
0xb3: {  	[dreg:$0x0] =	wrdreg $0x60  }
0xb4: {  	[dreg:$0x2] =	wrdreg s24  }
0xb5: {  	[dreg:$0x3] =	wrdreg s16  }
0xb6: {  	[dreg:$0x4] =	wrdreg s17  }
0xb7: {  	[dreg:$0x5] =	wrdreg $0x9  }
0xb8: {  	_ =	task.clear_ibuf [dreg:s8], $0x6FFFF;
	_ =	strace $0x90000049  }
0xb9: {  	s29 =	simm.s32 $0x9;
	_ =	strace $0x8000004B  }
0xba: {  	_ =	swait.ge [sflag:s29], $0x1  }
0xbb: {  	[sflag:s29] =	ssyncadd.s32 $0xFFFFFFFF  }
0xbc: {  	_ =	strace $0x9000004B  }
0xbd: {  	_ =	sfence  }
0xbe: {  	s30 =	sld [smem:$0x0];
	_ =	sdelay $0x2  }
0xbf: {  	s31 =	sshll.u32 s1, $0xD;
	s1 =	sshrl.u32 s1, $0x2  }
0xc0: {  	s3 =	sand.u32 $0x4000, s31;
	s1 =	sadd.s32 s1, s30  }
0xc1: {  	s0 =	sor.u32 s3, s0;
	s1 =	sshll.u32 s1, $0x11  }
0xc2: {  	s0 =	sor.u32 s1, s0  }
0xc3: {  	s0 =	sadd.s32 $0x8F2B, s0  }
0xc4: {  	[sflag:s0] =	ssyncadd.remote.s32 $0x1  }
0xc5: {  	_ =	sfence.sel $0xFFFF  }
0xc6: {  	[dreg:$0x0] =	wrdreg $0xFFFFFFFF;
	(pc) =	sbr.abs _section_cstart, $3  }
0xc7: {  	[dreg:$0x1] =	wrdreg $0xFFFFFFFF  }
0xc8: {  	_ =	task.clear_ibuf [dreg:s8], $0x2FFFF;
	_ =	strace $0x9FFFFFFF  }
0xc9: {  	(tm) =	ssettm $0x7FFFFFFF  }
tec
execute0_lowered:
.L_overlay_start_1:
0x0: {  	(tag) =	ssettag $0x1  }
0x1: {  	s0 =	rddreg [dreg:$0x0]  }
0x2: {  	s5 =	simm.s32 $0x0;
	s1 =	srdreg.scid;
	s3 =	stileid.u32  }
0x3: {  	s10 =	simm.s32 $0x9;
	s11 =	simm.s32 $0x200;
	s13 =	simm.s32 $0x5600  }
0x4: {  	s15 =	simm.s32 $0x7600;
	s17 =	simm.s32 $0x9600;
	s19 =	simm.s32 $0xB600  }
0x5: {  	s21 =	simm.s32 $0xD600;
	s22 =	simm.s32 $0x5000;
	s23 =	simm.s32 $0xF600  }
0x6: {  	s28 =	simm.s32 $0x13600;
	s29 =	simm.s32 $0x1;
	s30 =	simm.s32 $0x600  }
0x7: {  	s31 =	simm.s32 $0x2;
	s4 =	simm.s32 $0x4;
	s9 =	simm.s32 $0x5  }
0x8: {  	[smem:$0x7FF] =	sst s5;
	s1 =	sand.u32 $0x1, s1;
	s2 =	sadd.s32 $0x802000, s0  }
0x9: {  	s6 =	sadd.s32 $0x2000, s0;
	s0 =	sadd.s32 $0x822000, s0;
	s26 =	sshll.u32 s3, $0xD  }
0xa: {  	s3 =	simm.s32 $0x6;
	_ =	strace $0x8000004A;
	[dreg:$0x5] =	wrdreg s2  }
0xb: {  	s24 =	ssub.s32 $0x2, s1;
	[dreg:$0x6] =	wrdreg s0;
	s1 =	sshll.u32 s1, $0xC  }
0xc: {  	s2 =	simm.s32 $0x8;
	s25 =	sshrl.u32 s24, $0x1;
	s1 =	sor.u32 s1, s26  }
0xd: {  	s26 =	simm.s32 $0x5400;
	s0 =	ssub.s32 s24, s25;
	[dreg:$0x7] =	wrdreg s1  }
0xe: {  	s24 =	simm.s32 $0x5200;
	s25 =	simm.s32 $0x11600;
	s0 =	smax.u32 s0, $0x1  }
0xf: {  	v0 =	vlaneseq.u32;
	s1 =	simm.s32 $0x7;
	[dreg:$0x8] =	wrdreg s0;
	s0 =	simm.s32 $0x3  }
.LBB2_1:
0x10: {  	[dreg:$0x4] =	wrdreg s5;
	s5 =	simm.s32 $0x0  }
.LBB2_2:
0x11: {  	s14 =	sshll.u32 s5, $0x6;
	s7 =	rddreg [dreg:$0x7]  }
0x12: {  	s16 =	rddreg [dreg:$0x5];
	s12 =	sadd.s32 s7, s14  }
0x13: {  	[dreg:$0x9] =	wrdreg s5;
	s8 =	simm.s32 $0x0;
	s5 =	sadd.s32 s16, s12  }
0x14: {  	[tilespmem:s8], [sflag:$0x9] =	stream.linear.gather [hbm4b:s5+s8], $0x200, $0x38;
	[tilespmem:$0x15600] =	vst v63  }
0x15: {  	_ =	swait.ge [sflag:s10], $0x200  }
0x16: {  	[sflag:s10] =	ssyncset.done $0x0  }
0x17: {  	[sflag:s10] =	ssyncadd.s32 $0xFFFFFE00  }
0x18: {  	s18 =	rddreg [dreg:$0x1]  }
0x19: {  	s7 =	simm.s32 $0x200;
	s5 =	sadd.s32 s18, s12  }
0x1a: {  	[tilespmem:s7], [sflag:$0x9] =	stream.linear.gather [hbm4b:s5+s8], $0x200, $0x38;
	[tilespmem:$0x15600] =	vst v63  }
0x1b: {  	_ =	swait.ge [sflag:s10], $0x200  }
0x1c: {  	[sflag:s10] =	ssyncset.done $0x0  }
0x1d: {  	[sflag:s10] =	ssyncadd.s32 $0xFFFFFE00  }
0x1e: {  	s20 =	rddreg [dreg:$0x2]  }
0x1f: {  	s18 =	simm.s32 $0x400;
	[dreg:$0xa] =	wrdreg s12;
	s5 =	sadd.s32 s20, s12  }
0x20: {  	[tilespmem:s18], [sflag:$0x9] =	stream.linear.gather [hbm4b:s5+s8], $0x200, $0x38;
	[tilespmem:$0x15600] =	vst v63  }
0x21: {  	_ =	swait.ge [sflag:s10], $0x200  }
0x22: {  	[sflag:s10] =	ssyncset.done $0x0  }
0x23: {  	s5 =	simm.s32 $0x0;
	[sflag:s10] =	ssyncadd.s32 $0xFFFFFE00  }
.LBB2_3:
0x24: {  	v1 =	vmov s8  }
0x25: {  	v3 =	vmov s7  }
0x26: {  	v2 =	vmov s18;
	_ =	sdelay $0x1  }
0x27: {  	s10 =	simm.s32 $0x0  }
0x28: {  	v4 =	vld.idx.msk [tilespmem:v1+s10+$0x0 ss:$0x1], $0xffff  }
0x29: {  	v5 =	vld.idx.msk [tilespmem:v3+s10+$0x0 ss:$0x1], $0xffff  }
0x2a: {  	v6 =	vld.idx.msk [tilespmem:v2+s10+$0x0 ss:$0x1], $0xffff;
	_ =	sdelay $0x2  }
0x2b: {  	v4 =	vmul.f32 $3.100000000e+01, v4  }
0x2c: {  	v5 =	vmul.f32 $3.100000000e+01, v5  }
0x2d: {  	v6 =	vmul.f32 $3.100000000e+01, v6;
	v4 =	vtrunc.f32 v4  }
0x2e: {  	v7 =	vcvt.f32.s32 v4;
	v4 =	vtrunc.f32 v5  }
0x2f: {  	v5 =	vcvt.f32.s32 v4;
	v4 =	vtrunc.f32 v6  }
0x30: {  	v4 =	vcvt.f32.s32 v4;
	v6 =	vadd.s32 $0x1, v7;
	v10 =	vshll.u32 v7, $0xA  }
0x31: {  	vm0 =	vlt.s32 v6, $0x1F;
	v7 =	vadd.s32 $0x1, v5;
	v8 =	vshll.u32 v5, $0x5  }
0x32: {  	v5 =	vnsel vm0, $0x1F, v6;
	vm14 =	vlt.s32 v7, $0x1F;
	v9 =	vadd.s32 $0x1, v4  }
0x33: {  	v7 =	vnsel vm14, $0x1F, v7;
	vm15 =	vlt.s32 v9, $0x1F;
	v6 =	vshll.u32 v5, $0xA  }
0x34: {  	v5 =	vnsel vm15, $0x1F, v9;
	v7 =	vshll.u32 v7, $0x5;
	v9 =	vadd.s32 v8, v6  }
0x35: {  	s12 =	sshll.u32 s5, $0x6;
	s14 =	simm.s32 $0x40;
	v8 =	vadd.s32 v10, v8;
	v10 =	vadd.s32 v10, v7;
	v11 =	vadd.s32 v4, v9  }
.LBB2_4:
0x36: {  	p0 =	sne.s32 s14, $0xC0;
	v12 =	vadd.s32 v4, v8;
	v13 =	vadd.s32 v4, v10;
	v10 =	vadd.s32 v5, v10;
	[tilespmem:s10+$0x4700] =	vst v11;
	s16 =	smov.u32 s14;
	s14 =	sadd.s32 $0x40, s14  }
0x37: {  	v9 =	vadd.s32 v5, v9;
	v6 =	vadd.s32 v6, v7;
	[tilespmem:s10+$0x4600] =	vst v12  }
0x38: {  	v7 =	vadd.s32 v8, v5;
	v4 =	vadd.s32 v4, v6;
	v5 =	vadd.s32 v5, v6;
	[tilespmem:s10+$0x4680] =	vst v13  }
0x39: {  	[tilespmem:s10+$0x46C0] =	vst v10  }
0x3a: {  	[tilespmem:s10+$0x4740] =	vst v9  }
0x3b: {  	[tilespmem:s10+$0x4780] =	vst v4  }
0x3c: {  	[tilespmem:s10+$0x4640] =	vst v7  }
0x3d: {  	[tilespmem:s10+$0x47C0] =	vst v5;
	s10 =	sshra.s32 s16, $0x2  }
0x3e: {  	v4 =	vld.idx.msk [tilespmem:v1+s10+$0x0 ss:$0x1], $0xffff  }
0x3f: {  	v5 =	vld.idx.msk [tilespmem:v3+s10+$0x0 ss:$0x1], $0xffff  }
0x40: {  	v6 =	vld.idx.msk [tilespmem:v2+s10+$0x0 ss:$0x1], $0xffff;
	_ =	sdelay $0x3  }
0x41: {  	v4 =	vmul.f32 $3.100000000e+01, v4  }
0x42: {  	v5 =	vmul.f32 $3.100000000e+01, v5  }
0x43: {  	v4 =	vtrunc.f32 v4;
	v6 =	vmul.f32 $3.100000000e+01, v6  }
0x44: {  	v7 =	vcvt.f32.s32 v4;
	v4 =	vtrunc.f32 v5  }
0x45: {  	v5 =	vcvt.f32.s32 v4;
	v4 =	vtrunc.f32 v6  }
0x46: {  	v4 =	vcvt.f32.s32 v4;
	v6 =	vadd.s32 $0x1, v7;
	v10 =	vshll.u32 v7, $0xA  }
.Ltmp0:
0x47: {  	vm0 =	vlt.s32 v6, $0x1F;
	v7 =	vadd.s32 $0x1, v5;
	v8 =	vshll.u32 v5, $0x5;
	(pc) =	sbr.rel @p0 .LBB2_4-.Ltmp0, $4  }
0x48: {  	v5 =	vnsel vm0, $0x1F, v6;
	vm0 =	vlt.s32 v7, $0x1F;
	v9 =	vadd.s32 $0x1, v4  }
0x49: {  	v7 =	vnsel vm0, $0x1F, v7;
	vm0 =	vlt.s32 v9, $0x1F;
	v6 =	vshll.u32 v5, $0xA  }
0x4a: {  	v5 =	vnsel vm0, $0x1F, v9;
	v7 =	vshll.u32 v7, $0x5;
	v9 =	vadd.s32 v8, v6  }
0x4b: {  	v8 =	vadd.s32 v10, v8;
	v10 =	vadd.s32 v10, v7;
	v11 =	vadd.s32 v4, v9  }
0x4c: {  	v12 =	vadd.s32 v4, v8;
	[tilespmem:s10+$0x4700] =	vst v11  }
0x4d: {  	v11 =	vadd.s32 v4, v10;
	[tilespmem:s10+$0x4600] =	vst v12  }
0x4e: {  	v10 =	vadd.s32 v5, v10;
	[tilespmem:s10+$0x4680] =	vst v11  }
0x4f: {  	v9 =	vadd.s32 v5, v9;
	[tilespmem:s10+$0x46C0] =	vst v10  }
0x50: {  	v6 =	vadd.s32 v6, v7;
	v7 =	vadd.s32 v8, v5;
	[tilespmem:s10+$0x4740] =	vst v9  }
0x51: {  	v4 =	vadd.s32 v4, v6;
	[tilespmem:s10+$0x4640] =	vst v7  }
0x52: {  	[tilespmem:s10+$0x4780] =	vst v4;
	v4 =	vadd.s32 v5, v6  }
0x53: {  	s20 =	simm.s32 $0x4600;
	[tilespmem:s10+$0x47C0] =	vst v4;
	s10 =	simm.s32 $0x0  }
0x54: {  	[tilespmem:s13], [sflag:$0x1] =	stream.indirect.gather [hbm4b:s6+s11], $0x10, s20, s11, $0xb8;
	[tilespmem:$0x15600] =	vst v63  }
0x55: {  	v4 =	vld.idx.msk [tilespmem:v3+s10+$0x0 ss:$0x1], $0xffff  }
0x56: {  	v5 =	vld.idx.msk [tilespmem:v1+s10+$0x0 ss:$0x1], $0xffff  }
0x57: {  	v6 =	vld.idx.msk [tilespmem:v2+s10+$0x0 ss:$0x1], $0xffff;
	_ =	sdelay $0x2  }
0x58: {  	v4 =	vmul.f32 $5.100000000e+01, v4  }
0x59: {  	v5 =	vmul.f32 $5.100000000e+01, v5  }
0x5a: {  	v6 =	vmul.f32 $5.100000000e+01, v6;
	v4 =	vtrunc.f32 v4  }
0x5b: {  	v5 =	vtrunc.f32 v5;
	v4 =	vcvt.f32.s32 v4  }
0x5c: {  	v8 =	vcvt.f32.s32 v5  }
0x5d: {  	v6 =	vtrunc.f32 v6;
	v5 =	vadd.s32 $0x1, v4;
	v4 =	vmul.u32 $0x34, v4  }
0x5e: {  	s14 =	simm.s32 $0x40;
	v7 =	vadd.s32 $0x1, v8;
	v8 =	vmul.u32 $0xA90, v8;
	vm0 =	vlt.s32 v5, $0x33  }
.LBB2_6:
0x5f: {  	p0 =	sne.s32 s14, $0xC0;
	v6 =	vcvt.f32.s32 v6;
	vm1 =	vlt.s32 v7, $0x33;
	v5 =	vnsel vm0, $0x33, v5;
	s16 =	smov.u32 s14;
	s14 =	sadd.s32 $0x40, s14  }
0x60: {  	v7 =	vnsel vm1, $0x33, v7;
	v8 =	vadd.s32 $0x80000, v8;
	v5 =	vmul.u32 $0x34, v5  }
0x61: {  	v9 =	vadd.s32 $0x1, v6;
	v7 =	vmul.u32 $0xA90, v7;
	v10 =	vadd.s32 v4, v8  }
0x62: {  	vm0 =	vlt.s32 v9, $0x33;
	v11 =	vadd.s32 v6, v10;
	v8 =	vadd.s32 v8, v5  }
0x63: {  	v7 =	vadd.s32 $0x80000, v7;
	[tilespmem:s10+$0x4800] =	vst v11;
	v11 =	vadd.s32 v6, v8  }
0x64: {  	v9 =	vnsel vm0, $0x33, v9;
	[tilespmem:s10+$0x4880] =	vst v11;
	v4 =	vadd.s32 v4, v7;
	v5 =	vadd.s32 v5, v7  }
0x65: {  	s16 =	sshra.s32 s16, $0x2;
	v7 =	vadd.s32 v6, v4;
	v4 =	vadd.s32 v9, v4;
	v6 =	vadd.s32 v6, v5  }
0x66: {  	v10 =	vadd.s32 v10, v9;
	v8 =	vadd.s32 v9, v8;
	v5 =	vadd.s32 v9, v5;
	[tilespmem:s10+$0x4900] =	vst v7  }
0x67: {  	[tilespmem:s10+$0x48C0] =	vst v8  }
0x68: {  	[tilespmem:s10+$0x4840] =	vst v10  }
0x69: {  	[tilespmem:s10+$0x4980] =	vst v6  }
0x6a: {  	[tilespmem:s10+$0x49C0] =	vst v5  }
0x6b: {  	[tilespmem:s10+$0x4940] =	vst v4;
	s10 =	smov.u32 s16  }
0x6c: {  	v4 =	vld.idx.msk [tilespmem:v3+s10+$0x0 ss:$0x1], $0xffff  }
0x6d: {  	v5 =	vld.idx.msk [tilespmem:v1+s10+$0x0 ss:$0x1], $0xffff  }
0x6e: {  	v6 =	vld.idx.msk [tilespmem:v2+s10+$0x0 ss:$0x1], $0xffff;
	_ =	sdelay $0x3  }
0x6f: {  	v4 =	vmul.f32 $5.100000000e+01, v4  }
0x70: {  	v5 =	vmul.f32 $5.100000000e+01, v5  }
.Ltmp1:
0x71: {  	v4 =	vtrunc.f32 v4;
	v6 =	vmul.f32 $5.100000000e+01, v6;
	(pc) =	sbr.rel @p0 .LBB2_6-.Ltmp1, $4  }
0x72: {  	v5 =	vtrunc.f32 v5;
	v4 =	vcvt.f32.s32 v4  }
0x73: {  	v8 =	vcvt.f32.s32 v5  }
0x74: {  	v6 =	vtrunc.f32 v6;
	v5 =	vadd.s32 $0x1, v4;
	v4 =	vmul.u32 $0x34, v4  }
0x75: {  	v7 =	vadd.s32 $0x1, v8;
	vm0 =	vlt.s32 v5, $0x33;
	v8 =	vmul.u32 $0xA90, v8  }
0x76: {  	vm1 =	vlt.s32 v7, $0x33;
	v6 =	vcvt.f32.s32 v6;
	v5 =	vnsel vm0, $0x33, v5  }
0x77: {  	v7 =	vnsel vm1, $0x33, v7;
	v8 =	vadd.s32 $0x80000, v8;
	v5 =	vmul.u32 $0x34, v5  }
0x78: {  	v7 =	vmul.u32 $0xA90, v7;
	v9 =	vadd.s32 $0x1, v6;
	v10 =	vadd.s32 v4, v8  }
0x79: {  	v11 =	vadd.s32 v6, v10;
	v8 =	vadd.s32 v8, v5;
	vm15 =	vlt.s32 v9, $0x33  }
0x7a: {  	[tilespmem:s10+$0x4800] =	vst v11;
	v61 =	vadd.s32 v6, v8;
	v9 =	vnsel vm15, $0x33, v9  }
0x7b: {  	v7 =	vadd.s32 $0x80000, v7;
	[tilespmem:s10+$0x4880] =	vst v61;
	v8 =	vadd.s32 v9, v8  }
0x7c: {  	v4 =	vadd.s32 v4, v7;
	v63 =	vadd.s32 v10, v9;
	[tilespmem:s10+$0x48C0] =	vst v8  }
0x7d: {  	v5 =	vadd.s32 v5, v7;
	v62 =	vadd.s32 v6, v4;
	[tilespmem:s10+$0x4840] =	vst v63  }
0x7e: {  	v6 =	vadd.s32 v6, v5;
	[tilespmem:s10+$0x4900] =	vst v62  }
0x7f: {  	v5 =	vadd.s32 v9, v5;
	[tilespmem:s10+$0x4980] =	vst v6  }
0x80: {  	v4 =	vadd.s32 v9, v4;
	[tilespmem:s10+$0x49C0] =	vst v5  }
0x81: {  	s20 =	simm.s32 $0x4800;
	s14 =	simm.s32 $0x40;
	[tilespmem:s10+$0x4940] =	vst v4;
	s10 =	simm.s32 $0x0  }
0x82: {  	[tilespmem:s15], [sflag:$0x2] =	stream.indirect.gather [hbm4b:s6+s11], $0x10, s20, s11, $0xb8;
	[tilespmem:$0x15600] =	vst v63  }
.LBB2_8:
0x83: {  	p0 =	sne.s32 s14, $0xC0;
	v4 =	vld.idx.msk [tilespmem:v3+s10+$0x0 ss:$0x1], $0xffff;
	_ =	sdelay $0x1  }
0x84: {  	v5 =	vld.idx.msk [tilespmem:v1+s10+$0x0 ss:$0x1], $0xffff;
	_ =	sdelay $0x1  }
0x85: {  	v6 =	vld.idx.msk [tilespmem:v2+s10+$0x0 ss:$0x1], $0xffff;
	_ =	sdelay $0x1  }
0x86: {  	v4 =	vmul.f32 $8.500000000e+01, v4;
	_ =	sdelay $0x1  }
0x87: {  	v5 =	vmul.f32 $8.500000000e+01, v5;
	v4 =	vtrunc.f32 v4  }
0x88: {  	v4 =	vcvt.f32.s32 v4  }
0x89: {  	v5 =	vtrunc.f32 v5;
	v6 =	vmul.f32 $8.500000000e+01, v6  }
0x8a: {  	v5 =	vcvt.f32.s32 v5;
	v7 =	vadd.s32 $0x1, v4;
	v4 =	vmul.u32 $0x9E3779B1, v4  }
0x8b: {  	v6 =	vtrunc.f32 v6;
	vm0 =	vlt.s32 v7, $0x55  }
0x8c: {  	v6 =	vcvt.f32.s32 v6;
	v8 =	vadd.s32 $0x1, v5;
	v7 =	vnsel vm0, $0x55, v7  }
0x8d: {  	v9 =	vxor.u32 v5, v4;
	vm0 =	vlt.s32 v8, $0x55;
	v7 =	vmul.u32 $0x9E3779B1, v7  }
0x8e: {  	v8 =	vnsel vm0, $0x55, v8;
	v10 =	vadd.s32 $0x1, v6;
	v6 =	vmul.u32 $0x30025795, v6  }
0x8f: {  	vm0 =	vlt.s32 v10, $0x55;
	v5 =	vxor.u32 v5, v7;
	v7 =	vxor.u32 v8, v7  }
0x90: {  	v4 =	vxor.u32 v4, v8;
	v10 =	vnsel vm0, $0x55, v10;
	v8 =	vxor.u32 v6, v7  }
0x91: {  	v11 =	vxor.u32 v6, v4;
	v10 =	vmul.u32 $0x30025795, v10;
	v8 =	vand.u32 $0x7FFFF, v8  }
0x92: {  	v12 =	vxor.u32 v6, v5;
	v11 =	vand.u32 $0x7FFFF, v11;
	v8 =	vor.u32 $0x100000, v8  }
0x93: {  	v11 =	vor.u32 $0x100000, v11;
	v5 =	vxor.u32 v10, v5;
	v4 =	vxor.u32 v4, v10;
	[tilespmem:s10+$0x4B80] =	vst v8  }
0x94: {  	v8 =	vand.u32 $0x7FFFF, v12;
	v5 =	vand.u32 $0x7FFFF, v5;
	v4 =	vand.u32 $0x7FFFF, v4;
	[tilespmem:s10+$0x4B00] =	vst v11  }
0x95: {  	v8 =	vor.u32 $0x100000, v8;
	v5 =	vor.u32 $0x100000, v5;
	v4 =	vor.u32 $0x100000, v4  }
0x96: {  	v6 =	vxor.u32 v6, v9;
	v9 =	vxor.u32 v9, v10;
	[tilespmem:s10+$0x4AC0] =	vst v5;
	v5 =	vxor.u32 v10, v7  }
.Ltmp2:
0x97: {  	v6 =	vand.u32 $0x7FFFF, v6;
	v7 =	vand.u32 $0x7FFFF, v9;
	[tilespmem:s10+$0x4B40] =	vst v4;
	v4 =	vand.u32 $0x7FFFF, v5;
	(pc) =	sbr.rel @p0 .LBB2_8-.Ltmp2, $4  }
0x98: {  	v5 =	vor.u32 $0x100000, v6;
	v6 =	vor.u32 $0x100000, v7;
	[tilespmem:s10+$0x4A80] =	vst v8;
	v4 =	vor.u32 $0x100000, v4  }
0x99: {  	[tilespmem:s10+$0x4A40] =	vst v6  }
0x9a: {  	[tilespmem:s10+$0x4A00] =	vst v5  }
0x9b: {  	[tilespmem:s10+$0x4BC0] =	vst v4;
	s10 =	sshra.s32 s14, $0x2;
	s14 =	sadd.s32 $0x40, s14  }
0x9c: {  	_ =	sdelay $0x3  }
0x9d: {  	v4 =	vld.idx.msk [tilespmem:v3+s10+$0x0 ss:$0x1], $0xffff  }
0x9e: {  	v5 =	vld.idx.msk [tilespmem:v1+s10+$0x0 ss:$0x1], $0xffff  }
0x9f: {  	v6 =	vld.idx.msk [tilespmem:v2+s10+$0x0 ss:$0x1], $0xffff;
	_ =	sdelay $0x3  }
0xa0: {  	v4 =	vmul.f32 $8.500000000e+01, v4  }
0xa1: {  	v5 =	vmul.f32 $8.500000000e+01, v5;
	v6 =	vmul.f32 $8.500000000e+01, v6  }
0xa2: {  	v4 =	vtrunc.f32 v4  }
0xa3: {  	v5 =	vtrunc.f32 v5;
	v6 =	vtrunc.f32 v6  }
0xa4: {  	v4 =	vcvt.f32.s32 v4;
	v5 =	vcvt.f32.s32 v5  }
0xa5: {  	v6 =	vcvt.f32.s32 v6  }
0xa6: {  	v7 =	vadd.s32 $0x1, v4;
	v4 =	vmul.u32 $0x9E3779B1, v4;
	v8 =	vadd.s32 $0x1, v5  }
0xa7: {  	v9 =	vadd.s32 $0x1, v6;
	v6 =	vmul.u32 $0x30025795, v6;
	vm0 =	vlt.s32 v7, $0x55  }
0xa8: {  	vm14 =	vlt.s32 v8, $0x55;
	vm15 =	vlt.s32 v9, $0x55;
	v7 =	vnsel vm0, $0x55, v7  }
0xa9: {  	v8 =	vnsel vm14, $0x55, v8;
	v9 =	vnsel vm15, $0x55, v9;
	v7 =	vmul.u32 $0x9E3779B1, v7  }
0xaa: {  	v10 =	vxor.u32 v5, v4;
	v4 =	vxor.u32 v4, v8;
	v9 =	vmul.u32 $0x30025795, v9  }
0xab: {  	v59 =	vxor.u32 v6, v4;
	v11 =	vxor.u32 v8, v7  }
0xac: {  	v5 =	vxor.u32 v5, v7;
	v7 =	vand.u32 $0x7FFFF, v59;
	v4 =	vxor.u32 v4, v9  }
0xad: {  	v62 =	vxor.u32 v10, v9;
	v7 =	vor.u32 $0x100000, v7;
	v4 =	vand.u32 $0x7FFFF, v4  }
0xae: {  	v58 =	vxor.u32 v6, v11;
	v63 =	vand.u32 $0x7FFFF, v62;
	[tilespmem:s10+$0x4B00] =	vst v7;
	v4 =	vor.u32 $0x100000, v4  }
0xaf: {  	v12 =	vxor.u32 v9, v5;
	v8 =	vand.u32 $0x7FFFF, v58;
	v7 =	vor.u32 $0x100000, v63;
	[tilespmem:s10+$0x4B40] =	vst v4  }
0xb0: {  	v5 =	vxor.u32 v6, v5;
	v60 =	vand.u32 $0x7FFFF, v12;
	v8 =	vor.u32 $0x100000, v8;
	[tilespmem:s10+$0x4A40] =	vst v7  }
0xb1: {  	v6 =	vxor.u32 v6, v10;
	v5 =	vand.u32 $0x7FFFF, v5;
	v61 =	vor.u32 $0x100000, v60;
	[tilespmem:s10+$0x4B80] =	vst v8  }
0xb2: {  	v6 =	vand.u32 $0x7FFFF, v6;
	v5 =	vor.u32 $0x100000, v5;
	v4 =	vxor.u32 v9, v11;
	[tilespmem:s10+$0x4AC0] =	vst v61  }
0xb3: {  	[tilespmem:s10+$0x4A80] =	vst v5;
	v4 =	vand.u32 $0x7FFFF, v4;
	v5 =	vor.u32 $0x100000, v6  }
0xb4: {  	v4 =	vor.u32 $0x100000, v4;
	[tilespmem:s10+$0x4A00] =	vst v5  }
0xb5: {  	s20 =	simm.s32 $0x4A00;
	s14 =	simm.s32 $0x40;
	[tilespmem:s10+$0x4BC0] =	vst v4;
	s10 =	simm.s32 $0x0  }
0xb6: {  	[tilespmem:s17], [sflag:$0x3] =	stream.indirect.gather [hbm4b:s6+s11], $0x10, s20, s11, $0xb8;
	[tilespmem:$0x15600] =	vst v63  }
.LBB2_10:
0xb7: {  	p0 =	sne.s32 s14, $0xC0;
	v4 =	vld.idx.msk [tilespmem:v3+s10+$0x0 ss:$0x1], $0xffff;
	_ =	sdelay $0x1  }
0xb8: {  	v5 =	vld.idx.msk [tilespmem:v1+s10+$0x0 ss:$0x1], $0xffff;
	_ =	sdelay $0x1  }
0xb9: {  	v6 =	vld.idx.msk [tilespmem:v2+s10+$0x0 ss:$0x1], $0xffff;
	_ =	sdelay $0x1  }
0xba: {  	v4 =	vmul.f32 $1.400000000e+02, v4;
	_ =	sdelay $0x1  }
0xbb: {  	v5 =	vmul.f32 $1.400000000e+02, v5;
	v4 =	vtrunc.f32 v4  }
0xbc: {  	v4 =	vcvt.f32.s32 v4  }
0xbd: {  	v5 =	vtrunc.f32 v5;
	v6 =	vmul.f32 $1.400000000e+02, v6  }
0xbe: {  	v5 =	vcvt.f32.s32 v5;
	v7 =	vadd.s32 $0x1, v4;
	v4 =	vmul.u32 $0x9E3779B1, v4  }
0xbf: {  	v6 =	vtrunc.f32 v6;
	vm0 =	vlt.s32 v7, $0x8C  }
0xc0: {  	v6 =	vcvt.f32.s32 v6;
	v8 =	vadd.s32 $0x1, v5;
	v7 =	vnsel vm0, $0x8C, v7  }
0xc1: {  	v9 =	vxor.u32 v5, v4;
	vm0 =	vlt.s32 v8, $0x8C;
	v7 =	vmul.u32 $0x9E3779B1, v7  }
0xc2: {  	v8 =	vnsel vm0, $0x8C, v8;
	v10 =	vadd.s32 $0x1, v6;
	v6 =	vmul.u32 $0x30025795, v6  }
0xc3: {  	vm0 =	vlt.s32 v10, $0x8C;
	v5 =	vxor.u32 v5, v7;
	v7 =	vxor.u32 v8, v7  }
0xc4: {  	v4 =	vxor.u32 v4, v8;
	v10 =	vnsel vm0, $0x8C, v10;
	v8 =	vxor.u32 v6, v7  }
0xc5: {  	v11 =	vxor.u32 v6, v4;
	v10 =	vmul.u32 $0x30025795, v10;
	v8 =	vand.u32 $0x7FFFF, v8  }
0xc6: {  	v12 =	vxor.u32 v6, v5;
	v11 =	vand.u32 $0x7FFFF, v11;
	v8 =	vor.u32 $0x180000, v8  }
0xc7: {  	v11 =	vor.u32 $0x180000, v11;
	v5 =	vxor.u32 v10, v5;
	v4 =	vxor.u32 v4, v10;
	[tilespmem:s10+$0x4D80] =	vst v8  }
0xc8: {  	v8 =	vand.u32 $0x7FFFF, v12;
	v5 =	vand.u32 $0x7FFFF, v5;
	v4 =	vand.u32 $0x7FFFF, v4;
	[tilespmem:s10+$0x4D00] =	vst v11  }
0xc9: {  	v8 =	vor.u32 $0x180000, v8;
	v5 =	vor.u32 $0x180000, v5;
	v4 =	vor.u32 $0x180000, v4  }
0xca: {  	v6 =	vxor.u32 v6, v9;
	v9 =	vxor.u32 v9, v10;
	[tilespmem:s10+$0x4CC0] =	vst v5;
	v5 =	vxor.u32 v10, v7  }
.Ltmp3:
0xcb: {  	v6 =	vand.u32 $0x7FFFF, v6;
	v7 =	vand.u32 $0x7FFFF, v9;
	[tilespmem:s10+$0x4D40] =	vst v4;
	v4 =	vand.u32 $0x7FFFF, v5;
	(pc) =	sbr.rel @p0 .LBB2_10-.Ltmp3, $4  }
0xcc: {  	v5 =	vor.u32 $0x180000, v6;
	v6 =	vor.u32 $0x180000, v7;
	[tilespmem:s10+$0x4C80] =	vst v8;
	v4 =	vor.u32 $0x180000, v4  }
0xcd: {  	[tilespmem:s10+$0x4C40] =	vst v6  }
0xce: {  	[tilespmem:s10+$0x4C00] =	vst v5  }
0xcf: {  	[tilespmem:s10+$0x4DC0] =	vst v4;
	s10 =	sshra.s32 s14, $0x2;
	s14 =	sadd.s32 $0x40, s14  }
0xd0: {  	_ =	sdelay $0x3  }
0xd1: {  	v4 =	vld.idx.msk [tilespmem:v3+s10+$0x0 ss:$0x1], $0xffff  }
0xd2: {  	v5 =	vld.idx.msk [tilespmem:v1+s10+$0x0 ss:$0x1], $0xffff  }
0xd3: {  	v6 =	vld.idx.msk [tilespmem:v2+s10+$0x0 ss:$0x1], $0xffff;
	_ =	sdelay $0x3  }
0xd4: {  	v4 =	vmul.f32 $1.400000000e+02, v4  }
0xd5: {  	v5 =	vmul.f32 $1.400000000e+02, v5;
	v6 =	vmul.f32 $1.400000000e+02, v6  }
0xd6: {  	v4 =	vtrunc.f32 v4  }
0xd7: {  	v5 =	vtrunc.f32 v5;
	v6 =	vtrunc.f32 v6  }
0xd8: {  	v4 =	vcvt.f32.s32 v4;
	v5 =	vcvt.f32.s32 v5  }
0xd9: {  	v6 =	vcvt.f32.s32 v6  }
0xda: {  	v7 =	vadd.s32 $0x1, v4;
	v4 =	vmul.u32 $0x9E3779B1, v4;
	v8 =	vadd.s32 $0x1, v5  }
0xdb: {  	v9 =	vadd.s32 $0x1, v6;
	v6 =	vmul.u32 $0x30025795, v6;
	vm0 =	vlt.s32 v7, $0x8C  }
0xdc: {  	vm14 =	vlt.s32 v8, $0x8C;
	vm15 =	vlt.s32 v9, $0x8C;
	v7 =	vnsel vm0, $0x8C, v7  }
0xdd: {  	v8 =	vnsel vm14, $0x8C, v8;
	v9 =	vnsel vm15, $0x8C, v9;
	v7 =	vmul.u32 $0x9E3779B1, v7  }
0xde: {  	v10 =	vxor.u32 v5, v4;
	v4 =	vxor.u32 v4, v8;
	v9 =	vmul.u32 $0x30025795, v9  }
0xdf: {  	v59 =	vxor.u32 v6, v4;
	v11 =	vxor.u32 v8, v7  }
0xe0: {  	v5 =	vxor.u32 v5, v7;
	v7 =	vand.u32 $0x7FFFF, v59;
	v4 =	vxor.u32 v4, v9  }
0xe1: {  	v62 =	vxor.u32 v10, v9;
	v7 =	vor.u32 $0x180000, v7;
	v4 =	vand.u32 $0x7FFFF, v4  }
0xe2: {  	v58 =	vxor.u32 v6, v11;
	v63 =	vand.u32 $0x7FFFF, v62;
	[tilespmem:s10+$0x4D00] =	vst v7;
	v4 =	vor.u32 $0x180000, v4  }
0xe3: {  	v12 =	vxor.u32 v9, v5;
	v8 =	vand.u32 $0x7FFFF, v58;
	v7 =	vor.u32 $0x180000, v63;
	[tilespmem:s10+$0x4D40] =	vst v4  }
0xe4: {  	v5 =	vxor.u32 v6, v5;
	v60 =	vand.u32 $0x7FFFF, v12;
	v8 =	vor.u32 $0x180000, v8;
	[tilespmem:s10+$0x4C40] =	vst v7  }
0xe5: {  	v6 =	vxor.u32 v6, v10;
	v5 =	vand.u32 $0x7FFFF, v5;
	v61 =	vor.u32 $0x180000, v60;
	[tilespmem:s10+$0x4D80] =	vst v8  }
0xe6: {  	v6 =	vand.u32 $0x7FFFF, v6;
	v5 =	vor.u32 $0x180000, v5;
	v4 =	vxor.u32 v9, v11;
	[tilespmem:s10+$0x4CC0] =	vst v61  }
0xe7: {  	[tilespmem:s10+$0x4C80] =	vst v5;
	v4 =	vand.u32 $0x7FFFF, v4;
	v5 =	vor.u32 $0x180000, v6  }
0xe8: {  	v4 =	vor.u32 $0x180000, v4;
	[tilespmem:s10+$0x4C00] =	vst v5  }
0xe9: {  	s20 =	simm.s32 $0x4C00;
	s14 =	simm.s32 $0x40;
	[tilespmem:s10+$0x4DC0] =	vst v4;
	s10 =	simm.s32 $0x0  }
0xea: {  	[tilespmem:s19], [sflag:$0x4] =	stream.indirect.gather [hbm4b:s6+s11], $0x10, s20, s11, $0xb8;
	[tilespmem:$0x15600] =	vst v63  }
.LBB2_12:
0xeb: {  	p0 =	sne.s32 s14, $0xC0;
	v4 =	vld.idx.msk [tilespmem:v3+s10+$0x0 ss:$0x1], $0xffff;
	_ =	sdelay $0x1  }
0xec: {  	v5 =	vld.idx.msk [tilespmem:v1+s10+$0x0 ss:$0x1], $0xffff;
	_ =	sdelay $0x1  }
0xed: {  	v6 =	vld.idx.msk [tilespmem:v2+s10+$0x0 ss:$0x1], $0xffff;
	_ =	sdelay $0x1  }
0xee: {  	v4 =	vmul.f32 $2.300000000e+02, v4;
	_ =	sdelay $0x1  }
0xef: {  	v5 =	vmul.f32 $2.300000000e+02, v5;
	v4 =	vtrunc.f32 v4  }
0xf0: {  	v4 =	vcvt.f32.s32 v4  }
0xf1: {  	v5 =	vtrunc.f32 v5;
	v6 =	vmul.f32 $2.300000000e+02, v6  }
0xf2: {  	v5 =	vcvt.f32.s32 v5;
	v7 =	vadd.s32 $0x1, v4;
	v4 =	vmul.u32 $0x9E3779B1, v4  }
0xf3: {  	v6 =	vtrunc.f32 v6;
	vm0 =	vlt.s32 v7, $0xE6  }
0xf4: {  	v6 =	vcvt.f32.s32 v6;
	v8 =	vadd.s32 $0x1, v5;
	v7 =	vnsel vm0, $0xE6, v7  }
0xf5: {  	v9 =	vxor.u32 v5, v4;
	vm0 =	vlt.s32 v8, $0xE6;
	v7 =	vmul.u32 $0x9E3779B1, v7  }
0xf6: {  	v8 =	vnsel vm0, $0xE6, v8;
	v10 =	vadd.s32 $0x1, v6;
	v6 =	vmul.u32 $0x30025795, v6  }
0xf7: {  	vm0 =	vlt.s32 v10, $0xE6;
	v5 =	vxor.u32 v5, v7;
	v7 =	vxor.u32 v8, v7  }
0xf8: {  	v4 =	vxor.u32 v4, v8;
	v10 =	vnsel vm0, $0xE6, v10;
	v8 =	vxor.u32 v6, v7  }
0xf9: {  	v11 =	vxor.u32 v6, v4;
	v10 =	vmul.u32 $0x30025795, v10;
	v8 =	vand.u32 $0x7FFFF, v8  }
0xfa: {  	v12 =	vxor.u32 v6, v5;
	v11 =	vand.u32 $0x7FFFF, v11;
	v8 =	vor.u32 $0x200000, v8  }
0xfb: {  	v11 =	vor.u32 $0x200000, v11;
	v5 =	vxor.u32 v10, v5;
	v4 =	vxor.u32 v4, v10;
	[tilespmem:s10+$0x4F80] =	vst v8  }
0xfc: {  	v8 =	vand.u32 $0x7FFFF, v12;
	v5 =	vand.u32 $0x7FFFF, v5;
	v4 =	vand.u32 $0x7FFFF, v4;
	[tilespmem:s10+$0x4F00] =	vst v11  }
0xfd: {  	v8 =	vor.u32 $0x200000, v8;
	v5 =	vor.u32 $0x200000, v5;
	v4 =	vor.u32 $0x200000, v4  }
0xfe: {  	v6 =	vxor.u32 v6, v9;
	v9 =	vxor.u32 v9, v10;
	[tilespmem:s10+$0x4EC0] =	vst v5;
	v5 =	vxor.u32 v10, v7  }
.Ltmp4:
0xff: {  	v6 =	vand.u32 $0x7FFFF, v6;
	v7 =	vand.u32 $0x7FFFF, v9;
	[tilespmem:s10+$0x4F40] =	vst v4;
	v4 =	vand.u32 $0x7FFFF, v5;
	(pc) =	sbr.rel @p0 .LBB2_12-.Ltmp4, $4  }
0x100: {  	v5 =	vor.u32 $0x200000, v6;
	v6 =	vor.u32 $0x200000, v7;
	[tilespmem:s10+$0x4E80] =	vst v8;
	v4 =	vor.u32 $0x200000, v4  }
0x101: {  	[tilespmem:s10+$0x4E40] =	vst v6  }
0x102: {  	[tilespmem:s10+$0x4E00] =	vst v5  }
0x103: {  	[tilespmem:s10+$0x4FC0] =	vst v4;
	s10 =	sshra.s32 s14, $0x2;
	s14 =	sadd.s32 $0x40, s14  }
0x104: {  	_ =	sdelay $0x3  }
0x105: {  	v4 =	vld.idx.msk [tilespmem:v3+s10+$0x0 ss:$0x1], $0xffff  }
0x106: {  	v5 =	vld.idx.msk [tilespmem:v1+s10+$0x0 ss:$0x1], $0xffff  }
0x107: {  	v6 =	vld.idx.msk [tilespmem:v2+s10+$0x0 ss:$0x1], $0xffff;
	_ =	sdelay $0x3  }
0x108: {  	v4 =	vmul.f32 $2.300000000e+02, v4  }
0x109: {  	v5 =	vmul.f32 $2.300000000e+02, v5;
	v6 =	vmul.f32 $2.300000000e+02, v6  }
0x10a: {  	v4 =	vtrunc.f32 v4  }
0x10b: {  	v5 =	vtrunc.f32 v5;
	v6 =	vtrunc.f32 v6  }
0x10c: {  	v4 =	vcvt.f32.s32 v4;
	v5 =	vcvt.f32.s32 v5  }
0x10d: {  	v6 =	vcvt.f32.s32 v6  }
0x10e: {  	v7 =	vadd.s32 $0x1, v4;
	v4 =	vmul.u32 $0x9E3779B1, v4;
	v8 =	vadd.s32 $0x1, v5  }
0x10f: {  	v9 =	vadd.s32 $0x1, v6;
	v6 =	vmul.u32 $0x30025795, v6;
	vm0 =	vlt.s32 v7, $0xE6  }
0x110: {  	vm14 =	vlt.s32 v8, $0xE6;
	vm15 =	vlt.s32 v9, $0xE6;
	v7 =	vnsel vm0, $0xE6, v7  }
0x111: {  	v8 =	vnsel vm14, $0xE6, v8;
	v9 =	vnsel vm15, $0xE6, v9;
	v7 =	vmul.u32 $0x9E3779B1, v7  }
0x112: {  	v10 =	vxor.u32 v5, v4;
	v4 =	vxor.u32 v4, v8;
	v9 =	vmul.u32 $0x30025795, v9  }
0x113: {  	v59 =	vxor.u32 v6, v4;
	v11 =	vxor.u32 v8, v7  }
0x114: {  	v5 =	vxor.u32 v5, v7;
	v7 =	vand.u32 $0x7FFFF, v59;
	v4 =	vxor.u32 v4, v9  }
0x115: {  	v62 =	vxor.u32 v10, v9;
	v7 =	vor.u32 $0x200000, v7;
	v4 =	vand.u32 $0x7FFFF, v4  }
0x116: {  	v58 =	vxor.u32 v6, v11;
	v63 =	vand.u32 $0x7FFFF, v62;
	[tilespmem:s10+$0x4F00] =	vst v7;
	v4 =	vor.u32 $0x200000, v4  }
0x117: {  	v12 =	vxor.u32 v9, v5;
	v8 =	vand.u32 $0x7FFFF, v58;
	v7 =	vor.u32 $0x200000, v63;
	[tilespmem:s10+$0x4F40] =	vst v4  }
0x118: {  	v5 =	vxor.u32 v6, v5;
	v60 =	vand.u32 $0x7FFFF, v12;
	v8 =	vor.u32 $0x200000, v8;
	[tilespmem:s10+$0x4E40] =	vst v7  }
0x119: {  	v6 =	vxor.u32 v6, v10;
	v5 =	vand.u32 $0x7FFFF, v5;
	v61 =	vor.u32 $0x200000, v60;
	[tilespmem:s10+$0x4F80] =	vst v8  }
0x11a: {  	v6 =	vand.u32 $0x7FFFF, v6;
	v5 =	vor.u32 $0x200000, v5;
	v4 =	vxor.u32 v9, v11;
	[tilespmem:s10+$0x4EC0] =	vst v61  }
0x11b: {  	[tilespmem:s10+$0x4E80] =	vst v5;
	v4 =	vand.u32 $0x7FFFF, v4;
	v5 =	vor.u32 $0x200000, v6  }
0x11c: {  	v4 =	vor.u32 $0x200000, v4;
	[tilespmem:s10+$0x4E00] =	vst v5  }
0x11d: {  	s20 =	simm.s32 $0x4E00;
	s14 =	simm.s32 $0x40;
	[tilespmem:s10+$0x4FC0] =	vst v4;
	s10 =	simm.s32 $0x0  }
0x11e: {  	[tilespmem:s21], [sflag:$0x5] =	stream.indirect.gather [hbm4b:s6+s11], $0x10, s20, s11, $0xb8;
	[tilespmem:$0x15600] =	vst v63  }
.LBB2_14:
0x11f: {  	p0 =	sne.s32 s14, $0xC0;
	v4 =	vld.idx.msk [tilespmem:v3+s10+$0x0 ss:$0x1], $0xffff;
	_ =	sdelay $0x1  }
0x120: {  	v5 =	vld.idx.msk [tilespmem:v1+s10+$0x0 ss:$0x1], $0xffff;
	_ =	sdelay $0x1  }
0x121: {  	v6 =	vld.idx.msk [tilespmem:v2+s10+$0x0 ss:$0x1], $0xffff;
	_ =	sdelay $0x1  }
0x122: {  	v4 =	vmul.f32 $3.790000000e+02, v4;
	_ =	sdelay $0x1  }
0x123: {  	v5 =	vmul.f32 $3.790000000e+02, v5;
	v4 =	vtrunc.f32 v4  }
0x124: {  	v4 =	vcvt.f32.s32 v4  }
0x125: {  	v5 =	vtrunc.f32 v5;
	v6 =	vmul.f32 $3.790000000e+02, v6  }
0x126: {  	v5 =	vcvt.f32.s32 v5;
	v7 =	vadd.s32 $0x1, v4;
	v4 =	vmul.u32 $0x9E3779B1, v4  }
0x127: {  	v6 =	vtrunc.f32 v6;
	vm0 =	vlt.s32 v7, $0x17B  }
0x128: {  	v6 =	vcvt.f32.s32 v6;
	v8 =	vadd.s32 $0x1, v5;
	v7 =	vnsel vm0, $0x17B, v7  }
0x129: {  	v9 =	vxor.u32 v5, v4;
	vm0 =	vlt.s32 v8, $0x17B;
	v7 =	vmul.u32 $0x9E3779B1, v7  }
0x12a: {  	v8 =	vnsel vm0, $0x17B, v8;
	v10 =	vadd.s32 $0x1, v6;
	v6 =	vmul.u32 $0x30025795, v6  }
0x12b: {  	vm0 =	vlt.s32 v10, $0x17B;
	v5 =	vxor.u32 v5, v7;
	v7 =	vxor.u32 v8, v7  }
0x12c: {  	v4 =	vxor.u32 v4, v8;
	v10 =	vnsel vm0, $0x17B, v10;
	v8 =	vxor.u32 v6, v7  }
0x12d: {  	v11 =	vxor.u32 v6, v4;
	v10 =	vmul.u32 $0x30025795, v10;
	v8 =	vand.u32 $0x7FFFF, v8  }
0x12e: {  	v12 =	vxor.u32 v6, v5;
	v11 =	vand.u32 $0x7FFFF, v11;
	v8 =	vor.u32 $0x280000, v8  }
0x12f: {  	v11 =	vor.u32 $0x280000, v11;
	v5 =	vxor.u32 v10, v5;
	v4 =	vxor.u32 v4, v10;
	[tilespmem:s10+$0x5180] =	vst v8  }
0x130: {  	v8 =	vand.u32 $0x7FFFF, v12;
	v5 =	vand.u32 $0x7FFFF, v5;
	v4 =	vand.u32 $0x7FFFF, v4;
	[tilespmem:s10+$0x5100] =	vst v11  }
0x131: {  	v8 =	vor.u32 $0x280000, v8;
	v5 =	vor.u32 $0x280000, v5;
	v4 =	vor.u32 $0x280000, v4  }
0x132: {  	v6 =	vxor.u32 v6, v9;
	v9 =	vxor.u32 v9, v10;
	[tilespmem:s10+$0x50C0] =	vst v5;
	v5 =	vxor.u32 v10, v7  }
.Ltmp5:
0x133: {  	v6 =	vand.u32 $0x7FFFF, v6;
	v7 =	vand.u32 $0x7FFFF, v9;
	[tilespmem:s10+$0x5140] =	vst v4;
	v4 =	vand.u32 $0x7FFFF, v5;
	(pc) =	sbr.rel @p0 .LBB2_14-.Ltmp5, $4  }
0x134: {  	v5 =	vor.u32 $0x280000, v6;
	v6 =	vor.u32 $0x280000, v7;
	[tilespmem:s10+$0x5080] =	vst v8;
	v4 =	vor.u32 $0x280000, v4  }
0x135: {  	[tilespmem:s10+$0x5040] =	vst v6  }
0x136: {  	[tilespmem:s10+$0x5000] =	vst v5  }
0x137: {  	[tilespmem:s10+$0x51C0] =	vst v4;
	s10 =	sshra.s32 s14, $0x2;
	s14 =	sadd.s32 $0x40, s14  }
0x138: {  	_ =	sdelay $0x3  }
0x139: {  	v4 =	vld.idx.msk [tilespmem:v3+s10+$0x0 ss:$0x1], $0xffff  }
0x13a: {  	v5 =	vld.idx.msk [tilespmem:v1+s10+$0x0 ss:$0x1], $0xffff  }
0x13b: {  	v6 =	vld.idx.msk [tilespmem:v2+s10+$0x0 ss:$0x1], $0xffff;
	_ =	sdelay $0x3  }
0x13c: {  	v4 =	vmul.f32 $3.790000000e+02, v4  }
0x13d: {  	v5 =	vmul.f32 $3.790000000e+02, v5;
	v6 =	vmul.f32 $3.790000000e+02, v6  }
0x13e: {  	v4 =	vtrunc.f32 v4  }
0x13f: {  	v5 =	vtrunc.f32 v5;
	v6 =	vtrunc.f32 v6  }
0x140: {  	v4 =	vcvt.f32.s32 v4;
	v5 =	vcvt.f32.s32 v5  }
0x141: {  	v6 =	vcvt.f32.s32 v6  }
0x142: {  	v7 =	vadd.s32 $0x1, v4;
	v4 =	vmul.u32 $0x9E3779B1, v4;
	v8 =	vadd.s32 $0x1, v5  }
0x143: {  	v9 =	vadd.s32 $0x1, v6;
	v6 =	vmul.u32 $0x30025795, v6;
	vm0 =	vlt.s32 v7, $0x17B  }
0x144: {  	vm14 =	vlt.s32 v8, $0x17B;
	vm15 =	vlt.s32 v9, $0x17B;
	v7 =	vnsel vm0, $0x17B, v7  }
0x145: {  	v8 =	vnsel vm14, $0x17B, v8;
	v9 =	vnsel vm15, $0x17B, v9;
	v7 =	vmul.u32 $0x9E3779B1, v7  }
0x146: {  	v10 =	vxor.u32 v5, v4;
	v4 =	vxor.u32 v4, v8;
	v9 =	vmul.u32 $0x30025795, v9  }
0x147: {  	v59 =	vxor.u32 v6, v4;
	v11 =	vxor.u32 v8, v7  }
0x148: {  	v5 =	vxor.u32 v5, v7;
	v7 =	vand.u32 $0x7FFFF, v59;
	v4 =	vxor.u32 v4, v9  }
0x149: {  	v62 =	vxor.u32 v10, v9;
	v7 =	vor.u32 $0x280000, v7;
	v4 =	vand.u32 $0x7FFFF, v4  }
0x14a: {  	v58 =	vxor.u32 v6, v11;
	v63 =	vand.u32 $0x7FFFF, v62;
	[tilespmem:s10+$0x5100] =	vst v7;
	v4 =	vor.u32 $0x280000, v4  }
0x14b: {  	v12 =	vxor.u32 v9, v5;
	v8 =	vand.u32 $0x7FFFF, v58;
	v7 =	vor.u32 $0x280000, v63;
	[tilespmem:s10+$0x5140] =	vst v4  }
0x14c: {  	v5 =	vxor.u32 v6, v5;
	v60 =	vand.u32 $0x7FFFF, v12;
	v8 =	vor.u32 $0x280000, v8;
	[tilespmem:s10+$0x5040] =	vst v7  }
0x14d: {  	v6 =	vxor.u32 v6, v10;
	v5 =	vand.u32 $0x7FFFF, v5;
	v61 =	vor.u32 $0x280000, v60;
	[tilespmem:s10+$0x5180] =	vst v8  }
0x14e: {  	v6 =	vand.u32 $0x7FFFF, v6;
	v5 =	vor.u32 $0x280000, v5;
	v4 =	vxor.u32 v9, v11;
	[tilespmem:s10+$0x50C0] =	vst v61  }
0x14f: {  	[tilespmem:s10+$0x5080] =	vst v5;
	v4 =	vand.u32 $0x7FFFF, v4;
	v5 =	vor.u32 $0x280000, v6  }
0x150: {  	v4 =	vor.u32 $0x280000, v4;
	[tilespmem:s10+$0x5000] =	vst v5  }
0x151: {  	s14 =	simm.s32 $0x40;
	[tilespmem:s10+$0x51C0] =	vst v4;
	s10 =	simm.s32 $0x0  }
0x152: {  	[tilespmem:s23], [sflag:$0x6] =	stream.indirect.gather [hbm4b:s6+s11], $0x10, s22, s11, $0xb8;
	[tilespmem:$0x15600] =	vst v63  }
.LBB2_16:
0x153: {  	p0 =	sne.s32 s14, $0xC0;
	v4 =	vld.idx.msk [tilespmem:v3+s10+$0x0 ss:$0x1], $0xffff;
	_ =	sdelay $0x1  }
0x154: {  	v5 =	vld.idx.msk [tilespmem:v1+s10+$0x0 ss:$0x1], $0xffff;
	_ =	sdelay $0x1  }
0x155: {  	v6 =	vld.idx.msk [tilespmem:v2+s10+$0x0 ss:$0x1], $0xffff;
	_ =	sdelay $0x1  }
0x156: {  	v4 =	vmul.f32 $6.230000000e+02, v4;
	_ =	sdelay $0x1  }
0x157: {  	v5 =	vmul.f32 $6.230000000e+02, v5;
	v4 =	vtrunc.f32 v4  }
0x158: {  	v4 =	vcvt.f32.s32 v4  }
0x159: {  	v5 =	vtrunc.f32 v5;
	v6 =	vmul.f32 $6.230000000e+02, v6  }
0x15a: {  	v5 =	vcvt.f32.s32 v5;
	v7 =	vadd.s32 $0x1, v4;
	v4 =	vmul.u32 $0x9E3779B1, v4  }
0x15b: {  	v6 =	vtrunc.f32 v6;
	vm0 =	vlt.s32 v7, $0x26F  }
0x15c: {  	v6 =	vcvt.f32.s32 v6;
	v8 =	vadd.s32 $0x1, v5;
	v7 =	vnsel vm0, $0x26F, v7  }
0x15d: {  	v9 =	vxor.u32 v5, v4;
	vm0 =	vlt.s32 v8, $0x26F;
	v7 =	vmul.u32 $0x9E3779B1, v7  }
0x15e: {  	v8 =	vnsel vm0, $0x26F, v8;
	v10 =	vadd.s32 $0x1, v6;
	v6 =	vmul.u32 $0x30025795, v6  }
0x15f: {  	vm0 =	vlt.s32 v10, $0x26F;
	v5 =	vxor.u32 v5, v7;
	v7 =	vxor.u32 v8, v7  }
0x160: {  	v4 =	vxor.u32 v4, v8;
	v10 =	vnsel vm0, $0x26F, v10;
	v8 =	vxor.u32 v6, v7  }
0x161: {  	v11 =	vxor.u32 v6, v4;
	v10 =	vmul.u32 $0x30025795, v10;
	v8 =	vand.u32 $0x7FFFF, v8  }
0x162: {  	v12 =	vxor.u32 v6, v5;
	v11 =	vand.u32 $0x7FFFF, v11;
	v8 =	vor.u32 $0x300000, v8  }
0x163: {  	v11 =	vor.u32 $0x300000, v11;
	v5 =	vxor.u32 v10, v5;
	v4 =	vxor.u32 v4, v10;
	[tilespmem:s10+$0x5380] =	vst v8  }
0x164: {  	v8 =	vand.u32 $0x7FFFF, v12;
	v5 =	vand.u32 $0x7FFFF, v5;
	v4 =	vand.u32 $0x7FFFF, v4;
	[tilespmem:s10+$0x5300] =	vst v11  }
0x165: {  	v8 =	vor.u32 $0x300000, v8;
	v5 =	vor.u32 $0x300000, v5;
	v4 =	vor.u32 $0x300000, v4  }
0x166: {  	v6 =	vxor.u32 v6, v9;
	v9 =	vxor.u32 v9, v10;
	[tilespmem:s10+$0x52C0] =	vst v5;
	v5 =	vxor.u32 v10, v7  }
.Ltmp6:
0x167: {  	v6 =	vand.u32 $0x7FFFF, v6;
	v7 =	vand.u32 $0x7FFFF, v9;
	[tilespmem:s10+$0x5340] =	vst v4;
	v4 =	vand.u32 $0x7FFFF, v5;
	(pc) =	sbr.rel @p0 .LBB2_16-.Ltmp6, $4  }
0x168: {  	v5 =	vor.u32 $0x300000, v6;
	v6 =	vor.u32 $0x300000, v7;
	[tilespmem:s10+$0x5280] =	vst v8;
	v4 =	vor.u32 $0x300000, v4  }
0x169: {  	[tilespmem:s10+$0x5240] =	vst v6  }
0x16a: {  	[tilespmem:s10+$0x5200] =	vst v5  }
0x16b: {  	[tilespmem:s10+$0x53C0] =	vst v4;
	s10 =	sshra.s32 s14, $0x2;
	s14 =	sadd.s32 $0x40, s14  }
0x16c: {  	_ =	sdelay $0x3  }
0x16d: {  	v4 =	vld.idx.msk [tilespmem:v3+s10+$0x0 ss:$0x1], $0xffff  }
0x16e: {  	v5 =	vld.idx.msk [tilespmem:v1+s10+$0x0 ss:$0x1], $0xffff  }
0x16f: {  	v6 =	vld.idx.msk [tilespmem:v2+s10+$0x0 ss:$0x1], $0xffff;
	_ =	sdelay $0x3  }
0x170: {  	v4 =	vmul.f32 $6.230000000e+02, v4  }
0x171: {  	v5 =	vmul.f32 $6.230000000e+02, v5;
	v6 =	vmul.f32 $6.230000000e+02, v6  }
0x172: {  	v4 =	vtrunc.f32 v4  }
0x173: {  	v5 =	vtrunc.f32 v5;
	v6 =	vtrunc.f32 v6  }
0x174: {  	v4 =	vcvt.f32.s32 v4;
	v5 =	vcvt.f32.s32 v5  }
0x175: {  	v6 =	vcvt.f32.s32 v6  }
0x176: {  	v7 =	vadd.s32 $0x1, v4;
	v4 =	vmul.u32 $0x9E3779B1, v4;
	v8 =	vadd.s32 $0x1, v5  }
0x177: {  	v9 =	vadd.s32 $0x1, v6;
	v6 =	vmul.u32 $0x30025795, v6;
	vm0 =	vlt.s32 v7, $0x26F  }
0x178: {  	vm14 =	vlt.s32 v8, $0x26F;
	vm15 =	vlt.s32 v9, $0x26F;
	v7 =	vnsel vm0, $0x26F, v7  }
0x179: {  	v8 =	vnsel vm14, $0x26F, v8;
	v9 =	vnsel vm15, $0x26F, v9;
	v7 =	vmul.u32 $0x9E3779B1, v7  }
0x17a: {  	v10 =	vxor.u32 v5, v4;
	v4 =	vxor.u32 v4, v8;
	v9 =	vmul.u32 $0x30025795, v9  }
0x17b: {  	v59 =	vxor.u32 v6, v4;
	v11 =	vxor.u32 v8, v7  }
0x17c: {  	v5 =	vxor.u32 v5, v7;
	v7 =	vand.u32 $0x7FFFF, v59;
	v4 =	vxor.u32 v4, v9  }
0x17d: {  	v62 =	vxor.u32 v10, v9;
	v7 =	vor.u32 $0x300000, v7;
	v4 =	vand.u32 $0x7FFFF, v4  }
0x17e: {  	v58 =	vxor.u32 v6, v11;
	v63 =	vand.u32 $0x7FFFF, v62;
	[tilespmem:s10+$0x5300] =	vst v7;
	v4 =	vor.u32 $0x300000, v4  }
0x17f: {  	v12 =	vxor.u32 v9, v5;
	v8 =	vand.u32 $0x7FFFF, v58;
	v7 =	vor.u32 $0x300000, v63;
	[tilespmem:s10+$0x5340] =	vst v4  }
0x180: {  	v5 =	vxor.u32 v6, v5;
	v60 =	vand.u32 $0x7FFFF, v12;
	v8 =	vor.u32 $0x300000, v8;
	[tilespmem:s10+$0x5240] =	vst v7  }
0x181: {  	v6 =	vxor.u32 v6, v10;
	v5 =	vand.u32 $0x7FFFF, v5;
	v61 =	vor.u32 $0x300000, v60;
	[tilespmem:s10+$0x5380] =	vst v8  }
0x182: {  	v6 =	vand.u32 $0x7FFFF, v6;
	v5 =	vor.u32 $0x300000, v5;
	v4 =	vxor.u32 v9, v11;
	[tilespmem:s10+$0x52C0] =	vst v61  }
0x183: {  	[tilespmem:s10+$0x5280] =	vst v5;
	v4 =	vand.u32 $0x7FFFF, v4;
	v5 =	vor.u32 $0x300000, v6  }
0x184: {  	v4 =	vor.u32 $0x300000, v4;
	[tilespmem:s10+$0x5200] =	vst v5  }
0x185: {  	s14 =	simm.s32 $0x40;
	[tilespmem:s10+$0x53C0] =	vst v4;
	s10 =	simm.s32 $0x0  }
0x186: {  	[tilespmem:s25], [sflag:$0x7] =	stream.indirect.gather [hbm4b:s6+s11], $0x10, s24, s11, $0xb8;
	[tilespmem:$0x15600] =	vst v63  }
.LBB2_18:
0x187: {  	p0 =	sne.s32 s14, $0xC0;
	v4 =	vld.idx.msk [tilespmem:v3+s10+$0x0 ss:$0x1], $0xffff;
	_ =	sdelay $0x1  }
0x188: {  	v5 =	vld.idx.msk [tilespmem:v1+s10+$0x0 ss:$0x1], $0xffff;
	_ =	sdelay $0x1  }
0x189: {  	v6 =	vld.idx.msk [tilespmem:v2+s10+$0x0 ss:$0x1], $0xffff;
	_ =	sdelay $0x1  }
0x18a: {  	v4 =	vmul.f32 $1.023000000e+03, v4;
	_ =	sdelay $0x1  }
0x18b: {  	v5 =	vmul.f32 $1.023000000e+03, v5;
	v4 =	vtrunc.f32 v4  }
0x18c: {  	v4 =	vcvt.f32.s32 v4  }
0x18d: {  	v5 =	vtrunc.f32 v5;
	v6 =	vmul.f32 $1.023000000e+03, v6  }
0x18e: {  	v5 =	vcvt.f32.s32 v5;
	v7 =	vadd.s32 $0x1, v4;
	v4 =	vmul.u32 $0x9E3779B1, v4  }
0x18f: {  	v6 =	vtrunc.f32 v6;
	vm0 =	vlt.s32 v7, $0x3FF  }
0x190: {  	v6 =	vcvt.f32.s32 v6;
	v8 =	vadd.s32 $0x1, v5;
	v7 =	vnsel vm0, $0x3FF, v7  }
0x191: {  	v9 =	vxor.u32 v5, v4;
	vm0 =	vlt.s32 v8, $0x3FF;
	v7 =	vmul.u32 $0x9E3779B1, v7  }
0x192: {  	v8 =	vnsel vm0, $0x3FF, v8;
	v10 =	vadd.s32 $0x1, v6;
	v6 =	vmul.u32 $0x30025795, v6  }
0x193: {  	vm0 =	vlt.s32 v10, $0x3FF;
	v5 =	vxor.u32 v5, v7;
	v7 =	vxor.u32 v8, v7  }
0x194: {  	v4 =	vxor.u32 v4, v8;
	v10 =	vnsel vm0, $0x3FF, v10;
	v8 =	vxor.u32 v6, v7  }
0x195: {  	v11 =	vxor.u32 v6, v4;
	v10 =	vmul.u32 $0x30025795, v10;
	v8 =	vand.u32 $0x7FFFF, v8  }
0x196: {  	v12 =	vxor.u32 v6, v5;
	v11 =	vand.u32 $0x7FFFF, v11;
	v8 =	vor.u32 $0x380000, v8  }
0x197: {  	v11 =	vor.u32 $0x380000, v11;
	v5 =	vxor.u32 v10, v5;
	v4 =	vxor.u32 v4, v10;
	[tilespmem:s10+$0x5580] =	vst v8  }
0x198: {  	v8 =	vand.u32 $0x7FFFF, v12;
	v5 =	vand.u32 $0x7FFFF, v5;
	v4 =	vand.u32 $0x7FFFF, v4;
	[tilespmem:s10+$0x5500] =	vst v11  }
0x199: {  	v8 =	vor.u32 $0x380000, v8;
	v5 =	vor.u32 $0x380000, v5;
	v4 =	vor.u32 $0x380000, v4  }
0x19a: {  	v6 =	vxor.u32 v6, v9;
	v9 =	vxor.u32 v9, v10;
	[tilespmem:s10+$0x54C0] =	vst v5;
	v5 =	vxor.u32 v10, v7  }
.Ltmp7:
0x19b: {  	v6 =	vand.u32 $0x7FFFF, v6;
	v7 =	vand.u32 $0x7FFFF, v9;
	[tilespmem:s10+$0x5540] =	vst v4;
	v4 =	vand.u32 $0x7FFFF, v5;
	(pc) =	sbr.rel @p0 .LBB2_18-.Ltmp7, $4  }
0x19c: {  	v5 =	vor.u32 $0x380000, v6;
	v6 =	vor.u32 $0x380000, v7;
	[tilespmem:s10+$0x5480] =	vst v8;
	v4 =	vor.u32 $0x380000, v4  }
0x19d: {  	[tilespmem:s10+$0x5440] =	vst v6  }
0x19e: {  	[tilespmem:s10+$0x5400] =	vst v5  }
0x19f: {  	[tilespmem:s10+$0x55C0] =	vst v4;
	s10 =	sshra.s32 s14, $0x2;
	s14 =	sadd.s32 $0x40, s14  }
0x1a0: {  	_ =	sdelay $0x3  }
0x1a1: {  	v3 =	vld.idx.msk [tilespmem:v3+s10+$0x0 ss:$0x1], $0xffff  }
0x1a2: {  	v1 =	vld.idx.msk [tilespmem:v1+s10+$0x0 ss:$0x1], $0xffff  }
0x1a3: {  	v2 =	vld.idx.msk [tilespmem:v2+s10+$0x0 ss:$0x1], $0xffff;
	_ =	sdelay $0x3  }
0x1a4: {  	v3 =	vmul.f32 $1.023000000e+03, v3  }
0x1a5: {  	v1 =	vmul.f32 $1.023000000e+03, v1;
	v2 =	vmul.f32 $1.023000000e+03, v2  }
0x1a6: {  	v3 =	vtrunc.f32 v3  }
0x1a7: {  	v1 =	vtrunc.f32 v1;
	v2 =	vtrunc.f32 v2  }
0x1a8: {  	v3 =	vcvt.f32.s32 v3;
	v1 =	vcvt.f32.s32 v1  }
0x1a9: {  	v2 =	vcvt.f32.s32 v2  }
0x1aa: {  	v4 =	vadd.s32 $0x1, v3;
	v3 =	vmul.u32 $0x9E3779B1, v3;
	v5 =	vadd.s32 $0x1, v1  }
0x1ab: {  	v6 =	vadd.s32 $0x1, v2;
	v2 =	vmul.u32 $0x30025795, v2;
	vm0 =	vlt.s32 v4, $0x3FF  }
0x1ac: {  	vm14 =	vlt.s32 v5, $0x3FF;
	vm15 =	vlt.s32 v6, $0x3FF;
	v4 =	vnsel vm0, $0x3FF, v4  }
0x1ad: {  	v5 =	vnsel vm14, $0x3FF, v5;
	v6 =	vnsel vm15, $0x3FF, v6;
	v4 =	vmul.u32 $0x9E3779B1, v4  }
0x1ae: {  	v7 =	vxor.u32 v1, v3;
	v3 =	vxor.u32 v3, v5;
	v6 =	vmul.u32 $0x30025795, v6  }
0x1af: {  	v8 =	vxor.u32 v5, v4;
	v1 =	vxor.u32 v1, v4;
	v4 =	vxor.u32 v2, v3  }
0x1b0: {  	v3 =	vxor.u32 v3, v6;
	v5 =	vxor.u32 v2, v8;
	v4 =	vand.u32 $0x7FFFF, v4  }
0x1b1: {  	v9 =	vxor.u32 v6, v1;
	v3 =	vand.u32 $0x7FFFF, v3;
	v4 =	vor.u32 $0x380000, v4  }
0x1b2: {  	v1 =	vxor.u32 v2, v1;
	v5 =	vand.u32 $0x7FFFF, v5;
	v3 =	vor.u32 $0x380000, v3;
	[tilespmem:s10+$0x5500] =	vst v4  }
0x1b3: {  	v2 =	vxor.u32 v2, v7;
	v1 =	vand.u32 $0x7FFFF, v1;
	v5 =	vor.u32 $0x380000, v5;
	[tilespmem:s10+$0x5540] =	vst v3  }
0x1b4: {  	v2 =	vand.u32 $0x7FFFF, v2;
	v1 =	vor.u32 $0x380000, v1;
	[tilespmem:s10+$0x5580] =	vst v5  }
0x1b5: {  	v3 =	vxor.u32 v6, v8;
	v2 =	vor.u32 $0x380000, v2;
	v5 =	vand.u32 $0x7FFFF, v9;
	[tilespmem:s10+$0x5480] =	vst v1  }
0x1b6: {  	v1 =	vand.u32 $0x7FFFF, v3;
	[tilespmem:s10+$0x5400] =	vst v2;
	v4 =	vor.u32 $0x380000, v5;
	v5 =	vxor.u32 v7, v6  }
0x1b7: {  	v1 =	vor.u32 $0x380000, v1;
	[tilespmem:s10+$0x54C0] =	vst v4;
	v4 =	vand.u32 $0x7FFFF, v5  }
0x1b8: {  	[tilespmem:s10+$0x55C0] =	vst v1;
	v4 =	vor.u32 $0x380000, v4  }
0x1b9: {  	[tilespmem:s10+$0x5440] =	vst v4  }
0x1ba: {  	v8 =	vmul.u32 $0x10, v0;
	[tilespmem:s28], [sflag:$0x8] =	stream.indirect.gather [hbm4b:s6+s11], $0x10, s26, s11, $0xb8;
	[tilespmem:$0x15600] =	vst v63  }
0x1bb: {  	s20 =	simm.s32 $0x0;
	_ =	swait.ge [sflag:s29], $0x2000  }
0x1bc: {  	v3 =	vmov s20;
	v9 =	vor.u32 s20, v0;
	v2 =	vor.u32 $0x1400, v8;
	[sflag:s29] =	ssyncset.done $0x0  }
0x1bd: {  	v10 =	vshll.u32 v3, $0x4;
	v11 =	vshll.u32 v9, $0x4;
	v3 =	vor.u32 $0x1800, v8;
	[sflag:s29] =	ssyncadd.s32 $0xFFFFE000  }
0x1be: {  	v9 =	vand.u32 $0x38, v9;
	v1 =	vmov s12;
	v15 =	vor.u32 v2, v10;
	v6 =	vld [tilespmem:s18+$0x0]  }
0x1bf: {  	v12 =	vor.u32 $0x3, v11;
	v14 =	vor.u32 $0x2, v11;
	v5 =	vor.u32 $0x800, v8;
	v7 =	vld [tilespmem:s7+$0x0]  }
0x1c0: {  	v20 =	vor.u32 v3, v10;
	v18 =	vor.u32 $0x1, v11;
	v17 =	vor.u32 v5, v10;
	v16 =	vld [tilespmem:s8+$0x0]  }
0x1c1: {  	v19 =	vor.u32 $0x2, v15;
	v23 =	vor.u32 $0x3, v20;
	v40 =	vor.u32 $0x3, v15  }
0x1c2: {  	v41 =	vor.u32 $0x1, v15;
	v4 =	vor.u32 $0xC00, v8;
	v29 =	vor.u32 $0x2, v17  }
0x1c3: {  	v42 =	vor.u32 $0x1, v20;
	v49 =	vor.u32 v1, v9;
	v13 =	vor.u32 v4, v10  }
0x1c4: {  	v27 =	vor.u32 $0x1, v17;
	v21 =	vor.u32 $0x2, v13;
	v11 =	vld.idx.msk [tilespmem:v11+s13+$0x0], $0xffff;
	v24 =	vmul.f32 $3.100000000e+01, v6  }
0x1c5: {  	v22 =	vor.u32 $0x3, v13;
	v33 =	vld.idx.msk [tilespmem:v17+s13+$0x0], $0xffff;
	v26 =	vmul.f32 $3.100000000e+01, v7;
	v16 =	vmul.f32 $3.100000000e+01, v16  }
0x1c6: {  	v25 =	vor.u32 $0x1, v13;
	v17 =	vor.u32 $0x3, v17;
	v23 =	vld.idx.msk [tilespmem:v23+s13+$0x0], $0xffff;
	v28 =	vtrunc.f32 v24  }
0x1c7: {  	v29 =	vld.idx.msk [tilespmem:v29+s13+$0x0], $0xffff;
	v7 =	vor.u32 $0x1000, v8;
	v32 =	vtrunc.f32 v26;
	v36 =	vtrunc.f32 v16  }
0x1c8: {  	v38 =	vld.idx.msk [tilespmem:v13+s13+$0x0], $0xffff;
	v30 =	vor.u32 v7, v10;
	v13 =	vcvt.f32.s32 v32;
	v36 =	vcvt.f32.s32 v36  }
0x1c9: {  	v9 =	vand.u32 $0x7, v0;
	v27 =	vld.idx.msk [tilespmem:v27+s13+$0x0], $0xffff;
	v34 =	vor.u32 $0x1, v30;
	v28 =	vcvt.f32.s32 v28  }
0x1ca: {  	v53 =	vld.idx.msk [tilespmem:v12+s13+$0x0], $0xffff;
	v12 =	vor.u32 $0x2000, v9;
	v13 =	vcvt.s32.f32 v13;
	v36 =	vcvt.s32.f32 v36  }
0x1cb: {  	v55 =	vld.idx.msk [tilespmem:v14+s13+$0x0], $0xffff;
	v6 =	vor.u32 $0x400, v8;
	v8 =	vor.u32 $0x1C00, v8;
	v28 =	vcvt.s32.f32 v28  }
0x1cc: {  	v58 =	vld.idx.msk [tilespmem:v15+s13+$0x0], $0xffff;
	v31 =	vor.u32 v6, v10;
	v13 =	vsub.f32 v26, v13;
	v16 =	vsub.f32 v16, v36  }
0x1cd: {  	v43 =	vld.idx.msk [tilespmem:v17+s13+$0x0], $0xffff;
	v37 =	vor.u32 $0x2, v31;
	v39 =	vor.u32 $0x3, v31;
	v24 =	vsub.f32 v24, v28  }
0x1ce: {  	v26 =	vld.idx.msk [tilespmem:v34+s13+$0x0], $0xffff;
	v34 =	vor.u32 v8, v10;
	v10 =	vsub.f32 $1.000000000e+00, v16;
	v17 =	vsub.f32 $1.000000000e+00, v13  }
0x1cf: {  	v61 =	vld.idx.msk [tilespmem:v19+s13+$0x0], $0xffff;
	v35 =	vor.u32 $0x3, v30;
	v47 =	vmul.f32 v13, v16;
	v48 =	vsub.f32 $1.000000000e+00, v24  }
0x1d0: {  	v41 =	vld.idx.msk [tilespmem:v41+s13+$0x0], $0xffff;
	v32 =	vor.u32 $0x2, v30;
	v50 =	vmul.f32 v17, v10;
	v51 =	vmul.f32 v13, v10  }
0x1d1: {  	v28 =	vor.u32 $0x1, v31;
	v31 =	vld.idx.msk [tilespmem:v31+s13+$0x0], $0xffff;
	v52 =	vmul.f32 v17, v16;
	v16 =	vmul.f32 v48, v47  }
0x1d2: {  	v36 =	vor.u32 $0x2, v20;
	v37 =	vld.idx.msk [tilespmem:v37+s13+$0x0], $0xffff;
	v14 =	vmul.f32 v24, v47;
	v54 =	vmul.f32 v48, v50  }
0x1d3: {  	v39 =	vld.idx.msk [tilespmem:v39+s13+$0x0], $0xffff;
	v44 =	vor.u32 $0x1, v34;
	v50 =	vmul.f32 v50, v24;
	v56 =	vmul.f32 v48, v51  }
0x1d4: {  	v25 =	vld.idx.msk [tilespmem:v25+s13+$0x0], $0xffff;
	v45 =	vor.u32 $0x2, v34;
	v17 =	vmul.f32 v23, v16;
	v57 =	vmul.f32 v52, v24  }
0x1d5: {  	v22 =	vld.idx.msk [tilespmem:v22+s13+$0x0], $0xffff;
	v46 =	vor.u32 $0x3, v34;
	v24 =	vmul.f32 v24, v51;
	v63 =	vmul.f32 v54, v11  }
0x1d6: {  	v13 =	vor.u32 v9, v49;
	v28 =	vld.idx.msk [tilespmem:v28+s13+$0x0], $0xffff;
	v33 =	vmul.f32 v33, v56;
	v31 =	vmul.f32 v50, v31  }
0x1d7: {  	v10 =	vor.u32 $0x200, v9;
	v23 =	vld.idx.msk [tilespmem:v18+s13+$0x0], $0xffff;
	v37 =	vmul.f32 v37, v50;
	v60 =	vmul.f32 v54, v55  }
0x1d8: {  	v21 =	vld.idx.msk [tilespmem:v21+s13+$0x0], $0xffff;
	v19 =	vor.u32 v10, v49;
	v53 =	vmul.f32 v54, v53;
	v39 =	vmul.f32 v39, v50  }
0x1d9: {  	v30 =	vld.idx.msk [tilespmem:v30+s13+$0x0], $0xffff;
	v18 =	vor.u32 v12, v49;
	v25 =	vmul.f32 v25, v24;
	v62 =	vmul.f32 v38, v24  }
0x1da: {  	v35 =	vld.idx.msk [tilespmem:v35+s13+$0x0], $0xffff;
	v11 =	vor.u32 $0x2200, v9;
	v29 =	vmul.f32 v29, v56;
	v27 =	vmul.f32 v27, v56  }
0x1db: {  	v59 =	vld.idx.msk [tilespmem:v34+s13+$0x0], $0xffff;
	v34 =	vmul.f32 v41, v57;
	v28 =	vmul.f32 v28, v50;
	v31 =	vadd.f32 v31, v63  }
0x1dc: {  	v32 =	vld.idx.msk [tilespmem:v32+s13+$0x0], $0xffff;
	v39 =	vadd.f32 v39, v53;
	v53 =	vmul.f32 v48, v52;
	v23 =	vmul.f32 v54, v23  }
0x1dd: {  	v55 =	vld.idx.msk [tilespmem:v20+s13+$0x0], $0xffff;
	v15 =	vor.u32 v11, v49;
	v54 =	vmul.f32 v22, v24;
	v22 =	vmul.f32 v43, v56  }
0x1de: {  	v63 =	vld.idx.msk [tilespmem:v40+s13+$0x0], $0xffff;
	v24 =	vmul.f32 v21, v24;
	v31 =	vadd.f32 v33, v31;
	v20 =	vadd.f32 v28, v23  }
0x1df: {  	v30 =	vmul.f32 v30, v53;
	v26 =	vmul.f32 v26, v53;
	v23 =	vadd.f32 v37, v60  }
0x1e0: {  	v35 =	vmul.f32 v35, v53;
	v60 =	vadd.f32 v22, v39;
	v28 =	vadd.f32 v27, v20  }
0x1e1: {  	v21 =	vld.idx.msk [tilespmem:v42+s13+$0x0], $0xffff;
	v31 =	vadd.f32 v62, v31;
	v62 =	vmul.f32 v32, v53;
	v29 =	vadd.f32 v29, v23  }
0x1e2: {  	v22 =	vld.idx.msk [tilespmem:v36+s13+$0x0], $0xffff;
	v20 =	vmul.f32 v61, v57;
	v27 =	vmul.f32 v58, v57;
	v61 =	vadd.f32 v25, v28  }
0x1e3: {  	v23 =	vld.idx.msk [tilespmem:v44+s13+$0x0], $0xffff;
	v25 =	vmul.f32 v63, v57;
	v29 =	vadd.f32 v24, v29;
	v63 =	vadd.f32 v54, v60  }
0x1e4: {  	s14 =	sadd.s32 $0x10, s7;
	v31 =	vadd.f32 v30, v31;
	v28 =	vmul.f32 v55, v16;
	v24 =	vld.idx.msk [tilespmem:v45+s13+$0x0], $0xffff;
	v32 =	vadd.f32 v26, v61  }
0x1e5: {  	s16 =	sadd.s32 $0x10, s8;
	s12 =	simm.s32 $0x10;
	s10 =	smov.u32 s18;
	v26 =	vld.idx.msk [tilespmem:v46+s13+$0x0], $0xffff;
	v33 =	vadd.f32 v62, v29;
	v30 =	vadd.f32 v35, v63;
	v29 =	vmul.f32 v59, v14  }
.LBB2_20:
0x1e6: {  	p0 =	sne.s32 s12, $0x30  }
0x1e7: {  	v27 =	vadd.f32 v27, v31;
	v31 =	vadd.f32 v34, v32;
	v21 =	vmul.f32 v21, v16;
	s10 =	sadd.s32 $0x10, s10;
	s20 =	smov.u32 s12;
	s12 =	sadd.s32 $0x10, s12  }
0x1e8: {  	v16 =	vmul.f32 v22, v16;
	v20 =	vadd.f32 v20, v33;
	v25 =	vadd.f32 v25, v30  }
0x1e9: {  	v23 =	vmul.f32 v23, v14;
	v22 =	vadd.f32 v28, v27;
	v21 =	vadd.f32 v21, v31  }
0x1ea: {  	v16 =	vadd.f32 v16, v20;
	v17 =	vadd.f32 v17, v25;
	v20 =	vmul.f32 v24, v14  }
0x1eb: {  	v14 =	vmul.f32 v26, v14;
	v22 =	vadd.f32 v29, v22;
	v21 =	vadd.f32 v23, v21  }
0x1ec: {  	v16 =	vadd.f32 v20, v16  }
0x1ed: {  	v14 =	vadd.f32 v14, v17;
	[tilespmem:v13+s30+$0x0] =	vst.idx.msk $0xffff, v22  }
0x1ee: {  	[tilespmem:v19+s30+$0x0] =	vst.idx.msk $0xffff, v21  }
0x1ef: {  	v13 =	vmov s20;
	[tilespmem:v18+s30+$0x0] =	vst.idx.msk $0xffff, v16  }
0x1f0: {  	v13 =	vshll.u32 v13, $0x4;
	v16 =	vor.u32 s20, v0;
	[tilespmem:v15+s30+$0x0] =	vst.idx.msk $0xffff, v14  }
0x1f1: {  	v18 =	vor.u32 v2, v13;
	v15 =	vshll.u32 v16, $0x4;
	v14 =	vld [tilespmem:s10+$0x0]  }
0x1f2: {  	v21 =	vor.u32 $0x2, v18;
	v19 =	vor.u32 $0x3, v15;
	v17 =	vld [tilespmem:s14+$0x0]  }
0x1f3: {  	v23 =	vor.u32 v4, v13;
	v20 =	vor.u32 v3, v13;
	v22 =	vor.u32 $0x2, v15  }
0x1f4: {  	v26 =	vor.u32 $0x2, v23;
	v25 =	vor.u32 $0x1, v15;
	v24 =	vld [tilespmem:s16+$0x0]  }
0x1f5: {  	v27 =	vor.u32 v5, v13;
	v28 =	vor.u32 $0x3, v23;
	v29 =	vor.u32 $0x3, v20  }
0x1f6: {  	v30 =	vor.u32 $0x1, v23;
	v14 =	vmul.f32 $3.100000000e+01, v14  }
0x1f7: {  	v31 =	vor.u32 $0x1, v27;
	v17 =	vmul.f32 $3.100000000e+01, v17  }
0x1f8: {  	v34 =	vor.u32 v7, v13;
	v33 =	vor.u32 $0x2, v27;
	v32 =	vtrunc.f32 v14;
	v15 =	vld.idx.msk [tilespmem:v15+s13+$0x0], $0xffff  }
0x1f9: {  	v35 =	vor.u32 v6, v13;
	v24 =	vmul.f32 $3.100000000e+01, v24;
	v32 =	vcvt.f32.s32 v32  }
0x1fa: {  	v38 =	vor.u32 $0x1, v34;
	v39 =	vor.u32 $0x3, v34;
	v36 =	vtrunc.f32 v17;
	v37 =	vld.idx.msk [tilespmem:v27+s13+$0x0], $0xffff  }
0x1fb: {  	v41 =	vor.u32 $0x2, v35;
	v40 =	vtrunc.f32 v24;
	v32 =	vcvt.s32.f32 v32;
	v23 =	vld.idx.msk [tilespmem:v23+s13+$0x0], $0xffff  }
0x1fc: {  	v42 =	vor.u32 $0x2, v34;
	v36 =	vcvt.f32.s32 v36;
	v27 =	vor.u32 $0x3, v27;
	v29 =	vld.idx.msk [tilespmem:v29+s13+$0x0], $0xffff  }
0x1fd: {  	v40 =	vcvt.f32.s32 v40;
	v32 =	vsub.f32 v14, v32;
	v14 =	vor.u32 $0x1, v35;
	v33 =	vld.idx.msk [tilespmem:v33+s13+$0x0], $0xffff  }
0x1fe: {  	v43 =	vor.u32 $0x3, v35;
	v44 =	vor.u32 $0x3, v18;
	v36 =	vcvt.s32.f32 v36;
	v31 =	vld.idx.msk [tilespmem:v31+s13+$0x0], $0xffff  }
0x1ff: {  	v45 =	vor.u32 $0x1, v18;
	v46 =	vor.u32 $0x1, v20;
	v40 =	vcvt.s32.f32 v40;
	v34 =	vld.idx.msk [tilespmem:v34+s13+$0x0], $0xffff  }
0x200: {  	v17 =	vsub.f32 v17, v36;
	v36 =	vld.idx.msk [tilespmem:v38+s13+$0x0], $0xffff;
	v38 =	vor.u32 $0x2, v20  }
0x201: {  	v24 =	vsub.f32 v24, v40;
	v40 =	vor.u32 v8, v13;
	v13 =	vand.u32 $0x38, v16;
	v27 =	vld.idx.msk [tilespmem:v27+s13+$0x0], $0xffff  }
0x202: {  	v47 =	vor.u32 $0x1, v40;
	v48 =	vor.u32 $0x2, v40;
	v49 =	vor.u32 $0x3, v40;
	v35 =	vld.idx.msk [tilespmem:v35+s13+$0x0], $0xffff  }
0x203: {  	v50 =	vsub.f32 $1.000000000e+00, v17;
	v16 =	vsub.f32 $1.000000000e+00, v24;
	v51 =	vmul.f32 v17, v24;
	v52 =	vld.idx.msk [tilespmem:v14+s13+$0x0], $0xffff  }
0x204: {  	v53 =	vsub.f32 $1.000000000e+00, v32;
	v54 =	vor.u32 v1, v13;
	v43 =	vld.idx.msk [tilespmem:v43+s13+$0x0], $0xffff  }
0x205: {  	v13 =	vor.u32 v9, v54;
	v14 =	vmul.f32 v50, v16;
	v55 =	vmul.f32 v17, v16;
	v41 =	vld.idx.msk [tilespmem:v41+s13+$0x0], $0xffff  }
0x206: {  	v24 =	vmul.f32 v50, v24;
	v16 =	vmul.f32 v53, v51;
	v19 =	vld.idx.msk [tilespmem:v19+s13+$0x0], $0xffff  }
0x207: {  	v50 =	vmul.f32 v53, v14;
	v56 =	vmul.f32 v14, v32;
	v22 =	vld.idx.msk [tilespmem:v22+s13+$0x0], $0xffff  }
0x208: {  	v57 =	vmul.f32 v53, v55;
	v14 =	vmul.f32 v32, v51;
	v30 =	vld.idx.msk [tilespmem:v30+s13+$0x0], $0xffff  }
0x209: {  	v17 =	vmul.f32 v29, v16;
	v51 =	vmul.f32 v50, v15;
	v25 =	vld.idx.msk [tilespmem:v25+s13+$0x0], $0xffff  }
0x20a: {  	v29 =	vmul.f32 v37, v57;
	v37 =	vmul.f32 v24, v32;
	v58 =	vld.idx.msk [tilespmem:v18+s13+$0x0], $0xffff  }
0x20b: {  	v35 =	vmul.f32 v56, v35;
	v15 =	vor.u32 v11, v54;
	v41 =	vmul.f32 v41, v56;
	v28 =	vld.idx.msk [tilespmem:v28+s13+$0x0], $0xffff  }
0x20c: {  	v52 =	vmul.f32 v52, v56;
	v32 =	vmul.f32 v32, v55;
	v18 =	vor.u32 v12, v54;
	v26 =	vld.idx.msk [tilespmem:v26+s13+$0x0], $0xffff  }
0x20d: {  	v35 =	vadd.f32 v35, v51;
	v55 =	vmul.f32 v50, v19;
	v22 =	vmul.f32 v50, v22;
	v21 =	vld.idx.msk [tilespmem:v21+s13+$0x0], $0xffff  }
0x20e: {  	v43 =	vmul.f32 v43, v56;
	v19 =	vor.u32 v10, v54;
	v30 =	vmul.f32 v30, v32;
	v39 =	vld.idx.msk [tilespmem:v39+s13+$0x0], $0xffff  }
0x20f: {  	v23 =	vmul.f32 v23, v32;
	v29 =	vadd.f32 v29, v35;
	v25 =	vmul.f32 v50, v25;
	v35 =	vld.idx.msk [tilespmem:v44+s13+$0x0], $0xffff  }
0x210: {  	v33 =	vmul.f32 v33, v57;
	v24 =	vmul.f32 v53, v24;
	v43 =	vadd.f32 v43, v55;
	v42 =	vld.idx.msk [tilespmem:v42+s13+$0x0], $0xffff  }
0x211: {  	v31 =	vmul.f32 v31, v57;
	v29 =	vadd.f32 v23, v29;
	v28 =	vmul.f32 v28, v32;
	v44 =	vld.idx.msk [tilespmem:v20+s13+$0x0], $0xffff  }
0x212: {  	v23 =	vmul.f32 v27, v57;
	v20 =	vadd.f32 v52, v25;
	v26 =	vmul.f32 v26, v32;
	v45 =	vld.idx.msk [tilespmem:v45+s13+$0x0], $0xffff  }
0x213: {  	v22 =	vadd.f32 v41, v22;
	v32 =	vmul.f32 v34, v24;
	v34 =	vmul.f32 v36, v24;
	v36 =	vld.idx.msk [tilespmem:v40+s13+$0x0], $0xffff  }
0x214: {  	v25 =	vadd.f32 v31, v20;
	v39 =	vmul.f32 v39, v24;
	v20 =	vmul.f32 v21, v37;
	v21 =	vld.idx.msk [tilespmem:v46+s13+$0x0], $0xffff  }
.Ltmp8:
0x215: {  	v27 =	vmul.f32 v58, v37;
	v31 =	vadd.f32 v33, v22;
	v33 =	vadd.f32 v23, v43;
	v22 =	vld.idx.msk [tilespmem:v38+s13+$0x0], $0xffff;
	(pc) =	sbr.rel @p0 .LBB2_20-.Ltmp8, $4  }
0x216: {  	v30 =	vadd.f32 v30, v25;
	v38 =	vmul.f32 v42, v24;
	v25 =	vmul.f32 v35, v37;
	v23 =	vld.idx.msk [tilespmem:v47+s13+$0x0], $0xffff  }
0x217: {  	v35 =	vadd.f32 v26, v31;
	v40 =	vadd.f32 v28, v33;
	v28 =	vmul.f32 v44, v16;
	v24 =	vld.idx.msk [tilespmem:v48+s13+$0x0], $0xffff  }
0x218: {  	v31 =	vadd.f32 v32, v29;
	v32 =	vadd.f32 v34, v30;
	v34 =	vmul.f32 v45, v37;
	v26 =	vld.idx.msk [tilespmem:v49+s13+$0x0], $0xffff  }
0x219: {  	s14 =	sadd.s32 $0x10, s14;
	s16 =	sadd.s32 $0x10, s16;
	v33 =	vadd.f32 v38, v35;
	v30 =	vadd.f32 v39, v40;
	v29 =	vmul.f32 v36, v14  }
0x21a: {  	v10 =	vadd.f32 v27, v31  }
0x21b: {  	v11 =	vadd.f32 v34, v32;
	v12 =	vmul.f32 v21, v16  }
0x21c: {  	v41 =	vmul.f32 v22, v16;
	v20 =	vadd.f32 v20, v33;
	v10 =	vadd.f32 v28, v10  }
0x21d: {  	v42 =	vadd.f32 v25, v30;
	v11 =	vadd.f32 v12, v11;
	v12 =	vmul.f32 v23, v14  }
0x21e: {  	v43 =	vmul.f32 v24, v14;
	v16 =	vadd.f32 v41, v20;
	v10 =	vadd.f32 v29, v10  }
0x21f: {  	v17 =	vadd.f32 v17, v42;
	v11 =	vadd.f32 v12, v11;
	v12 =	vmul.f32 v26, v14  }
0x220: {  	v14 =	vadd.f32 v43, v16;
	[tilespmem:v13+s30+$0x0] =	vst.idx.msk $0xffff, v10  }
0x221: {  	v10 =	vadd.f32 v12, v17;
	[tilespmem:v19+s30+$0x0] =	vst.idx.msk $0xffff, v11  }
0x222: {  	[tilespmem:v18+s30+$0x0] =	vst.idx.msk $0xffff, v14  }
0x223: {  	[tilespmem:v15+s30+$0x0] =	vst.idx.msk $0xffff, v10  }
0x224: {  	_ =	swait.ge [sflag:s31], $0x2000  }
0x225: {  	[sflag:s31] =	ssyncset.done $0x0  }
0x226: {  	[sflag:s31] =	ssyncadd.s32 $0xFFFFE000  }
0x227: {  	s10 =	simm.s32 $0x0;
	v10 =	vld [tilespmem:s7+$0x0]  }
0x228: {  	v12 =	vor.u32 s10, v0;
	v13 =	vld [tilespmem:s8+$0x0]  }
0x229: {  	v11 =	vmov s10;
	v14 =	vshll.u32 v12, $0x4;
	v15 =	vld [tilespmem:s18+$0x0]  }
0x22a: {  	v11 =	vshll.u32 v11, $0x4;
	v44 =	vor.u32 $0x2, v14  }
0x22b: {  	v48 =	vor.u32 v4, v11  }
0x22c: {  	v51 =	vor.u32 $0x3, v14  }
0x22d: {  	v17 =	vor.u32 v6, v11;
	v47 =	vor.u32 v5, v11;
	v10 =	vmul.f32 $5.100000000e+01, v10  }
0x22e: {  	v45 =	vor.u32 $0x1, v14;
	v14 =	vld.idx.msk [tilespmem:v14+s15+$0x0], $0xffff;
	v13 =	vmul.f32 $5.100000000e+01, v13;
	v15 =	vmul.f32 $5.100000000e+01, v15  }
0x22f: {  	v58 =	vor.u32 v2, v11;
	v36 =	vor.u32 v7, v11;
	v16 =	vld.idx.msk [tilespmem:v44+s15+$0x0], $0xffff;
	v52 =	vtrunc.f32 v10  }
0x230: {  	v46 =	vor.u32 $0x1, v17;
	v59 =	vld.idx.msk [tilespmem:v48+s15+$0x0], $0xffff;
	v54 =	vtrunc.f32 v13;
	v56 =	vtrunc.f32 v15  }
0x231: {  	v20 =	vor.u32 $0x2, v17;
	v25 =	vld.idx.msk [tilespmem:v51+s15+$0x0], $0xffff;
	v26 =	vcvt.f32.s32 v52;
	v28 =	vcvt.f32.s32 v54  }
0x232: {  	v49 =	vor.u32 $0x1, v47;
	v50 =	vor.u32 $0x1, v48;
	v21 =	vld.idx.msk [tilespmem:v47+s15+$0x0], $0xffff;
	v30 =	vcvt.f32.s32 v56  }
0x233: {  	v22 =	vor.u32 $0x3, v48;
	v18 =	vld.idx.msk [tilespmem:v45+s15+$0x0], $0xffff;
	v26 =	vcvt.s32.f32 v26;
	v28 =	vcvt.s32.f32 v28  }
0x234: {  	v60 =	vor.u32 $0x3, v17;
	v61 =	vor.u32 $0x2, v58;
	v17 =	vld.idx.msk [tilespmem:v17+s15+$0x0], $0xffff;
	v30 =	vcvt.s32.f32 v30  }
0x235: {  	v63 =	vor.u32 $0x3, v36;
	v32 =	vld.idx.msk [tilespmem:v58+s15+$0x0], $0xffff;
	v10 =	vsub.f32 v10, v26;
	v13 =	vsub.f32 v13, v28  }
0x236: {  	v39 =	vor.u32 $0x1, v36;
	v40 =	vor.u32 $0x2, v36;
	v36 =	vld.idx.msk [tilespmem:v36+s15+$0x0], $0xffff;
	v15 =	vsub.f32 v15, v30  }
0x237: {  	v57 =	vor.u32 $0x3, v47;
	v19 =	vld.idx.msk [tilespmem:v46+s15+$0x0], $0xffff;
	v37 =	vsub.f32 $1.000000000e+00, v13;
	v38 =	vsub.f32 $1.000000000e+00, v10  }
0x238: {  	v12 =	vand.u32 $0x38, v12;
	v62 =	vor.u32 $0x3, v58;
	v24 =	vld.idx.msk [tilespmem:v50+s15+$0x0], $0xffff;
	v41 =	vmul.f32 v10, v13  }
0x239: {  	v23 =	vld.idx.msk [tilespmem:v49+s15+$0x0], $0xffff;
	v42 =	vsub.f32 $1.000000000e+00, v15;
	v43 =	vmul.f32 v38, v37;
	v38 =	vmul.f32 v38, v13  }
0x23a: {  	v55 =	vor.u32 $0x2, v48;
	v22 =	vld.idx.msk [tilespmem:v22+s15+$0x0], $0xffff;
	v10 =	vmul.f32 v10, v37;
	v27 =	vmul.f32 v15, v41  }
0x23b: {  	v53 =	vor.u32 $0x2, v47;
	v26 =	vld.idx.msk [tilespmem:v61+s15+$0x0], $0xffff;
	v61 =	vmul.f32 v42, v41;
	v45 =	vmul.f32 v42, v43  }
0x23c: {  	v35 =	vor.u32 $0x1, v58;
	v31 =	vld.idx.msk [tilespmem:v57+s15+$0x0], $0xffff;
	v46 =	vmul.f32 v38, v15;
	v43 =	vmul.f32 v43, v15  }
0x23d: {  	v44 =	vor.u32 v3, v11;
	v28 =	vld.idx.msk [tilespmem:v62+s15+$0x0], $0xffff;
	v48 =	vmul.f32 v42, v10;
	v15 =	vmul.f32 v15, v10  }
0x23e: {  	v47 =	vor.u32 $0x2, v44;
	v34 =	vld.idx.msk [tilespmem:v60+s15+$0x0], $0xffff;
	v62 =	vmul.f32 v42, v38;
	v14 =	vmul.f32 v45, v14  }
0x23f: {  	v49 =	vor.u32 $0x3, v44;
	v29 =	vld.idx.msk [tilespmem:v55+s15+$0x0], $0xffff;
	v25 =	vmul.f32 v45, v25;
	v18 =	vmul.f32 v45, v18  }
0x240: {  	v50 =	vor.u32 v8, v11;
	v20 =	vld.idx.msk [tilespmem:v20+s15+$0x0], $0xffff;
	v21 =	vmul.f32 v21, v48;
	v23 =	vmul.f32 v23, v48  }
0x241: {  	v35 =	vld.idx.msk [tilespmem:v35+s15+$0x0], $0xffff;
	v11 =	vor.u32 $0x2400, v9;
	v22 =	vmul.f32 v22, v15;
	v33 =	vmul.f32 v59, v15  }
0x242: {  	v57 =	vld.idx.msk [tilespmem:v63+s15+$0x0], $0xffff;
	v51 =	vor.u32 $0x1, v50;
	v28 =	vmul.f32 v28, v46;
	v31 =	vmul.f32 v31, v48  }
0x243: {  	v58 =	vld.idx.msk [tilespmem:v39+s15+$0x0], $0xffff;
	v54 =	vor.u32 v1, v12;
	v24 =	vmul.f32 v24, v15;
	v19 =	vmul.f32 v19, v43  }
0x244: {  	v60 =	vld.idx.msk [tilespmem:v40+s15+$0x0], $0xffff;
	v12 =	vor.u32 $0x600, v9;
	v15 =	vmul.f32 v29, v15;
	v16 =	vmul.f32 v45, v16  }
0x245: {  	v37 =	vor.u32 $0x1, v44;
	v20 =	vmul.f32 v20, v43;
	v34 =	vmul.f32 v34, v43  }
0x246: {  	v13 =	vld.idx.msk [tilespmem:v53+s15+$0x0], $0xffff;
	v53 =	vor.u32 $0x3, v50;
	v35 =	vmul.f32 v35, v46;
	v17 =	vmul.f32 v43, v17  }
0x247: {  	v10 =	vor.u32 $0x2600, v9;
	v38 =	vld.idx.msk [tilespmem:v49+s15+$0x0], $0xffff;
	v26 =	vmul.f32 v26, v46;
	v41 =	vmul.f32 v32, v46  }
0x248: {  	v59 =	vor.u32 $0x2, v50;
	v29 =	vmul.f32 v57, v62;
	v43 =	vld.idx.msk [tilespmem:v44+s15+$0x0], $0xffff;
	v44 =	vmul.f32 v58, v62  }
0x249: {  	v45 =	vmul.f32 v36, v62;
	v46 =	vld.idx.msk [tilespmem:v47+s15+$0x0], $0xffff;
	v47 =	vmul.f32 v60, v62;
	v14 =	vadd.f32 v17, v14  }
0x24a: {  	v49 =	vld.idx.msk [tilespmem:v50+s15+$0x0], $0xffff;
	v60 =	vor.u32 v11, v54;
	v62 =	vor.u32 v10, v54;
	v18 =	vadd.f32 v19, v18  }
0x24b: {  	v52 =	vmul.f32 v13, v48;
	v16 =	vadd.f32 v20, v16;
	v14 =	vadd.f32 v21, v14  }
0x24c: {  	v13 =	vor.u32 $0x400, v9;
	v25 =	vadd.f32 v34, v25;
	v63 =	vadd.f32 v23, v18  }
0x24d: {  	v42 =	vld.idx.msk [tilespmem:v37+s15+$0x0], $0xffff;
	v48 =	vor.u32 v12, v54;
	v16 =	vadd.f32 v52, v16;
	v14 =	vadd.f32 v33, v14  }
0x24e: {  	v57 =	vor.u32 v13, v54;
	v25 =	vadd.f32 v31, v25;
	v17 =	vadd.f32 v24, v63  }
0x24f: {  	v50 =	vld.idx.msk [tilespmem:v51+s15+$0x0], $0xffff;
	v58 =	vmul.f32 v49, v27;
	v15 =	vadd.f32 v15, v16;
	v14 =	vadd.f32 v45, v14  }
0x250: {  	v18 =	vmul.f32 v38, v61;
	v52 =	vld.idx.msk [tilespmem:v59+s15+$0x0], $0xffff;
	v22 =	vadd.f32 v22, v25;
	v17 =	vadd.f32 v44, v17  }
0x251: {  	v55 =	vld.idx.msk [tilespmem:v53+s15+$0x0], $0xffff;
	v21 =	vmul.f32 v43, v61;
	v15 =	vadd.f32 v47, v15;
	v14 =	vadd.f32 v41, v14  }
0x252: {  	v51 =	vmul.f32 v42, v61;
	v22 =	vadd.f32 v29, v22;
	v17 =	vadd.f32 v35, v17  }
0x253: {  	v56 =	vmul.f32 v46, v61;
	v15 =	vadd.f32 v26, v15;
	v14 =	vadd.f32 v21, v14  }
0x254: {  	v59 =	vmul.f32 v50, v27;
	v22 =	vadd.f32 v28, v22;
	v16 =	vadd.f32 v51, v17  }
0x255: {  	v61 =	vmul.f32 v52, v27;
	v15 =	vadd.f32 v56, v15;
	v14 =	vadd.f32 v58, v14  }
0x256: {  	v63 =	vmul.f32 v55, v27;
	v18 =	vadd.f32 v18, v22;
	v16 =	vadd.f32 v59, v16  }
0x257: {  	v15 =	vadd.f32 v61, v15;
	[tilespmem:v57+s30+$0x0] =	vst.idx.msk $0xffff, v14  }
0x258: {  	v14 =	vadd.f32 v63, v18;
	[tilespmem:v48+s30+$0x0] =	vst.idx.msk $0xffff, v16  }
0x259: {  	s12 =	simm.s32 $0x10;
	[tilespmem:v60+s30+$0x0] =	vst.idx.msk $0xffff, v15  }
0x25a: {  	s14 =	sadd.s32 $0x10, s8;
	s16 =	smov.u32 s18;
	s10 =	sadd.s32 $0x10, s7;
	[tilespmem:v62+s30+$0x0] =	vst.idx.msk $0xffff, v14  }
.LBB2_22:
0x25b: {  	v14 =	vld [tilespmem:s10+$0x0];
	v15 =	vmov s12;
	v16 =	vor.u32 s12, v0;
	p0 =	sne.s32 s12, $0x30;
	s12 =	sadd.s32 $0x10, s12;
	s16 =	sadd.s32 $0x10, s16  }
0x25c: {  	v17 =	vld [tilespmem:s14+$0x0];
	v18 =	vshll.u32 v16, $0x4;
	v15 =	vshll.u32 v15, $0x4;
	v16 =	vand.u32 $0x38, v16  }
0x25d: {  	v19 =	vld [tilespmem:s16+$0x0];
	v20 =	vor.u32 $0x1, v18;
	v21 =	vor.u32 $0x2, v18;
	v22 =	vor.u32 v6, v15  }
0x25e: {  	v25 =	vor.u32 v5, v15;
	v23 =	vor.u32 $0x1, v22;
	v24 =	vor.u32 $0x2, v22  }
0x25f: {  	v28 =	vor.u32 v4, v15;
	v26 =	vor.u32 $0x1, v25;
	v27 =	vor.u32 $0x2, v25  }
0x260: {  	v29 =	vor.u32 $0x1, v28;
	v30 =	vor.u32 $0x2, v28;
	v14 =	vmul.f32 $5.100000000e+01, v14  }
0x261: {  	v31 =	vor.u32 $0x3, v18;
	v32 =	vor.u32 $0x3, v25;
	v17 =	vmul.f32 $5.100000000e+01, v17  }
0x262: {  	v34 =	vor.u32 $0x3, v22;
	v19 =	vmul.f32 $5.100000000e+01, v19;
	v33 =	vtrunc.f32 v14;
	v21 =	vld.idx.msk [tilespmem:v21+s15+$0x0], $0xffff  }
0x263: {  	v36 =	vor.u32 v2, v15;
	v35 =	vtrunc.f32 v17;
	v33 =	vcvt.f32.s32 v33;
	v23 =	vld.idx.msk [tilespmem:v23+s15+$0x0], $0xffff  }
0x264: {  	v39 =	vor.u32 $0x1, v36;
	v35 =	vcvt.f32.s32 v35;
	v37 =	vtrunc.f32 v19;
	v38 =	vld.idx.msk [tilespmem:v28+s15+$0x0], $0xffff  }
0x265: {  	v28 =	vor.u32 $0x3, v28;
	v37 =	vcvt.f32.s32 v37;
	v33 =	vcvt.s32.f32 v33;
	v29 =	vld.idx.msk [tilespmem:v29+s15+$0x0], $0xffff  }
0x266: {  	v40 =	vor.u32 v7, v15;
	v41 =	vor.u32 $0x2, v36;
	v35 =	vcvt.s32.f32 v35;
	v31 =	vld.idx.msk [tilespmem:v31+s15+$0x0], $0xffff  }
0x267: {  	v14 =	vsub.f32 v14, v33;
	v33 =	vcvt.s32.f32 v37;
	v26 =	vld.idx.msk [tilespmem:v26+s15+$0x0], $0xffff;
	v37 =	vor.u32 $0x3, v40  }
0x268: {  	v42 =	vor.u32 $0x3, v36;
	v17 =	vsub.f32 v17, v35;
	v25 =	vld.idx.msk [tilespmem:v25+s15+$0x0], $0xffff;
	v35 =	vor.u32 $0x1, v40  }
0x269: {  	v43 =	vor.u32 v3, v15;
	v19 =	vsub.f32 v19, v33;
	v18 =	vld.idx.msk [tilespmem:v18+s15+$0x0], $0xffff;
	v33 =	vor.u32 $0x2, v40  }
0x26a: {  	v45 =	vsub.f32 $1.000000000e+00, v14;
	v44 =	vsub.f32 $1.000000000e+00, v17;
	v46 =	vmul.f32 v14, v17;
	v28 =	vld.idx.msk [tilespmem:v28+s15+$0x0], $0xffff  }
0x26b: {  	v47 =	vor.u32 $0x1, v43;
	v48 =	vor.u32 $0x2, v43;
	v49 =	vor.u32 $0x3, v43;
	v20 =	vld.idx.msk [tilespmem:v20+s15+$0x0], $0xffff  }
0x26c: {  	v50 =	vsub.f32 $1.000000000e+00, v19;
	v17 =	vmul.f32 v45, v17;
	v51 =	vmul.f32 v45, v44;
	v27 =	vld.idx.msk [tilespmem:v27+s15+$0x0], $0xffff  }
0x26d: {  	v15 =	vor.u32 v8, v15;
	v14 =	vmul.f32 v14, v44;
	v44 =	vmul.f32 v19, v46;
	v42 =	vld.idx.msk [tilespmem:v42+s15+$0x0], $0xffff  }
0x26e: {  	v53 =	vor.u32 $0x1, v15;
	v52 =	vmul.f32 v17, v19;
	v45 =	vmul.f32 v50, v51;
	v32 =	vld.idx.msk [tilespmem:v32+s15+$0x0], $0xffff  }
0x26f: {  	v55 =	vor.u32 $0x3, v15;
	v51 =	vmul.f32 v51, v19;
	v54 =	vmul.f32 v50, v14;
	v34 =	vld.idx.msk [tilespmem:v34+s15+$0x0], $0xffff  }
0x270: {  	v16 =	vor.u32 v1, v16;
	v18 =	vmul.f32 v45, v18;
	v31 =	vmul.f32 v45, v31;
	v30 =	vld.idx.msk [tilespmem:v30+s15+$0x0], $0xffff  }
0x271: {  	v14 =	vmul.f32 v19, v14;
	v20 =	vmul.f32 v45, v20;
	v24 =	vld.idx.msk [tilespmem:v24+s15+$0x0], $0xffff  }
0x272: {  	v19 =	vmul.f32 v25, v54;
	v25 =	vmul.f32 v27, v54;
	v27 =	vld.idx.msk [tilespmem:v39+s15+$0x0], $0xffff  }
0x273: {  	v26 =	vmul.f32 v26, v54;
	v28 =	vmul.f32 v28, v14;
	v22 =	vld.idx.msk [tilespmem:v22+s15+$0x0], $0xffff  }
0x274: {  	v38 =	vmul.f32 v38, v14;
	v39 =	vld.idx.msk [tilespmem:v41+s15+$0x0], $0xffff;
	v41 =	vmul.f32 v42, v52  }
0x275: {  	v29 =	vmul.f32 v29, v14;
	v32 =	vmul.f32 v32, v54;
	v36 =	vld.idx.msk [tilespmem:v36+s15+$0x0], $0xffff  }
0x276: {  	v23 =	vmul.f32 v23, v51;
	v14 =	vmul.f32 v30, v14;
	v30 =	vld.idx.msk [tilespmem:v37+s15+$0x0], $0xffff  }
0x277: {  	v21 =	vmul.f32 v45, v21;
	v24 =	vmul.f32 v24, v51;
	v35 =	vld.idx.msk [tilespmem:v35+s15+$0x0], $0xffff  }
0x278: {  	v34 =	vmul.f32 v34, v51;
	v27 =	vmul.f32 v27, v52;
	v37 =	vld.idx.msk [tilespmem:v40+s15+$0x0], $0xffff;
	v40 =	vor.u32 $0x2, v15  }
0x279: {  	v20 =	vadd.f32 v23, v20;
	v22 =	vmul.f32 v51, v22;
	v23 =	vld.idx.msk [tilespmem:v33+s15+$0x0], $0xffff;
	v33 =	vmul.f32 v50, v46  }
0x27a: {  	v17 =	vmul.f32 v50, v17;
	v21 =	vadd.f32 v24, v21;
	v24 =	vmul.f32 v39, v52;
	v39 =	vld.idx.msk [tilespmem:v49+s15+$0x0], $0xffff  }
0x27b: {  	v20 =	vadd.f32 v26, v20;
	v18 =	vadd.f32 v22, v18;
	v22 =	vmul.f32 v36, v52;
	v26 =	vld.idx.msk [tilespmem:v47+s15+$0x0], $0xffff  }
0x27c: {  	v31 =	vadd.f32 v34, v31;
	v21 =	vadd.f32 v25, v21;
	v25 =	vmul.f32 v30, v17;
	v30 =	vld.idx.msk [tilespmem:v43+s15+$0x0], $0xffff  }
0x27d: {  	v18 =	vadd.f32 v19, v18;
	v19 =	vadd.f32 v29, v20;
	v20 =	vmul.f32 v35, v17;
	v29 =	vld.idx.msk [tilespmem:v48+s15+$0x0], $0xffff  }
0x27e: {  	v34 =	vor.u32 v12, v16;
	v31 =	vadd.f32 v32, v31;
	v32 =	vmul.f32 v37, v17  }
0x27f: {  	v14 =	vadd.f32 v14, v21;
	v18 =	vadd.f32 v38, v18;
	v17 =	vmul.f32 v23, v17;
	v15 =	vld.idx.msk [tilespmem:v15+s15+$0x0], $0xffff  }
0x280: {  	v21 =	vadd.f32 v28, v31;
	v19 =	vadd.f32 v20, v19;
	v20 =	vmul.f32 v39, v33;
	v23 =	vld.idx.msk [tilespmem:v53+s15+$0x0], $0xffff  }
0x281: {  	v18 =	vadd.f32 v32, v18;
	v14 =	vadd.f32 v17, v14;
	v17 =	vmul.f32 v26, v33;
	v26 =	vld.idx.msk [tilespmem:v40+s15+$0x0], $0xffff  }
0x282: {  	v21 =	vadd.f32 v25, v21;
	v19 =	vadd.f32 v27, v19;
	v25 =	vmul.f32 v30, v33;
	v27 =	vld.idx.msk [tilespmem:v55+s15+$0x0], $0xffff  }
0x283: {  	v18 =	vadd.f32 v22, v18;
	v14 =	vadd.f32 v24, v14;
	v22 =	vmul.f32 v29, v33  }
0x284: {  	v21 =	vadd.f32 v41, v21;
	v17 =	vadd.f32 v17, v19;
	v19 =	vor.u32 v13, v16  }
0x285: {  	v18 =	vadd.f32 v25, v18;
	v14 =	vadd.f32 v22, v14;
	v15 =	vmul.f32 v15, v44  }
0x286: {  	v20 =	vadd.f32 v20, v21;
	v22 =	vor.u32 v11, v16;
	v21 =	vmul.f32 v23, v44  }
0x287: {  	v16 =	vor.u32 v10, v16;
	v15 =	vadd.f32 v15, v18;
	v18 =	vmul.f32 v26, v44  }
.Ltmp9:
0x288: {  	v17 =	vadd.f32 v21, v17;
	v21 =	vmul.f32 v27, v44;
	(pc) =	sbr.rel @p0 .LBB2_22-.Ltmp9, $4  }
0x289: {  	v14 =	vadd.f32 v18, v14;
	[tilespmem:v19+s30+$0x0] =	vst.idx.msk $0xffff, v15  }
0x28a: {  	v15 =	vadd.f32 v21, v20;
	[tilespmem:v34+s30+$0x0] =	vst.idx.msk $0xffff, v17  }
0x28b: {  	[tilespmem:v22+s30+$0x0] =	vst.idx.msk $0xffff, v14  }
0x28c: {  	s10 =	sadd.s32 $0x10, s10;
	s14 =	sadd.s32 $0x10, s14;
	[tilespmem:v16+s30+$0x0] =	vst.idx.msk $0xffff, v15  }
0x28d: {  	_ =	swait.ge [sflag:s0], $0x2000  }
0x28e: {  	[sflag:s0] =	ssyncset.done $0x0  }
0x28f: {  	s10 =	simm.s32 $0x0;
	[sflag:s0] =	ssyncadd.s32 $0xFFFFE000  }
0x290: {  	v12 =	vor.u32 s10, v0;
	v10 =	vld [tilespmem:s7+$0x0]  }
0x291: {  	v11 =	vmov s10;
	v14 =	vshll.u32 v12, $0x4;
	v13 =	vld [tilespmem:s8+$0x0]  }
0x292: {  	v11 =	vshll.u32 v11, $0x4;
	v15 =	vld [tilespmem:s18+$0x0];
	v16 =	vor.u32 $0x2, v14  }
0x293: {  	v22 =	vor.u32 v4, v11  }
0x294: {  	v17 =	vor.u32 v6, v11;
	v18 =	vor.u32 $0x1, v14;
	v25 =	vor.u32 $0x3, v14  }
0x295: {  	v21 =	vor.u32 v5, v11;
	v32 =	vor.u32 v2, v11;
	v36 =	vor.u32 v7, v11  }
0x296: {  	v19 =	vor.u32 $0x1, v17;
	v20 =	vor.u32 $0x2, v17;
	v14 =	vld.idx.msk [tilespmem:v14+s17+$0x0], $0xffff;
	v10 =	vmul.f32 $8.500000000e+01, v10  }
0x297: {  	v23 =	vor.u32 $0x1, v21;
	v13 =	vmul.f32 $8.500000000e+01, v13;
	v15 =	vmul.f32 $8.500000000e+01, v15;
	v16 =	vld.idx.msk [tilespmem:v16+s17+$0x0], $0xffff  }
0x298: {  	v24 =	vor.u32 $0x1, v22;
	v27 =	vor.u32 $0x2, v21;
	v33 =	vld.idx.msk [tilespmem:v22+s17+$0x0], $0xffff;
	v26 =	vtrunc.f32 v10  }
0x299: {  	v31 =	vor.u32 $0x3, v21;
	v25 =	vld.idx.msk [tilespmem:v25+s17+$0x0], $0xffff;
	v28 =	vtrunc.f32 v13;
	v30 =	vtrunc.f32 v15  }
0x29a: {  	v34 =	vor.u32 $0x3, v17;
	v21 =	vld.idx.msk [tilespmem:v21+s17+$0x0], $0xffff;
	v26 =	vcvt.f32.s32 v26;
	v28 =	vcvt.f32.s32 v28  }
0x29b: {  	v35 =	vor.u32 $0x1, v32;
	v61 =	vor.u32 $0x2, v32;
	v18 =	vld.idx.msk [tilespmem:v18+s17+$0x0], $0xffff;
	v30 =	vcvt.f32.s32 v30  }
0x29c: {  	v62 =	vor.u32 $0x3, v32;
	v17 =	vld.idx.msk [tilespmem:v17+s17+$0x0], $0xffff;
	v26 =	vcvt.s32.f32 v26;
	v28 =	vcvt.s32.f32 v28  }
0x29d: {  	v63 =	vor.u32 $0x3, v36;
	v39 =	vor.u32 $0x1, v36;
	v32 =	vld.idx.msk [tilespmem:v32+s17+$0x0], $0xffff;
	v30 =	vcvt.s32.f32 v30  }
0x29e: {  	v40 =	vor.u32 $0x2, v36;
	v36 =	vld.idx.msk [tilespmem:v36+s17+$0x0], $0xffff;
	v10 =	vsub.f32 v10, v26;
	v13 =	vsub.f32 v13, v28  }
0x29f: {  	v29 =	vor.u32 $0x2, v22;
	v19 =	vld.idx.msk [tilespmem:v19+s17+$0x0], $0xffff;
	v15 =	vsub.f32 v15, v30  }
0x2a0: {  	v22 =	vor.u32 $0x3, v22;
	v24 =	vld.idx.msk [tilespmem:v24+s17+$0x0], $0xffff;
	v37 =	vsub.f32 $1.000000000e+00, v13;
	v38 =	vsub.f32 $1.000000000e+00, v10  }
0x2a1: {  	v23 =	vld.idx.msk [tilespmem:v23+s17+$0x0], $0xffff;
	v41 =	vmul.f32 v10, v13  }
0x2a2: {  	v31 =	vld.idx.msk [tilespmem:v31+s17+$0x0], $0xffff;
	v42 =	vsub.f32 $1.000000000e+00, v15;
	v43 =	vmul.f32 v38, v37;
	v38 =	vmul.f32 v38, v13  }
0x2a3: {  	v13 =	vld.idx.msk [tilespmem:v27+s17+$0x0], $0xffff;
	v10 =	vmul.f32 v10, v37;
	v27 =	vmul.f32 v15, v41  }
0x2a4: {  	v26 =	vld.idx.msk [tilespmem:v61+s17+$0x0], $0xffff;
	v61 =	vmul.f32 v42, v41;
	v45 =	vmul.f32 v42, v43  }
0x2a5: {  	v12 =	vand.u32 $0x38, v12;
	v22 =	vld.idx.msk [tilespmem:v22+s17+$0x0], $0xffff;
	v46 =	vmul.f32 v38, v15;
	v43 =	vmul.f32 v43, v15  }
0x2a6: {  	v44 =	vor.u32 v3, v11;
	v28 =	vld.idx.msk [tilespmem:v62+s17+$0x0], $0xffff;
	v48 =	vmul.f32 v42, v10;
	v15 =	vmul.f32 v15, v10  }
0x2a7: {  	v50 =	vor.u32 v8, v11;
	v34 =	vld.idx.msk [tilespmem:v34+s17+$0x0], $0xffff;
	v62 =	vmul.f32 v42, v38;
	v14 =	vmul.f32 v45, v14  }
0x2a8: {  	v54 =	vor.u32 v1, v12;
	v29 =	vld.idx.msk [tilespmem:v29+s17+$0x0], $0xffff;
	v25 =	vmul.f32 v45, v25;
	v18 =	vmul.f32 v45, v18  }
0x2a9: {  	v11 =	vor.u32 $0x2800, v9;
	v20 =	vld.idx.msk [tilespmem:v20+s17+$0x0], $0xffff;
	v21 =	vmul.f32 v21, v48;
	v23 =	vmul.f32 v23, v48  }
0x2aa: {  	v12 =	vor.u32 $0xA00, v9;
	v35 =	vld.idx.msk [tilespmem:v35+s17+$0x0], $0xffff;
	v22 =	vmul.f32 v22, v15;
	v33 =	vmul.f32 v33, v15  }
0x2ab: {  	v49 =	vor.u32 $0x3, v44;
	v57 =	vld.idx.msk [tilespmem:v63+s17+$0x0], $0xffff;
	v28 =	vmul.f32 v28, v46;
	v31 =	vmul.f32 v31, v48  }
0x2ac: {  	v47 =	vor.u32 $0x2, v44;
	v58 =	vld.idx.msk [tilespmem:v39+s17+$0x0], $0xffff;
	v24 =	vmul.f32 v24, v15;
	v19 =	vmul.f32 v19, v43  }
0x2ad: {  	v51 =	vor.u32 $0x1, v50;
	v60 =	vld.idx.msk [tilespmem:v40+s17+$0x0], $0xffff;
	v15 =	vmul.f32 v29, v15;
	v16 =	vmul.f32 v45, v16  }
0x2ae: {  	v53 =	vor.u32 $0x3, v50;
	v20 =	vmul.f32 v20, v43;
	v34 =	vmul.f32 v34, v43  }
0x2af: {  	v59 =	vor.u32 $0x2, v50;
	v35 =	vmul.f32 v35, v46;
	v17 =	vmul.f32 v43, v17  }
0x2b0: {  	v37 =	vor.u32 $0x1, v44;
	v38 =	vld.idx.msk [tilespmem:v49+s17+$0x0], $0xffff;
	v26 =	vmul.f32 v26, v46;
	v41 =	vmul.f32 v32, v46  }
0x2b1: {  	v10 =	vor.u32 $0x2A00, v9;
	v29 =	vmul.f32 v57, v62;
	v43 =	vld.idx.msk [tilespmem:v44+s17+$0x0], $0xffff;
	v44 =	vmul.f32 v58, v62  }
0x2b2: {  	v45 =	vmul.f32 v36, v62;
	v46 =	vld.idx.msk [tilespmem:v47+s17+$0x0], $0xffff;
	v47 =	vmul.f32 v60, v62;
	v14 =	vadd.f32 v17, v14  }
0x2b3: {  	v49 =	vld.idx.msk [tilespmem:v50+s17+$0x0], $0xffff;
	v60 =	vor.u32 v11, v54;
	v62 =	vor.u32 v10, v54;
	v18 =	vadd.f32 v19, v18  }
0x2b4: {  	v52 =	vmul.f32 v13, v48;
	v16 =	vadd.f32 v20, v16;
	v14 =	vadd.f32 v21, v14  }
0x2b5: {  	v13 =	vor.u32 $0x800, v9;
	v25 =	vadd.f32 v34, v25;
	v63 =	vadd.f32 v23, v18  }
0x2b6: {  	v42 =	vld.idx.msk [tilespmem:v37+s17+$0x0], $0xffff;
	v48 =	vor.u32 v12, v54;
	v16 =	vadd.f32 v52, v16;
	v14 =	vadd.f32 v33, v14  }
0x2b7: {  	v57 =	vor.u32 v13, v54;
	v25 =	vadd.f32 v31, v25;
	v17 =	vadd.f32 v24, v63  }
0x2b8: {  	v50 =	vld.idx.msk [tilespmem:v51+s17+$0x0], $0xffff;
	v58 =	vmul.f32 v49, v27;
	v15 =	vadd.f32 v15, v16;
	v14 =	vadd.f32 v45, v14  }
0x2b9: {  	v18 =	vmul.f32 v38, v61;
	v52 =	vld.idx.msk [tilespmem:v59+s17+$0x0], $0xffff;
	v22 =	vadd.f32 v22, v25;
	v17 =	vadd.f32 v44, v17  }
0x2ba: {  	v55 =	vld.idx.msk [tilespmem:v53+s17+$0x0], $0xffff;
	v21 =	vmul.f32 v43, v61;
	v15 =	vadd.f32 v47, v15;
	v14 =	vadd.f32 v41, v14  }
0x2bb: {  	v51 =	vmul.f32 v42, v61;
	v22 =	vadd.f32 v29, v22;
	v17 =	vadd.f32 v35, v17  }
0x2bc: {  	v56 =	vmul.f32 v46, v61;
	v15 =	vadd.f32 v26, v15;
	v14 =	vadd.f32 v21, v14  }
0x2bd: {  	v59 =	vmul.f32 v50, v27;
	v22 =	vadd.f32 v28, v22;
	v16 =	vadd.f32 v51, v17  }
0x2be: {  	v61 =	vmul.f32 v52, v27;
	v15 =	vadd.f32 v56, v15;
	v14 =	vadd.f32 v58, v14  }
0x2bf: {  	v63 =	vmul.f32 v55, v27;
	v18 =	vadd.f32 v18, v22;
	v16 =	vadd.f32 v59, v16  }
0x2c0: {  	v15 =	vadd.f32 v61, v15;
	[tilespmem:v57+s30+$0x0] =	vst.idx.msk $0xffff, v14  }
0x2c1: {  	v14 =	vadd.f32 v63, v18;
	[tilespmem:v48+s30+$0x0] =	vst.idx.msk $0xffff, v16  }
0x2c2: {  	s12 =	simm.s32 $0x10;
	[tilespmem:v60+s30+$0x0] =	vst.idx.msk $0xffff, v15  }
0x2c3: {  	s14 =	sadd.s32 $0x10, s8;
	s16 =	smov.u32 s18;
	s10 =	sadd.s32 $0x10, s7;
	[tilespmem:v62+s30+$0x0] =	vst.idx.msk $0xffff, v14  }
.LBB2_24:
0x2c4: {  	v14 =	vld [tilespmem:s10+$0x0];
	v15 =	vmov s12;
	v16 =	vor.u32 s12, v0;
	p0 =	sne.s32 s12, $0x30;
	s12 =	sadd.s32 $0x10, s12;
	s16 =	sadd.s32 $0x10, s16  }
0x2c5: {  	v17 =	vld [tilespmem:s14+$0x0];
	v18 =	vshll.u32 v16, $0x4;
	v15 =	vshll.u32 v15, $0x4;
	v16 =	vand.u32 $0x38, v16  }
0x2c6: {  	v19 =	vld [tilespmem:s16+$0x0];
	v20 =	vor.u32 $0x1, v18;
	v21 =	vor.u32 $0x2, v18;
	v22 =	vor.u32 v6, v15  }
0x2c7: {  	v25 =	vor.u32 v5, v15;
	v23 =	vor.u32 $0x1, v22;
	v24 =	vor.u32 $0x2, v22  }
0x2c8: {  	v28 =	vor.u32 v4, v15;
	v26 =	vor.u32 $0x1, v25;
	v27 =	vor.u32 $0x2, v25  }
0x2c9: {  	v29 =	vor.u32 $0x1, v28;
	v30 =	vor.u32 $0x2, v28;
	v14 =	vmul.f32 $8.500000000e+01, v14  }
0x2ca: {  	v31 =	vor.u32 $0x3, v18;
	v32 =	vor.u32 $0x3, v25;
	v17 =	vmul.f32 $8.500000000e+01, v17  }
0x2cb: {  	v34 =	vor.u32 $0x3, v22;
	v19 =	vmul.f32 $8.500000000e+01, v19;
	v33 =	vtrunc.f32 v14;
	v21 =	vld.idx.msk [tilespmem:v21+s17+$0x0], $0xffff  }
0x2cc: {  	v36 =	vor.u32 v2, v15;
	v35 =	vtrunc.f32 v17;
	v33 =	vcvt.f32.s32 v33;
	v23 =	vld.idx.msk [tilespmem:v23+s17+$0x0], $0xffff  }
0x2cd: {  	v39 =	vor.u32 $0x1, v36;
	v35 =	vcvt.f32.s32 v35;
	v37 =	vtrunc.f32 v19;
	v38 =	vld.idx.msk [tilespmem:v28+s17+$0x0], $0xffff  }
0x2ce: {  	v28 =	vor.u32 $0x3, v28;
	v37 =	vcvt.f32.s32 v37;
	v33 =	vcvt.s32.f32 v33;
	v29 =	vld.idx.msk [tilespmem:v29+s17+$0x0], $0xffff  }
0x2cf: {  	v40 =	vor.u32 v7, v15;
	v41 =	vor.u32 $0x2, v36;
	v35 =	vcvt.s32.f32 v35;
	v31 =	vld.idx.msk [tilespmem:v31+s17+$0x0], $0xffff  }
0x2d0: {  	v14 =	vsub.f32 v14, v33;
	v33 =	vcvt.s32.f32 v37;
	v26 =	vld.idx.msk [tilespmem:v26+s17+$0x0], $0xffff;
	v37 =	vor.u32 $0x3, v40  }
0x2d1: {  	v42 =	vor.u32 $0x3, v36;
	v17 =	vsub.f32 v17, v35;
	v25 =	vld.idx.msk [tilespmem:v25+s17+$0x0], $0xffff;
	v35 =	vor.u32 $0x1, v40  }
0x2d2: {  	v43 =	vor.u32 v3, v15;
	v19 =	vsub.f32 v19, v33;
	v18 =	vld.idx.msk [tilespmem:v18+s17+$0x0], $0xffff;
	v33 =	vor.u32 $0x2, v40  }
0x2d3: {  	v45 =	vsub.f32 $1.000000000e+00, v14;
	v44 =	vsub.f32 $1.000000000e+00, v17;
	v46 =	vmul.f32 v14, v17;
	v28 =	vld.idx.msk [tilespmem:v28+s17+$0x0], $0xffff  }
0x2d4: {  	v47 =	vor.u32 $0x1, v43;
	v48 =	vor.u32 $0x2, v43;
	v49 =	vor.u32 $0x3, v43;
	v20 =	vld.idx.msk [tilespmem:v20+s17+$0x0], $0xffff  }
0x2d5: {  	v50 =	vsub.f32 $1.000000000e+00, v19;
	v17 =	vmul.f32 v45, v17;
	v51 =	vmul.f32 v45, v44;
	v27 =	vld.idx.msk [tilespmem:v27+s17+$0x0], $0xffff  }
0x2d6: {  	v15 =	vor.u32 v8, v15;
	v14 =	vmul.f32 v14, v44;
	v44 =	vmul.f32 v19, v46;
	v42 =	vld.idx.msk [tilespmem:v42+s17+$0x0], $0xffff  }
0x2d7: {  	v53 =	vor.u32 $0x1, v15;
	v52 =	vmul.f32 v17, v19;
	v45 =	vmul.f32 v50, v51;
	v32 =	vld.idx.msk [tilespmem:v32+s17+$0x0], $0xffff  }
0x2d8: {  	v55 =	vor.u32 $0x3, v15;
	v51 =	vmul.f32 v51, v19;
	v54 =	vmul.f32 v50, v14;
	v34 =	vld.idx.msk [tilespmem:v34+s17+$0x0], $0xffff  }
0x2d9: {  	v16 =	vor.u32 v1, v16;
	v18 =	vmul.f32 v45, v18;
	v31 =	vmul.f32 v45, v31;
	v30 =	vld.idx.msk [tilespmem:v30+s17+$0x0], $0xffff  }
0x2da: {  	v14 =	vmul.f32 v19, v14;
	v20 =	vmul.f32 v45, v20;
	v24 =	vld.idx.msk [tilespmem:v24+s17+$0x0], $0xffff  }
0x2db: {  	v19 =	vmul.f32 v25, v54;
	v25 =	vmul.f32 v27, v54;
	v27 =	vld.idx.msk [tilespmem:v39+s17+$0x0], $0xffff  }
0x2dc: {  	v26 =	vmul.f32 v26, v54;
	v28 =	vmul.f32 v28, v14;
	v22 =	vld.idx.msk [tilespmem:v22+s17+$0x0], $0xffff  }
0x2dd: {  	v38 =	vmul.f32 v38, v14;
	v39 =	vld.idx.msk [tilespmem:v41+s17+$0x0], $0xffff;
	v41 =	vmul.f32 v42, v52  }
0x2de: {  	v29 =	vmul.f32 v29, v14;
	v32 =	vmul.f32 v32, v54;
	v36 =	vld.idx.msk [tilespmem:v36+s17+$0x0], $0xffff  }
0x2df: {  	v23 =	vmul.f32 v23, v51;
	v14 =	vmul.f32 v30, v14;
	v30 =	vld.idx.msk [tilespmem:v37+s17+$0x0], $0xffff  }
0x2e0: {  	v21 =	vmul.f32 v45, v21;
	v24 =	vmul.f32 v24, v51;
	v35 =	vld.idx.msk [tilespmem:v35+s17+$0x0], $0xffff  }
0x2e1: {  	v34 =	vmul.f32 v34, v51;
	v27 =	vmul.f32 v27, v52;
	v37 =	vld.idx.msk [tilespmem:v40+s17+$0x0], $0xffff;
	v40 =	vor.u32 $0x2, v15  }
0x2e2: {  	v20 =	vadd.f32 v23, v20;
	v22 =	vmul.f32 v51, v22;
	v23 =	vld.idx.msk [tilespmem:v33+s17+$0x0], $0xffff;
	v33 =	vmul.f32 v50, v46  }
0x2e3: {  	v17 =	vmul.f32 v50, v17;
	v21 =	vadd.f32 v24, v21;
	v24 =	vmul.f32 v39, v52;
	v39 =	vld.idx.msk [tilespmem:v49+s17+$0x0], $0xffff  }
0x2e4: {  	v20 =	vadd.f32 v26, v20;
	v18 =	vadd.f32 v22, v18;
	v22 =	vmul.f32 v36, v52;
	v26 =	vld.idx.msk [tilespmem:v47+s17+$0x0], $0xffff  }
0x2e5: {  	v31 =	vadd.f32 v34, v31;
	v21 =	vadd.f32 v25, v21;
	v25 =	vmul.f32 v30, v17;
	v30 =	vld.idx.msk [tilespmem:v43+s17+$0x0], $0xffff  }
0x2e6: {  	v18 =	vadd.f32 v19, v18;
	v19 =	vadd.f32 v29, v20;
	v20 =	vmul.f32 v35, v17;
	v29 =	vld.idx.msk [tilespmem:v48+s17+$0x0], $0xffff  }
0x2e7: {  	v34 =	vor.u32 v12, v16;
	v31 =	vadd.f32 v32, v31;
	v32 =	vmul.f32 v37, v17  }
0x2e8: {  	v14 =	vadd.f32 v14, v21;
	v18 =	vadd.f32 v38, v18;
	v17 =	vmul.f32 v23, v17;
	v15 =	vld.idx.msk [tilespmem:v15+s17+$0x0], $0xffff  }
0x2e9: {  	v21 =	vadd.f32 v28, v31;
	v19 =	vadd.f32 v20, v19;
	v20 =	vmul.f32 v39, v33;
	v23 =	vld.idx.msk [tilespmem:v53+s17+$0x0], $0xffff  }
0x2ea: {  	v18 =	vadd.f32 v32, v18;
	v14 =	vadd.f32 v17, v14;
	v17 =	vmul.f32 v26, v33;
	v26 =	vld.idx.msk [tilespmem:v40+s17+$0x0], $0xffff  }
0x2eb: {  	v21 =	vadd.f32 v25, v21;
	v19 =	vadd.f32 v27, v19;
	v25 =	vmul.f32 v30, v33;
	v27 =	vld.idx.msk [tilespmem:v55+s17+$0x0], $0xffff  }
0x2ec: {  	v18 =	vadd.f32 v22, v18;
	v14 =	vadd.f32 v24, v14;
	v22 =	vmul.f32 v29, v33  }
0x2ed: {  	v21 =	vadd.f32 v41, v21;
	v17 =	vadd.f32 v17, v19;
	v19 =	vor.u32 v13, v16  }
0x2ee: {  	v18 =	vadd.f32 v25, v18;
	v14 =	vadd.f32 v22, v14;
	v15 =	vmul.f32 v15, v44  }
0x2ef: {  	v20 =	vadd.f32 v20, v21;
	v22 =	vor.u32 v11, v16;
	v21 =	vmul.f32 v23, v44  }
0x2f0: {  	v16 =	vor.u32 v10, v16;
	v15 =	vadd.f32 v15, v18;
	v18 =	vmul.f32 v26, v44  }
.Ltmp10:
0x2f1: {  	v17 =	vadd.f32 v21, v17;
	v21 =	vmul.f32 v27, v44;
	(pc) =	sbr.rel @p0 .LBB2_24-.Ltmp10, $4  }
0x2f2: {  	v14 =	vadd.f32 v18, v14;
	[tilespmem:v19+s30+$0x0] =	vst.idx.msk $0xffff, v15  }
0x2f3: {  	v15 =	vadd.f32 v21, v20;
	[tilespmem:v34+s30+$0x0] =	vst.idx.msk $0xffff, v17  }
0x2f4: {  	[tilespmem:v22+s30+$0x0] =	vst.idx.msk $0xffff, v14  }
0x2f5: {  	s10 =	sadd.s32 $0x10, s10;
	s14 =	sadd.s32 $0x10, s14;
	[tilespmem:v16+s30+$0x0] =	vst.idx.msk $0xffff, v15  }
0x2f6: {  	_ =	swait.ge [sflag:s4], $0x2000  }
0x2f7: {  	[sflag:s4] =	ssyncset.done $0x0  }
0x2f8: {  	s10 =	simm.s32 $0x0;
	[sflag:s4] =	ssyncadd.s32 $0xFFFFE000  }
0x2f9: {  	v12 =	vor.u32 s10, v0;
	v10 =	vld [tilespmem:s7+$0x0]  }
0x2fa: {  	v11 =	vmov s10;
	v14 =	vshll.u32 v12, $0x4;
	v13 =	vld [tilespmem:s8+$0x0]  }
0x2fb: {  	v11 =	vshll.u32 v11, $0x4;
	v15 =	vld [tilespmem:s18+$0x0];
	v16 =	vor.u32 $0x2, v14  }
0x2fc: {  	v22 =	vor.u32 v4, v11  }
0x2fd: {  	v17 =	vor.u32 v6, v11;
	v18 =	vor.u32 $0x1, v14;
	v25 =	vor.u32 $0x3, v14  }
0x2fe: {  	v21 =	vor.u32 v5, v11;
	v32 =	vor.u32 v2, v11;
	v36 =	vor.u32 v7, v11  }
0x2ff: {  	v19 =	vor.u32 $0x1, v17;
	v20 =	vor.u32 $0x2, v17;
	v14 =	vld.idx.msk [tilespmem:v14+s19+$0x0], $0xffff;
	v10 =	vmul.f32 $1.400000000e+02, v10  }
0x300: {  	v23 =	vor.u32 $0x1, v21;
	v13 =	vmul.f32 $1.400000000e+02, v13;
	v15 =	vmul.f32 $1.400000000e+02, v15;
	v16 =	vld.idx.msk [tilespmem:v16+s19+$0x0], $0xffff  }
0x301: {  	v24 =	vor.u32 $0x1, v22;
	v27 =	vor.u32 $0x2, v21;
	v33 =	vld.idx.msk [tilespmem:v22+s19+$0x0], $0xffff;
	v26 =	vtrunc.f32 v10  }
0x302: {  	v31 =	vor.u32 $0x3, v21;
	v25 =	vld.idx.msk [tilespmem:v25+s19+$0x0], $0xffff;
	v28 =	vtrunc.f32 v13;
	v30 =	vtrunc.f32 v15  }
0x303: {  	v34 =	vor.u32 $0x3, v17;
	v21 =	vld.idx.msk [tilespmem:v21+s19+$0x0], $0xffff;
	v26 =	vcvt.f32.s32 v26;
	v28 =	vcvt.f32.s32 v28  }
0x304: {  	v35 =	vor.u32 $0x1, v32;
	v61 =	vor.u32 $0x2, v32;
	v18 =	vld.idx.msk [tilespmem:v18+s19+$0x0], $0xffff;
	v30 =	vcvt.f32.s32 v30  }
0x305: {  	v62 =	vor.u32 $0x3, v32;
	v17 =	vld.idx.msk [tilespmem:v17+s19+$0x0], $0xffff;
	v26 =	vcvt.s32.f32 v26;
	v28 =	vcvt.s32.f32 v28  }
0x306: {  	v63 =	vor.u32 $0x3, v36;
	v39 =	vor.u32 $0x1, v36;
	v32 =	vld.idx.msk [tilespmem:v32+s19+$0x0], $0xffff;
	v30 =	vcvt.s32.f32 v30  }
0x307: {  	v40 =	vor.u32 $0x2, v36;
	v36 =	vld.idx.msk [tilespmem:v36+s19+$0x0], $0xffff;
	v10 =	vsub.f32 v10, v26;
	v13 =	vsub.f32 v13, v28  }
0x308: {  	v29 =	vor.u32 $0x2, v22;
	v19 =	vld.idx.msk [tilespmem:v19+s19+$0x0], $0xffff;
	v15 =	vsub.f32 v15, v30  }
0x309: {  	v22 =	vor.u32 $0x3, v22;
	v24 =	vld.idx.msk [tilespmem:v24+s19+$0x0], $0xffff;
	v37 =	vsub.f32 $1.000000000e+00, v13;
	v38 =	vsub.f32 $1.000000000e+00, v10  }
0x30a: {  	v23 =	vld.idx.msk [tilespmem:v23+s19+$0x0], $0xffff;
	v41 =	vmul.f32 v10, v13  }
0x30b: {  	v31 =	vld.idx.msk [tilespmem:v31+s19+$0x0], $0xffff;
	v42 =	vsub.f32 $1.000000000e+00, v15;
	v43 =	vmul.f32 v38, v37;
	v38 =	vmul.f32 v38, v13  }
0x30c: {  	v13 =	vld.idx.msk [tilespmem:v27+s19+$0x0], $0xffff;
	v10 =	vmul.f32 v10, v37;
	v27 =	vmul.f32 v15, v41  }
0x30d: {  	v26 =	vld.idx.msk [tilespmem:v61+s19+$0x0], $0xffff;
	v61 =	vmul.f32 v42, v41;
	v45 =	vmul.f32 v42, v43  }
0x30e: {  	v12 =	vand.u32 $0x38, v12;
	v22 =	vld.idx.msk [tilespmem:v22+s19+$0x0], $0xffff;
	v46 =	vmul.f32 v38, v15;
	v43 =	vmul.f32 v43, v15  }
0x30f: {  	v44 =	vor.u32 v3, v11;
	v28 =	vld.idx.msk [tilespmem:v62+s19+$0x0], $0xffff;
	v48 =	vmul.f32 v42, v10;
	v15 =	vmul.f32 v15, v10  }
0x310: {  	v50 =	vor.u32 v8, v11;
	v34 =	vld.idx.msk [tilespmem:v34+s19+$0x0], $0xffff;
	v62 =	vmul.f32 v42, v38;
	v14 =	vmul.f32 v45, v14  }
0x311: {  	v54 =	vor.u32 v1, v12;
	v29 =	vld.idx.msk [tilespmem:v29+s19+$0x0], $0xffff;
	v25 =	vmul.f32 v45, v25;
	v18 =	vmul.f32 v45, v18  }
0x312: {  	v11 =	vor.u32 $0x2C00, v9;
	v20 =	vld.idx.msk [tilespmem:v20+s19+$0x0], $0xffff;
	v21 =	vmul.f32 v21, v48;
	v23 =	vmul.f32 v23, v48  }
0x313: {  	v12 =	vor.u32 $0xE00, v9;
	v35 =	vld.idx.msk [tilespmem:v35+s19+$0x0], $0xffff;
	v22 =	vmul.f32 v22, v15;
	v33 =	vmul.f32 v33, v15  }
0x314: {  	v49 =	vor.u32 $0x3, v44;
	v57 =	vld.idx.msk [tilespmem:v63+s19+$0x0], $0xffff;
	v28 =	vmul.f32 v28, v46;
	v31 =	vmul.f32 v31, v48  }
0x315: {  	v47 =	vor.u32 $0x2, v44;
	v58 =	vld.idx.msk [tilespmem:v39+s19+$0x0], $0xffff;
	v24 =	vmul.f32 v24, v15;
	v19 =	vmul.f32 v19, v43  }
0x316: {  	v51 =	vor.u32 $0x1, v50;
	v60 =	vld.idx.msk [tilespmem:v40+s19+$0x0], $0xffff;
	v15 =	vmul.f32 v29, v15;
	v16 =	vmul.f32 v45, v16  }
0x317: {  	v53 =	vor.u32 $0x3, v50;
	v20 =	vmul.f32 v20, v43;
	v34 =	vmul.f32 v34, v43  }
0x318: {  	v59 =	vor.u32 $0x2, v50;
	v35 =	vmul.f32 v35, v46;
	v17 =	vmul.f32 v43, v17  }
0x319: {  	v37 =	vor.u32 $0x1, v44;
	v38 =	vld.idx.msk [tilespmem:v49+s19+$0x0], $0xffff;
	v26 =	vmul.f32 v26, v46;
	v41 =	vmul.f32 v32, v46  }
0x31a: {  	v10 =	vor.u32 $0x2E00, v9;
	v29 =	vmul.f32 v57, v62;
	v43 =	vld.idx.msk [tilespmem:v44+s19+$0x0], $0xffff;
	v44 =	vmul.f32 v58, v62  }
0x31b: {  	v45 =	vmul.f32 v36, v62;
	v46 =	vld.idx.msk [tilespmem:v47+s19+$0x0], $0xffff;
	v47 =	vmul.f32 v60, v62;
	v14 =	vadd.f32 v17, v14  }
0x31c: {  	v49 =	vld.idx.msk [tilespmem:v50+s19+$0x0], $0xffff;
	v60 =	vor.u32 v11, v54;
	v62 =	vor.u32 v10, v54;
	v18 =	vadd.f32 v19, v18  }
0x31d: {  	v52 =	vmul.f32 v13, v48;
	v16 =	vadd.f32 v20, v16;
	v14 =	vadd.f32 v21, v14  }
0x31e: {  	v13 =	vor.u32 $0xC00, v9;
	v25 =	vadd.f32 v34, v25;
	v63 =	vadd.f32 v23, v18  }
0x31f: {  	v42 =	vld.idx.msk [tilespmem:v37+s19+$0x0], $0xffff;
	v48 =	vor.u32 v12, v54;
	v16 =	vadd.f32 v52, v16;
	v14 =	vadd.f32 v33, v14  }
0x320: {  	v57 =	vor.u32 v13, v54;
	v25 =	vadd.f32 v31, v25;
	v17 =	vadd.f32 v24, v63  }
0x321: {  	v50 =	vld.idx.msk [tilespmem:v51+s19+$0x0], $0xffff;
	v58 =	vmul.f32 v49, v27;
	v15 =	vadd.f32 v15, v16;
	v14 =	vadd.f32 v45, v14  }
0x322: {  	v18 =	vmul.f32 v38, v61;
	v52 =	vld.idx.msk [tilespmem:v59+s19+$0x0], $0xffff;
	v22 =	vadd.f32 v22, v25;
	v17 =	vadd.f32 v44, v17  }
0x323: {  	v55 =	vld.idx.msk [tilespmem:v53+s19+$0x0], $0xffff;
	v21 =	vmul.f32 v43, v61;
	v15 =	vadd.f32 v47, v15;
	v14 =	vadd.f32 v41, v14  }
0x324: {  	v51 =	vmul.f32 v42, v61;
	v22 =	vadd.f32 v29, v22;
	v17 =	vadd.f32 v35, v17  }
0x325: {  	v56 =	vmul.f32 v46, v61;
	v15 =	vadd.f32 v26, v15;
	v14 =	vadd.f32 v21, v14  }
0x326: {  	v59 =	vmul.f32 v50, v27;
	v22 =	vadd.f32 v28, v22;
	v16 =	vadd.f32 v51, v17  }
0x327: {  	v61 =	vmul.f32 v52, v27;
	v15 =	vadd.f32 v56, v15;
	v14 =	vadd.f32 v58, v14  }
0x328: {  	v63 =	vmul.f32 v55, v27;
	v18 =	vadd.f32 v18, v22;
	v16 =	vadd.f32 v59, v16  }
0x329: {  	v15 =	vadd.f32 v61, v15;
	[tilespmem:v57+s30+$0x0] =	vst.idx.msk $0xffff, v14  }
0x32a: {  	v14 =	vadd.f32 v63, v18;
	[tilespmem:v48+s30+$0x0] =	vst.idx.msk $0xffff, v16  }
0x32b: {  	s12 =	simm.s32 $0x10;
	[tilespmem:v60+s30+$0x0] =	vst.idx.msk $0xffff, v15  }
0x32c: {  	s14 =	sadd.s32 $0x10, s8;
	s16 =	smov.u32 s18;
	s10 =	sadd.s32 $0x10, s7;
	[tilespmem:v62+s30+$0x0] =	vst.idx.msk $0xffff, v14  }
.LBB2_26:
0x32d: {  	v14 =	vld [tilespmem:s10+$0x0];
	v15 =	vmov s12;
	v16 =	vor.u32 s12, v0;
	p0 =	sne.s32 s12, $0x30;
	s12 =	sadd.s32 $0x10, s12;
	s16 =	sadd.s32 $0x10, s16  }
0x32e: {  	v17 =	vld [tilespmem:s14+$0x0];
	v18 =	vshll.u32 v16, $0x4;
	v15 =	vshll.u32 v15, $0x4;
	v16 =	vand.u32 $0x38, v16  }
0x32f: {  	v19 =	vld [tilespmem:s16+$0x0];
	v20 =	vor.u32 $0x1, v18;
	v21 =	vor.u32 $0x2, v18;
	v22 =	vor.u32 v6, v15  }
0x330: {  	v25 =	vor.u32 v5, v15;
	v23 =	vor.u32 $0x1, v22;
	v24 =	vor.u32 $0x2, v22  }
0x331: {  	v28 =	vor.u32 v4, v15;
	v26 =	vor.u32 $0x1, v25;
	v27 =	vor.u32 $0x2, v25  }
0x332: {  	v29 =	vor.u32 $0x1, v28;
	v30 =	vor.u32 $0x2, v28;
	v14 =	vmul.f32 $1.400000000e+02, v14  }
0x333: {  	v31 =	vor.u32 $0x3, v18;
	v32 =	vor.u32 $0x3, v25;
	v17 =	vmul.f32 $1.400000000e+02, v17  }
0x334: {  	v34 =	vor.u32 $0x3, v22;
	v19 =	vmul.f32 $1.400000000e+02, v19;
	v33 =	vtrunc.f32 v14;
	v21 =	vld.idx.msk [tilespmem:v21+s19+$0x0], $0xffff  }
0x335: {  	v36 =	vor.u32 v2, v15;
	v35 =	vtrunc.f32 v17;
	v33 =	vcvt.f32.s32 v33;
	v23 =	vld.idx.msk [tilespmem:v23+s19+$0x0], $0xffff  }
0x336: {  	v39 =	vor.u32 $0x1, v36;
	v35 =	vcvt.f32.s32 v35;
	v37 =	vtrunc.f32 v19;
	v38 =	vld.idx.msk [tilespmem:v28+s19+$0x0], $0xffff  }
0x337: {  	v28 =	vor.u32 $0x3, v28;
	v37 =	vcvt.f32.s32 v37;
	v33 =	vcvt.s32.f32 v33;
	v29 =	vld.idx.msk [tilespmem:v29+s19+$0x0], $0xffff  }
0x338: {  	v40 =	vor.u32 v7, v15;
	v41 =	vor.u32 $0x2, v36;
	v35 =	vcvt.s32.f32 v35;
	v31 =	vld.idx.msk [tilespmem:v31+s19+$0x0], $0xffff  }
0x339: {  	v14 =	vsub.f32 v14, v33;
	v33 =	vcvt.s32.f32 v37;
	v26 =	vld.idx.msk [tilespmem:v26+s19+$0x0], $0xffff;
	v37 =	vor.u32 $0x3, v40  }
0x33a: {  	v42 =	vor.u32 $0x3, v36;
	v17 =	vsub.f32 v17, v35;
	v25 =	vld.idx.msk [tilespmem:v25+s19+$0x0], $0xffff;
	v35 =	vor.u32 $0x1, v40  }
0x33b: {  	v43 =	vor.u32 v3, v15;
	v19 =	vsub.f32 v19, v33;
	v18 =	vld.idx.msk [tilespmem:v18+s19+$0x0], $0xffff;
	v33 =	vor.u32 $0x2, v40  }
0x33c: {  	v45 =	vsub.f32 $1.000000000e+00, v14;
	v44 =	vsub.f32 $1.000000000e+00, v17;
	v46 =	vmul.f32 v14, v17;
	v28 =	vld.idx.msk [tilespmem:v28+s19+$0x0], $0xffff  }
0x33d: {  	v47 =	vor.u32 $0x1, v43;
	v48 =	vor.u32 $0x2, v43;
	v49 =	vor.u32 $0x3, v43;
	v20 =	vld.idx.msk [tilespmem:v20+s19+$0x0], $0xffff  }
0x33e: {  	v50 =	vsub.f32 $1.000000000e+00, v19;
	v17 =	vmul.f32 v45, v17;
	v51 =	vmul.f32 v45, v44;
	v27 =	vld.idx.msk [tilespmem:v27+s19+$0x0], $0xffff  }
0x33f: {  	v15 =	vor.u32 v8, v15;
	v14 =	vmul.f32 v14, v44;
	v44 =	vmul.f32 v19, v46;
	v42 =	vld.idx.msk [tilespmem:v42+s19+$0x0], $0xffff  }
0x340: {  	v53 =	vor.u32 $0x1, v15;
	v52 =	vmul.f32 v17, v19;
	v45 =	vmul.f32 v50, v51;
	v32 =	vld.idx.msk [tilespmem:v32+s19+$0x0], $0xffff  }
0x341: {  	v55 =	vor.u32 $0x3, v15;
	v51 =	vmul.f32 v51, v19;
	v54 =	vmul.f32 v50, v14;
	v34 =	vld.idx.msk [tilespmem:v34+s19+$0x0], $0xffff  }
0x342: {  	v16 =	vor.u32 v1, v16;
	v18 =	vmul.f32 v45, v18;
	v31 =	vmul.f32 v45, v31;
	v30 =	vld.idx.msk [tilespmem:v30+s19+$0x0], $0xffff  }
0x343: {  	v14 =	vmul.f32 v19, v14;
	v20 =	vmul.f32 v45, v20;
	v24 =	vld.idx.msk [tilespmem:v24+s19+$0x0], $0xffff  }
0x344: {  	v19 =	vmul.f32 v25, v54;
	v25 =	vmul.f32 v27, v54;
	v27 =	vld.idx.msk [tilespmem:v39+s19+$0x0], $0xffff  }
0x345: {  	v26 =	vmul.f32 v26, v54;
	v28 =	vmul.f32 v28, v14;
	v22 =	vld.idx.msk [tilespmem:v22+s19+$0x0], $0xffff  }
0x346: {  	v38 =	vmul.f32 v38, v14;
	v39 =	vld.idx.msk [tilespmem:v41+s19+$0x0], $0xffff;
	v41 =	vmul.f32 v42, v52  }
0x347: {  	v29 =	vmul.f32 v29, v14;
	v32 =	vmul.f32 v32, v54;
	v36 =	vld.idx.msk [tilespmem:v36+s19+$0x0], $0xffff  }
0x348: {  	v23 =	vmul.f32 v23, v51;
	v14 =	vmul.f32 v30, v14;
	v30 =	vld.idx.msk [tilespmem:v37+s19+$0x0], $0xffff  }
0x349: {  	v21 =	vmul.f32 v45, v21;
	v24 =	vmul.f32 v24, v51;
	v35 =	vld.idx.msk [tilespmem:v35+s19+$0x0], $0xffff  }
0x34a: {  	v34 =	vmul.f32 v34, v51;
	v27 =	vmul.f32 v27, v52;
	v37 =	vld.idx.msk [tilespmem:v40+s19+$0x0], $0xffff;
	v40 =	vor.u32 $0x2, v15  }
0x34b: {  	v20 =	vadd.f32 v23, v20;
	v22 =	vmul.f32 v51, v22;
	v23 =	vld.idx.msk [tilespmem:v33+s19+$0x0], $0xffff;
	v33 =	vmul.f32 v50, v46  }
0x34c: {  	v17 =	vmul.f32 v50, v17;
	v21 =	vadd.f32 v24, v21;
	v24 =	vmul.f32 v39, v52;
	v39 =	vld.idx.msk [tilespmem:v49+s19+$0x0], $0xffff  }
0x34d: {  	v20 =	vadd.f32 v26, v20;
	v18 =	vadd.f32 v22, v18;
	v22 =	vmul.f32 v36, v52;
	v26 =	vld.idx.msk [tilespmem:v47+s19+$0x0], $0xffff  }
0x34e: {  	v31 =	vadd.f32 v34, v31;
	v21 =	vadd.f32 v25, v21;
	v25 =	vmul.f32 v30, v17;
	v30 =	vld.idx.msk [tilespmem:v43+s19+$0x0], $0xffff  }
0x34f: {  	v18 =	vadd.f32 v19, v18;
	v19 =	vadd.f32 v29, v20;
	v20 =	vmul.f32 v35, v17;
	v29 =	vld.idx.msk [tilespmem:v48+s19+$0x0], $0xffff  }
0x350: {  	v34 =	vor.u32 v12, v16;
	v31 =	vadd.f32 v32, v31;
	v32 =	vmul.f32 v37, v17  }
0x351: {  	v14 =	vadd.f32 v14, v21;
	v18 =	vadd.f32 v38, v18;
	v17 =	vmul.f32 v23, v17;
	v15 =	vld.idx.msk [tilespmem:v15+s19+$0x0], $0xffff  }
0x352: {  	v21 =	vadd.f32 v28, v31;
	v19 =	vadd.f32 v20, v19;
	v20 =	vmul.f32 v39, v33;
	v23 =	vld.idx.msk [tilespmem:v53+s19+$0x0], $0xffff  }
0x353: {  	v18 =	vadd.f32 v32, v18;
	v14 =	vadd.f32 v17, v14;
	v17 =	vmul.f32 v26, v33;
	v26 =	vld.idx.msk [tilespmem:v40+s19+$0x0], $0xffff  }
0x354: {  	v21 =	vadd.f32 v25, v21;
	v19 =	vadd.f32 v27, v19;
	v25 =	vmul.f32 v30, v33;
	v27 =	vld.idx.msk [tilespmem:v55+s19+$0x0], $0xffff  }
0x355: {  	v18 =	vadd.f32 v22, v18;
	v14 =	vadd.f32 v24, v14;
	v22 =	vmul.f32 v29, v33  }
0x356: {  	v21 =	vadd.f32 v41, v21;
	v17 =	vadd.f32 v17, v19;
	v19 =	vor.u32 v13, v16  }
0x357: {  	v18 =	vadd.f32 v25, v18;
	v14 =	vadd.f32 v22, v14;
	v15 =	vmul.f32 v15, v44  }
0x358: {  	v20 =	vadd.f32 v20, v21;
	v22 =	vor.u32 v11, v16;
	v21 =	vmul.f32 v23, v44  }
0x359: {  	v16 =	vor.u32 v10, v16;
	v15 =	vadd.f32 v15, v18;
	v18 =	vmul.f32 v26, v44  }
.Ltmp11:
0x35a: {  	v17 =	vadd.f32 v21, v17;
	v21 =	vmul.f32 v27, v44;
	(pc) =	sbr.rel @p0 .LBB2_26-.Ltmp11, $4  }
0x35b: {  	v14 =	vadd.f32 v18, v14;
	[tilespmem:v19+s30+$0x0] =	vst.idx.msk $0xffff, v15  }
0x35c: {  	v15 =	vadd.f32 v21, v20;
	[tilespmem:v34+s30+$0x0] =	vst.idx.msk $0xffff, v17  }
0x35d: {  	[tilespmem:v22+s30+$0x0] =	vst.idx.msk $0xffff, v14  }
0x35e: {  	s10 =	sadd.s32 $0x10, s10;
	s14 =	sadd.s32 $0x10, s14;
	[tilespmem:v16+s30+$0x0] =	vst.idx.msk $0xffff, v15  }
0x35f: {  	_ =	swait.ge [sflag:s9], $0x2000  }
0x360: {  	[sflag:s9] =	ssyncset.done $0x0  }
0x361: {  	s10 =	simm.s32 $0x0;
	[sflag:s9] =	ssyncadd.s32 $0xFFFFE000  }
0x362: {  	v12 =	vor.u32 s10, v0;
	v10 =	vld [tilespmem:s7+$0x0]  }
0x363: {  	v11 =	vmov s10;
	v14 =	vshll.u32 v12, $0x4;
	v13 =	vld [tilespmem:s8+$0x0]  }
0x364: {  	v11 =	vshll.u32 v11, $0x4;
	v15 =	vld [tilespmem:s18+$0x0];
	v16 =	vor.u32 $0x2, v14  }
0x365: {  	v22 =	vor.u32 v4, v11  }
0x366: {  	v17 =	vor.u32 v6, v11;
	v18 =	vor.u32 $0x1, v14;
	v25 =	vor.u32 $0x3, v14  }
0x367: {  	v21 =	vor.u32 v5, v11;
	v32 =	vor.u32 v2, v11;
	v36 =	vor.u32 v7, v11  }
0x368: {  	v19 =	vor.u32 $0x1, v17;
	v20 =	vor.u32 $0x2, v17;
	v14 =	vld.idx.msk [tilespmem:v14+s21+$0x0], $0xffff;
	v10 =	vmul.f32 $2.300000000e+02, v10  }
0x369: {  	v23 =	vor.u32 $0x1, v21;
	v13 =	vmul.f32 $2.300000000e+02, v13;
	v15 =	vmul.f32 $2.300000000e+02, v15;
	v16 =	vld.idx.msk [tilespmem:v16+s21+$0x0], $0xffff  }
0x36a: {  	v24 =	vor.u32 $0x1, v22;
	v27 =	vor.u32 $0x2, v21;
	v33 =	vld.idx.msk [tilespmem:v22+s21+$0x0], $0xffff;
	v26 =	vtrunc.f32 v10  }
0x36b: {  	v31 =	vor.u32 $0x3, v21;
	v25 =	vld.idx.msk [tilespmem:v25+s21+$0x0], $0xffff;
	v28 =	vtrunc.f32 v13;
	v30 =	vtrunc.f32 v15  }
0x36c: {  	v34 =	vor.u32 $0x3, v17;
	v21 =	vld.idx.msk [tilespmem:v21+s21+$0x0], $0xffff;
	v26 =	vcvt.f32.s32 v26;
	v28 =	vcvt.f32.s32 v28  }
0x36d: {  	v35 =	vor.u32 $0x1, v32;
	v61 =	vor.u32 $0x2, v32;
	v18 =	vld.idx.msk [tilespmem:v18+s21+$0x0], $0xffff;
	v30 =	vcvt.f32.s32 v30  }
0x36e: {  	v62 =	vor.u32 $0x3, v32;
	v17 =	vld.idx.msk [tilespmem:v17+s21+$0x0], $0xffff;
	v26 =	vcvt.s32.f32 v26;
	v28 =	vcvt.s32.f32 v28  }
0x36f: {  	v63 =	vor.u32 $0x3, v36;
	v39 =	vor.u32 $0x1, v36;
	v32 =	vld.idx.msk [tilespmem:v32+s21+$0x0], $0xffff;
	v30 =	vcvt.s32.f32 v30  }
0x370: {  	v40 =	vor.u32 $0x2, v36;
	v36 =	vld.idx.msk [tilespmem:v36+s21+$0x0], $0xffff;
	v10 =	vsub.f32 v10, v26;
	v13 =	vsub.f32 v13, v28  }
0x371: {  	v29 =	vor.u32 $0x2, v22;
	v19 =	vld.idx.msk [tilespmem:v19+s21+$0x0], $0xffff;
	v15 =	vsub.f32 v15, v30  }
0x372: {  	v22 =	vor.u32 $0x3, v22;
	v24 =	vld.idx.msk [tilespmem:v24+s21+$0x0], $0xffff;
	v37 =	vsub.f32 $1.000000000e+00, v13;
	v38 =	vsub.f32 $1.000000000e+00, v10  }
0x373: {  	v23 =	vld.idx.msk [tilespmem:v23+s21+$0x0], $0xffff;
	v41 =	vmul.f32 v10, v13  }
0x374: {  	v31 =	vld.idx.msk [tilespmem:v31+s21+$0x0], $0xffff;
	v42 =	vsub.f32 $1.000000000e+00, v15;
	v43 =	vmul.f32 v38, v37;
	v38 =	vmul.f32 v38, v13  }
0x375: {  	v13 =	vld.idx.msk [tilespmem:v27+s21+$0x0], $0xffff;
	v10 =	vmul.f32 v10, v37;
	v27 =	vmul.f32 v15, v41  }
0x376: {  	v26 =	vld.idx.msk [tilespmem:v61+s21+$0x0], $0xffff;
	v61 =	vmul.f32 v42, v41;
	v45 =	vmul.f32 v42, v43  }
0x377: {  	v12 =	vand.u32 $0x38, v12;
	v22 =	vld.idx.msk [tilespmem:v22+s21+$0x0], $0xffff;
	v46 =	vmul.f32 v38, v15;
	v43 =	vmul.f32 v43, v15  }
0x378: {  	v44 =	vor.u32 v3, v11;
	v28 =	vld.idx.msk [tilespmem:v62+s21+$0x0], $0xffff;
	v48 =	vmul.f32 v42, v10;
	v15 =	vmul.f32 v15, v10  }
0x379: {  	v50 =	vor.u32 v8, v11;
	v34 =	vld.idx.msk [tilespmem:v34+s21+$0x0], $0xffff;
	v62 =	vmul.f32 v42, v38;
	v14 =	vmul.f32 v45, v14  }
0x37a: {  	v54 =	vor.u32 v1, v12;
	v29 =	vld.idx.msk [tilespmem:v29+s21+$0x0], $0xffff;
	v25 =	vmul.f32 v45, v25;
	v18 =	vmul.f32 v45, v18  }
0x37b: {  	v11 =	vor.u32 $0x3000, v9;
	v20 =	vld.idx.msk [tilespmem:v20+s21+$0x0], $0xffff;
	v21 =	vmul.f32 v21, v48;
	v23 =	vmul.f32 v23, v48  }
0x37c: {  	v12 =	vor.u32 $0x1200, v9;
	v35 =	vld.idx.msk [tilespmem:v35+s21+$0x0], $0xffff;
	v22 =	vmul.f32 v22, v15;
	v33 =	vmul.f32 v33, v15  }
0x37d: {  	v49 =	vor.u32 $0x3, v44;
	v57 =	vld.idx.msk [tilespmem:v63+s21+$0x0], $0xffff;
	v28 =	vmul.f32 v28, v46;
	v31 =	vmul.f32 v31, v48  }
0x37e: {  	v47 =	vor.u32 $0x2, v44;
	v58 =	vld.idx.msk [tilespmem:v39+s21+$0x0], $0xffff;
	v24 =	vmul.f32 v24, v15;
	v19 =	vmul.f32 v19, v43  }
0x37f: {  	v51 =	vor.u32 $0x1, v50;
	v60 =	vld.idx.msk [tilespmem:v40+s21+$0x0], $0xffff;
	v15 =	vmul.f32 v29, v15;
	v16 =	vmul.f32 v45, v16  }
0x380: {  	v53 =	vor.u32 $0x3, v50;
	v20 =	vmul.f32 v20, v43;
	v34 =	vmul.f32 v34, v43  }
0x381: {  	v59 =	vor.u32 $0x2, v50;
	v35 =	vmul.f32 v35, v46;
	v17 =	vmul.f32 v43, v17  }
0x382: {  	v37 =	vor.u32 $0x1, v44;
	v38 =	vld.idx.msk [tilespmem:v49+s21+$0x0], $0xffff;
	v26 =	vmul.f32 v26, v46;
	v41 =	vmul.f32 v32, v46  }
0x383: {  	v10 =	vor.u32 $0x3200, v9;
	v29 =	vmul.f32 v57, v62;
	v43 =	vld.idx.msk [tilespmem:v44+s21+$0x0], $0xffff;
	v44 =	vmul.f32 v58, v62  }
0x384: {  	v45 =	vmul.f32 v36, v62;
	v46 =	vld.idx.msk [tilespmem:v47+s21+$0x0], $0xffff;
	v47 =	vmul.f32 v60, v62;
	v14 =	vadd.f32 v17, v14  }
0x385: {  	v49 =	vld.idx.msk [tilespmem:v50+s21+$0x0], $0xffff;
	v60 =	vor.u32 v11, v54;
	v62 =	vor.u32 v10, v54;
	v18 =	vadd.f32 v19, v18  }
0x386: {  	v52 =	vmul.f32 v13, v48;
	v16 =	vadd.f32 v20, v16;
	v14 =	vadd.f32 v21, v14  }
0x387: {  	v13 =	vor.u32 $0x1000, v9;
	v25 =	vadd.f32 v34, v25;
	v63 =	vadd.f32 v23, v18  }
0x388: {  	v42 =	vld.idx.msk [tilespmem:v37+s21+$0x0], $0xffff;
	v48 =	vor.u32 v12, v54;
	v16 =	vadd.f32 v52, v16;
	v14 =	vadd.f32 v33, v14  }
0x389: {  	v57 =	vor.u32 v13, v54;
	v25 =	vadd.f32 v31, v25;
	v17 =	vadd.f32 v24, v63  }
0x38a: {  	v50 =	vld.idx.msk [tilespmem:v51+s21+$0x0], $0xffff;
	v58 =	vmul.f32 v49, v27;
	v15 =	vadd.f32 v15, v16;
	v14 =	vadd.f32 v45, v14  }
0x38b: {  	v18 =	vmul.f32 v38, v61;
	v52 =	vld.idx.msk [tilespmem:v59+s21+$0x0], $0xffff;
	v22 =	vadd.f32 v22, v25;
	v17 =	vadd.f32 v44, v17  }
0x38c: {  	v55 =	vld.idx.msk [tilespmem:v53+s21+$0x0], $0xffff;
	v21 =	vmul.f32 v43, v61;
	v15 =	vadd.f32 v47, v15;
	v14 =	vadd.f32 v41, v14  }
0x38d: {  	v51 =	vmul.f32 v42, v61;
	v22 =	vadd.f32 v29, v22;
	v17 =	vadd.f32 v35, v17  }
0x38e: {  	v56 =	vmul.f32 v46, v61;
	v15 =	vadd.f32 v26, v15;
	v14 =	vadd.f32 v21, v14  }
0x38f: {  	v59 =	vmul.f32 v50, v27;
	v22 =	vadd.f32 v28, v22;
	v16 =	vadd.f32 v51, v17  }
0x390: {  	v61 =	vmul.f32 v52, v27;
	v15 =	vadd.f32 v56, v15;
	v14 =	vadd.f32 v58, v14  }
0x391: {  	v63 =	vmul.f32 v55, v27;
	v18 =	vadd.f32 v18, v22;
	v16 =	vadd.f32 v59, v16  }
0x392: {  	v15 =	vadd.f32 v61, v15;
	[tilespmem:v57+s30+$0x0] =	vst.idx.msk $0xffff, v14  }
0x393: {  	v14 =	vadd.f32 v63, v18;
	[tilespmem:v48+s30+$0x0] =	vst.idx.msk $0xffff, v16  }
0x394: {  	s12 =	simm.s32 $0x10;
	[tilespmem:v60+s30+$0x0] =	vst.idx.msk $0xffff, v15  }
0x395: {  	s14 =	sadd.s32 $0x10, s8;
	s16 =	smov.u32 s18;
	s10 =	sadd.s32 $0x10, s7;
	[tilespmem:v62+s30+$0x0] =	vst.idx.msk $0xffff, v14  }
.LBB2_28:
0x396: {  	v14 =	vld [tilespmem:s10+$0x0];
	v15 =	vmov s12;
	v16 =	vor.u32 s12, v0;
	p0 =	sne.s32 s12, $0x30;
	s12 =	sadd.s32 $0x10, s12;
	s16 =	sadd.s32 $0x10, s16  }
0x397: {  	v17 =	vld [tilespmem:s14+$0x0];
	v18 =	vshll.u32 v16, $0x4;
	v15 =	vshll.u32 v15, $0x4;
	v16 =	vand.u32 $0x38, v16  }
0x398: {  	v19 =	vld [tilespmem:s16+$0x0];
	v20 =	vor.u32 $0x1, v18;
	v21 =	vor.u32 $0x2, v18;
	v22 =	vor.u32 v6, v15  }
0x399: {  	v25 =	vor.u32 v5, v15;
	v23 =	vor.u32 $0x1, v22;
	v24 =	vor.u32 $0x2, v22  }
0x39a: {  	v28 =	vor.u32 v4, v15;
	v26 =	vor.u32 $0x1, v25;
	v27 =	vor.u32 $0x2, v25  }
0x39b: {  	v29 =	vor.u32 $0x1, v28;
	v30 =	vor.u32 $0x2, v28;
	v14 =	vmul.f32 $2.300000000e+02, v14  }
0x39c: {  	v31 =	vor.u32 $0x3, v18;
	v32 =	vor.u32 $0x3, v25;
	v17 =	vmul.f32 $2.300000000e+02, v17  }
0x39d: {  	v34 =	vor.u32 $0x3, v22;
	v19 =	vmul.f32 $2.300000000e+02, v19;
	v33 =	vtrunc.f32 v14;
	v21 =	vld.idx.msk [tilespmem:v21+s21+$0x0], $0xffff  }
0x39e: {  	v36 =	vor.u32 v2, v15;
	v35 =	vtrunc.f32 v17;
	v33 =	vcvt.f32.s32 v33;
	v23 =	vld.idx.msk [tilespmem:v23+s21+$0x0], $0xffff  }
0x39f: {  	v39 =	vor.u32 $0x1, v36;
	v35 =	vcvt.f32.s32 v35;
	v37 =	vtrunc.f32 v19;
	v38 =	vld.idx.msk [tilespmem:v28+s21+$0x0], $0xffff  }
0x3a0: {  	v28 =	vor.u32 $0x3, v28;
	v37 =	vcvt.f32.s32 v37;
	v33 =	vcvt.s32.f32 v33;
	v29 =	vld.idx.msk [tilespmem:v29+s21+$0x0], $0xffff  }
0x3a1: {  	v40 =	vor.u32 v7, v15;
	v41 =	vor.u32 $0x2, v36;
	v35 =	vcvt.s32.f32 v35;
	v31 =	vld.idx.msk [tilespmem:v31+s21+$0x0], $0xffff  }
0x3a2: {  	v14 =	vsub.f32 v14, v33;
	v33 =	vcvt.s32.f32 v37;
	v26 =	vld.idx.msk [tilespmem:v26+s21+$0x0], $0xffff;
	v37 =	vor.u32 $0x3, v40  }
0x3a3: {  	v42 =	vor.u32 $0x3, v36;
	v17 =	vsub.f32 v17, v35;
	v25 =	vld.idx.msk [tilespmem:v25+s21+$0x0], $0xffff;
	v35 =	vor.u32 $0x1, v40  }
0x3a4: {  	v43 =	vor.u32 v3, v15;
	v19 =	vsub.f32 v19, v33;
	v18 =	vld.idx.msk [tilespmem:v18+s21+$0x0], $0xffff;
	v33 =	vor.u32 $0x2, v40  }
0x3a5: {  	v45 =	vsub.f32 $1.000000000e+00, v14;
	v44 =	vsub.f32 $1.000000000e+00, v17;
	v46 =	vmul.f32 v14, v17;
	v28 =	vld.idx.msk [tilespmem:v28+s21+$0x0], $0xffff  }
0x3a6: {  	v47 =	vor.u32 $0x1, v43;
	v48 =	vor.u32 $0x2, v43;
	v49 =	vor.u32 $0x3, v43;
	v20 =	vld.idx.msk [tilespmem:v20+s21+$0x0], $0xffff  }
0x3a7: {  	v50 =	vsub.f32 $1.000000000e+00, v19;
	v17 =	vmul.f32 v45, v17;
	v51 =	vmul.f32 v45, v44;
	v27 =	vld.idx.msk [tilespmem:v27+s21+$0x0], $0xffff  }
0x3a8: {  	v15 =	vor.u32 v8, v15;
	v14 =	vmul.f32 v14, v44;
	v44 =	vmul.f32 v19, v46;
	v42 =	vld.idx.msk [tilespmem:v42+s21+$0x0], $0xffff  }
0x3a9: {  	v53 =	vor.u32 $0x1, v15;
	v52 =	vmul.f32 v17, v19;
	v45 =	vmul.f32 v50, v51;
	v32 =	vld.idx.msk [tilespmem:v32+s21+$0x0], $0xffff  }
0x3aa: {  	v55 =	vor.u32 $0x3, v15;
	v51 =	vmul.f32 v51, v19;
	v54 =	vmul.f32 v50, v14;
	v34 =	vld.idx.msk [tilespmem:v34+s21+$0x0], $0xffff  }
0x3ab: {  	v16 =	vor.u32 v1, v16;
	v18 =	vmul.f32 v45, v18;
	v31 =	vmul.f32 v45, v31;
	v30 =	vld.idx.msk [tilespmem:v30+s21+$0x0], $0xffff  }
0x3ac: {  	v14 =	vmul.f32 v19, v14;
	v20 =	vmul.f32 v45, v20;
	v24 =	vld.idx.msk [tilespmem:v24+s21+$0x0], $0xffff  }
0x3ad: {  	v19 =	vmul.f32 v25, v54;
	v25 =	vmul.f32 v27, v54;
	v27 =	vld.idx.msk [tilespmem:v39+s21+$0x0], $0xffff  }
0x3ae: {  	v26 =	vmul.f32 v26, v54;
	v28 =	vmul.f32 v28, v14;
	v22 =	vld.idx.msk [tilespmem:v22+s21+$0x0], $0xffff  }
0x3af: {  	v38 =	vmul.f32 v38, v14;
	v39 =	vld.idx.msk [tilespmem:v41+s21+$0x0], $0xffff;
	v41 =	vmul.f32 v42, v52  }
0x3b0: {  	v29 =	vmul.f32 v29, v14;
	v32 =	vmul.f32 v32, v54;
	v36 =	vld.idx.msk [tilespmem:v36+s21+$0x0], $0xffff  }
0x3b1: {  	v23 =	vmul.f32 v23, v51;
	v14 =	vmul.f32 v30, v14;
	v30 =	vld.idx.msk [tilespmem:v37+s21+$0x0], $0xffff  }
0x3b2: {  	v21 =	vmul.f32 v45, v21;
	v24 =	vmul.f32 v24, v51;
	v35 =	vld.idx.msk [tilespmem:v35+s21+$0x0], $0xffff  }
0x3b3: {  	v34 =	vmul.f32 v34, v51;
	v27 =	vmul.f32 v27, v52;
	v37 =	vld.idx.msk [tilespmem:v40+s21+$0x0], $0xffff;
	v40 =	vor.u32 $0x2, v15  }
0x3b4: {  	v20 =	vadd.f32 v23, v20;
	v22 =	vmul.f32 v51, v22;
	v23 =	vld.idx.msk [tilespmem:v33+s21+$0x0], $0xffff;
	v33 =	vmul.f32 v50, v46  }
0x3b5: {  	v17 =	vmul.f32 v50, v17;
	v21 =	vadd.f32 v24, v21;
	v24 =	vmul.f32 v39, v52;
	v39 =	vld.idx.msk [tilespmem:v49+s21+$0x0], $0xffff  }
0x3b6: {  	v20 =	vadd.f32 v26, v20;
	v18 =	vadd.f32 v22, v18;
	v22 =	vmul.f32 v36, v52;
	v26 =	vld.idx.msk [tilespmem:v47+s21+$0x0], $0xffff  }
0x3b7: {  	v31 =	vadd.f32 v34, v31;
	v21 =	vadd.f32 v25, v21;
	v25 =	vmul.f32 v30, v17;
	v30 =	vld.idx.msk [tilespmem:v43+s21+$0x0], $0xffff  }
0x3b8: {  	v18 =	vadd.f32 v19, v18;
	v19 =	vadd.f32 v29, v20;
	v20 =	vmul.f32 v35, v17;
	v29 =	vld.idx.msk [tilespmem:v48+s21+$0x0], $0xffff  }
0x3b9: {  	v34 =	vor.u32 v12, v16;
	v31 =	vadd.f32 v32, v31;
	v32 =	vmul.f32 v37, v17  }
0x3ba: {  	v14 =	vadd.f32 v14, v21;
	v18 =	vadd.f32 v38, v18;
	v17 =	vmul.f32 v23, v17;
	v15 =	vld.idx.msk [tilespmem:v15+s21+$0x0], $0xffff  }
0x3bb: {  	v21 =	vadd.f32 v28, v31;
	v19 =	vadd.f32 v20, v19;
	v20 =	vmul.f32 v39, v33;
	v23 =	vld.idx.msk [tilespmem:v53+s21+$0x0], $0xffff  }
0x3bc: {  	v18 =	vadd.f32 v32, v18;
	v14 =	vadd.f32 v17, v14;
	v17 =	vmul.f32 v26, v33;
	v26 =	vld.idx.msk [tilespmem:v40+s21+$0x0], $0xffff  }
0x3bd: {  	v21 =	vadd.f32 v25, v21;
	v19 =	vadd.f32 v27, v19;
	v25 =	vmul.f32 v30, v33;
	v27 =	vld.idx.msk [tilespmem:v55+s21+$0x0], $0xffff  }
0x3be: {  	v18 =	vadd.f32 v22, v18;
	v14 =	vadd.f32 v24, v14;
	v22 =	vmul.f32 v29, v33  }
0x3bf: {  	v21 =	vadd.f32 v41, v21;
	v17 =	vadd.f32 v17, v19;
	v19 =	vor.u32 v13, v16  }
0x3c0: {  	v18 =	vadd.f32 v25, v18;
	v14 =	vadd.f32 v22, v14;
	v15 =	vmul.f32 v15, v44  }
0x3c1: {  	v20 =	vadd.f32 v20, v21;
	v22 =	vor.u32 v11, v16;
	v21 =	vmul.f32 v23, v44  }
0x3c2: {  	v16 =	vor.u32 v10, v16;
	v15 =	vadd.f32 v15, v18;
	v18 =	vmul.f32 v26, v44  }
.Ltmp12:
0x3c3: {  	v17 =	vadd.f32 v21, v17;
	v21 =	vmul.f32 v27, v44;
	(pc) =	sbr.rel @p0 .LBB2_28-.Ltmp12, $4  }
0x3c4: {  	v14 =	vadd.f32 v18, v14;
	[tilespmem:v19+s30+$0x0] =	vst.idx.msk $0xffff, v15  }
0x3c5: {  	v15 =	vadd.f32 v21, v20;
	[tilespmem:v34+s30+$0x0] =	vst.idx.msk $0xffff, v17  }
0x3c6: {  	[tilespmem:v22+s30+$0x0] =	vst.idx.msk $0xffff, v14  }
0x3c7: {  	s10 =	sadd.s32 $0x10, s10;
	s14 =	sadd.s32 $0x10, s14;
	[tilespmem:v16+s30+$0x0] =	vst.idx.msk $0xffff, v15  }
0x3c8: {  	_ =	swait.ge [sflag:s3], $0x2000  }
0x3c9: {  	[sflag:s3] =	ssyncset.done $0x0  }
0x3ca: {  	s10 =	simm.s32 $0x0;
	[sflag:s3] =	ssyncadd.s32 $0xFFFFE000  }
0x3cb: {  	v12 =	vor.u32 s10, v0;
	v10 =	vld [tilespmem:s7+$0x0]  }
0x3cc: {  	v11 =	vmov s10;
	v14 =	vshll.u32 v12, $0x4;
	v13 =	vld [tilespmem:s8+$0x0]  }
0x3cd: {  	v11 =	vshll.u32 v11, $0x4;
	v15 =	vld [tilespmem:s18+$0x0];
	v16 =	vor.u32 $0x2, v14  }
0x3ce: {  	v22 =	vor.u32 v4, v11  }
0x3cf: {  	v17 =	vor.u32 v6, v11;
	v18 =	vor.u32 $0x1, v14;
	v25 =	vor.u32 $0x3, v14  }
0x3d0: {  	v21 =	vor.u32 v5, v11;
	v32 =	vor.u32 v2, v11;
	v36 =	vor.u32 v7, v11  }
0x3d1: {  	v19 =	vor.u32 $0x1, v17;
	v20 =	vor.u32 $0x2, v17;
	v14 =	vld.idx.msk [tilespmem:v14+s23+$0x0], $0xffff;
	v10 =	vmul.f32 $3.790000000e+02, v10  }
0x3d2: {  	v23 =	vor.u32 $0x1, v21;
	v13 =	vmul.f32 $3.790000000e+02, v13;
	v15 =	vmul.f32 $3.790000000e+02, v15;
	v16 =	vld.idx.msk [tilespmem:v16+s23+$0x0], $0xffff  }
0x3d3: {  	v24 =	vor.u32 $0x1, v22;
	v27 =	vor.u32 $0x2, v21;
	v33 =	vld.idx.msk [tilespmem:v22+s23+$0x0], $0xffff;
	v26 =	vtrunc.f32 v10  }
0x3d4: {  	v31 =	vor.u32 $0x3, v21;
	v25 =	vld.idx.msk [tilespmem:v25+s23+$0x0], $0xffff;
	v28 =	vtrunc.f32 v13;
	v30 =	vtrunc.f32 v15  }
0x3d5: {  	v34 =	vor.u32 $0x3, v17;
	v21 =	vld.idx.msk [tilespmem:v21+s23+$0x0], $0xffff;
	v26 =	vcvt.f32.s32 v26;
	v28 =	vcvt.f32.s32 v28  }
0x3d6: {  	v35 =	vor.u32 $0x1, v32;
	v61 =	vor.u32 $0x2, v32;
	v18 =	vld.idx.msk [tilespmem:v18+s23+$0x0], $0xffff;
	v30 =	vcvt.f32.s32 v30  }
0x3d7: {  	v62 =	vor.u32 $0x3, v32;
	v17 =	vld.idx.msk [tilespmem:v17+s23+$0x0], $0xffff;
	v26 =	vcvt.s32.f32 v26;
	v28 =	vcvt.s32.f32 v28  }
0x3d8: {  	v63 =	vor.u32 $0x3, v36;
	v39 =	vor.u32 $0x1, v36;
	v32 =	vld.idx.msk [tilespmem:v32+s23+$0x0], $0xffff;
	v30 =	vcvt.s32.f32 v30  }
0x3d9: {  	v40 =	vor.u32 $0x2, v36;
	v36 =	vld.idx.msk [tilespmem:v36+s23+$0x0], $0xffff;
	v10 =	vsub.f32 v10, v26;
	v13 =	vsub.f32 v13, v28  }
0x3da: {  	v29 =	vor.u32 $0x2, v22;
	v19 =	vld.idx.msk [tilespmem:v19+s23+$0x0], $0xffff;
	v15 =	vsub.f32 v15, v30  }
0x3db: {  	v22 =	vor.u32 $0x3, v22;
	v24 =	vld.idx.msk [tilespmem:v24+s23+$0x0], $0xffff;
	v37 =	vsub.f32 $1.000000000e+00, v13;
	v38 =	vsub.f32 $1.000000000e+00, v10  }
0x3dc: {  	v23 =	vld.idx.msk [tilespmem:v23+s23+$0x0], $0xffff;
	v41 =	vmul.f32 v10, v13  }
0x3dd: {  	v31 =	vld.idx.msk [tilespmem:v31+s23+$0x0], $0xffff;
	v42 =	vsub.f32 $1.000000000e+00, v15;
	v43 =	vmul.f32 v38, v37;
	v38 =	vmul.f32 v38, v13  }
0x3de: {  	v13 =	vld.idx.msk [tilespmem:v27+s23+$0x0], $0xffff;
	v10 =	vmul.f32 v10, v37;
	v27 =	vmul.f32 v15, v41  }
0x3df: {  	v26 =	vld.idx.msk [tilespmem:v61+s23+$0x0], $0xffff;
	v61 =	vmul.f32 v42, v41;
	v45 =	vmul.f32 v42, v43  }
0x3e0: {  	v12 =	vand.u32 $0x38, v12;
	v22 =	vld.idx.msk [tilespmem:v22+s23+$0x0], $0xffff;
	v46 =	vmul.f32 v38, v15;
	v43 =	vmul.f32 v43, v15  }
0x3e1: {  	v44 =	vor.u32 v3, v11;
	v28 =	vld.idx.msk [tilespmem:v62+s23+$0x0], $0xffff;
	v48 =	vmul.f32 v42, v10;
	v15 =	vmul.f32 v15, v10  }
0x3e2: {  	v50 =	vor.u32 v8, v11;
	v34 =	vld.idx.msk [tilespmem:v34+s23+$0x0], $0xffff;
	v62 =	vmul.f32 v42, v38;
	v14 =	vmul.f32 v45, v14  }
0x3e3: {  	v54 =	vor.u32 v1, v12;
	v29 =	vld.idx.msk [tilespmem:v29+s23+$0x0], $0xffff;
	v25 =	vmul.f32 v45, v25;
	v18 =	vmul.f32 v45, v18  }
0x3e4: {  	v11 =	vor.u32 $0x3400, v9;
	v20 =	vld.idx.msk [tilespmem:v20+s23+$0x0], $0xffff;
	v21 =	vmul.f32 v21, v48;
	v23 =	vmul.f32 v23, v48  }
0x3e5: {  	v12 =	vor.u32 $0x1600, v9;
	v35 =	vld.idx.msk [tilespmem:v35+s23+$0x0], $0xffff;
	v22 =	vmul.f32 v22, v15;
	v33 =	vmul.f32 v33, v15  }
0x3e6: {  	v49 =	vor.u32 $0x3, v44;
	v57 =	vld.idx.msk [tilespmem:v63+s23+$0x0], $0xffff;
	v28 =	vmul.f32 v28, v46;
	v31 =	vmul.f32 v31, v48  }
0x3e7: {  	v47 =	vor.u32 $0x2, v44;
	v58 =	vld.idx.msk [tilespmem:v39+s23+$0x0], $0xffff;
	v24 =	vmul.f32 v24, v15;
	v19 =	vmul.f32 v19, v43  }
0x3e8: {  	v51 =	vor.u32 $0x1, v50;
	v60 =	vld.idx.msk [tilespmem:v40+s23+$0x0], $0xffff;
	v15 =	vmul.f32 v29, v15;
	v16 =	vmul.f32 v45, v16  }
0x3e9: {  	v53 =	vor.u32 $0x3, v50;
	v20 =	vmul.f32 v20, v43;
	v34 =	vmul.f32 v34, v43  }
0x3ea: {  	v59 =	vor.u32 $0x2, v50;
	v35 =	vmul.f32 v35, v46;
	v17 =	vmul.f32 v43, v17  }
0x3eb: {  	v37 =	vor.u32 $0x1, v44;
	v38 =	vld.idx.msk [tilespmem:v49+s23+$0x0], $0xffff;
	v26 =	vmul.f32 v26, v46;
	v41 =	vmul.f32 v32, v46  }
0x3ec: {  	v10 =	vor.u32 $0x3600, v9;
	v29 =	vmul.f32 v57, v62;
	v43 =	vld.idx.msk [tilespmem:v44+s23+$0x0], $0xffff;
	v44 =	vmul.f32 v58, v62  }
0x3ed: {  	v45 =	vmul.f32 v36, v62;
	v46 =	vld.idx.msk [tilespmem:v47+s23+$0x0], $0xffff;
	v47 =	vmul.f32 v60, v62;
	v14 =	vadd.f32 v17, v14  }
0x3ee: {  	v49 =	vld.idx.msk [tilespmem:v50+s23+$0x0], $0xffff;
	v60 =	vor.u32 v11, v54;
	v62 =	vor.u32 v10, v54;
	v18 =	vadd.f32 v19, v18  }
0x3ef: {  	v52 =	vmul.f32 v13, v48;
	v16 =	vadd.f32 v20, v16;
	v14 =	vadd.f32 v21, v14  }
0x3f0: {  	v13 =	vor.u32 $0x1400, v9;
	v25 =	vadd.f32 v34, v25;
	v63 =	vadd.f32 v23, v18  }
0x3f1: {  	v42 =	vld.idx.msk [tilespmem:v37+s23+$0x0], $0xffff;
	v48 =	vor.u32 v12, v54;
	v16 =	vadd.f32 v52, v16;
	v14 =	vadd.f32 v33, v14  }
0x3f2: {  	v57 =	vor.u32 v13, v54;
	v25 =	vadd.f32 v31, v25;
	v17 =	vadd.f32 v24, v63  }
0x3f3: {  	v50 =	vld.idx.msk [tilespmem:v51+s23+$0x0], $0xffff;
	v58 =	vmul.f32 v49, v27;
	v15 =	vadd.f32 v15, v16;
	v14 =	vadd.f32 v45, v14  }
0x3f4: {  	v18 =	vmul.f32 v38, v61;
	v52 =	vld.idx.msk [tilespmem:v59+s23+$0x0], $0xffff;
	v22 =	vadd.f32 v22, v25;
	v17 =	vadd.f32 v44, v17  }
0x3f5: {  	v55 =	vld.idx.msk [tilespmem:v53+s23+$0x0], $0xffff;
	v21 =	vmul.f32 v43, v61;
	v15 =	vadd.f32 v47, v15;
	v14 =	vadd.f32 v41, v14  }
0x3f6: {  	v51 =	vmul.f32 v42, v61;
	v22 =	vadd.f32 v29, v22;
	v17 =	vadd.f32 v35, v17  }
0x3f7: {  	v56 =	vmul.f32 v46, v61;
	v15 =	vadd.f32 v26, v15;
	v14 =	vadd.f32 v21, v14  }
0x3f8: {  	v59 =	vmul.f32 v50, v27;
	v22 =	vadd.f32 v28, v22;
	v16 =	vadd.f32 v51, v17  }
0x3f9: {  	v61 =	vmul.f32 v52, v27;
	v15 =	vadd.f32 v56, v15;
	v14 =	vadd.f32 v58, v14  }
0x3fa: {  	v63 =	vmul.f32 v55, v27;
	v18 =	vadd.f32 v18, v22;
	v16 =	vadd.f32 v59, v16  }
0x3fb: {  	v15 =	vadd.f32 v61, v15;
	[tilespmem:v57+s30+$0x0] =	vst.idx.msk $0xffff, v14  }
0x3fc: {  	v14 =	vadd.f32 v63, v18;
	[tilespmem:v48+s30+$0x0] =	vst.idx.msk $0xffff, v16  }
0x3fd: {  	s12 =	simm.s32 $0x10;
	[tilespmem:v60+s30+$0x0] =	vst.idx.msk $0xffff, v15  }
0x3fe: {  	s14 =	sadd.s32 $0x10, s8;
	s16 =	smov.u32 s18;
	s10 =	sadd.s32 $0x10, s7;
	[tilespmem:v62+s30+$0x0] =	vst.idx.msk $0xffff, v14  }
.LBB2_30:
0x3ff: {  	v14 =	vld [tilespmem:s10+$0x0];
	v15 =	vmov s12;
	v16 =	vor.u32 s12, v0;
	p0 =	sne.s32 s12, $0x30;
	s12 =	sadd.s32 $0x10, s12;
	s16 =	sadd.s32 $0x10, s16  }
0x400: {  	v17 =	vld [tilespmem:s14+$0x0];
	v18 =	vshll.u32 v16, $0x4;
	v15 =	vshll.u32 v15, $0x4;
	v16 =	vand.u32 $0x38, v16  }
0x401: {  	v19 =	vld [tilespmem:s16+$0x0];
	v20 =	vor.u32 $0x1, v18;
	v21 =	vor.u32 $0x2, v18;
	v22 =	vor.u32 v6, v15  }
0x402: {  	v25 =	vor.u32 v5, v15;
	v23 =	vor.u32 $0x1, v22;
	v24 =	vor.u32 $0x2, v22  }
0x403: {  	v28 =	vor.u32 v4, v15;
	v26 =	vor.u32 $0x1, v25;
	v27 =	vor.u32 $0x2, v25  }
0x404: {  	v29 =	vor.u32 $0x1, v28;
	v30 =	vor.u32 $0x2, v28;
	v14 =	vmul.f32 $3.790000000e+02, v14  }
0x405: {  	v31 =	vor.u32 $0x3, v18;
	v32 =	vor.u32 $0x3, v25;
	v17 =	vmul.f32 $3.790000000e+02, v17  }
0x406: {  	v34 =	vor.u32 $0x3, v22;
	v19 =	vmul.f32 $3.790000000e+02, v19;
	v33 =	vtrunc.f32 v14;
	v21 =	vld.idx.msk [tilespmem:v21+s23+$0x0], $0xffff  }
0x407: {  	v36 =	vor.u32 v2, v15;
	v35 =	vtrunc.f32 v17;
	v33 =	vcvt.f32.s32 v33;
	v23 =	vld.idx.msk [tilespmem:v23+s23+$0x0], $0xffff  }
0x408: {  	v39 =	vor.u32 $0x1, v36;
	v35 =	vcvt.f32.s32 v35;
	v37 =	vtrunc.f32 v19;
	v38 =	vld.idx.msk [tilespmem:v28+s23+$0x0], $0xffff  }
0x409: {  	v28 =	vor.u32 $0x3, v28;
	v37 =	vcvt.f32.s32 v37;
	v33 =	vcvt.s32.f32 v33;
	v29 =	vld.idx.msk [tilespmem:v29+s23+$0x0], $0xffff  }
0x40a: {  	v40 =	vor.u32 v7, v15;
	v41 =	vor.u32 $0x2, v36;
	v35 =	vcvt.s32.f32 v35;
	v31 =	vld.idx.msk [tilespmem:v31+s23+$0x0], $0xffff  }
0x40b: {  	v14 =	vsub.f32 v14, v33;
	v33 =	vcvt.s32.f32 v37;
	v26 =	vld.idx.msk [tilespmem:v26+s23+$0x0], $0xffff;
	v37 =	vor.u32 $0x3, v40  }
0x40c: {  	v42 =	vor.u32 $0x3, v36;
	v17 =	vsub.f32 v17, v35;
	v25 =	vld.idx.msk [tilespmem:v25+s23+$0x0], $0xffff;
	v35 =	vor.u32 $0x1, v40  }
0x40d: {  	v43 =	vor.u32 v3, v15;
	v19 =	vsub.f32 v19, v33;
	v18 =	vld.idx.msk [tilespmem:v18+s23+$0x0], $0xffff;
	v33 =	vor.u32 $0x2, v40  }
0x40e: {  	v45 =	vsub.f32 $1.000000000e+00, v14;
	v44 =	vsub.f32 $1.000000000e+00, v17;
	v46 =	vmul.f32 v14, v17;
	v28 =	vld.idx.msk [tilespmem:v28+s23+$0x0], $0xffff  }
0x40f: {  	v47 =	vor.u32 $0x1, v43;
	v48 =	vor.u32 $0x2, v43;
	v49 =	vor.u32 $0x3, v43;
	v20 =	vld.idx.msk [tilespmem:v20+s23+$0x0], $0xffff  }
0x410: {  	v50 =	vsub.f32 $1.000000000e+00, v19;
	v17 =	vmul.f32 v45, v17;
	v51 =	vmul.f32 v45, v44;
	v27 =	vld.idx.msk [tilespmem:v27+s23+$0x0], $0xffff  }
0x411: {  	v15 =	vor.u32 v8, v15;
	v14 =	vmul.f32 v14, v44;
	v44 =	vmul.f32 v19, v46;
	v42 =	vld.idx.msk [tilespmem:v42+s23+$0x0], $0xffff  }
0x412: {  	v53 =	vor.u32 $0x1, v15;
	v52 =	vmul.f32 v17, v19;
	v45 =	vmul.f32 v50, v51;
	v32 =	vld.idx.msk [tilespmem:v32+s23+$0x0], $0xffff  }
0x413: {  	v55 =	vor.u32 $0x3, v15;
	v51 =	vmul.f32 v51, v19;
	v54 =	vmul.f32 v50, v14;
	v34 =	vld.idx.msk [tilespmem:v34+s23+$0x0], $0xffff  }
0x414: {  	v16 =	vor.u32 v1, v16;
	v18 =	vmul.f32 v45, v18;
	v31 =	vmul.f32 v45, v31;
	v30 =	vld.idx.msk [tilespmem:v30+s23+$0x0], $0xffff  }
0x415: {  	v14 =	vmul.f32 v19, v14;
	v20 =	vmul.f32 v45, v20;
	v24 =	vld.idx.msk [tilespmem:v24+s23+$0x0], $0xffff  }
0x416: {  	v19 =	vmul.f32 v25, v54;
	v25 =	vmul.f32 v27, v54;
	v27 =	vld.idx.msk [tilespmem:v39+s23+$0x0], $0xffff  }
0x417: {  	v26 =	vmul.f32 v26, v54;
	v28 =	vmul.f32 v28, v14;
	v22 =	vld.idx.msk [tilespmem:v22+s23+$0x0], $0xffff  }
0x418: {  	v38 =	vmul.f32 v38, v14;
	v39 =	vld.idx.msk [tilespmem:v41+s23+$0x0], $0xffff;
	v41 =	vmul.f32 v42, v52  }
0x419: {  	v29 =	vmul.f32 v29, v14;
	v32 =	vmul.f32 v32, v54;
	v36 =	vld.idx.msk [tilespmem:v36+s23+$0x0], $0xffff  }
0x41a: {  	v23 =	vmul.f32 v23, v51;
	v14 =	vmul.f32 v30, v14;
	v30 =	vld.idx.msk [tilespmem:v37+s23+$0x0], $0xffff  }
0x41b: {  	v21 =	vmul.f32 v45, v21;
	v24 =	vmul.f32 v24, v51;
	v35 =	vld.idx.msk [tilespmem:v35+s23+$0x0], $0xffff  }
0x41c: {  	v34 =	vmul.f32 v34, v51;
	v27 =	vmul.f32 v27, v52;
	v37 =	vld.idx.msk [tilespmem:v40+s23+$0x0], $0xffff;
	v40 =	vor.u32 $0x2, v15  }
0x41d: {  	v20 =	vadd.f32 v23, v20;
	v22 =	vmul.f32 v51, v22;
	v23 =	vld.idx.msk [tilespmem:v33+s23+$0x0], $0xffff;
	v33 =	vmul.f32 v50, v46  }
0x41e: {  	v17 =	vmul.f32 v50, v17;
	v21 =	vadd.f32 v24, v21;
	v24 =	vmul.f32 v39, v52;
	v39 =	vld.idx.msk [tilespmem:v49+s23+$0x0], $0xffff  }
0x41f: {  	v20 =	vadd.f32 v26, v20;
	v18 =	vadd.f32 v22, v18;
	v22 =	vmul.f32 v36, v52;
	v26 =	vld.idx.msk [tilespmem:v47+s23+$0x0], $0xffff  }
0x420: {  	v31 =	vadd.f32 v34, v31;
	v21 =	vadd.f32 v25, v21;
	v25 =	vmul.f32 v30, v17;
	v30 =	vld.idx.msk [tilespmem:v43+s23+$0x0], $0xffff  }
0x421: {  	v18 =	vadd.f32 v19, v18;
	v19 =	vadd.f32 v29, v20;
	v20 =	vmul.f32 v35, v17;
	v29 =	vld.idx.msk [tilespmem:v48+s23+$0x0], $0xffff  }
0x422: {  	v34 =	vor.u32 v12, v16;
	v31 =	vadd.f32 v32, v31;
	v32 =	vmul.f32 v37, v17  }
0x423: {  	v14 =	vadd.f32 v14, v21;
	v18 =	vadd.f32 v38, v18;
	v17 =	vmul.f32 v23, v17;
	v15 =	vld.idx.msk [tilespmem:v15+s23+$0x0], $0xffff  }
0x424: {  	v21 =	vadd.f32 v28, v31;
	v19 =	vadd.f32 v20, v19;
	v20 =	vmul.f32 v39, v33;
	v23 =	vld.idx.msk [tilespmem:v53+s23+$0x0], $0xffff  }
0x425: {  	v18 =	vadd.f32 v32, v18;
	v14 =	vadd.f32 v17, v14;
	v17 =	vmul.f32 v26, v33;
	v26 =	vld.idx.msk [tilespmem:v40+s23+$0x0], $0xffff  }
0x426: {  	v21 =	vadd.f32 v25, v21;
	v19 =	vadd.f32 v27, v19;
	v25 =	vmul.f32 v30, v33;
	v27 =	vld.idx.msk [tilespmem:v55+s23+$0x0], $0xffff  }
0x427: {  	v18 =	vadd.f32 v22, v18;
	v14 =	vadd.f32 v24, v14;
	v22 =	vmul.f32 v29, v33  }
0x428: {  	v21 =	vadd.f32 v41, v21;
	v17 =	vadd.f32 v17, v19;
	v19 =	vor.u32 v13, v16  }
0x429: {  	v18 =	vadd.f32 v25, v18;
	v14 =	vadd.f32 v22, v14;
	v15 =	vmul.f32 v15, v44  }
0x42a: {  	v20 =	vadd.f32 v20, v21;
	v22 =	vor.u32 v11, v16;
	v21 =	vmul.f32 v23, v44  }
0x42b: {  	v16 =	vor.u32 v10, v16;
	v15 =	vadd.f32 v15, v18;
	v18 =	vmul.f32 v26, v44  }
.Ltmp13:
0x42c: {  	v17 =	vadd.f32 v21, v17;
	v21 =	vmul.f32 v27, v44;
	(pc) =	sbr.rel @p0 .LBB2_30-.Ltmp13, $4  }
0x42d: {  	v14 =	vadd.f32 v18, v14;
	[tilespmem:v19+s30+$0x0] =	vst.idx.msk $0xffff, v15  }
0x42e: {  	v15 =	vadd.f32 v21, v20;
	[tilespmem:v34+s30+$0x0] =	vst.idx.msk $0xffff, v17  }
0x42f: {  	[tilespmem:v22+s30+$0x0] =	vst.idx.msk $0xffff, v14  }
0x430: {  	s10 =	sadd.s32 $0x10, s10;
	s14 =	sadd.s32 $0x10, s14;
	[tilespmem:v16+s30+$0x0] =	vst.idx.msk $0xffff, v15  }
0x431: {  	_ =	swait.ge [sflag:s1], $0x2000  }
0x432: {  	[sflag:s1] =	ssyncset.done $0x0  }
0x433: {  	s10 =	simm.s32 $0x0;
	[sflag:s1] =	ssyncadd.s32 $0xFFFFE000  }
0x434: {  	v12 =	vor.u32 s10, v0;
	v10 =	vld [tilespmem:s7+$0x0]  }
0x435: {  	v11 =	vmov s10;
	v14 =	vshll.u32 v12, $0x4;
	v13 =	vld [tilespmem:s8+$0x0]  }
0x436: {  	v11 =	vshll.u32 v11, $0x4;
	v15 =	vld [tilespmem:s18+$0x0];
	v16 =	vor.u32 $0x2, v14  }
0x437: {  	v22 =	vor.u32 v4, v11  }
0x438: {  	v17 =	vor.u32 v6, v11;
	v18 =	vor.u32 $0x1, v14;
	v25 =	vor.u32 $0x3, v14  }
0x439: {  	v21 =	vor.u32 v5, v11;
	v32 =	vor.u32 v2, v11;
	v36 =	vor.u32 v7, v11  }
0x43a: {  	v19 =	vor.u32 $0x1, v17;
	v20 =	vor.u32 $0x2, v17;
	v14 =	vld.idx.msk [tilespmem:v14+s25+$0x0], $0xffff;
	v10 =	vmul.f32 $6.230000000e+02, v10  }
0x43b: {  	v23 =	vor.u32 $0x1, v21;
	v13 =	vmul.f32 $6.230000000e+02, v13;
	v15 =	vmul.f32 $6.230000000e+02, v15;
	v16 =	vld.idx.msk [tilespmem:v16+s25+$0x0], $0xffff  }
0x43c: {  	v24 =	vor.u32 $0x1, v22;
	v27 =	vor.u32 $0x2, v21;
	v33 =	vld.idx.msk [tilespmem:v22+s25+$0x0], $0xffff;
	v26 =	vtrunc.f32 v10  }
0x43d: {  	v31 =	vor.u32 $0x3, v21;
	v25 =	vld.idx.msk [tilespmem:v25+s25+$0x0], $0xffff;
	v28 =	vtrunc.f32 v13;
	v30 =	vtrunc.f32 v15  }
0x43e: {  	v34 =	vor.u32 $0x3, v17;
	v21 =	vld.idx.msk [tilespmem:v21+s25+$0x0], $0xffff;
	v26 =	vcvt.f32.s32 v26;
	v28 =	vcvt.f32.s32 v28  }
0x43f: {  	v35 =	vor.u32 $0x1, v32;
	v61 =	vor.u32 $0x2, v32;
	v18 =	vld.idx.msk [tilespmem:v18+s25+$0x0], $0xffff;
	v30 =	vcvt.f32.s32 v30  }
0x440: {  	v62 =	vor.u32 $0x3, v32;
	v17 =	vld.idx.msk [tilespmem:v17+s25+$0x0], $0xffff;
	v26 =	vcvt.s32.f32 v26;
	v28 =	vcvt.s32.f32 v28  }
0x441: {  	v63 =	vor.u32 $0x3, v36;
	v39 =	vor.u32 $0x1, v36;
	v32 =	vld.idx.msk [tilespmem:v32+s25+$0x0], $0xffff;
	v30 =	vcvt.s32.f32 v30  }
0x442: {  	v40 =	vor.u32 $0x2, v36;
	v36 =	vld.idx.msk [tilespmem:v36+s25+$0x0], $0xffff;
	v10 =	vsub.f32 v10, v26;
	v13 =	vsub.f32 v13, v28  }
0x443: {  	v29 =	vor.u32 $0x2, v22;
	v19 =	vld.idx.msk [tilespmem:v19+s25+$0x0], $0xffff;
	v15 =	vsub.f32 v15, v30  }
0x444: {  	v22 =	vor.u32 $0x3, v22;
	v24 =	vld.idx.msk [tilespmem:v24+s25+$0x0], $0xffff;
	v37 =	vsub.f32 $1.000000000e+00, v13;
	v38 =	vsub.f32 $1.000000000e+00, v10  }
0x445: {  	v23 =	vld.idx.msk [tilespmem:v23+s25+$0x0], $0xffff;
	v41 =	vmul.f32 v10, v13  }
0x446: {  	v31 =	vld.idx.msk [tilespmem:v31+s25+$0x0], $0xffff;
	v42 =	vsub.f32 $1.000000000e+00, v15;
	v43 =	vmul.f32 v38, v37;
	v38 =	vmul.f32 v38, v13  }
0x447: {  	v13 =	vld.idx.msk [tilespmem:v27+s25+$0x0], $0xffff;
	v10 =	vmul.f32 v10, v37;
	v27 =	vmul.f32 v15, v41  }
0x448: {  	v26 =	vld.idx.msk [tilespmem:v61+s25+$0x0], $0xffff;
	v61 =	vmul.f32 v42, v41;
	v45 =	vmul.f32 v42, v43  }
0x449: {  	v12 =	vand.u32 $0x38, v12;
	v22 =	vld.idx.msk [tilespmem:v22+s25+$0x0], $0xffff;
	v46 =	vmul.f32 v38, v15;
	v43 =	vmul.f32 v43, v15  }
0x44a: {  	v44 =	vor.u32 v3, v11;
	v28 =	vld.idx.msk [tilespmem:v62+s25+$0x0], $0xffff;
	v48 =	vmul.f32 v42, v10;
	v15 =	vmul.f32 v15, v10  }
0x44b: {  	v50 =	vor.u32 v8, v11;
	v34 =	vld.idx.msk [tilespmem:v34+s25+$0x0], $0xffff;
	v62 =	vmul.f32 v42, v38;
	v14 =	vmul.f32 v45, v14  }
0x44c: {  	v54 =	vor.u32 v1, v12;
	v29 =	vld.idx.msk [tilespmem:v29+s25+$0x0], $0xffff;
	v25 =	vmul.f32 v45, v25;
	v18 =	vmul.f32 v45, v18  }
0x44d: {  	v11 =	vor.u32 $0x3800, v9;
	v20 =	vld.idx.msk [tilespmem:v20+s25+$0x0], $0xffff;
	v21 =	vmul.f32 v21, v48;
	v23 =	vmul.f32 v23, v48  }
0x44e: {  	v12 =	vor.u32 $0x1A00, v9;
	v35 =	vld.idx.msk [tilespmem:v35+s25+$0x0], $0xffff;
	v22 =	vmul.f32 v22, v15;
	v33 =	vmul.f32 v33, v15  }
0x44f: {  	v49 =	vor.u32 $0x3, v44;
	v57 =	vld.idx.msk [tilespmem:v63+s25+$0x0], $0xffff;
	v28 =	vmul.f32 v28, v46;
	v31 =	vmul.f32 v31, v48  }
0x450: {  	v47 =	vor.u32 $0x2, v44;
	v58 =	vld.idx.msk [tilespmem:v39+s25+$0x0], $0xffff;
	v24 =	vmul.f32 v24, v15;
	v19 =	vmul.f32 v19, v43  }
0x451: {  	v51 =	vor.u32 $0x1, v50;
	v60 =	vld.idx.msk [tilespmem:v40+s25+$0x0], $0xffff;
	v15 =	vmul.f32 v29, v15;
	v16 =	vmul.f32 v45, v16  }
0x452: {  	v53 =	vor.u32 $0x3, v50;
	v20 =	vmul.f32 v20, v43;
	v34 =	vmul.f32 v34, v43  }
0x453: {  	v59 =	vor.u32 $0x2, v50;
	v35 =	vmul.f32 v35, v46;
	v17 =	vmul.f32 v43, v17  }
0x454: {  	v37 =	vor.u32 $0x1, v44;
	v38 =	vld.idx.msk [tilespmem:v49+s25+$0x0], $0xffff;
	v26 =	vmul.f32 v26, v46;
	v41 =	vmul.f32 v32, v46  }
0x455: {  	v10 =	vor.u32 $0x3A00, v9;
	v29 =	vmul.f32 v57, v62;
	v43 =	vld.idx.msk [tilespmem:v44+s25+$0x0], $0xffff;
	v44 =	vmul.f32 v58, v62  }
0x456: {  	v45 =	vmul.f32 v36, v62;
	v46 =	vld.idx.msk [tilespmem:v47+s25+$0x0], $0xffff;
	v47 =	vmul.f32 v60, v62;
	v14 =	vadd.f32 v17, v14  }
0x457: {  	v49 =	vld.idx.msk [tilespmem:v50+s25+$0x0], $0xffff;
	v60 =	vor.u32 v11, v54;
	v62 =	vor.u32 v10, v54;
	v18 =	vadd.f32 v19, v18  }
0x458: {  	v52 =	vmul.f32 v13, v48;
	v16 =	vadd.f32 v20, v16;
	v14 =	vadd.f32 v21, v14  }
0x459: {  	v13 =	vor.u32 $0x1800, v9;
	v25 =	vadd.f32 v34, v25;
	v63 =	vadd.f32 v23, v18  }
0x45a: {  	v42 =	vld.idx.msk [tilespmem:v37+s25+$0x0], $0xffff;
	v48 =	vor.u32 v12, v54;
	v16 =	vadd.f32 v52, v16;
	v14 =	vadd.f32 v33, v14  }
0x45b: {  	v57 =	vor.u32 v13, v54;
	v25 =	vadd.f32 v31, v25;
	v17 =	vadd.f32 v24, v63  }
0x45c: {  	v50 =	vld.idx.msk [tilespmem:v51+s25+$0x0], $0xffff;
	v58 =	vmul.f32 v49, v27;
	v15 =	vadd.f32 v15, v16;
	v14 =	vadd.f32 v45, v14  }
0x45d: {  	v18 =	vmul.f32 v38, v61;
	v52 =	vld.idx.msk [tilespmem:v59+s25+$0x0], $0xffff;
	v22 =	vadd.f32 v22, v25;
	v17 =	vadd.f32 v44, v17  }
0x45e: {  	v55 =	vld.idx.msk [tilespmem:v53+s25+$0x0], $0xffff;
	v21 =	vmul.f32 v43, v61;
	v15 =	vadd.f32 v47, v15;
	v14 =	vadd.f32 v41, v14  }
0x45f: {  	v51 =	vmul.f32 v42, v61;
	v22 =	vadd.f32 v29, v22;
	v17 =	vadd.f32 v35, v17  }
0x460: {  	v56 =	vmul.f32 v46, v61;
	v15 =	vadd.f32 v26, v15;
	v14 =	vadd.f32 v21, v14  }
0x461: {  	v59 =	vmul.f32 v50, v27;
	v22 =	vadd.f32 v28, v22;
	v16 =	vadd.f32 v51, v17  }
0x462: {  	v61 =	vmul.f32 v52, v27;
	v15 =	vadd.f32 v56, v15;
	v14 =	vadd.f32 v58, v14  }
0x463: {  	v63 =	vmul.f32 v55, v27;
	v18 =	vadd.f32 v18, v22;
	v16 =	vadd.f32 v59, v16  }
0x464: {  	v15 =	vadd.f32 v61, v15;
	[tilespmem:v57+s30+$0x0] =	vst.idx.msk $0xffff, v14  }
0x465: {  	v14 =	vadd.f32 v63, v18;
	[tilespmem:v48+s30+$0x0] =	vst.idx.msk $0xffff, v16  }
0x466: {  	s12 =	simm.s32 $0x10;
	[tilespmem:v60+s30+$0x0] =	vst.idx.msk $0xffff, v15  }
0x467: {  	s14 =	sadd.s32 $0x10, s8;
	s16 =	smov.u32 s18;
	s10 =	sadd.s32 $0x10, s7;
	[tilespmem:v62+s30+$0x0] =	vst.idx.msk $0xffff, v14  }
.LBB2_32:
0x468: {  	v14 =	vld [tilespmem:s10+$0x0];
	v15 =	vmov s12;
	v16 =	vor.u32 s12, v0;
	p0 =	sne.s32 s12, $0x30;
	s12 =	sadd.s32 $0x10, s12;
	s16 =	sadd.s32 $0x10, s16  }
0x469: {  	v17 =	vld [tilespmem:s14+$0x0];
	v18 =	vshll.u32 v16, $0x4;
	v15 =	vshll.u32 v15, $0x4;
	v16 =	vand.u32 $0x38, v16  }
0x46a: {  	v19 =	vld [tilespmem:s16+$0x0];
	v20 =	vor.u32 $0x1, v18;
	v21 =	vor.u32 $0x2, v18;
	v22 =	vor.u32 v6, v15  }
0x46b: {  	v25 =	vor.u32 v5, v15;
	v23 =	vor.u32 $0x1, v22;
	v24 =	vor.u32 $0x2, v22  }
0x46c: {  	v28 =	vor.u32 v4, v15;
	v26 =	vor.u32 $0x1, v25;
	v27 =	vor.u32 $0x2, v25  }
0x46d: {  	v29 =	vor.u32 $0x1, v28;
	v30 =	vor.u32 $0x2, v28;
	v14 =	vmul.f32 $6.230000000e+02, v14  }
0x46e: {  	v31 =	vor.u32 $0x3, v18;
	v32 =	vor.u32 $0x3, v25;
	v17 =	vmul.f32 $6.230000000e+02, v17  }
0x46f: {  	v34 =	vor.u32 $0x3, v22;
	v19 =	vmul.f32 $6.230000000e+02, v19;
	v33 =	vtrunc.f32 v14;
	v21 =	vld.idx.msk [tilespmem:v21+s25+$0x0], $0xffff  }
0x470: {  	v36 =	vor.u32 v2, v15;
	v35 =	vtrunc.f32 v17;
	v33 =	vcvt.f32.s32 v33;
	v23 =	vld.idx.msk [tilespmem:v23+s25+$0x0], $0xffff  }
0x471: {  	v39 =	vor.u32 $0x1, v36;
	v35 =	vcvt.f32.s32 v35;
	v37 =	vtrunc.f32 v19;
	v38 =	vld.idx.msk [tilespmem:v28+s25+$0x0], $0xffff  }
0x472: {  	v28 =	vor.u32 $0x3, v28;
	v37 =	vcvt.f32.s32 v37;
	v33 =	vcvt.s32.f32 v33;
	v29 =	vld.idx.msk [tilespmem:v29+s25+$0x0], $0xffff  }
0x473: {  	v40 =	vor.u32 v7, v15;
	v41 =	vor.u32 $0x2, v36;
	v35 =	vcvt.s32.f32 v35;
	v31 =	vld.idx.msk [tilespmem:v31+s25+$0x0], $0xffff  }
0x474: {  	v14 =	vsub.f32 v14, v33;
	v33 =	vcvt.s32.f32 v37;
	v26 =	vld.idx.msk [tilespmem:v26+s25+$0x0], $0xffff;
	v37 =	vor.u32 $0x3, v40  }
0x475: {  	v42 =	vor.u32 $0x3, v36;
	v17 =	vsub.f32 v17, v35;
	v25 =	vld.idx.msk [tilespmem:v25+s25+$0x0], $0xffff;
	v35 =	vor.u32 $0x1, v40  }
0x476: {  	v43 =	vor.u32 v3, v15;
	v19 =	vsub.f32 v19, v33;
	v18 =	vld.idx.msk [tilespmem:v18+s25+$0x0], $0xffff;
	v33 =	vor.u32 $0x2, v40  }
0x477: {  	v45 =	vsub.f32 $1.000000000e+00, v14;
	v44 =	vsub.f32 $1.000000000e+00, v17;
	v46 =	vmul.f32 v14, v17;
	v28 =	vld.idx.msk [tilespmem:v28+s25+$0x0], $0xffff  }
0x478: {  	v47 =	vor.u32 $0x1, v43;
	v48 =	vor.u32 $0x2, v43;
	v49 =	vor.u32 $0x3, v43;
	v20 =	vld.idx.msk [tilespmem:v20+s25+$0x0], $0xffff  }
0x479: {  	v50 =	vsub.f32 $1.000000000e+00, v19;
	v17 =	vmul.f32 v45, v17;
	v51 =	vmul.f32 v45, v44;
	v27 =	vld.idx.msk [tilespmem:v27+s25+$0x0], $0xffff  }
0x47a: {  	v15 =	vor.u32 v8, v15;
	v14 =	vmul.f32 v14, v44;
	v44 =	vmul.f32 v19, v46;
	v42 =	vld.idx.msk [tilespmem:v42+s25+$0x0], $0xffff  }
0x47b: {  	v53 =	vor.u32 $0x1, v15;
	v52 =	vmul.f32 v17, v19;
	v45 =	vmul.f32 v50, v51;
	v32 =	vld.idx.msk [tilespmem:v32+s25+$0x0], $0xffff  }
0x47c: {  	v55 =	vor.u32 $0x3, v15;
	v51 =	vmul.f32 v51, v19;
	v54 =	vmul.f32 v50, v14;
	v34 =	vld.idx.msk [tilespmem:v34+s25+$0x0], $0xffff  }
0x47d: {  	v16 =	vor.u32 v1, v16;
	v18 =	vmul.f32 v45, v18;
	v31 =	vmul.f32 v45, v31;
	v30 =	vld.idx.msk [tilespmem:v30+s25+$0x0], $0xffff  }
0x47e: {  	v14 =	vmul.f32 v19, v14;
	v20 =	vmul.f32 v45, v20;
	v24 =	vld.idx.msk [tilespmem:v24+s25+$0x0], $0xffff  }
0x47f: {  	v19 =	vmul.f32 v25, v54;
	v25 =	vmul.f32 v27, v54;
	v27 =	vld.idx.msk [tilespmem:v39+s25+$0x0], $0xffff  }
0x480: {  	v26 =	vmul.f32 v26, v54;
	v28 =	vmul.f32 v28, v14;
	v22 =	vld.idx.msk [tilespmem:v22+s25+$0x0], $0xffff  }
0x481: {  	v38 =	vmul.f32 v38, v14;
	v39 =	vld.idx.msk [tilespmem:v41+s25+$0x0], $0xffff;
	v41 =	vmul.f32 v42, v52  }
0x482: {  	v29 =	vmul.f32 v29, v14;
	v32 =	vmul.f32 v32, v54;
	v36 =	vld.idx.msk [tilespmem:v36+s25+$0x0], $0xffff  }
0x483: {  	v23 =	vmul.f32 v23, v51;
	v14 =	vmul.f32 v30, v14;
	v30 =	vld.idx.msk [tilespmem:v37+s25+$0x0], $0xffff  }
0x484: {  	v21 =	vmul.f32 v45, v21;
	v24 =	vmul.f32 v24, v51;
	v35 =	vld.idx.msk [tilespmem:v35+s25+$0x0], $0xffff  }
0x485: {  	v34 =	vmul.f32 v34, v51;
	v27 =	vmul.f32 v27, v52;
	v37 =	vld.idx.msk [tilespmem:v40+s25+$0x0], $0xffff;
	v40 =	vor.u32 $0x2, v15  }
0x486: {  	v20 =	vadd.f32 v23, v20;
	v22 =	vmul.f32 v51, v22;
	v23 =	vld.idx.msk [tilespmem:v33+s25+$0x0], $0xffff;
	v33 =	vmul.f32 v50, v46  }
0x487: {  	v17 =	vmul.f32 v50, v17;
	v21 =	vadd.f32 v24, v21;
	v24 =	vmul.f32 v39, v52;
	v39 =	vld.idx.msk [tilespmem:v49+s25+$0x0], $0xffff  }
0x488: {  	v20 =	vadd.f32 v26, v20;
	v18 =	vadd.f32 v22, v18;
	v22 =	vmul.f32 v36, v52;
	v26 =	vld.idx.msk [tilespmem:v47+s25+$0x0], $0xffff  }
0x489: {  	v31 =	vadd.f32 v34, v31;
	v21 =	vadd.f32 v25, v21;
	v25 =	vmul.f32 v30, v17;
	v30 =	vld.idx.msk [tilespmem:v43+s25+$0x0], $0xffff  }
0x48a: {  	v18 =	vadd.f32 v19, v18;
	v19 =	vadd.f32 v29, v20;
	v20 =	vmul.f32 v35, v17;
	v29 =	vld.idx.msk [tilespmem:v48+s25+$0x0], $0xffff  }
0x48b: {  	v34 =	vor.u32 v12, v16;
	v31 =	vadd.f32 v32, v31;
	v32 =	vmul.f32 v37, v17  }
0x48c: {  	v14 =	vadd.f32 v14, v21;
	v18 =	vadd.f32 v38, v18;
	v17 =	vmul.f32 v23, v17;
	v15 =	vld.idx.msk [tilespmem:v15+s25+$0x0], $0xffff  }
0x48d: {  	v21 =	vadd.f32 v28, v31;
	v19 =	vadd.f32 v20, v19;
	v20 =	vmul.f32 v39, v33;
	v23 =	vld.idx.msk [tilespmem:v53+s25+$0x0], $0xffff  }
0x48e: {  	v18 =	vadd.f32 v32, v18;
	v14 =	vadd.f32 v17, v14;
	v17 =	vmul.f32 v26, v33;
	v26 =	vld.idx.msk [tilespmem:v40+s25+$0x0], $0xffff  }
0x48f: {  	v21 =	vadd.f32 v25, v21;
	v19 =	vadd.f32 v27, v19;
	v25 =	vmul.f32 v30, v33;
	v27 =	vld.idx.msk [tilespmem:v55+s25+$0x0], $0xffff  }
0x490: {  	v18 =	vadd.f32 v22, v18;
	v14 =	vadd.f32 v24, v14;
	v22 =	vmul.f32 v29, v33  }
0x491: {  	v21 =	vadd.f32 v41, v21;
	v17 =	vadd.f32 v17, v19;
	v19 =	vor.u32 v13, v16  }
0x492: {  	v18 =	vadd.f32 v25, v18;
	v14 =	vadd.f32 v22, v14;
	v15 =	vmul.f32 v15, v44  }
0x493: {  	v20 =	vadd.f32 v20, v21;
	v22 =	vor.u32 v11, v16;
	v21 =	vmul.f32 v23, v44  }
0x494: {  	v16 =	vor.u32 v10, v16;
	v15 =	vadd.f32 v15, v18;
	v18 =	vmul.f32 v26, v44  }
.Ltmp14:
0x495: {  	v17 =	vadd.f32 v21, v17;
	v21 =	vmul.f32 v27, v44;
	(pc) =	sbr.rel @p0 .LBB2_32-.Ltmp14, $4  }
0x496: {  	v14 =	vadd.f32 v18, v14;
	[tilespmem:v19+s30+$0x0] =	vst.idx.msk $0xffff, v15  }
0x497: {  	v15 =	vadd.f32 v21, v20;
	[tilespmem:v34+s30+$0x0] =	vst.idx.msk $0xffff, v17  }
0x498: {  	[tilespmem:v22+s30+$0x0] =	vst.idx.msk $0xffff, v14  }
0x499: {  	s10 =	sadd.s32 $0x10, s10;
	s14 =	sadd.s32 $0x10, s14;
	[tilespmem:v16+s30+$0x0] =	vst.idx.msk $0xffff, v15  }
0x49a: {  	_ =	swait.ge [sflag:s2], $0x2000  }
0x49b: {  	[sflag:s2] =	ssyncset.done $0x0  }
0x49c: {  	[sflag:s2] =	ssyncadd.s32 $0xFFFFE000  }
0x49d: {  	s10 =	simm.s32 $0x0;
	v10 =	vld [tilespmem:s7+$0x0]  }
0x49e: {  	v12 =	vor.u32 s10, v0;
	v13 =	vld [tilespmem:s8+$0x0]  }
0x49f: {  	v11 =	vmov s10;
	v14 =	vshll.u32 v12, $0x4;
	v15 =	vld [tilespmem:s18+$0x0]  }
0x4a0: {  	v11 =	vshll.u32 v11, $0x4;
	v16 =	vor.u32 $0x2, v14  }
0x4a1: {  	v17 =	vor.u32 v6, v11;
	v22 =	vor.u32 v4, v11  }
0x4a2: {  	v18 =	vor.u32 $0x1, v14;
	v21 =	vor.u32 v5, v11;
	v25 =	vor.u32 $0x3, v14  }
0x4a3: {  	v32 =	vor.u32 v2, v11;
	v50 =	vor.u32 v8, v11;
	v10 =	vmul.f32 $1.023000000e+03, v10  }
0x4a4: {  	v19 =	vor.u32 $0x1, v17;
	v14 =	vld.idx.msk [tilespmem:v14+s28+$0x0], $0xffff;
	v13 =	vmul.f32 $1.023000000e+03, v13;
	v15 =	vmul.f32 $1.023000000e+03, v15  }
0x4a5: {  	v20 =	vor.u32 $0x2, v17;
	v23 =	vor.u32 $0x1, v21;
	v16 =	vld.idx.msk [tilespmem:v16+s28+$0x0], $0xffff;
	v26 =	vtrunc.f32 v10  }
0x4a6: {  	v24 =	vor.u32 $0x1, v22;
	v33 =	vld.idx.msk [tilespmem:v22+s28+$0x0], $0xffff;
	v28 =	vtrunc.f32 v13;
	v30 =	vtrunc.f32 v15  }
0x4a7: {  	v27 =	vor.u32 $0x2, v21;
	v25 =	vld.idx.msk [tilespmem:v25+s28+$0x0], $0xffff;
	v26 =	vcvt.f32.s32 v26;
	v28 =	vcvt.f32.s32 v28  }
0x4a8: {  	v31 =	vor.u32 $0x3, v21;
	v34 =	vor.u32 $0x3, v17;
	v21 =	vld.idx.msk [tilespmem:v21+s28+$0x0], $0xffff;
	v30 =	vcvt.f32.s32 v30  }
0x4a9: {  	v35 =	vor.u32 $0x1, v32;
	v18 =	vld.idx.msk [tilespmem:v18+s28+$0x0], $0xffff;
	v26 =	vcvt.s32.f32 v26;
	v28 =	vcvt.s32.f32 v28  }
0x4aa: {  	v61 =	vor.u32 $0x2, v32;
	v62 =	vor.u32 $0x3, v32;
	v17 =	vld.idx.msk [tilespmem:v17+s28+$0x0], $0xffff;
	v30 =	vcvt.s32.f32 v30  }
0x4ab: {  	v51 =	vor.u32 $0x1, v50;
	v32 =	vld.idx.msk [tilespmem:v32+s28+$0x0], $0xffff;
	v10 =	vsub.f32 v10, v26;
	v13 =	vsub.f32 v13, v28  }
0x4ac: {  	v52 =	vor.u32 $0x3, v50;
	v58 =	vor.u32 $0x2, v50;
	v50 =	vld.idx.msk [tilespmem:v50+s28+$0x0], $0xffff;
	v15 =	vsub.f32 v15, v30  }
0x4ad: {  	v19 =	vld.idx.msk [tilespmem:v19+s28+$0x0], $0xffff;
	v37 =	vsub.f32 $1.000000000e+00, v13;
	v38 =	vsub.f32 $1.000000000e+00, v10  }
0x4ae: {  	v29 =	vor.u32 $0x2, v22;
	v22 =	vor.u32 $0x3, v22;
	v24 =	vld.idx.msk [tilespmem:v24+s28+$0x0], $0xffff  }
0x4af: {  	v23 =	vld.idx.msk [tilespmem:v23+s28+$0x0], $0xffff;
	v41 =	vmul.f32 v10, v13;
	v42 =	vsub.f32 $1.000000000e+00, v15;
	v43 =	vmul.f32 v38, v37  }
0x4b0: {  	v27 =	vld.idx.msk [tilespmem:v27+s28+$0x0], $0xffff;
	v13 =	vmul.f32 v38, v13;
	v10 =	vmul.f32 v10, v37  }
0x4b1: {  	v12 =	vand.u32 $0x38, v12;
	v31 =	vld.idx.msk [tilespmem:v31+s28+$0x0], $0xffff;
	v37 =	vmul.f32 v15, v41;
	v60 =	vmul.f32 v42, v41  }
0x4b2: {  	v36 =	vor.u32 v7, v11;
	v34 =	vld.idx.msk [tilespmem:v34+s28+$0x0], $0xffff;
	v45 =	vmul.f32 v42, v43;
	v46 =	vmul.f32 v13, v15  }
0x4b3: {  	v53 =	vor.u32 v1, v12;
	v22 =	vld.idx.msk [tilespmem:v22+s28+$0x0], $0xffff;
	v43 =	vmul.f32 v43, v15;
	v48 =	vmul.f32 v42, v10  }
0x4b4: {  	v12 =	vor.u32 $0x1E00, v9;
	v28 =	vld.idx.msk [tilespmem:v62+s28+$0x0], $0xffff;
	v15 =	vmul.f32 v15, v10;
	v13 =	vmul.f32 v42, v13  }
0x4b5: {  	v63 =	vor.u32 $0x3, v36;
	v54 =	vld.idx.msk [tilespmem:v58+s28+$0x0], $0xffff;
	v58 =	vmul.f32 v50, v37;
	v14 =	vmul.f32 v45, v14  }
0x4b6: {  	v39 =	vor.u32 $0x1, v36;
	v29 =	vld.idx.msk [tilespmem:v29+s28+$0x0], $0xffff;
	v25 =	vmul.f32 v45, v25;
	v18 =	vmul.f32 v45, v18  }
0x4b7: {  	v40 =	vor.u32 $0x2, v36;
	v20 =	vld.idx.msk [tilespmem:v20+s28+$0x0], $0xffff;
	v21 =	vmul.f32 v21, v48;
	v27 =	vmul.f32 v27, v48  }
0x4b8: {  	v35 =	vld.idx.msk [tilespmem:v35+s28+$0x0], $0xffff;
	v38 =	vor.u32 v3, v11;
	v23 =	vmul.f32 v23, v48;
	v22 =	vmul.f32 v22, v15  }
0x4b9: {  	v26 =	vld.idx.msk [tilespmem:v61+s28+$0x0], $0xffff;
	v11 =	vor.u32 $0x3C00, v9;
	v33 =	vmul.f32 v33, v15;
	v28 =	vmul.f32 v28, v46  }
0x4ba: {  	v56 =	vld.idx.msk [tilespmem:v63+s28+$0x0], $0xffff;
	v44 =	vor.u32 $0x1, v38;
	v31 =	vmul.f32 v31, v48;
	v24 =	vmul.f32 v24, v15  }
0x4bb: {  	v57 =	vld.idx.msk [tilespmem:v39+s28+$0x0], $0xffff;
	v49 =	vor.u32 $0x3, v38;
	v19 =	vmul.f32 v19, v43;
	v15 =	vmul.f32 v29, v15  }
0x4bc: {  	v36 =	vld.idx.msk [tilespmem:v36+s28+$0x0], $0xffff;
	v47 =	vor.u32 $0x2, v38;
	v16 =	vmul.f32 v45, v16;
	v20 =	vmul.f32 v20, v43  }
0x4bd: {  	v59 =	vld.idx.msk [tilespmem:v40+s28+$0x0], $0xffff;
	v10 =	vor.u32 $0x3E00, v9;
	v34 =	vmul.f32 v34, v43;
	v17 =	vmul.f32 v43, v17  }
0x4be: {  	v9 =	vor.u32 $0x1C00, v9;
	v35 =	vmul.f32 v35, v46;
	v61 =	vmul.f32 v26, v46  }
0x4bf: {  	v51 =	vld.idx.msk [tilespmem:v51+s28+$0x0], $0xffff;
	v41 =	vmul.f32 v32, v46;
	v43 =	vmul.f32 v56, v13;
	v14 =	vadd.f32 v17, v14  }
0x4c0: {  	v45 =	vmul.f32 v57, v13;
	v18 =	vadd.f32 v19, v18;
	v16 =	vadd.f32 v20, v16;
	v63 =	vld.idx.msk [tilespmem:v49+s28+$0x0], $0xffff  }
0x4c1: {  	v46 =	vmul.f32 v36, v13;
	v25 =	vadd.f32 v34, v25;
	v42 =	vld.idx.msk [tilespmem:v44+s28+$0x0], $0xffff;
	v14 =	vadd.f32 v21, v14  }
0x4c2: {  	v13 =	vmul.f32 v59, v13;
	v44 =	vld.idx.msk [tilespmem:v38+s28+$0x0], $0xffff;
	v62 =	vadd.f32 v23, v18;
	v16 =	vadd.f32 v27, v16  }
0x4c3: {  	v57 =	vor.u32 v9, v53;
	v25 =	vadd.f32 v31, v25;
	v14 =	vadd.f32 v33, v14  }
0x4c4: {  	v59 =	vmul.f32 v51, v37;
	v48 =	vld.idx.msk [tilespmem:v47+s28+$0x0], $0xffff;
	v17 =	vadd.f32 v24, v62;
	v15 =	vadd.f32 v15, v16  }
0x4c5: {  	v49 =	vor.u32 v12, v53;
	v22 =	vadd.f32 v22, v25;
	v14 =	vadd.f32 v46, v14  }
0x4c6: {  	v62 =	vor.u32 v10, v53;
	v18 =	vmul.f32 v63, v60;
	v17 =	vadd.f32 v45, v17  }
0x4c7: {  	v55 =	vld.idx.msk [tilespmem:v52+s28+$0x0], $0xffff;
	v21 =	vmul.f32 v44, v60;
	v13 =	vadd.f32 v13, v15;
	v14 =	vadd.f32 v41, v14  }
0x4c8: {  	v15 =	vmul.f32 v42, v60;
	v22 =	vadd.f32 v43, v22;
	v17 =	vadd.f32 v35, v17  }
0x4c9: {  	v56 =	vmul.f32 v48, v60;
	v13 =	vadd.f32 v61, v13;
	v14 =	vadd.f32 v21, v14  }
0x4ca: {  	v60 =	vor.u32 v11, v53;
	v22 =	vadd.f32 v28, v22;
	v15 =	vadd.f32 v15, v17  }
0x4cb: {  	v61 =	vmul.f32 v54, v37;
	v13 =	vadd.f32 v56, v13;
	v14 =	vadd.f32 v58, v14  }
0x4cc: {  	v63 =	vmul.f32 v55, v37;
	v18 =	vadd.f32 v18, v22;
	v15 =	vadd.f32 v59, v15  }
0x4cd: {  	v13 =	vadd.f32 v61, v13;
	[tilespmem:v57+s30+$0x0] =	vst.idx.msk $0xffff, v14  }
0x4ce: {  	v14 =	vadd.f32 v63, v18;
	[tilespmem:v49+s30+$0x0] =	vst.idx.msk $0xffff, v15  }
0x4cf: {  	s12 =	simm.s32 $0x10;
	[tilespmem:v60+s30+$0x0] =	vst.idx.msk $0xffff, v13  }
0x4d0: {  	s14 =	sadd.s32 $0x10, s8;
	s16 =	smov.u32 s18;
	s10 =	sadd.s32 $0x10, s7;
	[tilespmem:v62+s30+$0x0] =	vst.idx.msk $0xffff, v14  }
.LBB2_34:
0x4d1: {  	v13 =	vld [tilespmem:s10+$0x0];
	v14 =	vmov s12;
	v15 =	vor.u32 s12, v0;
	p0 =	sne.s32 s12, $0x30;
	s12 =	sadd.s32 $0x10, s12;
	s16 =	sadd.s32 $0x10, s16  }
0x4d2: {  	v16 =	vld [tilespmem:s14+$0x0];
	v17 =	vshll.u32 v15, $0x4;
	v14 =	vshll.u32 v14, $0x4;
	v15 =	vand.u32 $0x38, v15  }
0x4d3: {  	v18 =	vld [tilespmem:s16+$0x0];
	v19 =	vor.u32 $0x1, v17;
	v20 =	vor.u32 $0x2, v17;
	v21 =	vor.u32 v6, v14  }
0x4d4: {  	v24 =	vor.u32 v5, v14;
	v22 =	vor.u32 $0x1, v21;
	v23 =	vor.u32 $0x2, v21  }
0x4d5: {  	v27 =	vor.u32 v4, v14;
	v25 =	vor.u32 $0x1, v24;
	v26 =	vor.u32 $0x2, v24  }
0x4d6: {  	v28 =	vor.u32 $0x1, v27;
	v29 =	vor.u32 $0x2, v27;
	v13 =	vmul.f32 $1.023000000e+03, v13  }
0x4d7: {  	v30 =	vor.u32 $0x3, v17;
	v31 =	vor.u32 $0x3, v24;
	v16 =	vmul.f32 $1.023000000e+03, v16  }
0x4d8: {  	v33 =	vor.u32 $0x3, v21;
	v18 =	vmul.f32 $1.023000000e+03, v18;
	v32 =	vtrunc.f32 v13;
	v20 =	vld.idx.msk [tilespmem:v20+s28+$0x0], $0xffff  }
0x4d9: {  	v35 =	vor.u32 v2, v14;
	v34 =	vtrunc.f32 v16;
	v32 =	vcvt.f32.s32 v32;
	v22 =	vld.idx.msk [tilespmem:v22+s28+$0x0], $0xffff  }
0x4da: {  	v38 =	vor.u32 $0x1, v35;
	v34 =	vcvt.f32.s32 v34;
	v36 =	vtrunc.f32 v18;
	v37 =	vld.idx.msk [tilespmem:v27+s28+$0x0], $0xffff  }
0x4db: {  	v27 =	vor.u32 $0x3, v27;
	v36 =	vcvt.f32.s32 v36;
	v32 =	vcvt.s32.f32 v32;
	v28 =	vld.idx.msk [tilespmem:v28+s28+$0x0], $0xffff  }
0x4dc: {  	v39 =	vor.u32 v7, v14;
	v40 =	vor.u32 $0x2, v35;
	v34 =	vcvt.s32.f32 v34;
	v30 =	vld.idx.msk [tilespmem:v30+s28+$0x0], $0xffff  }
0x4dd: {  	v13 =	vsub.f32 v13, v32;
	v32 =	vcvt.s32.f32 v36;
	v25 =	vld.idx.msk [tilespmem:v25+s28+$0x0], $0xffff;
	v36 =	vor.u32 $0x3, v39  }
0x4de: {  	v41 =	vor.u32 $0x3, v35;
	v16 =	vsub.f32 v16, v34;
	v24 =	vld.idx.msk [tilespmem:v24+s28+$0x0], $0xffff;
	v34 =	vor.u32 $0x1, v39  }
0x4df: {  	v42 =	vor.u32 v3, v14;
	v18 =	vsub.f32 v18, v32;
	v17 =	vld.idx.msk [tilespmem:v17+s28+$0x0], $0xffff;
	v32 =	vor.u32 $0x2, v39  }
0x4e0: {  	v44 =	vsub.f32 $1.000000000e+00, v13;
	v43 =	vsub.f32 $1.000000000e+00, v16;
	v45 =	vmul.f32 v13, v16;
	v27 =	vld.idx.msk [tilespmem:v27+s28+$0x0], $0xffff  }
0x4e1: {  	v46 =	vor.u32 $0x1, v42;
	v47 =	vor.u32 $0x2, v42;
	v48 =	vor.u32 $0x3, v42;
	v19 =	vld.idx.msk [tilespmem:v19+s28+$0x0], $0xffff  }
0x4e2: {  	v49 =	vsub.f32 $1.000000000e+00, v18;
	v16 =	vmul.f32 v44, v16;
	v50 =	vmul.f32 v44, v43;
	v26 =	vld.idx.msk [tilespmem:v26+s28+$0x0], $0xffff  }
0x4e3: {  	v14 =	vor.u32 v8, v14;
	v13 =	vmul.f32 v13, v43;
	v43 =	vmul.f32 v18, v45;
	v41 =	vld.idx.msk [tilespmem:v41+s28+$0x0], $0xffff  }
0x4e4: {  	v52 =	vor.u32 $0x1, v14;
	v51 =	vmul.f32 v16, v18;
	v44 =	vmul.f32 v49, v50;
	v31 =	vld.idx.msk [tilespmem:v31+s28+$0x0], $0xffff  }
0x4e5: {  	v54 =	vor.u32 $0x3, v14;
	v50 =	vmul.f32 v50, v18;
	v53 =	vmul.f32 v49, v13;
	v33 =	vld.idx.msk [tilespmem:v33+s28+$0x0], $0xffff  }
0x4e6: {  	v15 =	vor.u32 v1, v15;
	v17 =	vmul.f32 v44, v17;
	v30 =	vmul.f32 v44, v30;
	v29 =	vld.idx.msk [tilespmem:v29+s28+$0x0], $0xffff  }
0x4e7: {  	v13 =	vmul.f32 v18, v13;
	v19 =	vmul.f32 v44, v19;
	v23 =	vld.idx.msk [tilespmem:v23+s28+$0x0], $0xffff  }
0x4e8: {  	v18 =	vmul.f32 v24, v53;
	v24 =	vmul.f32 v26, v53;
	v26 =	vld.idx.msk [tilespmem:v38+s28+$0x0], $0xffff  }
0x4e9: {  	v25 =	vmul.f32 v25, v53;
	v27 =	vmul.f32 v27, v13;
	v21 =	vld.idx.msk [tilespmem:v21+s28+$0x0], $0xffff  }
0x4ea: {  	v37 =	vmul.f32 v37, v13;
	v38 =	vld.idx.msk [tilespmem:v40+s28+$0x0], $0xffff;
	v40 =	vmul.f32 v41, v51  }
0x4eb: {  	v28 =	vmul.f32 v28, v13;
	v31 =	vmul.f32 v31, v53;
	v35 =	vld.idx.msk [tilespmem:v35+s28+$0x0], $0xffff  }
0x4ec: {  	v22 =	vmul.f32 v22, v50;
	v13 =	vmul.f32 v29, v13;
	v29 =	vld.idx.msk [tilespmem:v36+s28+$0x0], $0xffff  }
0x4ed: {  	v20 =	vmul.f32 v44, v20;
	v23 =	vmul.f32 v23, v50;
	v34 =	vld.idx.msk [tilespmem:v34+s28+$0x0], $0xffff  }
0x4ee: {  	v33 =	vmul.f32 v33, v50;
	v26 =	vmul.f32 v26, v51;
	v36 =	vld.idx.msk [tilespmem:v39+s28+$0x0], $0xffff;
	v39 =	vor.u32 $0x2, v14  }
0x4ef: {  	v19 =	vadd.f32 v22, v19;
	v21 =	vmul.f32 v50, v21;
	v22 =	vld.idx.msk [tilespmem:v32+s28+$0x0], $0xffff;
	v32 =	vmul.f32 v49, v45  }
0x4f0: {  	v16 =	vmul.f32 v49, v16;
	v20 =	vadd.f32 v23, v20;
	v23 =	vmul.f32 v38, v51;
	v38 =	vld.idx.msk [tilespmem:v48+s28+$0x0], $0xffff  }
0x4f1: {  	v19 =	vadd.f32 v25, v19;
	v17 =	vadd.f32 v21, v17;
	v21 =	vmul.f32 v35, v51;
	v25 =	vld.idx.msk [tilespmem:v46+s28+$0x0], $0xffff  }
0x4f2: {  	v30 =	vadd.f32 v33, v30;
	v20 =	vadd.f32 v24, v20;
	v24 =	vmul.f32 v29, v16;
	v29 =	vld.idx.msk [tilespmem:v42+s28+$0x0], $0xffff  }
0x4f3: {  	v17 =	vadd.f32 v18, v17;
	v18 =	vadd.f32 v28, v19;
	v19 =	vmul.f32 v34, v16;
	v28 =	vld.idx.msk [tilespmem:v47+s28+$0x0], $0xffff  }
0x4f4: {  	v33 =	vor.u32 v12, v15;
	v30 =	vadd.f32 v31, v30;
	v31 =	vmul.f32 v36, v16  }
0x4f5: {  	v13 =	vadd.f32 v13, v20;
	v17 =	vadd.f32 v37, v17;
	v16 =	vmul.f32 v22, v16;
	v14 =	vld.idx.msk [tilespmem:v14+s28+$0x0], $0xffff  }
0x4f6: {  	v20 =	vadd.f32 v27, v30;
	v18 =	vadd.f32 v19, v18;
	v19 =	vmul.f32 v38, v32;
	v22 =	vld.idx.msk [tilespmem:v52+s28+$0x0], $0xffff  }
0x4f7: {  	v17 =	vadd.f32 v31, v17;
	v13 =	vadd.f32 v16, v13;
	v16 =	vmul.f32 v25, v32;
	v25 =	vld.idx.msk [tilespmem:v39+s28+$0x0], $0xffff  }
0x4f8: {  	v20 =	vadd.f32 v24, v20;
	v18 =	vadd.f32 v26, v18;
	v24 =	vmul.f32 v29, v32;
	v26 =	vld.idx.msk [tilespmem:v54+s28+$0x0], $0xffff  }
0x4f9: {  	v17 =	vadd.f32 v21, v17;
	v13 =	vadd.f32 v23, v13;
	v21 =	vmul.f32 v28, v32  }
0x4fa: {  	v20 =	vadd.f32 v40, v20;
	v16 =	vadd.f32 v16, v18;
	v18 =	vor.u32 v9, v15  }
0x4fb: {  	v17 =	vadd.f32 v24, v17;
	v13 =	vadd.f32 v21, v13;
	v14 =	vmul.f32 v14, v43  }
0x4fc: {  	v19 =	vadd.f32 v19, v20;
	v21 =	vor.u32 v11, v15;
	v20 =	vmul.f32 v22, v43  }
0x4fd: {  	v15 =	vor.u32 v10, v15;
	v14 =	vadd.f32 v14, v17;
	v17 =	vmul.f32 v25, v43  }
.Ltmp15:
0x4fe: {  	v16 =	vadd.f32 v20, v16;
	v20 =	vmul.f32 v26, v43;
	(pc) =	sbr.rel @p0 .LBB2_34-.Ltmp15, $4  }
0x4ff: {  	v13 =	vadd.f32 v17, v13;
	[tilespmem:v18+s30+$0x0] =	vst.idx.msk $0xffff, v14  }
0x500: {  	v14 =	vadd.f32 v20, v19;
	[tilespmem:v33+s30+$0x0] =	vst.idx.msk $0xffff, v16  }
0x501: {  	[tilespmem:v21+s30+$0x0] =	vst.idx.msk $0xffff, v13  }
0x502: {  	s10 =	sadd.s32 $0x10, s10;
	s14 =	sadd.s32 $0x10, s14;
	[tilespmem:v15+s30+$0x0] =	vst.idx.msk $0xffff, v14  }
0x503: {  	s5 =	sadd.s32 $0x1, s5  }
0x504: {  	p0 =	sne.s32 s5, $0x8  }
.Ltmp16:
0x505: {  	_ = 	snop;
	(pc) =	sbr.rel @p0 .LBB2_3-.Ltmp16, $2  }
0x506: {  	_ =	sdelay $0x2  }
0x507: {  	s18 =	sadd.s32 $0x40, s18;
	s7 =	sadd.s32 $0x40, s7;
	s8 =	sadd.s32 $0x40, s8  }
0x508: {  	s5 =	rddreg [dreg:$0x6]  }
0x509: {  	s7 =	rddreg [dreg:$0xa]  }
0x50a: {  	s18 =	simm.s32 $0x100000;
	s10 =	simm.s32 $0x9;
	s5 =	sadd.s32 s5, s7  }
0x50b: {  	[hbm4b:s5+s11] =	stream.strided.scatter [tilespmem:s30], [sflag:$0x9], $0x4000, s18, s11, $0x38;
	[tilespmem:$0x15600] =	vst v63  }
0x50c: {  	_ =	swait.ge [sflag:s10], $0x4000  }
0x50d: {  	s20 =	rddreg [dreg:$0x9]  }
0x50e: {  	s5 =	sadd.s32 $0x1, s20  }
0x50f: {  	p0 =	sne.s32 s5, $0x40  }
.Ltmp17:
0x510: {  	_ = 	snop;
	(pc) =	sbr.rel @p0 .LBB2_2-.Ltmp17, $3  }
0x511: {  	_ =	sdelay $0x1  }
0x512: {  	[sflag:s10] =	ssyncset.done $0x0  }
0x513: {  	[sflag:s10] =	ssyncadd.s32 $0xFFFFC000  }
0x514: {  	s5 =	rddreg [dreg:$0x4]  }
0x515: {  	s7 =	rddreg [dreg:$0x8];
	s5 =	sadd.s32 $0x1, s5  }
0x516: {  	p0 =	sne.s32 s5, s7  }
.Ltmp18:
0x517: {  	_ = 	snop;
	(pc) =	sbr.rel @p0 .LBB2_1-.Ltmp18, $1  }
0x518: {  	_ =	sdelay $0x3  }
0x519: {  	_ =	sfence.sel $0x180000  }
0x51a: {  	[bflag:$0x0] =	sbarrier.arrive $0xFFFF  }
0x51b: {  	_ =	strace $0x9000004A  }
0x51c: {  	s0 =	stileid.u32;
	[bflag:$0x2] =	sbarrier.arrive $0xFFFF  }
0x51d: {  	p0 =	sne.s32 s0, $0x0;
	s0 =	rddreg [dreg:$0x3]  }
0x51e: {  	s0 =	sadd.s32 @!p0 $0x100000, s0  }
0x51f: {  	[sflag:s0] =	ssyncadd.tile.s32 @!p0 $0x1;
	_ =	shalt  }
.Lfunc_end2:
_tile_overlayer_lowered:
.L_overlay_start_2:
0x520: {  	(tag) =	ssettag $0x2  }
0x521: {  	s0 =	rddreg [dreg:$0x0];
	s2 =	stileid.u32  }
0x522: {  	s1 =	rddreg [dreg:$0x1];
	p0 =	sne.s32 s2, $0x0  }
0x523: {  	s3 =	rddreg [dreg:$0x2];
	[bflag:$0x3] =	sbarrier.arrive $0xFFFF;
	s2 =	simm.s32 @!p0 $0x1C09  }
0x524: {  	[timem:s3], [sflag:s2] =	dma.local @!p0 [hbm:s0], s1  }
0x525: {  	s0 =	simm.s32 @!p0 $0x9  }
0x526: {  	_ =	swait.ge @!p0 [sflag:s0], s1  }
0x527: {  	s1 =	ssub.s32 @!p0 $0x0, s1;
	[sflag:s0] =	ssyncset.done @!p0 $0x0  }
0x528: {  	[sflag:s0] =	ssyncadd.s32 @!p0 s1  }
0x529: {  	[bflag:$0x3] =	sbarrier.arrive $0xFFFF  }
0x52a: {  	_ =	shalt  }

</sc_bundles>
